<compile_context>
chip_gen: v7x
topology: tpu7x:2x2x1
jax: 0.10.2.dev20260603
libtpu: 0.0.44.dev20260713+nightly
codegen_flags: <defaults>
</compile_context>

<pallas_src>
import functools

import jax
import jax.numpy as jnp
from jax import lax
from jax.experimental import pallas as pl
from jax.experimental.pallas import tpu as pltpu
from jax.experimental.pallas import tpu_sc as plsc

N = 10000
E = 320000
D = 128
NW = 32
EPT = E // NW
K = 128
KB = 128
EPT_PAD = 10368
NB = EPT_PAD // K
NBB = EPT_PAD // KB
RPT = 624



def _tc_in_body(x_ref, w_ref, aa_ref, h_ref, sl_ref):
    h = jnp.dot(x_ref[...], w_ref[...], preferred_element_type=jnp.float32)
    h_ref[...] = h
    sl_ref[...] = jnp.dot(h, aa_ref[...], preferred_element_type=jnp.float32)


def _tc_in(x, w, aa):
    return pl.pallas_call(
        _tc_in_body,
        out_shape=[
            jax.ShapeDtypeStruct((N, D), jnp.float32),
            jax.ShapeDtypeStruct((N, 2), jnp.float32),
        ],
    )(x, w, aa)


def _combine(acc_ref, den_ref, mx_ref, b_ref):
    mx = mx_ref[...].reshape(16, 2, 16)
    m_sc = jnp.max(mx, axis=(0, 2))
    gamma = jnp.exp(m_sc - jnp.max(m_sc))
    den = jnp.sum(den_ref[...].reshape(16, 2, N) * gamma[None, :, None],
                  axis=(0, 1))
    acc = acc_ref[0] * gamma[0] + acc_ref[1] * gamma[1]
    z = acc / (den[:, None] + 1e-16) + b_ref[...][None, :]
    return jnp.maximum(z, 0.0)


def _tc_mid_body(acc_ref, den_ref, mx_ref, b_ref, w_ref, aa_ref, h_ref, sl_ref):
    z = _combine(acc_ref, den_ref, mx_ref, b_ref)
    h = jnp.dot(z, w_ref[...], preferred_element_type=jnp.float32)
    h_ref[...] = h
    sl_ref[...] = jnp.dot(h, aa_ref[...], preferred_element_type=jnp.float32)


def _tc_mid(acc, den, mx, b, w, aa):
    return pl.pallas_call(
        _tc_mid_body,
        out_shape=[
            jax.ShapeDtypeStruct((N, D), jnp.float32),
            jax.ShapeDtypeStruct((N, 2), jnp.float32),
        ],
    )(acc, den, mx, b, w, aa)


def _tc_out_body(acc_ref, den_ref, mx_ref, b_ref, out_ref):
    z = _combine(acc_ref, den_ref, mx_ref, b_ref)
    out_ref[...] = jnp.mean(z, axis=0, keepdims=True)


def _tc_out(acc, den, mx, b):
    return pl.pallas_call(
        _tc_out_body,
        out_shape=jax.ShapeDtypeStruct((1, D), jnp.float32),
    )(acc, den, mx, b)



def _sc_logits_body(src_hbm, dst_hbm, as_hbm, ad_hbm,
                    ex_out, den_out, max_out,
                    src_v, dst_v, ex_v, as_v, ad_v, den_v, m16_v,
                    m16r_v, mxall_v, mx_sh):
    c = lax.axis_index("c")
    s = lax.axis_index("s")
    wid = s * 2 + c

    def zden(i, _):
        den_v[pl.ds(i * 16, 16)] = jnp.zeros((16,), jnp.float32)
        return 0
    lax.fori_loop(0, N // 16, zden, 0)

    pltpu.sync_copy(src_hbm.at[wid], src_v)
    pltpu.sync_copy(dst_hbm.at[wid], dst_v)
    pltpu.sync_copy(as_hbm, as_v)
    pltpu.sync_copy(ad_hbm, ad_v)

    def a1(j, m):
        for cc in range(K // 16):
            sl = pl.ds(cc * 16, 16)
            si = src_v[j, sl]
            di = dst_v[j, sl]
            e = plsc.load_gather(as_v, [si]) + plsc.load_gather(ad_v, [di])
            e = jnp.where(e >= 0, e, 0.2 * e)
            ex_v[j, sl] = e
            m = jnp.maximum(m, e)
        return m
    m16 = lax.fori_loop(0, NB, a1, jnp.full((16,), -3e38, jnp.float32))

    m16_v[pl.ds(0, 16)] = m16
    m16r_v[0, pl.ds(0, 16)] = m16
    pltpu.sync_copy(m16_v, max_out.at[pl.ds(wid * 16, 16)])
    pltpu.sync_copy(m16r_v, mx_sh.at[s])
    plsc.subcore_barrier()
    pltpu.sync_copy(mx_sh, mxall_v)
    m = mxall_v[0, 0, pl.ds(0, 16)]
    for i in range(1, 16):
        m = jnp.maximum(m, mxall_v[i, 0, pl.ds(0, 16)])
    m_sc = jnp.max(m)

    def a3(j, _):
        for cc in range(K // 16):
            sl = pl.ds(cc * 16, 16)
            base = j * K + cc * 16
            valid = jnp.full((16,), base, jnp.int32) < EPT
            ex = jnp.where(valid, jnp.exp(ex_v[j, sl] - m_sc), 0.0)
            ex_v[j, sl] = ex
            plsc.addupdate_scatter(den_v, [dst_v[j, sl]], ex)
        return 0
    lax.fori_loop(0, NB, a3, 0)
    pltpu.sync_copy(den_v, den_out.at[pl.ds(wid * N, N)])
    pltpu.sync_copy(ex_v, ex_out.at[wid])


_sc_logits = functools.partial(
    pl.kernel,
    out_type=[
        jax.ShapeDtypeStruct((NW, NB, K), jnp.float32),
        jax.ShapeDtypeStruct((NW * N,), jnp.float32),
        jax.ShapeDtypeStruct((NW * 16,), jnp.float32),
    ],
    mesh=plsc.VectorSubcoreMesh(core_axis_name="c", subcore_axis_name="s"),
    compiler_params=pltpu.CompilerParams(needs_layout_passes=False),
    scratch_types=[
        pltpu.VMEM((NB, K), jnp.int32),
        pltpu.VMEM((NB, K), jnp.int32),
        pltpu.VMEM((NB, K), jnp.float32),
        pltpu.VMEM((N,), jnp.float32),
        pltpu.VMEM((N,), jnp.float32),
        pltpu.VMEM((N,), jnp.float32),
        pltpu.VMEM((16,), jnp.float32),
        pltpu.VMEM((1, 16), jnp.float32),
        pltpu.VMEM((16, 1, 16), jnp.float32),
        pltpu.VMEM_SHARED((16, 1, 16), jnp.float32),
    ],
)(_sc_logits_body)


def _sc_aggregate_body(src_hbm, dst_hbm, ex_hbm, h_hbm,
                       acc_out,
                       si, di, exv, buf, acc_sh):
    c = lax.axis_index("c")
    s = lax.axis_index("s")
    wid = s * 2 + c
    base = wid * NBB

    def zrow(r, _):
        for cc in range(D // 16):
            buf[r, pl.ds(cc * 16, 16)] = jnp.zeros((16,), jnp.float32)
        return 0
    lax.fori_loop(0, KB, zrow, 0)
    for i in range(13):
        pltpu.sync_copy(buf.at[pl.ds(0, 48)],
                        acc_sh.at[pl.ds(s * RPT + i * 48, 48)])

    @pl.when(s == 15)
    def _():
        pltpu.sync_copy(buf.at[pl.ds(0, 16)], acc_sh.at[pl.ds(N - 16, 16)])

    plsc.subcore_barrier()

    def batch(j, _):
        pltpu.sync_copy(src_hbm.at[base + j], si)
        pltpu.sync_copy(dst_hbm.at[base + j], di)
        pltpu.sync_copy(ex_hbm.at[base + j], exv)
        pltpu.sync_copy(h_hbm.at[si], buf)

        @plsc.parallel_loop(0, KB, 1, unroll=2)
        def _(r):
            v = plsc.load_gather(exv, [jnp.full((16,), r, jnp.int32)])
            for cc in range(D // 16):
                sl = pl.ds(cc * 16, 16)
                buf[r, sl] = buf[r, sl] * v

        pltpu.sync_copy(buf, acc_sh.at[di], add=True)
        return 0
    lax.fori_loop(0, NBB, batch, 0)

    plsc.subcore_barrier()
    pltpu.sync_copy(acc_sh.at[pl.ds(s * RPT, RPT)],
                    acc_out.at[c, pl.ds(s * RPT, RPT)])

    @pl.when(s == 15)
    def _():
        pltpu.sync_copy(acc_sh.at[pl.ds(N - 16, 16)],
                        acc_out.at[c, pl.ds(N - 16, 16)])


_sc_aggregate = functools.partial(
    pl.kernel,
    out_type=jax.ShapeDtypeStruct((2, N, D), jnp.float32),
    mesh=plsc.VectorSubcoreMesh(core_axis_name="c", subcore_axis_name="s"),
    compiler_params=pltpu.CompilerParams(needs_layout_passes=False),
    scratch_types=[
        pltpu.VMEM((KB,), jnp.int32),
        pltpu.VMEM((KB,), jnp.int32),
        pltpu.VMEM((KB,), jnp.float32),
        pltpu.VMEM((KB, D), jnp.float32),
        pltpu.VMEM_SHARED((N, D), jnp.float32),
    ],
)(_sc_aggregate_body)


def _sc_edge(srcp, dstp, srcb, dstb, h, as_, ad_):
    ex, den, mx = _sc_logits(srcp, dstp, as_, ad_)
    acc = _sc_aggregate(srcb, dstb, ex.reshape(NW * NBB, KB), h)
    return acc, den, mx



def kernel(x, edge_index, W1, a_src1, a_dst1, b1, W2, a_src2, a_dst2, b2):
    src = edge_index[0].astype(jnp.int32)
    dst = edge_index[1].astype(jnp.int32)
    pad = jnp.zeros((NW, EPT_PAD - EPT), jnp.int32)
    srcf = jnp.concatenate([src.reshape(NW, EPT), pad], axis=1)
    dstf = jnp.concatenate([dst.reshape(NW, EPT), pad], axis=1)
    srcp = srcf.reshape(NW, NB, K)
    dstp = dstf.reshape(NW, NB, K)
    srcb = srcf.reshape(NW * NBB, KB)
    dstb = dstf.reshape(NW * NBB, KB)

    aa1 = jnp.stack([a_src1, a_dst1], axis=1)
    aa2 = jnp.stack([a_src2, a_dst2], axis=1)

    h1, sl1 = _tc_in(x, W1, aa1)
    acc1, den1, mx1 = _sc_edge(srcp, dstp, srcb, dstb, h1,
                               sl1[:, 0] + 0.0, sl1[:, 1] + 0.0)
    h2, sl2 = _tc_mid(acc1, den1.reshape(NW, N), mx1.reshape(NW, 16), b1, W2, aa2)
    acc2, den2, mx2 = _sc_edge(srcp, dstp, srcb, dstb, h2,
                               sl2[:, 0] + 0.0, sl2[:, 1] + 0.0)
    return _tc_out(acc2, den2.reshape(NW, N), mx2.reshape(NW, 16), b2)

# --- scband reference (transcript-rebuilt; emitter-appended) ---
"""Pipeline reference for scband-gatbranch-34419867910757 (READ-ONLY COPY).

The authoritative reference and input builder live on the scoring server;
editing this copy changes nothing except your own understanding.
"""

import jax, jax.numpy as jnp
import numpy as np

N = 10000
E = 320000
D_IN = 128
D_H = 128
D_OUT = 128


def gat_conv(x, src, dst, W, a_src, a_dst, b):
    h = x @ W
    alpha_src = (h * a_src).sum(-1)
    alpha_dst = (h * a_dst).sum(-1)
    e = jax.nn.leaky_relu(alpha_src[src] + alpha_dst[dst], 0.2)
    m = jax.ops.segment_max(e, dst, num_segments=N)
    m = jnp.where(jnp.isfinite(m), m, 0.0)
    ex = jnp.exp(e - m[dst])
    denom = jax.ops.segment_sum(ex, dst, num_segments=N)
    alpha = ex / (denom[dst] + 1e-16)
    out = jax.ops.segment_sum(alpha[:, None] * h[src], dst, num_segments=N)
    return out + b


def setup_inputs(seed: int = 0) -> dict:
    key = jax.random.key(seed)
    ks = jax.random.split(key, 11)
    x = jax.random.normal(ks[0], (N, D_IN), dtype=jnp.float32)
    edge_index = jax.random.randint(ks[1], (2, E), 0, N)
    W1 = jax.random.normal(ks[2], (D_IN, D_H), dtype=jnp.float32) * 0.08
    a_src1 = jax.random.normal(ks[3], (D_H,), dtype=jnp.float32) * 0.08
    a_dst1 = jax.random.normal(ks[4], (D_H,), dtype=jnp.float32) * 0.08
    b1 = jnp.zeros((D_H,), dtype=jnp.float32)
    W2 = jax.random.normal(ks[5], (D_H, D_OUT), dtype=jnp.float32) * 0.08
    a_src2 = jax.random.normal(ks[6], (D_OUT,), dtype=jnp.float32) * 0.08
    a_dst2 = jax.random.normal(ks[7], (D_OUT,), dtype=jnp.float32) * 0.08
    b2 = jnp.zeros((D_OUT,), dtype=jnp.float32)
    return {"x": x, "edge_index": edge_index, "W1": W1, "a_src1": a_src1,
            "a_dst1": a_dst1, "b1": b1, "W2": W2, "a_src2": a_src2,
            "a_dst2": a_dst2, "b2": b2}


def reference(x, edge_index, W1, a_src1, a_dst1, b1, W2, a_src2, a_dst2, b2):
    src = edge_index[0]
    dst = edge_index[1]
    h = jax.nn.relu(gat_conv(x, src, dst, W1, a_src1, a_dst1, b1))
    h = jax.nn.relu(gat_conv(h, src, dst, W2, a_src2, a_dst2, b2))
    # global_mean_pool with batch = zeros -> mean over all nodes, shape [1, D_OUT]
    return jnp.mean(h, axis=0, keepdims=True)

if __name__ == "__main__":
    import jax
    _d = setup_inputs()
    print(jax.jit(kernel)(*tuple(_d.values())))

</pallas_src>

<mosaic_0001>
#map = affine_map<(d0, d1) -> (0, 0)>
#map1 = affine_map<(d0, d1) -> (0, 0, 0)>
module attributes {stable_mosaic.version = 14 : i64} {
  func.func @_sc_aggregate_body(%arg0: i32, %arg1: i32, %arg2: memref<2592x128xi32, #tpu.memory_space<hbm>>, %arg3: memref<2592x128xi32, #tpu.memory_space<hbm>>, %arg4: memref<2592x128xf32, #tpu.memory_space<hbm>>, %arg5: memref<10000x128xf32, #tpu.memory_space<hbm>>, %arg6: memref<2x10000x128xf32, #tpu.memory_space<hbm>>, %arg7: memref<128xi32, #tpu.memory_space<vmem>>, %arg8: memref<128xi32, #tpu.memory_space<vmem>>, %arg9: memref<128xf32, #tpu.memory_space<vmem>>, %arg10: memref<128x128xf32, #tpu.memory_space<vmem>>, %arg11: memref<10000x128xf32, #tpu.memory_space<vmem_shared>>) attributes {dimension_semantics = [#tpu.dimension_semantics<core_parallel>, #tpu.dimension_semantics<subcore_parallel>], iteration_bounds = array<i64: 2, 16>, scalar_prefetch = 0 : i64, scratch_operands = 5 : i64, tpu.core_type = #tpu.core_type<sc_vector_subcore>, window_params = [{transform_indices = #map}, {transform_indices = #map}, {transform_indices = #map}, {transform_indices = #map}, {transform_indices = #map1}]} {
    %mul3A = arith.constant 2 : i32
    %mul3A_0 = arith.muli %arg1, %mul3A : i32
    %add3A = arith.addi %mul3A_0, %arg0 : i32
    %mul3A_1 = arith.constant 81 : i32
    %mul3A_2 = arith.muli %add3A, %mul3A_1 : i32
    %scan3A = arith.constant 0 : i32
    %scan3A_3 = arith.constant 0 : i32
    %scan3A_4 = arith.constant 128 : i32
    %scan3A_5 = arith.addi %scan3A_3, %scan3A_4 : i32
    %scan3A_6 = arith.constant 1 : i32
    %scan3A_7 = scf.for %scan3A_80 = %scan3A_3 to %scan3A_5 step %scan3A_6 iter_args(%scan3A_81 = %scan3A) -> (i32)  : i32 {
      %broadcast_in_dim3A = arith.constant 0.000000e+00 : f32
      %broadcast_in_dim3A_82 = vector.broadcast %broadcast_in_dim3A : f32 to vector<16xf32>
      %swap3A = arith.index_cast %scan3A_80 : i32 to index
      %swap3A_83 = arith.constant 0 : index
      %swap3A_84 = tpu.vector_load %arg10[%swap3A, %swap3A_83] {strides = array<i32>} : memref<128x128xf32, #tpu.memory_space<vmem>>, vector<16xf32>,
      tpu.vector_store %arg10[%swap3A, %swap3A_83], %broadcast_in_dim3A_82 {strides = array<i32>} : memref<128x128xf32, #tpu.memory_space<vmem>>, vector<16xf32>,
      %broadcast_in_dim3A_85 = arith.constant 0.000000e+00 : f32
      %broadcast_in_dim3A_86 = vector.broadcast %broadcast_in_dim3A_85 : f32 to vector<16xf32>
      %swap3A_87 = arith.index_cast %scan3A_80 : i32 to index
      %swap3A_88 = arith.constant 16 : index
      %swap3A_89 = tpu.vector_load %arg10[%swap3A_87, %swap3A_88] {strides = array<i32>} : memref<128x128xf32, #tpu.memory_space<vmem>>, vector<16xf32>,
      tpu.vector_store %arg10[%swap3A_87, %swap3A_88], %broadcast_in_dim3A_86 {strides = array<i32>} : memref<128x128xf32, #tpu.memory_space<vmem>>, vector<16xf32>,
      %broadcast_in_dim3A_90 = arith.constant 0.000000e+00 : f32
      %broadcast_in_dim3A_91 = vector.broadcast %broadcast_in_dim3A_90 : f32 to vector<16xf32>
      %swap3A_92 = arith.index_cast %scan3A_80 : i32 to index
      %swap3A_93 = arith.constant 32 : index
      %swap3A_94 = tpu.vector_load %arg10[%swap3A_92, %swap3A_93] {strides = array<i32>} : memref<128x128xf32, #tpu.memory_space<vmem>>, vector<16xf32>,
      tpu.vector_store %arg10[%swap3A_92, %swap3A_93], %broadcast_in_dim3A_91 {strides = array<i32>} : memref<128x128xf32, #tpu.memory_space<vmem>>, vector<16xf32>,
      %broadcast_in_dim3A_95 = arith.constant 0.000000e+00 : f32
      %broadcast_in_dim3A_96 = vector.broadcast %broadcast_in_dim3A_95 : f32 to vector<16xf32>
      %swap3A_97 = arith.index_cast %scan3A_80 : i32 to index
      %swap3A_98 = arith.constant 48 : index
      %swap3A_99 = tpu.vector_load %arg10[%swap3A_97, %swap3A_98] {strides = array<i32>} : memref<128x128xf32, #tpu.memory_space<vmem>>, vector<16xf32>,
      tpu.vector_store %arg10[%swap3A_97, %swap3A_98], %broadcast_in_dim3A_96 {strides = array<i32>} : memref<128x128xf32, #tpu.memory_space<vmem>>, vector<16xf32>,
      %broadcast_in_dim3A_100 = arith.constant 0.000000e+00 : f32
      %broadcast_in_dim3A_101 = vector.broadcast %broadcast_in_dim3A_100 : f32 to vector<16xf32>
      %swap3A_102 = arith.index_cast %scan3A_80 : i32 to index
      %swap3A_103 = arith.constant 64 : index
      %swap3A_104 = tpu.vector_load %arg10[%swap3A_102, %swap3A_103] {strides = array<i32>} : memref<128x128xf32, #tpu.memory_space<vmem>>, vector<16xf32>,
      tpu.vector_store %arg10[%swap3A_102, %swap3A_103], %broadcast_in_dim3A_101 {strides = array<i32>} : memref<128x128xf32, #tpu.memory_space<vmem>>, vector<16xf32>,
      %broadcast_in_dim3A_105 = arith.constant 0.000000e+00 : f32
      %broadcast_in_dim3A_106 = vector.broadcast %broadcast_in_dim3A_105 : f32 to vector<16xf32>
      %swap3A_107 = arith.index_cast %scan3A_80 : i32 to index
      %swap3A_108 = arith.constant 80 : index
      %swap3A_109 = tpu.vector_load %arg10[%swap3A_107, %swap3A_108] {strides = array<i32>} : memref<128x128xf32, #tpu.memory_space<vmem>>, vector<16xf32>,
      tpu.vector_store %arg10[%swap3A_107, %swap3A_108], %broadcast_in_dim3A_106 {strides = array<i32>} : memref<128x128xf32, #tpu.memory_space<vmem>>, vector<16xf32>,
      %broadcast_in_dim3A_110 = arith.constant 0.000000e+00 : f32
      %broadcast_in_dim3A_111 = vector.broadcast %broadcast_in_dim3A_110 : f32 to vector<16xf32>
      %swap3A_112 = arith.index_cast %scan3A_80 : i32 to index
      %swap3A_113 = arith.constant 96 : index
      %swap3A_114 = tpu.vector_load %arg10[%swap3A_112, %swap3A_113] {strides = array<i32>} : memref<128x128xf32, #tpu.memory_space<vmem>>, vector<16xf32>,
      tpu.vector_store %arg10[%swap3A_112, %swap3A_113], %broadcast_in_dim3A_111 {strides = array<i32>} : memref<128x128xf32, #tpu.memory_space<vmem>>, vector<16xf32>,
      %broadcast_in_dim3A_115 = arith.constant 0.000000e+00 : f32
      %broadcast_in_dim3A_116 = vector.broadcast %broadcast_in_dim3A_115 : f32 to vector<16xf32>
      %swap3A_117 = arith.index_cast %scan3A_80 : i32 to index
      %swap3A_118 = arith.constant 112 : index
      %swap3A_119 = tpu.vector_load %arg10[%swap3A_117, %swap3A_118] {strides = array<i32>} : memref<128x128xf32, #tpu.memory_space<vmem>>, vector<16xf32>,
      tpu.vector_store %arg10[%swap3A_117, %swap3A_118], %broadcast_in_dim3A_116 {strides = array<i32>} : memref<128x128xf32, #tpu.memory_space<vmem>>, vector<16xf32>,
      %scan3A_120 = arith.constant 0 : i32
      scf.yield %scan3A_120 : i32
    }
    %scan3A_8 = arith.constant 128 : i32
    %mul3A_9 = arith.constant 624 : i32
    %mul3A_10 = arith.muli %arg1, %mul3A_9 : i32
    %add3A_11 = arith.constant 0 : i32
    %add3A_12 = arith.addi %mul3A_10, %add3A_11 : i32
    "tpu.region"() ({
      %run_scoped3A = tpu.sem_alloc : memref<!tpu.dma_semaphore, #tpu.memory_space<semaphore_mem>>
      %dma_start3A = arith.constant 0 : i32
      %dma_start3A_80 = arith.constant 0 : i32
      %dma_start3A_81 = tpu.memref_slice %arg10[%dma_start3A, %dma_start3A_80] : memref<128x128xf32, #tpu.memory_space<vmem>> -> memref<48x128xf32, #tpu.memory_space<vmem>>
      %dma_start3A_82 = arith.constant 0 : i32
      %dma_start3A_83 = tpu.memref_slice %arg11[%add3A_12, %dma_start3A_82] : memref<10000x128xf32, #tpu.memory_space<vmem_shared>> -> memref<48x128xf32, #tpu.memory_space<vmem_shared>>
      %dma_start3A_84 = arith.constant 0 : i32
      %dma_start3A_85 = tpu.memref_slice %arg11[%add3A_12, %dma_start3A_84] : memref<10000x128xf32, #tpu.memory_space<vmem_shared>> -> memref<48x128xf32, #tpu.memory_space<vmem_shared>>
      %dma_start3A_86 = arith.constant 0 : i32
      %dma_start3A_87 = arith.constant 0 : i32
      %dma_start3A_88 = tpu.memref_slice %arg10[%dma_start3A_86, %dma_start3A_87] : memref<128x128xf32, #tpu.memory_space<vmem>> -> memref<48x128xf32, #tpu.memory_space<vmem>>
      tpu.enqueue_dma source(%dma_start3A_88 : memref<48x128xf32, #tpu.memory_space<vmem>>) target(%dma_start3A_85 : memref<48x128xf32, #tpu.memory_space<vmem_shared>>) target_semaphore(%run_scoped3A : memref<!tpu.dma_semaphore, #tpu.memory_space<semaphore_mem>>)
      %dma_wait3A = arith.constant 0 : i32
      %dma_wait3A_89 = arith.constant 0 : i32
      %dma_wait3A_90 = tpu.memref_slice %arg10[%dma_wait3A, %dma_wait3A_89] : memref<128x128xf32, #tpu.memory_space<vmem>> -> memref<48x128xf32, #tpu.memory_space<vmem>>
      %dma_wait3A_91 = arith.constant 0 : i32
      %dma_wait3A_92 = tpu.memref_slice %arg11[%add3A_12, %dma_wait3A_91] : memref<10000x128xf32, #tpu.memory_space<vmem_shared>> -> memref<48x128xf32, #tpu.memory_space<vmem_shared>>
      %dma_wait3A_93 = arith.constant 0 : i32
      %dma_wait3A_94 = tpu.memref_slice %arg11[%add3A_12, %dma_wait3A_93] : memref<10000x128xf32, #tpu.memory_space<vmem_shared>> -> memref<48x128xf32, #tpu.memory_space<vmem_shared>>
      %dma_wait3A_95 = arith.constant 0 : i32
      %dma_wait3A_96 = arith.constant 0 : i32
      %dma_wait3A_97 = tpu.memref_slice %arg10[%dma_wait3A_95, %dma_wait3A_96] : memref<128x128xf32, #tpu.memory_space<vmem>> -> memref<48x128xf32, #tpu.memory_space<vmem>>
      tpu.wait_dma2 semaphore(%run_scoped3A : memref<!tpu.dma_semaphore, #tpu.memory_space<semaphore_mem>>) src(%dma_wait3A_97 : memref<48x128xf32, #tpu.memory_space<vmem>>) dst(%dma_wait3A_94 : memref<48x128xf32, #tpu.memory_space<vmem_shared>>)
      tpu.yield
    }) : () -> ()
    %mul3A_13 = arith.constant 624 : i32
    %mul3A_14 = arith.muli %arg1, %mul3A_13 : i32
    %add3A_15 = arith.constant 48 : i32
    %add3A_16 = arith.addi %mul3A_14, %add3A_15 : i32
    "tpu.region"() ({
      %run_scoped3A = tpu.sem_alloc : memref<!tpu.dma_semaphore, #tpu.memory_space<semaphore_mem>>
      %dma_start3A = arith.constant 0 : i32
      %dma_start3A_80 = arith.constant 0 : i32
      %dma_start3A_81 = tpu.memref_slice %arg10[%dma_start3A, %dma_start3A_80] : memref<128x128xf32, #tpu.memory_space<vmem>> -> memref<48x128xf32, #tpu.memory_space<vmem>>
      %dma_start3A_82 = arith.constant 0 : i32
      %dma_start3A_83 = tpu.memref_slice %arg11[%add3A_16, %dma_start3A_82] : memref<10000x128xf32, #tpu.memory_space<vmem_shared>> -> memref<48x128xf32, #tpu.memory_space<vmem_shared>>
      %dma_start3A_84 = arith.constant 0 : i32
      %dma_start3A_85 = tpu.memref_slice %arg11[%add3A_16, %dma_start3A_84] : memref<10000x128xf32, #tpu.memory_space<vmem_shared>> -> memref<48x128xf32, #tpu.memory_space<vmem_shared>>
      %dma_start3A_86 = arith.constant 0 : i32
      %dma_start3A_87 = arith.constant 0 : i32
      %dma_start3A_88 = tpu.memref_slice %arg10[%dma_start3A_86, %dma_start3A_87] : memref<128x128xf32, #tpu.memory_space<vmem>> -> memref<48x128xf32, #tpu.memory_space<vmem>>
      tpu.enqueue_dma source(%dma_start3A_88 : memref<48x128xf32, #tpu.memory_space<vmem>>) target(%dma_start3A_85 : memref<48x128xf32, #tpu.memory_space<vmem_shared>>) target_semaphore(%run_scoped3A : memref<!tpu.dma_semaphore, #tpu.memory_space<semaphore_mem>>)
      %dma_wait3A = arith.constant 0 : i32
      %dma_wait3A_89 = arith.constant 0 : i32
      %dma_wait3A_90 = tpu.memref_slice %arg10[%dma_wait3A, %dma_wait3A_89] : memref<128x128xf32, #tpu.memory_space<vmem>> -> memref<48x128xf32, #tpu.memory_space<vmem>>
      %dma_wait3A_91 = arith.constant 0 : i32
      %dma_wait3A_92 = tpu.memref_slice %arg11[%add3A_16, %dma_wait3A_91] : memref<10000x128xf32, #tpu.memory_space<vmem_shared>> -> memref<48x128xf32, #tpu.memory_space<vmem_shared>>
      %dma_wait3A_93 = arith.constant 0 : i32
      %dma_wait3A_94 = tpu.memref_slice %arg11[%add3A_16, %dma_wait3A_93] : memref<10000x128xf32, #tpu.memory_space<vmem_shared>> -> memref<48x128xf32, #tpu.memory_space<vmem_shared>>
      %dma_wait3A_95 = arith.constant 0 : i32
      %dma_wait3A_96 = arith.constant 0 : i32
      %dma_wait3A_97 = tpu.memref_slice %arg10[%dma_wait3A_95, %dma_wait3A_96] : memref<128x128xf32, #tpu.memory_space<vmem>> -> memref<48x128xf32, #tpu.memory_space<vmem>>
      tpu.wait_dma2 semaphore(%run_scoped3A : memref<!tpu.dma_semaphore, #tpu.memory_space<semaphore_mem>>) src(%dma_wait3A_97 : memref<48x128xf32, #tpu.memory_space<vmem>>) dst(%dma_wait3A_94 : memref<48x128xf32, #tpu.memory_space<vmem_shared>>)
      tpu.yield
    }) : () -> ()
    %mul3A_17 = arith.constant 624 : i32
    %mul3A_18 = arith.muli %arg1, %mul3A_17 : i32
    %add3A_19 = arith.constant 96 : i32
    %add3A_20 = arith.addi %mul3A_18, %add3A_19 : i32
    "tpu.region"() ({
      %run_scoped3A = tpu.sem_alloc : memref<!tpu.dma_semaphore, #tpu.memory_space<semaphore_mem>>
      %dma_start3A = arith.constant 0 : i32
      %dma_start3A_80 = arith.constant 0 : i32
      %dma_start3A_81 = tpu.memref_slice %arg10[%dma_start3A, %dma_start3A_80] : memref<128x128xf32, #tpu.memory_space<vmem>> -> memref<48x128xf32, #tpu.memory_space<vmem>>
      %dma_start3A_82 = arith.constant 0 : i32
      %dma_start3A_83 = tpu.memref_slice %arg11[%add3A_20, %dma_start3A_82] : memref<10000x128xf32, #tpu.memory_space<vmem_shared>> -> memref<48x128xf32, #tpu.memory_space<vmem_shared>>
      %dma_start3A_84 = arith.constant 0 : i32
      %dma_start3A_85 = tpu.memref_slice %arg11[%add3A_20, %dma_start3A_84] : memref<10000x128xf32, #tpu.memory_space<vmem_shared>> -> memref<48x128xf32, #tpu.memory_space<vmem_shared>>
      %dma_start3A_86 = arith.constant 0 : i32
      %dma_start3A_87 = arith.constant 0 : i32
      %dma_start3A_88 = tpu.memref_slice %arg10[%dma_start3A_86, %dma_start3A_87] : memref<128x128xf32, #tpu.memory_space<vmem>> -> memref<48x128xf32, #tpu.memory_space<vmem>>
      tpu.enqueue_dma source(%dma_start3A_88 : memref<48x128xf32, #tpu.memory_space<vmem>>) target(%dma_start3A_85 : memref<48x128xf32, #tpu.memory_space<vmem_shared>>) target_semaphore(%run_scoped3A : memref<!tpu.dma_semaphore, #tpu.memory_space<semaphore_mem>>)
      %dma_wait3A = arith.constant 0 : i32
      %dma_wait3A_89 = arith.constant 0 : i32
      %dma_wait3A_90 = tpu.memref_slice %arg10[%dma_wait3A, %dma_wait3A_89] : memref<128x128xf32, #tpu.memory_space<vmem>> -> memref<48x128xf32, #tpu.memory_space<vmem>>
      %dma_wait3A_91 = arith.constant 0 : i32
      %dma_wait3A_92 = tpu.memref_slice %arg11[%add3A_20, %dma_wait3A_91] : memref<10000x128xf32, #tpu.memory_space<vmem_shared>> -> memref<48x128xf32, #tpu.memory_space<vmem_shared>>
      %dma_wait3A_93 = arith.constant 0 : i32
      %dma_wait3A_94 = tpu.memref_slice %arg11[%add3A_20, %dma_wait3A_93] : memref<10000x128xf32, #tpu.memory_space<vmem_shared>> -> memref<48x128xf32, #tpu.memory_space<vmem_shared>>
      %dma_wait3A_95 = arith.constant 0 : i32
      %dma_wait3A_96 = arith.constant 0 : i32
      %dma_wait3A_97 = tpu.memref_slice %arg10[%dma_wait3A_95, %dma_wait3A_96] : memref<128x128xf32, #tpu.memory_space<vmem>> -> memref<48x128xf32, #tpu.memory_space<vmem>>
      tpu.wait_dma2 semaphore(%run_scoped3A : memref<!tpu.dma_semaphore, #tpu.memory_space<semaphore_mem>>) src(%dma_wait3A_97 : memref<48x128xf32, #tpu.memory_space<vmem>>) dst(%dma_wait3A_94 : memref<48x128xf32, #tpu.memory_space<vmem_shared>>)
      tpu.yield
    }) : () -> ()
    %mul3A_21 = arith.constant 624 : i32
    %mul3A_22 = arith.muli %arg1, %mul3A_21 : i32
    %add3A_23 = arith.constant 144 : i32
    %add3A_24 = arith.addi %mul3A_22, %add3A_23 : i32
    "tpu.region"() ({
      %run_scoped3A = tpu.sem_alloc : memref<!tpu.dma_semaphore, #tpu.memory_space<semaphore_mem>>
      %dma_start3A = arith.constant 0 : i32
      %dma_start3A_80 = arith.constant 0 : i32
      %dma_start3A_81 = tpu.memref_slice %arg10[%dma_start3A, %dma_start3A_80] : memref<128x128xf32, #tpu.memory_space<vmem>> -> memref<48x128xf32, #tpu.memory_space<vmem>>
      %dma_start3A_82 = arith.constant 0 : i32
      %dma_start3A_83 = tpu.memref_slice %arg11[%add3A_24, %dma_start3A_82] : memref<10000x128xf32, #tpu.memory_space<vmem_shared>> -> memref<48x128xf32, #tpu.memory_space<vmem_shared>>
      %dma_start3A_84 = arith.constant 0 : i32
      %dma_start3A_85 = tpu.memref_slice %arg11[%add3A_24, %dma_start3A_84] : memref<10000x128xf32, #tpu.memory_space<vmem_shared>> -> memref<48x128xf32, #tpu.memory_space<vmem_shared>>
      %dma_start3A_86 = arith.constant 0 : i32
      %dma_start3A_87 = arith.constant 0 : i32
      %dma_start3A_88 = tpu.memref_slice %arg10[%dma_start3A_86, %dma_start3A_87] : memref<128x128xf32, #tpu.memory_space<vmem>> -> memref<48x128xf32, #tpu.memory_space<vmem>>
      tpu.enqueue_dma source(%dma_start3A_88 : memref<48x128xf32, #tpu.memory_space<vmem>>) target(%dma_start3A_85 : memref<48x128xf32, #tpu.memory_space<vmem_shared>>) target_semaphore(%run_scoped3A : memref<!tpu.dma_semaphore, #tpu.memory_space<semaphore_mem>>)
      %dma_wait3A = arith.constant 0 : i32
      %dma_wait3A_89 = arith.constant 0 : i32
      %dma_wait3A_90 = tpu.memref_slice %arg10[%dma_wait3A, %dma_wait3A_89] : memref<128x128xf32, #tpu.memory_space<vmem>> -> memref<48x128xf32, #tpu.memory_space<vmem>>
      %dma_wait3A_91 = arith.constant 0 : i32
      %dma_wait3A_92 = tpu.memref_slice %arg11[%add3A_24, %dma_wait3A_91] : memref<10000x128xf32, #tpu.memory_space<vmem_shared>> -> memref<48x128xf32, #tpu.memory_space<vmem_shared>>
      %dma_wait3A_93 = arith.constant 0 : i32
      %dma_wait3A_94 = tpu.memref_slice %arg11[%add3A_24, %dma_wait3A_93] : memref<10000x128xf32, #tpu.memory_space<vmem_shared>> -> memref<48x128xf32, #tpu.memory_space<vmem_shared>>
      %dma_wait3A_95 = arith.constant 0 : i32
      %dma_wait3A_96 = arith.constant 0 : i32
      %dma_wait3A_97 = tpu.memref_slice %arg10[%dma_wait3A_95, %dma_wait3A_96] : memref<128x128xf32, #tpu.memory_space<vmem>> -> memref<48x128xf32, #tpu.memory_space<vmem>>
      tpu.wait_dma2 semaphore(%run_scoped3A : memref<!tpu.dma_semaphore, #tpu.memory_space<semaphore_mem>>) src(%dma_wait3A_97 : memref<48x128xf32, #tpu.memory_space<vmem>>) dst(%dma_wait3A_94 : memref<48x128xf32, #tpu.memory_space<vmem_shared>>)
      tpu.yield
    }) : () -> ()
    %mul3A_25 = arith.constant 624 : i32
    %mul3A_26 = arith.muli %arg1, %mul3A_25 : i32
    %add3A_27 = arith.constant 192 : i32
    %add3A_28 = arith.addi %mul3A_26, %add3A_27 : i32
    "tpu.region"() ({
      %run_scoped3A = tpu.sem_alloc : memref<!tpu.dma_semaphore, #tpu.memory_space<semaphore_mem>>
      %dma_start3A = arith.constant 0 : i32
      %dma_start3A_80 = arith.constant 0 : i32
      %dma_start3A_81 = tpu.memref_slice %arg10[%dma_start3A, %dma_start3A_80] : memref<128x128xf32, #tpu.memory_space<vmem>> -> memref<48x128xf32, #tpu.memory_space<vmem>>
      %dma_start3A_82 = arith.constant 0 : i32
      %dma_start3A_83 = tpu.memref_slice %arg11[%add3A_28, %dma_start3A_82] : memref<10000x128xf32, #tpu.memory_space<vmem_shared>> -> memref<48x128xf32, #tpu.memory_space<vmem_shared>>
      %dma_start3A_84 = arith.constant 0 : i32
      %dma_start3A_85 = tpu.memref_slice %arg11[%add3A_28, %dma_start3A_84] : memref<10000x128xf32, #tpu.memory_space<vmem_shared>> -> memref<48x128xf32, #tpu.memory_space<vmem_shared>>
      %dma_start3A_86 = arith.constant 0 : i32
      %dma_start3A_87 = arith.constant 0 : i32
      %dma_start3A_88 = tpu.memref_slice %arg10[%dma_start3A_86, %dma_start3A_87] : memref<128x128xf32, #tpu.memory_space<vmem>> -> memref<48x128xf32, #tpu.memory_space<vmem>>
      tpu.enqueue_dma source(%dma_start3A_88 : memref<48x128xf32, #tpu.memory_space<vmem>>) target(%dma_start3A_85 : memref<48x128xf32, #tpu.memory_space<vmem_shared>>) target_semaphore(%run_scoped3A : memref<!tpu.dma_semaphore, #tpu.memory_space<semaphore_mem>>)
      %dma_wait3A = arith.constant 0 : i32
      %dma_wait3A_89 = arith.constant 0 : i32
      %dma_wait3A_90 = tpu.memref_slice %arg10[%dma_wait3A, %dma_wait3A_89] : memref<128x128xf32, #tpu.memory_space<vmem>> -> memref<48x128xf32, #tpu.memory_space<vmem>>
      %dma_wait3A_91 = arith.constant 0 : i32
      %dma_wait3A_92 = tpu.memref_slice %arg11[%add3A_28, %dma_wait3A_91] : memref<10000x128xf32, #tpu.memory_space<vmem_shared>> -> memref<48x128xf32, #tpu.memory_space<vmem_shared>>
      %dma_wait3A_93 = arith.constant 0 : i32
      %dma_wait3A_94 = tpu.memref_slice %arg11[%add3A_28, %dma_wait3A_93] : memref<10000x128xf32, #tpu.memory_space<vmem_shared>> -> memref<48x128xf32, #tpu.memory_space<vmem_shared>>
      %dma_wait3A_95 = arith.constant 0 : i32
      %dma_wait3A_96 = arith.constant 0 : i32
      %dma_wait3A_97 = tpu.memref_slice %arg10[%dma_wait3A_95, %dma_wait3A_96] : memref<128x128xf32, #tpu.memory_space<vmem>> -> memref<48x128xf32, #tpu.memory_space<vmem>>
      tpu.wait_dma2 semaphore(%run_scoped3A : memref<!tpu.dma_semaphore, #tpu.memory_space<semaphore_mem>>) src(%dma_wait3A_97 : memref<48x128xf32, #tpu.memory_space<vmem>>) dst(%dma_wait3A_94 : memref<48x128xf32, #tpu.memory_space<vmem_shared>>)
      tpu.yield
    }) : () -> ()
    %mul3A_29 = arith.constant 624 : i32
    %mul3A_30 = arith.muli %arg1, %mul3A_29 : i32
    %add3A_31 = arith.constant 240 : i32
    %add3A_32 = arith.addi %mul3A_30, %add3A_31 : i32
    "tpu.region"() ({
      %run_scoped3A = tpu.sem_alloc : memref<!tpu.dma_semaphore, #tpu.memory_space<semaphore_mem>>
      %dma_start3A = arith.constant 0 : i32
      %dma_start3A_80 = arith.constant 0 : i32
      %dma_start3A_81 = tpu.memref_slice %arg10[%dma_start3A, %dma_start3A_80] : memref<128x128xf32, #tpu.memory_space<vmem>> -> memref<48x128xf32, #tpu.memory_space<vmem>>
      %dma_start3A_82 = arith.constant 0 : i32
      %dma_start3A_83 = tpu.memref_slice %arg11[%add3A_32, %dma_start3A_82] : memref<10000x128xf32, #tpu.memory_space<vmem_shared>> -> memref<48x128xf32, #tpu.memory_space<vmem_shared>>
      %dma_start3A_84 = arith.constant 0 : i32
      %dma_start3A_85 = tpu.memref_slice %arg11[%add3A_32, %dma_start3A_84] : memref<10000x128xf32, #tpu.memory_space<vmem_shared>> -> memref<48x128xf32, #tpu.memory_space<vmem_shared>>
      %dma_start3A_86 = arith.constant 0 : i32
      %dma_start3A_87 = arith.constant 0 : i32
      %dma_start3A_88 = tpu.memref_slice %arg10[%dma_start3A_86, %dma_start3A_87] : memref<128x128xf32, #tpu.memory_space<vmem>> -> memref<48x128xf32, #tpu.memory_space<vmem>>
      tpu.enqueue_dma source(%dma_start3A_88 : memref<48x128xf32, #tpu.memory_space<vmem>>) target(%dma_start3A_85 : memref<48x128xf32, #tpu.memory_space<vmem_shared>>) target_semaphore(%run_scoped3A : memref<!tpu.dma_semaphore, #tpu.memory_space<semaphore_mem>>)
      %dma_wait3A = arith.constant 0 : i32
      %dma_wait3A_89 = arith.constant 0 : i32
      %dma_wait3A_90 = tpu.memref_slice %arg10[%dma_wait3A, %dma_wait3A_89] : memref<128x128xf32, #tpu.memory_space<vmem>> -> memref<48x128xf32, #tpu.memory_space<vmem>>
      %dma_wait3A_91 = arith.constant 0 : i32
      %dma_wait3A_92 = tpu.memref_slice %arg11[%add3A_32, %dma_wait3A_91] : memref<10000x128xf32, #tpu.memory_space<vmem_shared>> -> memref<48x128xf32, #tpu.memory_space<vmem_shared>>
      %dma_wait3A_93 = arith.constant 0 : i32
      %dma_wait3A_94 = tpu.memref_slice %arg11[%add3A_32, %dma_wait3A_93] : memref<10000x128xf32, #tpu.memory_space<vmem_shared>> -> memref<48x128xf32, #tpu.memory_space<vmem_shared>>
      %dma_wait3A_95 = arith.constant 0 : i32
      %dma_wait3A_96 = arith.constant 0 : i32
      %dma_wait3A_97 = tpu.memref_slice %arg10[%dma_wait3A_95, %dma_wait3A_96] : memref<128x128xf32, #tpu.memory_space<vmem>> -> memref<48x128xf32, #tpu.memory_space<vmem>>
      tpu.wait_dma2 semaphore(%run_scoped3A : memref<!tpu.dma_semaphore, #tpu.memory_space<semaphore_mem>>) src(%dma_wait3A_97 : memref<48x128xf32, #tpu.memory_space<vmem>>) dst(%dma_wait3A_94 : memref<48x128xf32, #tpu.memory_space<vmem_shared>>)
      tpu.yield
    }) : () -> ()
    %mul3A_33 = arith.constant 624 : i32
    %mul3A_34 = arith.muli %arg1, %mul3A_33 : i32
    %add3A_35 = arith.constant 288 : i32
    %add3A_36 = arith.addi %mul3A_34, %add3A_35 : i32
    "tpu.region"() ({
      %run_scoped3A = tpu.sem_alloc : memref<!tpu.dma_semaphore, #tpu.memory_space<semaphore_mem>>
      %dma_start3A = arith.constant 0 : i32
      %dma_start3A_80 = arith.constant 0 : i32
      %dma_start3A_81 = tpu.memref_slice %arg10[%dma_start3A, %dma_start3A_80] : memref<128x128xf32, #tpu.memory_space<vmem>> -> memref<48x128xf32, #tpu.memory_space<vmem>>
      %dma_start3A_82 = arith.constant 0 : i32
      %dma_start3A_83 = tpu.memref_slice %arg11[%add3A_36, %dma_start3A_82] : memref<10000x128xf32, #tpu.memory_space<vmem_shared>> -> memref<48x128xf32, #tpu.memory_space<vmem_shared>>
      %dma_start3A_84 = arith.constant 0 : i32
      %dma_start3A_85 = tpu.memref_slice %arg11[%add3A_36, %dma_start3A_84] : memref<10000x128xf32, #tpu.memory_space<vmem_shared>> -> memref<48x128xf32, #tpu.memory_space<vmem_shared>>
      %dma_start3A_86 = arith.constant 0 : i32
      %dma_start3A_87 = arith.constant 0 : i32
      %dma_start3A_88 = tpu.memref_slice %arg10[%dma_start3A_86, %dma_start3A_87] : memref<128x128xf32, #tpu.memory_space<vmem>> -> memref<48x128xf32, #tpu.memory_space<vmem>>
      tpu.enqueue_dma source(%dma_start3A_88 : memref<48x128xf32, #tpu.memory_space<vmem>>) target(%dma_start3A_85 : memref<48x128xf32, #tpu.memory_space<vmem_shared>>) target_semaphore(%run_scoped3A : memref<!tpu.dma_semaphore, #tpu.memory_space<semaphore_mem>>)
      %dma_wait3A = arith.constant 0 : i32
      %dma_wait3A_89 = arith.constant 0 : i32
      %dma_wait3A_90 = tpu.memref_slice %arg10[%dma_wait3A, %dma_wait3A_89] : memref<128x128xf32, #tpu.memory_space<vmem>> -> memref<48x128xf32, #tpu.memory_space<vmem>>
      %dma_wait3A_91 = arith.constant 0 : i32
      %dma_wait3A_92 = tpu.memref_slice %arg11[%add3A_36, %dma_wait3A_91] : memref<10000x128xf32, #tpu.memory_space<vmem_shared>> -> memref<48x128xf32, #tpu.memory_space<vmem_shared>>
      %dma_wait3A_93 = arith.constant 0 : i32
      %dma_wait3A_94 = tpu.memref_slice %arg11[%add3A_36, %dma_wait3A_93] : memref<10000x128xf32, #tpu.memory_space<vmem_shared>> -> memref<48x128xf32, #tpu.memory_space<vmem_shared>>
      %dma_wait3A_95 = arith.constant 0 : i32
      %dma_wait3A_96 = arith.constant 0 : i32
      %dma_wait3A_97 = tpu.memref_slice %arg10[%dma_wait3A_95, %dma_wait3A_96] : memref<128x128xf32, #tpu.memory_space<vmem>> -> memref<48x128xf32, #tpu.memory_space<vmem>>
      tpu.wait_dma2 semaphore(%run_scoped3A : memref<!tpu.dma_semaphore, #tpu.memory_space<semaphore_mem>>) src(%dma_wait3A_97 : memref<48x128xf32, #tpu.memory_space<vmem>>) dst(%dma_wait3A_94 : memref<48x128xf32, #tpu.memory_space<vmem_shared>>)
      tpu.yield
    }) : () -> ()
    %mul3A_37 = arith.constant 624 : i32
    %mul3A_38 = arith.muli %arg1, %mul3A_37 : i32
    %add3A_39 = arith.constant 336 : i32
    %add3A_40 = arith.addi %mul3A_38, %add3A_39 : i32
    "tpu.region"() ({
      %run_scoped3A = tpu.sem_alloc : memref<!tpu.dma_semaphore, #tpu.memory_space<semaphore_mem>>
      %dma_start3A = arith.constant 0 : i32
      %dma_start3A_80 = arith.constant 0 : i32
      %dma_start3A_81 = tpu.memref_slice %arg10[%dma_start3A, %dma_start3A_80] : memref<128x128xf32, #tpu.memory_space<vmem>> -> memref<48x128xf32, #tpu.memory_space<vmem>>
      %dma_start3A_82 = arith.constant 0 : i32
      %dma_start3A_83 = tpu.memref_slice %arg11[%add3A_40, %dma_start3A_82] : memref<10000x128xf32, #tpu.memory_space<vmem_shared>> -> memref<48x128xf32, #tpu.memory_space<vmem_shared>>
      %dma_start3A_84 = arith.constant 0 : i32
      %dma_start3A_85 = tpu.memref_slice %arg11[%add3A_40, %dma_start3A_84] : memref<10000x128xf32, #tpu.memory_space<vmem_shared>> -> memref<48x128xf32, #tpu.memory_space<vmem_shared>>
      %dma_start3A_86 = arith.constant 0 : i32
      %dma_start3A_87 = arith.constant 0 : i32
      %dma_start3A_88 = tpu.memref_slice %arg10[%dma_start3A_86, %dma_start3A_87] : memref<128x128xf32, #tpu.memory_space<vmem>> -> memref<48x128xf32, #tpu.memory_space<vmem>>
      tpu.enqueue_dma source(%dma_start3A_88 : memref<48x128xf32, #tpu.memory_space<vmem>>) target(%dma_start3A_85 : memref<48x128xf32, #tpu.memory_space<vmem_shared>>) target_semaphore(%run_scoped3A : memref<!tpu.dma_semaphore, #tpu.memory_space<semaphore_mem>>)
      %dma_wait3A = arith.constant 0 : i32
      %dma_wait3A_89 = arith.constant 0 : i32
      %dma_wait3A_90 = tpu.memref_slice %arg10[%dma_wait3A, %dma_wait3A_89] : memref<128x128xf32, #tpu.memory_space<vmem>> -> memref<48x128xf32, #tpu.memory_space<vmem>>
      %dma_wait3A_91 = arith.constant 0 : i32
      %dma_wait3A_92 = tpu.memref_slice %arg11[%add3A_40, %dma_wait3A_91] : memref<10000x128xf32, #tpu.memory_space<vmem_shared>> -> memref<48x128xf32, #tpu.memory_space<vmem_shared>>
      %dma_wait3A_93 = arith.constant 0 : i32
      %dma_wait3A_94 = tpu.memref_slice %arg11[%add3A_40, %dma_wait3A_93] : memref<10000x128xf32, #tpu.memory_space<vmem_shared>> -> memref<48x128xf32, #tpu.memory_space<vmem_shared>>
      %dma_wait3A_95 = arith.constant 0 : i32
      %dma_wait3A_96 = arith.constant 0 : i32
      %dma_wait3A_97 = tpu.memref_slice %arg10[%dma_wait3A_95, %dma_wait3A_96] : memref<128x128xf32, #tpu.memory_space<vmem>> -> memref<48x128xf32, #tpu.memory_space<vmem>>
      tpu.wait_dma2 semaphore(%run_scoped3A : memref<!tpu.dma_semaphore, #tpu.memory_space<semaphore_mem>>) src(%dma_wait3A_97 : memref<48x128xf32, #tpu.memory_space<vmem>>) dst(%dma_wait3A_94 : memref<48x128xf32, #tpu.memory_space<vmem_shared>>)
      tpu.yield
    }) : () -> ()
    %mul3A_41 = arith.constant 624 : i32
    %mul3A_42 = arith.muli %arg1, %mul3A_41 : i32
    %add3A_43 = arith.constant 384 : i32
    %add3A_44 = arith.addi %mul3A_42, %add3A_43 : i32
    "tpu.region"() ({
      %run_scoped3A = tpu.sem_alloc : memref<!tpu.dma_semaphore, #tpu.memory_space<semaphore_mem>>
      %dma_start3A = arith.constant 0 : i32
      %dma_start3A_80 = arith.constant 0 : i32
      %dma_start3A_81 = tpu.memref_slice %arg10[%dma_start3A, %dma_start3A_80] : memref<128x128xf32, #tpu.memory_space<vmem>> -> memref<48x128xf32, #tpu.memory_space<vmem>>
      %dma_start3A_82 = arith.constant 0 : i32
      %dma_start3A_83 = tpu.memref_slice %arg11[%add3A_44, %dma_start3A_82] : memref<10000x128xf32, #tpu.memory_space<vmem_shared>> -> memref<48x128xf32, #tpu.memory_space<vmem_shared>>
      %dma_start3A_84 = arith.constant 0 : i32
      %dma_start3A_85 = tpu.memref_slice %arg11[%add3A_44, %dma_start3A_84] : memref<10000x128xf32, #tpu.memory_space<vmem_shared>> -> memref<48x128xf32, #tpu.memory_space<vmem_shared>>
      %dma_start3A_86 = arith.constant 0 : i32
      %dma_start3A_87 = arith.constant 0 : i32
      %dma_start3A_88 = tpu.memref_slice %arg10[%dma_start3A_86, %dma_start3A_87] : memref<128x128xf32, #tpu.memory_space<vmem>> -> memref<48x128xf32, #tpu.memory_space<vmem>>
      tpu.enqueue_dma source(%dma_start3A_88 : memref<48x128xf32, #tpu.memory_space<vmem>>) target(%dma_start3A_85 : memref<48x128xf32, #tpu.memory_space<vmem_shared>>) target_semaphore(%run_scoped3A : memref<!tpu.dma_semaphore, #tpu.memory_space<semaphore_mem>>)
      %dma_wait3A = arith.constant 0 : i32
      %dma_wait3A_89 = arith.constant 0 : i32
      %dma_wait3A_90 = tpu.memref_slice %arg10[%dma_wait3A, %dma_wait3A_89] : memref<128x128xf32, #tpu.memory_space<vmem>> -> memref<48x128xf32, #tpu.memory_space<vmem>>
      %dma_wait3A_91 = arith.constant 0 : i32
      %dma_wait3A_92 = tpu.memref_slice %arg11[%add3A_44, %dma_wait3A_91] : memref<10000x128xf32, #tpu.memory_space<vmem_shared>> -> memref<48x128xf32, #tpu.memory_space<vmem_shared>>
      %dma_wait3A_93 = arith.constant 0 : i32
      %dma_wait3A_94 = tpu.memref_slice %arg11[%add3A_44, %dma_wait3A_93] : memref<10000x128xf32, #tpu.memory_space<vmem_shared>> -> memref<48x128xf32, #tpu.memory_space<vmem_shared>>
      %dma_wait3A_95 = arith.constant 0 : i32
      %dma_wait3A_96 = arith.constant 0 : i32
      %dma_wait3A_97 = tpu.memref_slice %arg10[%dma_wait3A_95, %dma_wait3A_96] : memref<128x128xf32, #tpu.memory_space<vmem>> -> memref<48x128xf32, #tpu.memory_space<vmem>>
      tpu.wait_dma2 semaphore(%run_scoped3A : memref<!tpu.dma_semaphore, #tpu.memory_space<semaphore_mem>>) src(%dma_wait3A_97 : memref<48x128xf32, #tpu.memory_space<vmem>>) dst(%dma_wait3A_94 : memref<48x128xf32, #tpu.memory_space<vmem_shared>>)
      tpu.yield
    }) : () -> ()
    %mul3A_45 = arith.constant 624 : i32
    %mul3A_46 = arith.muli %arg1, %mul3A_45 : i32
    %add3A_47 = arith.constant 432 : i32
    %add3A_48 = arith.addi %mul3A_46, %add3A_47 : i32
    "tpu.region"() ({
      %run_scoped3A = tpu.sem_alloc : memref<!tpu.dma_semaphore, #tpu.memory_space<semaphore_mem>>
      %dma_start3A = arith.constant 0 : i32
      %dma_start3A_80 = arith.constant 0 : i32
      %dma_start3A_81 = tpu.memref_slice %arg10[%dma_start3A, %dma_start3A_80] : memref<128x128xf32, #tpu.memory_space<vmem>> -> memref<48x128xf32, #tpu.memory_space<vmem>>
      %dma_start3A_82 = arith.constant 0 : i32
      %dma_start3A_83 = tpu.memref_slice %arg11[%add3A_48, %dma_start3A_82] : memref<10000x128xf32, #tpu.memory_space<vmem_shared>> -> memref<48x128xf32, #tpu.memory_space<vmem_shared>>
      %dma_start3A_84 = arith.constant 0 : i32
      %dma_start3A_85 = tpu.memref_slice %arg11[%add3A_48, %dma_start3A_84] : memref<10000x128xf32, #tpu.memory_space<vmem_shared>> -> memref<48x128xf32, #tpu.memory_space<vmem_shared>>
      %dma_start3A_86 = arith.constant 0 : i32
      %dma_start3A_87 = arith.constant 0 : i32
      %dma_start3A_88 = tpu.memref_slice %arg10[%dma_start3A_86, %dma_start3A_87] : memref<128x128xf32, #tpu.memory_space<vmem>> -> memref<48x128xf32, #tpu.memory_space<vmem>>
      tpu.enqueue_dma source(%dma_start3A_88 : memref<48x128xf32, #tpu.memory_space<vmem>>) target(%dma_start3A_85 : memref<48x128xf32, #tpu.memory_space<vmem_shared>>) target_semaphore(%run_scoped3A : memref<!tpu.dma_semaphore, #tpu.memory_space<semaphore_mem>>)
      %dma_wait3A = arith.constant 0 : i32
      %dma_wait3A_89 = arith.constant 0 : i32
      %dma_wait3A_90 = tpu.memref_slice %arg10[%dma_wait3A, %dma_wait3A_89] : memref<128x128xf32, #tpu.memory_space<vmem>> -> memref<48x128xf32, #tpu.memory_space<vmem>>
      %dma_wait3A_91 = arith.constant 0 : i32
      %dma_wait3A_92 = tpu.memref_slice %arg11[%add3A_48, %dma_wait3A_91] : memref<10000x128xf32, #tpu.memory_space<vmem_shared>> -> memref<48x128xf32, #tpu.memory_space<vmem_shared>>
      %dma_wait3A_93 = arith.constant 0 : i32
      %dma_wait3A_94 = tpu.memref_slice %arg11[%add3A_48, %dma_wait3A_93] : memref<10000x128xf32, #tpu.memory_space<vmem_shared>> -> memref<48x128xf32, #tpu.memory_space<vmem_shared>>
      %dma_wait3A_95 = arith.constant 0 : i32
      %dma_wait3A_96 = arith.constant 0 : i32
      %dma_wait3A_97 = tpu.memref_slice %arg10[%dma_wait3A_95, %dma_wait3A_96] : memref<128x128xf32, #tpu.memory_space<vmem>> -> memref<48x128xf32, #tpu.memory_space<vmem>>
      tpu.wait_dma2 semaphore(%run_scoped3A : memref<!tpu.dma_semaphore, #tpu.memory_space<semaphore_mem>>) src(%dma_wait3A_97 : memref<48x128xf32, #tpu.memory_space<vmem>>) dst(%dma_wait3A_94 : memref<48x128xf32, #tpu.memory_space<vmem_shared>>)
      tpu.yield
    }) : () -> ()
    %mul3A_49 = arith.constant 624 : i32
    %mul3A_50 = arith.muli %arg1, %mul3A_49 : i32
    %add3A_51 = arith.constant 480 : i32
    %add3A_52 = arith.addi %mul3A_50, %add3A_51 : i32
    "tpu.region"() ({
      %run_scoped3A = tpu.sem_alloc : memref<!tpu.dma_semaphore, #tpu.memory_space<semaphore_mem>>
      %dma_start3A = arith.constant 0 : i32
      %dma_start3A_80 = arith.constant 0 : i32
      %dma_start3A_81 = tpu.memref_slice %arg10[%dma_start3A, %dma_start3A_80] : memref<128x128xf32, #tpu.memory_space<vmem>> -> memref<48x128xf32, #tpu.memory_space<vmem>>
      %dma_start3A_82 = arith.constant 0 : i32
      %dma_start3A_83 = tpu.memref_slice %arg11[%add3A_52, %dma_start3A_82] : memref<10000x128xf32, #tpu.memory_space<vmem_shared>> -> memref<48x128xf32, #tpu.memory_space<vmem_shared>>
      %dma_start3A_84 = arith.constant 0 : i32
      %dma_start3A_85 = tpu.memref_slice %arg11[%add3A_52, %dma_start3A_84] : memref<10000x128xf32, #tpu.memory_space<vmem_shared>> -> memref<48x128xf32, #tpu.memory_space<vmem_shared>>
      %dma_start3A_86 = arith.constant 0 : i32
      %dma_start3A_87 = arith.constant 0 : i32
      %dma_start3A_88 = tpu.memref_slice %arg10[%dma_start3A_86, %dma_start3A_87] : memref<128x128xf32, #tpu.memory_space<vmem>> -> memref<48x128xf32, #tpu.memory_space<vmem>>
      tpu.enqueue_dma source(%dma_start3A_88 : memref<48x128xf32, #tpu.memory_space<vmem>>) target(%dma_start3A_85 : memref<48x128xf32, #tpu.memory_space<vmem_shared>>) target_semaphore(%run_scoped3A : memref<!tpu.dma_semaphore, #tpu.memory_space<semaphore_mem>>)
      %dma_wait3A = arith.constant 0 : i32
      %dma_wait3A_89 = arith.constant 0 : i32
      %dma_wait3A_90 = tpu.memref_slice %arg10[%dma_wait3A, %dma_wait3A_89] : memref<128x128xf32, #tpu.memory_space<vmem>> -> memref<48x128xf32, #tpu.memory_space<vmem>>
      %dma_wait3A_91 = arith.constant 0 : i32
      %dma_wait3A_92 = tpu.memref_slice %arg11[%add3A_52, %dma_wait3A_91] : memref<10000x128xf32, #tpu.memory_space<vmem_shared>> -> memref<48x128xf32, #tpu.memory_space<vmem_shared>>
      %dma_wait3A_93 = arith.constant 0 : i32
      %dma_wait3A_94 = tpu.memref_slice %arg11[%add3A_52, %dma_wait3A_93] : memref<10000x128xf32, #tpu.memory_space<vmem_shared>> -> memref<48x128xf32, #tpu.memory_space<vmem_shared>>
      %dma_wait3A_95 = arith.constant 0 : i32
      %dma_wait3A_96 = arith.constant 0 : i32
      %dma_wait3A_97 = tpu.memref_slice %arg10[%dma_wait3A_95, %dma_wait3A_96] : memref<128x128xf32, #tpu.memory_space<vmem>> -> memref<48x128xf32, #tpu.memory_space<vmem>>
      tpu.wait_dma2 semaphore(%run_scoped3A : memref<!tpu.dma_semaphore, #tpu.memory_space<semaphore_mem>>) src(%dma_wait3A_97 : memref<48x128xf32, #tpu.memory_space<vmem>>) dst(%dma_wait3A_94 : memref<48x128xf32, #tpu.memory_space<vmem_shared>>)
      tpu.yield
    }) : () -> ()
    %mul3A_53 = arith.constant 624 : i32
    %mul3A_54 = arith.muli %arg1, %mul3A_53 : i32
    %add3A_55 = arith.constant 528 : i32
    %add3A_56 = arith.addi %mul3A_54, %add3A_55 : i32
    "tpu.region"() ({
      %run_scoped3A = tpu.sem_alloc : memref<!tpu.dma_semaphore, #tpu.memory_space<semaphore_mem>>
      %dma_start3A = arith.constant 0 : i32
      %dma_start3A_80 = arith.constant 0 : i32
      %dma_start3A_81 = tpu.memref_slice %arg10[%dma_start3A, %dma_start3A_80] : memref<128x128xf32, #tpu.memory_space<vmem>> -> memref<48x128xf32, #tpu.memory_space<vmem>>
      %dma_start3A_82 = arith.constant 0 : i32
      %dma_start3A_83 = tpu.memref_slice %arg11[%add3A_56, %dma_start3A_82] : memref<10000x128xf32, #tpu.memory_space<vmem_shared>> -> memref<48x128xf32, #tpu.memory_space<vmem_shared>>
      %dma_start3A_84 = arith.constant 0 : i32
      %dma_start3A_85 = tpu.memref_slice %arg11[%add3A_56, %dma_start3A_84] : memref<10000x128xf32, #tpu.memory_space<vmem_shared>> -> memref<48x128xf32, #tpu.memory_space<vmem_shared>>
      %dma_start3A_86 = arith.constant 0 : i32
      %dma_start3A_87 = arith.constant 0 : i32
      %dma_start3A_88 = tpu.memref_slice %arg10[%dma_start3A_86, %dma_start3A_87] : memref<128x128xf32, #tpu.memory_space<vmem>> -> memref<48x128xf32, #tpu.memory_space<vmem>>
      tpu.enqueue_dma source(%dma_start3A_88 : memref<48x128xf32, #tpu.memory_space<vmem>>) target(%dma_start3A_85 : memref<48x128xf32, #tpu.memory_space<vmem_shared>>) target_semaphore(%run_scoped3A : memref<!tpu.dma_semaphore, #tpu.memory_space<semaphore_mem>>)
      %dma_wait3A = arith.constant 0 : i32
      %dma_wait3A_89 = arith.constant 0 : i32
      %dma_wait3A_90 = tpu.memref_slice %arg10[%dma_wait3A, %dma_wait3A_89] : memref<128x128xf32, #tpu.memory_space<vmem>> -> memref<48x128xf32, #tpu.memory_space<vmem>>
      %dma_wait3A_91 = arith.constant 0 : i32
      %dma_wait3A_92 = tpu.memref_slice %arg11[%add3A_56, %dma_wait3A_91] : memref<10000x128xf32, #tpu.memory_space<vmem_shared>> -> memref<48x128xf32, #tpu.memory_space<vmem_shared>>
      %dma_wait3A_93 = arith.constant 0 : i32
      %dma_wait3A_94 = tpu.memref_slice %arg11[%add3A_56, %dma_wait3A_93] : memref<10000x128xf32, #tpu.memory_space<vmem_shared>> -> memref<48x128xf32, #tpu.memory_space<vmem_shared>>
      %dma_wait3A_95 = arith.constant 0 : i32
      %dma_wait3A_96 = arith.constant 0 : i32
      %dma_wait3A_97 = tpu.memref_slice %arg10[%dma_wait3A_95, %dma_wait3A_96] : memref<128x128xf32, #tpu.memory_space<vmem>> -> memref<48x128xf32, #tpu.memory_space<vmem>>
      tpu.wait_dma2 semaphore(%run_scoped3A : memref<!tpu.dma_semaphore, #tpu.memory_space<semaphore_mem>>) src(%dma_wait3A_97 : memref<48x128xf32, #tpu.memory_space<vmem>>) dst(%dma_wait3A_94 : memref<48x128xf32, #tpu.memory_space<vmem_shared>>)
      tpu.yield
    }) : () -> ()
    %mul3A_57 = arith.constant 624 : i32
    %mul3A_58 = arith.muli %arg1, %mul3A_57 : i32
    %add3A_59 = arith.constant 576 : i32
    %add3A_60 = arith.addi %mul3A_58, %add3A_59 : i32
    "tpu.region"() ({
      %run_scoped3A = tpu.sem_alloc : memref<!tpu.dma_semaphore, #tpu.memory_space<semaphore_mem>>
      %dma_start3A = arith.constant 0 : i32
      %dma_start3A_80 = arith.constant 0 : i32
      %dma_start3A_81 = tpu.memref_slice %arg10[%dma_start3A, %dma_start3A_80] : memref<128x128xf32, #tpu.memory_space<vmem>> -> memref<48x128xf32, #tpu.memory_space<vmem>>
      %dma_start3A_82 = arith.constant 0 : i32
      %dma_start3A_83 = tpu.memref_slice %arg11[%add3A_60, %dma_start3A_82] : memref<10000x128xf32, #tpu.memory_space<vmem_shared>> -> memref<48x128xf32, #tpu.memory_space<vmem_shared>>
      %dma_start3A_84 = arith.constant 0 : i32
      %dma_start3A_85 = tpu.memref_slice %arg11[%add3A_60, %dma_start3A_84] : memref<10000x128xf32, #tpu.memory_space<vmem_shared>> -> memref<48x128xf32, #tpu.memory_space<vmem_shared>>
      %dma_start3A_86 = arith.constant 0 : i32
      %dma_start3A_87 = arith.constant 0 : i32
      %dma_start3A_88 = tpu.memref_slice %arg10[%dma_start3A_86, %dma_start3A_87] : memref<128x128xf32, #tpu.memory_space<vmem>> -> memref<48x128xf32, #tpu.memory_space<vmem>>
      tpu.enqueue_dma source(%dma_start3A_88 : memref<48x128xf32, #tpu.memory_space<vmem>>) target(%dma_start3A_85 : memref<48x128xf32, #tpu.memory_space<vmem_shared>>) target_semaphore(%run_scoped3A : memref<!tpu.dma_semaphore, #tpu.memory_space<semaphore_mem>>)
      %dma_wait3A = arith.constant 0 : i32
      %dma_wait3A_89 = arith.constant 0 : i32
      %dma_wait3A_90 = tpu.memref_slice %arg10[%dma_wait3A, %dma_wait3A_89] : memref<128x128xf32, #tpu.memory_space<vmem>> -> memref<48x128xf32, #tpu.memory_space<vmem>>
      %dma_wait3A_91 = arith.constant 0 : i32
      %dma_wait3A_92 = tpu.memref_slice %arg11[%add3A_60, %dma_wait3A_91] : memref<10000x128xf32, #tpu.memory_space<vmem_shared>> -> memref<48x128xf32, #tpu.memory_space<vmem_shared>>
      %dma_wait3A_93 = arith.constant 0 : i32
      %dma_wait3A_94 = tpu.memref_slice %arg11[%add3A_60, %dma_wait3A_93] : memref<10000x128xf32, #tpu.memory_space<vmem_shared>> -> memref<48x128xf32, #tpu.memory_space<vmem_shared>>
      %dma_wait3A_95 = arith.constant 0 : i32
      %dma_wait3A_96 = arith.constant 0 : i32
      %dma_wait3A_97 = tpu.memref_slice %arg10[%dma_wait3A_95, %dma_wait3A_96] : memref<128x128xf32, #tpu.memory_space<vmem>> -> memref<48x128xf32, #tpu.memory_space<vmem>>
      tpu.wait_dma2 semaphore(%run_scoped3A : memref<!tpu.dma_semaphore, #tpu.memory_space<semaphore_mem>>) src(%dma_wait3A_97 : memref<48x128xf32, #tpu.memory_space<vmem>>) dst(%dma_wait3A_94 : memref<48x128xf32, #tpu.memory_space<vmem_shared>>)
      tpu.yield
    }) : () -> ()
    %eq3A = arith.constant 15 : i32
    %eq3A_61 = arith.cmpi eq, %arg1, %eq3A : i32
    %convert_element_type3A = arith.extui %eq3A_61 : i1 to i32
    %cond3A = arith.constant 0 : i32
    %cond3A_62 = arith.cmpi ne, %convert_element_type3A, %cond3A : i32
    scf.if %cond3A_62 {
      "tpu.region"() ({
        %run_scoped3A = tpu.sem_alloc : memref<!tpu.dma_semaphore, #tpu.memory_space<semaphore_mem>>
        %dma_start3A = arith.constant 0 : i32
        %dma_start3A_80 = arith.constant 0 : i32
        %dma_start3A_81 = tpu.memref_slice %arg10[%dma_start3A, %dma_start3A_80] : memref<128x128xf32, #tpu.memory_space<vmem>> -> memref<16x128xf32, #tpu.memory_space<vmem>>
        %dma_start3A_82 = arith.constant 9984 : i32
        %dma_start3A_83 = arith.constant 0 : i32
        %dma_start3A_84 = tpu.memref_slice %arg11[%dma_start3A_82, %dma_start3A_83] : memref<10000x128xf32, #tpu.memory_space<vmem_shared>> -> memref<16x128xf32, #tpu.memory_space<vmem_shared>>
        %dma_start3A_85 = arith.constant 9984 : i32
        %dma_start3A_86 = arith.constant 0 : i32
        %dma_start3A_87 = tpu.memref_slice %arg11[%dma_start3A_85, %dma_start3A_86] : memref<10000x128xf32, #tpu.memory_space<vmem_shared>> -> memref<16x128xf32, #tpu.memory_space<vmem_shared>>
        %dma_start3A_88 = arith.constant 0 : i32
        %dma_start3A_89 = arith.constant 0 : i32
        %dma_start3A_90 = tpu.memref_slice %arg10[%dma_start3A_88, %dma_start3A_89] : memref<128x128xf32, #tpu.memory_space<vmem>> -> memref<16x128xf32, #tpu.memory_space<vmem>>
        tpu.enqueue_dma source(%dma_start3A_90 : memref<16x128xf32, #tpu.memory_space<vmem>>) target(%dma_start3A_87 : memref<16x128xf32, #tpu.memory_space<vmem_shared>>) target_semaphore(%run_scoped3A : memref<!tpu.dma_semaphore, #tpu.memory_space<semaphore_mem>>)
        %dma_wait3A = arith.constant 0 : i32
        %dma_wait3A_91 = arith.constant 0 : i32
        %dma_wait3A_92 = tpu.memref_slice %arg10[%dma_wait3A, %dma_wait3A_91] : memref<128x128xf32, #tpu.memory_space<vmem>> -> memref<16x128xf32, #tpu.memory_space<vmem>>
        %dma_wait3A_93 = arith.constant 9984 : i32
        %dma_wait3A_94 = arith.constant 0 : i32
        %dma_wait3A_95 = tpu.memref_slice %arg11[%dma_wait3A_93, %dma_wait3A_94] : memref<10000x128xf32, #tpu.memory_space<vmem_shared>> -> memref<16x128xf32, #tpu.memory_space<vmem_shared>>
        %dma_wait3A_96 = arith.constant 9984 : i32
        %dma_wait3A_97 = arith.constant 0 : i32
        %dma_wait3A_98 = tpu.memref_slice %arg11[%dma_wait3A_96, %dma_wait3A_97] : memref<10000x128xf32, #tpu.memory_space<vmem_shared>> -> memref<16x128xf32, #tpu.memory_space<vmem_shared>>
        %dma_wait3A_99 = arith.constant 0 : i32
        %dma_wait3A_100 = arith.constant 0 : i32
        %dma_wait3A_101 = tpu.memref_slice %arg10[%dma_wait3A_99, %dma_wait3A_100] : memref<128x128xf32, #tpu.memory_space<vmem>> -> memref<16x128xf32, #tpu.memory_space<vmem>>
        tpu.wait_dma2 semaphore(%run_scoped3A : memref<!tpu.dma_semaphore, #tpu.memory_space<semaphore_mem>>) src(%dma_wait3A_101 : memref<16x128xf32, #tpu.memory_space<vmem>>) dst(%dma_wait3A_98 : memref<16x128xf32, #tpu.memory_space<vmem_shared>>)
        tpu.yield
      }) : () -> ()
    } else {
    }
    %barrier3A = arith.constant 0 : index
    tpu.barrier barrier_id(%barrier3A)
    %scan3A_63 = arith.constant 0 : i32
    %scan3A_64 = arith.constant 0 : i32
    %scan3A_65 = arith.constant 81 : i32
    %scan3A_66 = arith.addi %scan3A_64, %scan3A_65 : i32
    %scan3A_67 = arith.constant 1 : i32
    %scan3A_68 = scf.for %scan3A_80 = %scan3A_64 to %scan3A_66 step %scan3A_67 iter_args(%scan3A_81 = %scan3A_63) -> (i32)  : i32 {
      %add3A_82 = arith.addi %mul3A_2, %scan3A_80 : i32
      "tpu.region"() ({
        %run_scoped3A = tpu.sem_alloc : memref<!tpu.dma_semaphore, #tpu.memory_space<semaphore_mem>>
        %dma_start3A = arith.constant 0 : i32
        %dma_start3A_88 = tpu.memref_slice %arg2[%add3A_82, %dma_start3A] : memref<2592x128xi32, #tpu.memory_space<hbm>> -> memref<1x128xi32, #tpu.memory_space<hbm>>
        %dma_start3A_89 = tpu.memref_squeeze %dma_start3A_88 : memref<1x128xi32, #tpu.memory_space<hbm>> -> memref<128xi32, #tpu.memory_space<hbm>>
        %dma_start3A_90 = arith.constant 0 : i32
        %dma_start3A_91 = tpu.memref_slice %arg2[%add3A_82, %dma_start3A_90] : memref<2592x128xi32, #tpu.memory_space<hbm>> -> memref<1x128xi32, #tpu.memory_space<hbm>>
        %dma_start3A_92 = tpu.memref_squeeze %dma_start3A_91 : memref<1x128xi32, #tpu.memory_space<hbm>> -> memref<128xi32, #tpu.memory_space<hbm>>
        tpu.enqueue_dma source(%dma_start3A_92 : memref<128xi32, #tpu.memory_space<hbm>>) target(%arg7 : memref<128xi32, #tpu.memory_space<vmem>>) target_semaphore(%run_scoped3A : memref<!tpu.dma_semaphore, #tpu.memory_space<semaphore_mem>>)
        %dma_wait3A = arith.constant 0 : i32
        %dma_wait3A_93 = tpu.memref_slice %arg2[%add3A_82, %dma_wait3A] : memref<2592x128xi32, #tpu.memory_space<hbm>> -> memref<1x128xi32, #tpu.memory_space<hbm>>
        %dma_wait3A_94 = tpu.memref_squeeze %dma_wait3A_93 : memref<1x128xi32, #tpu.memory_space<hbm>> -> memref<128xi32, #tpu.memory_space<hbm>>
        %dma_wait3A_95 = arith.constant 0 : i32
        %dma_wait3A_96 = tpu.memref_slice %arg2[%add3A_82, %dma_wait3A_95] : memref<2592x128xi32, #tpu.memory_space<hbm>> -> memref<1x128xi32, #tpu.memory_space<hbm>>
        %dma_wait3A_97 = tpu.memref_squeeze %dma_wait3A_96 : memref<1x128xi32, #tpu.memory_space<hbm>> -> memref<128xi32, #tpu.memory_space<hbm>>
        tpu.wait_dma2 semaphore(%run_scoped3A : memref<!tpu.dma_semaphore, #tpu.memory_space<semaphore_mem>>) src(%dma_wait3A_97 : memref<128xi32, #tpu.memory_space<hbm>>) dst(%arg7 : memref<128xi32, #tpu.memory_space<vmem>>)
        tpu.yield
      }) : () -> ()
      %add3A_83 = arith.addi %mul3A_2, %scan3A_80 : i32
      "tpu.region"() ({
        %run_scoped3A = tpu.sem_alloc : memref<!tpu.dma_semaphore, #tpu.memory_space<semaphore_mem>>
        %dma_start3A = arith.constant 0 : i32
        %dma_start3A_88 = tpu.memref_slice %arg3[%add3A_83, %dma_start3A] : memref<2592x128xi32, #tpu.memory_space<hbm>> -> memref<1x128xi32, #tpu.memory_space<hbm>>
        %dma_start3A_89 = tpu.memref_squeeze %dma_start3A_88 : memref<1x128xi32, #tpu.memory_space<hbm>> -> memref<128xi32, #tpu.memory_space<hbm>>
        %dma_start3A_90 = arith.constant 0 : i32
        %dma_start3A_91 = tpu.memref_slice %arg3[%add3A_83, %dma_start3A_90] : memref<2592x128xi32, #tpu.memory_space<hbm>> -> memref<1x128xi32, #tpu.memory_space<hbm>>
        %dma_start3A_92 = tpu.memref_squeeze %dma_start3A_91 : memref<1x128xi32, #tpu.memory_space<hbm>> -> memref<128xi32, #tpu.memory_space<hbm>>
        tpu.enqueue_dma source(%dma_start3A_92 : memref<128xi32, #tpu.memory_space<hbm>>) target(%arg8 : memref<128xi32, #tpu.memory_space<vmem>>) target_semaphore(%run_scoped3A : memref<!tpu.dma_semaphore, #tpu.memory_space<semaphore_mem>>)
        %dma_wait3A = arith.constant 0 : i32
        %dma_wait3A_93 = tpu.memref_slice %arg3[%add3A_83, %dma_wait3A] : memref<2592x128xi32, #tpu.memory_space<hbm>> -> memref<1x128xi32, #tpu.memory_space<hbm>>
        %dma_wait3A_94 = tpu.memref_squeeze %dma_wait3A_93 : memref<1x128xi32, #tpu.memory_space<hbm>> -> memref<128xi32, #tpu.memory_space<hbm>>
        %dma_wait3A_95 = arith.constant 0 : i32
        %dma_wait3A_96 = tpu.memref_slice %arg3[%add3A_83, %dma_wait3A_95] : memref<2592x128xi32, #tpu.memory_space<hbm>> -> memref<1x128xi32, #tpu.memory_space<hbm>>
        %dma_wait3A_97 = tpu.memref_squeeze %dma_wait3A_96 : memref<1x128xi32, #tpu.memory_space<hbm>> -> memref<128xi32, #tpu.memory_space<hbm>>
        tpu.wait_dma2 semaphore(%run_scoped3A : memref<!tpu.dma_semaphore, #tpu.memory_space<semaphore_mem>>) src(%dma_wait3A_97 : memref<128xi32, #tpu.memory_space<hbm>>) dst(%arg8 : memref<128xi32, #tpu.memory_space<vmem>>)
        tpu.yield
      }) : () -> ()
      %add3A_84 = arith.addi %mul3A_2, %scan3A_80 : i32
      "tpu.region"() ({
        %run_scoped3A = tpu.sem_alloc : memref<!tpu.dma_semaphore, #tpu.memory_space<semaphore_mem>>
        %dma_start3A = arith.constant 0 : i32
        %dma_start3A_88 = tpu.memref_slice %arg4[%add3A_84, %dma_start3A] : memref<2592x128xf32, #tpu.memory_space<hbm>> -> memref<1x128xf32, #tpu.memory_space<hbm>>
        %dma_start3A_89 = tpu.memref_squeeze %dma_start3A_88 : memref<1x128xf32, #tpu.memory_space<hbm>> -> memref<128xf32, #tpu.memory_space<hbm>>
        %dma_start3A_90 = arith.constant 0 : i32
        %dma_start3A_91 = tpu.memref_slice %arg4[%add3A_84, %dma_start3A_90] : memref<2592x128xf32, #tpu.memory_space<hbm>> -> memref<1x128xf32, #tpu.memory_space<hbm>>
        %dma_start3A_92 = tpu.memref_squeeze %dma_start3A_91 : memref<1x128xf32, #tpu.memory_space<hbm>> -> memref<128xf32, #tpu.memory_space<hbm>>
        tpu.enqueue_dma source(%dma_start3A_92 : memref<128xf32, #tpu.memory_space<hbm>>) target(%arg9 : memref<128xf32, #tpu.memory_space<vmem>>) target_semaphore(%run_scoped3A : memref<!tpu.dma_semaphore, #tpu.memory_space<semaphore_mem>>)
        %dma_wait3A = arith.constant 0 : i32
        %dma_wait3A_93 = tpu.memref_slice %arg4[%add3A_84, %dma_wait3A] : memref<2592x128xf32, #tpu.memory_space<hbm>> -> memref<1x128xf32, #tpu.memory_space<hbm>>
        %dma_wait3A_94 = tpu.memref_squeeze %dma_wait3A_93 : memref<1x128xf32, #tpu.memory_space<hbm>> -> memref<128xf32, #tpu.memory_space<hbm>>
        %dma_wait3A_95 = arith.constant 0 : i32
        %dma_wait3A_96 = tpu.memref_slice %arg4[%add3A_84, %dma_wait3A_95] : memref<2592x128xf32, #tpu.memory_space<hbm>> -> memref<1x128xf32, #tpu.memory_space<hbm>>
        %dma_wait3A_97 = tpu.memref_squeeze %dma_wait3A_96 : memref<1x128xf32, #tpu.memory_space<hbm>> -> memref<128xf32, #tpu.memory_space<hbm>>
        tpu.wait_dma2 semaphore(%run_scoped3A : memref<!tpu.dma_semaphore, #tpu.memory_space<semaphore_mem>>) src(%dma_wait3A_97 : memref<128xf32, #tpu.memory_space<hbm>>) dst(%arg9 : memref<128xf32, #tpu.memory_space<vmem>>)
        tpu.yield
      }) : () -> ()
      "tpu.region"() ({
        %run_scoped3A = tpu.sem_alloc : memref<!tpu.dma_semaphore, #tpu.memory_space<semaphore_mem>>
        %dma_start3A = arith.constant 0 : i32
        %dma_start3A_88 = arith.constant 0 : i32
        %dma_start3A_89 = tpu.memref_slice %arg5[%dma_start3A, %dma_start3A_88] : memref<10000x128xf32, #tpu.memory_space<hbm>> -> memref<10000x128xf32, #tpu.memory_space<hbm>>
        tpu.enqueue_indirect_dma source(%dma_start3A_89 : memref<10000x128xf32, #tpu.memory_space<hbm>>) target(%arg10 : memref<128x128xf32, #tpu.memory_space<vmem>>) offsets(%arg7 : memref<128xi32, #tpu.memory_space<vmem>>) semaphore(%run_scoped3A : memref<!tpu.dma_semaphore, #tpu.memory_space<semaphore_mem>>)
        %dma_wait3A = arith.constant 0 : i32
        %dma_wait3A_90 = arith.constant 0 : i32
        %dma_wait3A_91 = tpu.memref_slice %arg5[%dma_wait3A, %dma_wait3A_90] : memref<10000x128xf32, #tpu.memory_space<hbm>> -> memref<10000x128xf32, #tpu.memory_space<hbm>>
        tpu.wait_indirect_dma semaphore(%run_scoped3A : memref<!tpu.dma_semaphore, #tpu.memory_space<semaphore_mem>>) src(%dma_wait3A_91 : memref<10000x128xf32, #tpu.memory_space<hbm>>) dst(%arg10 : memref<128x128xf32, #tpu.memory_space<vmem>>)
        tpu.yield
      }) : () -> ()
      %parallel_loop3A = arith.constant 0 : i32
      %parallel_loop3A_85 = arith.constant 128 : i32
      %parallel_loop3A_86 = arith.constant 1 : i32
      scf.for %parallel_loop3A_88 = %parallel_loop3A to %parallel_loop3A_85 step %parallel_loop3A_86  : i32 {
        %parallel_loop3A_89 = vector.broadcast %parallel_loop3A_88 : i32 to vector<16xi32>
        %parallel_loop3A_90 = tpu.vector_load_idx %arg9[%parallel_loop3A_89] : memref<128xf32, #tpu.memory_space<vmem>>[vector<16xi32>], vector<16xf32>,
        %parallel_loop3A_91 = arith.index_cast %parallel_loop3A_88 : i32 to index
        %parallel_loop3A_92 = arith.constant 0 : index
        %parallel_loop3A_93 = tpu.vector_load %arg10[%parallel_loop3A_91, %parallel_loop3A_92] {strides = array<i32>} : memref<128x128xf32, #tpu.memory_space<vmem>>, vector<16xf32>,
        %parallel_loop3A_94 = arith.mulf %parallel_loop3A_93, %parallel_loop3A_90 : vector<16xf32>
        %parallel_loop3A_95 = arith.index_cast %parallel_loop3A_88 : i32 to index
        %parallel_loop3A_96 = arith.constant 0 : index
        %parallel_loop3A_97 = tpu.vector_load %arg10[%parallel_loop3A_95, %parallel_loop3A_96] {strides = array<i32>} : memref<128x128xf32, #tpu.memory_space<vmem>>, vector<16xf32>,
        tpu.vector_store %arg10[%parallel_loop3A_95, %parallel_loop3A_96], %parallel_loop3A_94 {strides = array<i32>} : memref<128x128xf32, #tpu.memory_space<vmem>>, vector<16xf32>,
        %parallel_loop3A_98 = arith.index_cast %parallel_loop3A_88 : i32 to index
        %parallel_loop3A_99 = arith.constant 16 : index
        %parallel_loop3A_100 = tpu.vector_load %arg10[%parallel_loop3A_98, %parallel_loop3A_99] {strides = array<i32>} : memref<128x128xf32, #tpu.memory_space<vmem>>, vector<16xf32>,
        %parallel_loop3A_101 = arith.mulf %parallel_loop3A_100, %parallel_loop3A_90 : vector<16xf32>
        %parallel_loop3A_102 = arith.index_cast %parallel_loop3A_88 : i32 to index
        %parallel_loop3A_103 = arith.constant 16 : index
        %parallel_loop3A_104 = tpu.vector_load %arg10[%parallel_loop3A_102, %parallel_loop3A_103] {strides = array<i32>} : memref<128x128xf32, #tpu.memory_space<vmem>>, vector<16xf32>,
        tpu.vector_store %arg10[%parallel_loop3A_102, %parallel_loop3A_103], %parallel_loop3A_101 {strides = array<i32>} : memref<128x128xf32, #tpu.memory_space<vmem>>, vector<16xf32>,
        %parallel_loop3A_105 = arith.index_cast %parallel_loop3A_88 : i32 to index
        %parallel_loop3A_106 = arith.constant 32 : index
        %parallel_loop3A_107 = tpu.vector_load %arg10[%parallel_loop3A_105, %parallel_loop3A_106] {strides = array<i32>} : memref<128x128xf32, #tpu.memory_space<vmem>>, vector<16xf32>,
        %parallel_loop3A_108 = arith.mulf %parallel_loop3A_107, %parallel_loop3A_90 : vector<16xf32>
        %parallel_loop3A_109 = arith.index_cast %parallel_loop3A_88 : i32 to index
        %parallel_loop3A_110 = arith.constant 32 : index
        %parallel_loop3A_111 = tpu.vector_load %arg10[%parallel_loop3A_109, %parallel_loop3A_110] {strides = array<i32>} : memref<128x128xf32, #tpu.memory_space<vmem>>, vector<16xf32>,
        tpu.vector_store %arg10[%parallel_loop3A_109, %parallel_loop3A_110], %parallel_loop3A_108 {strides = array<i32>} : memref<128x128xf32, #tpu.memory_space<vmem>>, vector<16xf32>,
        %parallel_loop3A_112 = arith.index_cast %parallel_loop3A_88 : i32 to index
        %parallel_loop3A_113 = arith.constant 48 : index
        %parallel_loop3A_114 = tpu.vector_load %arg10[%parallel_loop3A_112, %parallel_loop3A_113] {strides = array<i32>} : memref<128x128xf32, #tpu.memory_space<vmem>>, vector<16xf32>,
        %parallel_loop3A_115 = arith.mulf %parallel_loop3A_114, %parallel_loop3A_90 : vector<16xf32>
        %parallel_loop3A_116 = arith.index_cast %parallel_loop3A_88 : i32 to index
        %parallel_loop3A_117 = arith.constant 48 : index
        %parallel_loop3A_118 = tpu.vector_load %arg10[%parallel_loop3A_116, %parallel_loop3A_117] {strides = array<i32>} : memref<128x128xf32, #tpu.memory_space<vmem>>, vector<16xf32>,
        tpu.vector_store %arg10[%parallel_loop3A_116, %parallel_loop3A_117], %parallel_loop3A_115 {strides = array<i32>} : memref<128x128xf32, #tpu.memory_space<vmem>>, vector<16xf32>,
        %parallel_loop3A_119 = arith.index_cast %parallel_loop3A_88 : i32 to index
        %parallel_loop3A_120 = arith.constant 64 : index
        %parallel_loop3A_121 = tpu.vector_load %arg10[%parallel_loop3A_119, %parallel_loop3A_120] {strides = array<i32>} : memref<128x128xf32, #tpu.memory_space<vmem>>, vector<16xf32>,
        %parallel_loop3A_122 = arith.mulf %parallel_loop3A_121, %parallel_loop3A_90 : vector<16xf32>
        %parallel_loop3A_123 = arith.index_cast %parallel_loop3A_88 : i32 to index
        %parallel_loop3A_124 = arith.constant 64 : index
        %parallel_loop3A_125 = tpu.vector_load %arg10[%parallel_loop3A_123, %parallel_loop3A_124] {strides = array<i32>} : memref<128x128xf32, #tpu.memory_space<vmem>>, vector<16xf32>,
        tpu.vector_store %arg10[%parallel_loop3A_123, %parallel_loop3A_124], %parallel_loop3A_122 {strides = array<i32>} : memref<128x128xf32, #tpu.memory_space<vmem>>, vector<16xf32>,
        %parallel_loop3A_126 = arith.index_cast %parallel_loop3A_88 : i32 to index
        %parallel_loop3A_127 = arith.constant 80 : index
        %parallel_loop3A_128 = tpu.vector_load %arg10[%parallel_loop3A_126, %parallel_loop3A_127] {strides = array<i32>} : memref<128x128xf32, #tpu.memory_space<vmem>>, vector<16xf32>,
        %parallel_loop3A_129 = arith.mulf %parallel_loop3A_128, %parallel_loop3A_90 : vector<16xf32>
        %parallel_loop3A_130 = arith.index_cast %parallel_loop3A_88 : i32 to index
        %parallel_loop3A_131 = arith.constant 80 : index
        %parallel_loop3A_132 = tpu.vector_load %arg10[%parallel_loop3A_130, %parallel_loop3A_131] {strides = array<i32>} : memref<128x128xf32, #tpu.memory_space<vmem>>, vector<16xf32>,
        tpu.vector_store %arg10[%parallel_loop3A_130, %parallel_loop3A_131], %parallel_loop3A_129 {strides = array<i32>} : memref<128x128xf32, #tpu.memory_space<vmem>>, vector<16xf32>,
        %parallel_loop3A_133 = arith.index_cast %parallel_loop3A_88 : i32 to index
        %parallel_loop3A_134 = arith.constant 96 : index
        %parallel_loop3A_135 = tpu.vector_load %arg10[%parallel_loop3A_133, %parallel_loop3A_134] {strides = array<i32>} : memref<128x128xf32, #tpu.memory_space<vmem>>, vector<16xf32>,
        %parallel_loop3A_136 = arith.mulf %parallel_loop3A_135, %parallel_loop3A_90 : vector<16xf32>
        %parallel_loop3A_137 = arith.index_cast %parallel_loop3A_88 : i32 to index
        %parallel_loop3A_138 = arith.constant 96 : index
        %parallel_loop3A_139 = tpu.vector_load %arg10[%parallel_loop3A_137, %parallel_loop3A_138] {strides = array<i32>} : memref<128x128xf32, #tpu.memory_space<vmem>>, vector<16xf32>,
        tpu.vector_store %arg10[%parallel_loop3A_137, %parallel_loop3A_138], %parallel_loop3A_136 {strides = array<i32>} : memref<128x128xf32, #tpu.memory_space<vmem>>, vector<16xf32>,
        %parallel_loop3A_140 = arith.index_cast %parallel_loop3A_88 : i32 to index
        %parallel_loop3A_141 = arith.constant 112 : index
        %parallel_loop3A_142 = tpu.vector_load %arg10[%parallel_loop3A_140, %parallel_loop3A_141] {strides = array<i32>} : memref<128x128xf32, #tpu.memory_space<vmem>>, vector<16xf32>,
        %parallel_loop3A_143 = arith.mulf %parallel_loop3A_142, %parallel_loop3A_90 : vector<16xf32>
        %parallel_loop3A_144 = arith.index_cast %parallel_loop3A_88 : i32 to index
        %parallel_loop3A_145 = arith.constant 112 : index
        %parallel_loop3A_146 = tpu.vector_load %arg10[%parallel_loop3A_144, %parallel_loop3A_145] {strides = array<i32>} : memref<128x128xf32, #tpu.memory_space<vmem>>, vector<16xf32>,
        tpu.vector_store %arg10[%parallel_loop3A_144, %parallel_loop3A_145], %parallel_loop3A_143 {strides = array<i32>} : memref<128x128xf32, #tpu.memory_space<vmem>>, vector<16xf32>,
      } {sc.loop_unroll_factor = 2 : i64, sc.parallel_access}
      "tpu.region"() ({
        %run_scoped3A = tpu.sem_alloc : memref<!tpu.dma_semaphore, #tpu.memory_space<semaphore_mem>>
        %dma_start3A = arith.constant 0 : i32
        %dma_start3A_88 = arith.constant 0 : i32
        %dma_start3A_89 = tpu.memref_slice %arg11[%dma_start3A, %dma_start3A_88] : memref<10000x128xf32, #tpu.memory_space<vmem_shared>> -> memref<10000x128xf32, #tpu.memory_space<vmem_shared>>
        tpu.enqueue_indirect_dma source(%arg10 : memref<128x128xf32, #tpu.memory_space<vmem>>) target(%dma_start3A_89 : memref<10000x128xf32, #tpu.memory_space<vmem_shared>>) offsets(%arg8 : memref<128xi32, #tpu.memory_space<vmem>>) semaphore(%run_scoped3A : memref<!tpu.dma_semaphore, #tpu.memory_space<semaphore_mem>>) {add = true}
        %dma_wait3A = arith.constant 0 : i32
        %dma_wait3A_90 = arith.constant 0 : i32
        %dma_wait3A_91 = tpu.memref_slice %arg11[%dma_wait3A, %dma_wait3A_90] : memref<10000x128xf32, #tpu.memory_space<vmem_shared>> -> memref<10000x128xf32, #tpu.memory_space<vmem_shared>>
        tpu.wait_indirect_dma semaphore(%run_scoped3A : memref<!tpu.dma_semaphore, #tpu.memory_space<semaphore_mem>>) src(%arg10 : memref<128x128xf32, #tpu.memory_space<vmem>>) dst(%dma_wait3A_91 : memref<10000x128xf32, #tpu.memory_space<vmem_shared>>)
        tpu.yield
      }) : () -> ()
      %scan3A_87 = arith.constant 0 : i32
      scf.yield %scan3A_87 : i32
    }
    %scan3A_69 = arith.constant 81 : i32
    %barrier3A_70 = arith.constant 0 : index
    tpu.barrier barrier_id(%barrier3A_70)
    %mul3A_71 = arith.constant 624 : i32
    %mul3A_72 = arith.muli %arg1, %mul3A_71 : i32
    %mul3A_73 = arith.constant 624 : i32
    %mul3A_74 = arith.muli %arg1, %mul3A_73 : i32
    "tpu.region"() ({
      %run_scoped3A = tpu.sem_alloc : memref<!tpu.dma_semaphore, #tpu.memory_space<semaphore_mem>>
      %dma_start3A = arith.constant 0 : i32
      %dma_start3A_80 = tpu.memref_slice %arg6[%arg0, %mul3A_74, %dma_start3A] : memref<2x10000x128xf32, #tpu.memory_space<hbm>> -> memref<1x624x128xf32, #tpu.memory_space<hbm>>
      %dma_start3A_81 = tpu.memref_squeeze %dma_start3A_80 : memref<1x624x128xf32, #tpu.memory_space<hbm>> -> memref<624x128xf32, #tpu.memory_space<hbm>>
      %dma_start3A_82 = arith.constant 0 : i32
      %dma_start3A_83 = tpu.memref_slice %arg11[%mul3A_72, %dma_start3A_82] : memref<10000x128xf32, #tpu.memory_space<vmem_shared>> -> memref<624x128xf32, #tpu.memory_space<vmem_shared>>
      tpu.enqueue_dma source(%dma_start3A_83 : memref<624x128xf32, #tpu.memory_space<vmem_shared>>) target(%dma_start3A_81 : memref<624x128xf32, #tpu.memory_space<hbm>>) target_semaphore(%run_scoped3A : memref<!tpu.dma_semaphore, #tpu.memory_space<semaphore_mem>>)
      %dma_wait3A = arith.constant 0 : i32
      %dma_wait3A_84 = tpu.memref_slice %arg6[%arg0, %mul3A_74, %dma_wait3A] : memref<2x10000x128xf32, #tpu.memory_space<hbm>> -> memref<1x624x128xf32, #tpu.memory_space<hbm>>
      %dma_wait3A_85 = tpu.memref_squeeze %dma_wait3A_84 : memref<1x624x128xf32, #tpu.memory_space<hbm>> -> memref<624x128xf32, #tpu.memory_space<hbm>>
      %dma_wait3A_86 = arith.constant 0 : i32
      %dma_wait3A_87 = tpu.memref_slice %arg11[%mul3A_72, %dma_wait3A_86] : memref<10000x128xf32, #tpu.memory_space<vmem_shared>> -> memref<624x128xf32, #tpu.memory_space<vmem_shared>>
      tpu.wait_dma2 semaphore(%run_scoped3A : memref<!tpu.dma_semaphore, #tpu.memory_space<semaphore_mem>>) src(%dma_wait3A_87 : memref<624x128xf32, #tpu.memory_space<vmem_shared>>) dst(%dma_wait3A_85 : memref<624x128xf32, #tpu.memory_space<hbm>>)
      tpu.yield
    }) : () -> ()
    %eq3A_75 = arith.constant 15 : i32
    %eq3A_76 = arith.cmpi eq, %arg1, %eq3A_75 : i32
    %convert_element_type3A_77 = arith.extui %eq3A_76 : i1 to i32
    %cond3A_78 = arith.constant 0 : i32
    %cond3A_79 = arith.cmpi ne, %convert_element_type3A_77, %cond3A_78 : i32
    scf.if %cond3A_79 {
      "tpu.region"() ({
        %run_scoped3A = tpu.sem_alloc : memref<!tpu.dma_semaphore, #tpu.memory_space<semaphore_mem>>
        %dma_start3A = arith.constant 9984 : i32
        %dma_start3A_80 = arith.constant 0 : i32
        %dma_start3A_81 = tpu.memref_slice %arg6[%arg0, %dma_start3A, %dma_start3A_80] : memref<2x10000x128xf32, #tpu.memory_space<hbm>> -> memref<1x16x128xf32, #tpu.memory_space<hbm>>
        %dma_start3A_82 = tpu.memref_squeeze %dma_start3A_81 : memref<1x16x128xf32, #tpu.memory_space<hbm>> -> memref<16x128xf32, #tpu.memory_space<hbm>>
        %dma_start3A_83 = arith.constant 9984 : i32
        %dma_start3A_84 = arith.constant 0 : i32
        %dma_start3A_85 = tpu.memref_slice %arg11[%dma_start3A_83, %dma_start3A_84] : memref<10000x128xf32, #tpu.memory_space<vmem_shared>> -> memref<16x128xf32, #tpu.memory_space<vmem_shared>>
        tpu.enqueue_dma source(%dma_start3A_85 : memref<16x128xf32, #tpu.memory_space<vmem_shared>>) target(%dma_start3A_82 : memref<16x128xf32, #tpu.memory_space<hbm>>) target_semaphore(%run_scoped3A : memref<!tpu.dma_semaphore, #tpu.memory_space<semaphore_mem>>)
        %dma_wait3A = arith.constant 9984 : i32
        %dma_wait3A_86 = arith.constant 0 : i32
        %dma_wait3A_87 = tpu.memref_slice %arg6[%arg0, %dma_wait3A, %dma_wait3A_86] : memref<2x10000x128xf32, #tpu.memory_space<hbm>> -> memref<1x16x128xf32, #tpu.memory_space<hbm>>
        %dma_wait3A_88 = tpu.memref_squeeze %dma_wait3A_87 : memref<1x16x128xf32, #tpu.memory_space<hbm>> -> memref<16x128xf32, #tpu.memory_space<hbm>>
        %dma_wait3A_89 = arith.constant 9984 : i32
        %dma_wait3A_90 = arith.constant 0 : i32
        %dma_wait3A_91 = tpu.memref_slice %arg11[%dma_wait3A_89, %dma_wait3A_90] : memref<10000x128xf32, #tpu.memory_space<vmem_shared>> -> memref<16x128xf32, #tpu.memory_space<vmem_shared>>
        tpu.wait_dma2 semaphore(%run_scoped3A : memref<!tpu.dma_semaphore, #tpu.memory_space<semaphore_mem>>) src(%dma_wait3A_91 : memref<16x128xf32, #tpu.memory_space<vmem_shared>>) dst(%dma_wait3A_88 : memref<16x128xf32, #tpu.memory_space<hbm>>)
        tpu.yield
      }) : () -> ()
    } else {
    }
    return
  }
}

#map = affine_map<(d0, d1) -> (0, 0, 0)>
#map1 = affine_map<(d0, d1) -> (0)>
module attributes {stable_mosaic.version = 14 : i64} {
  func.func @_sc_logits_body(%arg0: i32, %arg1: i32, %arg2: memref<32x81x128xi32, #tpu.memory_space<hbm>>, %arg3: memref<32x81x128xi32, #tpu.memory_space<hbm>>, %arg4: memref<10000xf32, #tpu.memory_space<hbm>>, %arg5: memref<10000xf32, #tpu.memory_space<hbm>>, %arg6: memref<32x81x128xf32, #tpu.memory_space<hbm>>, %arg7: memref<320000xf32, #tpu.memory_space<hbm>>, %arg8: memref<512xf32, #tpu.memory_space<hbm>>, %arg9: memref<81x128xi32, #tpu.memory_space<vmem>>, %arg10: memref<81x128xi32, #tpu.memory_space<vmem>>, %arg11: memref<81x128xf32, #tpu.memory_space<vmem>>, %arg12: memref<10000xf32, #tpu.memory_space<vmem>>, %arg13: memref<10000xf32, #tpu.memory_space<vmem>>, %arg14: memref<10000xf32, #tpu.memory_space<vmem>>, %arg15: memref<16xf32, #tpu.memory_space<vmem>>, %arg16: memref<1x16xf32, #tpu.memory_space<vmem>>, %arg17: memref<16x1x16xf32, #tpu.memory_space<vmem>>, %arg18: memref<16x1x16xf32, #tpu.memory_space<vmem_shared>>) attributes {dimension_semantics = [#tpu.dimension_semantics<core_parallel>, #tpu.dimension_semantics<subcore_parallel>], iteration_bounds = array<i64: 2, 16>, scalar_prefetch = 0 : i64, scratch_operands = 10 : i64, tpu.core_type = #tpu.core_type<sc_vector_subcore>, window_params = [{transform_indices = #map}, {transform_indices = #map}, {transform_indices = #map1}, {transform_indices = #map1}, {transform_indices = #map}, {transform_indices = #map1}, {transform_indices = #map1}]} {
    %mul3A = arith.constant 2 : i32
    %mul3A_0 = arith.muli %arg1, %mul3A : i32
    %add3A = arith.addi %mul3A_0, %arg0 : i32
    %scan3A = arith.constant 0 : i32
    %scan3A_1 = arith.constant 0 : i32
    %scan3A_2 = arith.constant 625 : i32
    %scan3A_3 = arith.addi %scan3A_1, %scan3A_2 : i32
    %scan3A_4 = arith.constant 1 : i32
    %scan3A_5 = scf.for %scan3A_142 = %scan3A_1 to %scan3A_3 step %scan3A_4 iter_args(%scan3A_143 = %scan3A) -> (i32)  : i32 {
      %broadcast_in_dim3A_144 = arith.constant 0.000000e+00 : f32
      %broadcast_in_dim3A_145 = vector.broadcast %broadcast_in_dim3A_144 : f32 to vector<16xf32>
      %mul3A_146 = arith.constant 16 : i32
      %mul3A_147 = arith.muli %scan3A_142, %mul3A_146 : i32
      %swap3A_148 = arith.index_cast %mul3A_147 : i32 to index
      %swap3A_149 = tpu.vector_load %arg14[%swap3A_148] {strides = array<i32>} : memref<10000xf32, #tpu.memory_space<vmem>>, vector<16xf32>,
      tpu.vector_store %arg14[%swap3A_148], %broadcast_in_dim3A_145 {strides = array<i32>} : memref<10000xf32, #tpu.memory_space<vmem>>, vector<16xf32>,
      %scan3A_150 = arith.constant 0 : i32
      scf.yield %scan3A_150 : i32
    }
    %scan3A_6 = arith.constant 625 : i32
    "tpu.region"() ({
      %run_scoped3A = tpu.sem_alloc : memref<!tpu.dma_semaphore, #tpu.memory_space<semaphore_mem>>
      %dma_start3A = arith.constant 0 : i32
      %dma_start3A_142 = arith.constant 0 : i32
      %dma_start3A_143 = tpu.memref_slice %arg2[%add3A, %dma_start3A, %dma_start3A_142] : memref<32x81x128xi32, #tpu.memory_space<hbm>> -> memref<1x81x128xi32, #tpu.memory_space<hbm>>
      %dma_start3A_144 = tpu.memref_squeeze %dma_start3A_143 : memref<1x81x128xi32, #tpu.memory_space<hbm>> -> memref<81x128xi32, #tpu.memory_space<hbm>>
      %dma_start3A_145 = arith.constant 0 : i32
      %dma_start3A_146 = arith.constant 0 : i32
      %dma_start3A_147 = tpu.memref_slice %arg2[%add3A, %dma_start3A_145, %dma_start3A_146] : memref<32x81x128xi32, #tpu.memory_space<hbm>> -> memref<1x81x128xi32, #tpu.memory_space<hbm>>
      %dma_start3A_148 = tpu.memref_squeeze %dma_start3A_147 : memref<1x81x128xi32, #tpu.memory_space<hbm>> -> memref<81x128xi32, #tpu.memory_space<hbm>>
      tpu.enqueue_dma source(%dma_start3A_148 : memref<81x128xi32, #tpu.memory_space<hbm>>) target(%arg9 : memref<81x128xi32, #tpu.memory_space<vmem>>) target_semaphore(%run_scoped3A : memref<!tpu.dma_semaphore, #tpu.memory_space<semaphore_mem>>)
      %dma_wait3A = arith.constant 0 : i32
      %dma_wait3A_149 = arith.constant 0 : i32
      %dma_wait3A_150 = tpu.memref_slice %arg2[%add3A, %dma_wait3A, %dma_wait3A_149] : memref<32x81x128xi32, #tpu.memory_space<hbm>> -> memref<1x81x128xi32, #tpu.memory_space<hbm>>
      %dma_wait3A_151 = tpu.memref_squeeze %dma_wait3A_150 : memref<1x81x128xi32, #tpu.memory_space<hbm>> -> memref<81x128xi32, #tpu.memory_space<hbm>>
      %dma_wait3A_152 = arith.constant 0 : i32
      %dma_wait3A_153 = arith.constant 0 : i32
      %dma_wait3A_154 = tpu.memref_slice %arg2[%add3A, %dma_wait3A_152, %dma_wait3A_153] : memref<32x81x128xi32, #tpu.memory_space<hbm>> -> memref<1x81x128xi32, #tpu.memory_space<hbm>>
      %dma_wait3A_155 = tpu.memref_squeeze %dma_wait3A_154 : memref<1x81x128xi32, #tpu.memory_space<hbm>> -> memref<81x128xi32, #tpu.memory_space<hbm>>
      tpu.wait_dma2 semaphore(%run_scoped3A : memref<!tpu.dma_semaphore, #tpu.memory_space<semaphore_mem>>) src(%dma_wait3A_155 : memref<81x128xi32, #tpu.memory_space<hbm>>) dst(%arg9 : memref<81x128xi32, #tpu.memory_space<vmem>>)
      tpu.yield
    }) : () -> ()
    "tpu.region"() ({
      %run_scoped3A = tpu.sem_alloc : memref<!tpu.dma_semaphore, #tpu.memory_space<semaphore_mem>>
      %dma_start3A = arith.constant 0 : i32
      %dma_start3A_142 = arith.constant 0 : i32
      %dma_start3A_143 = tpu.memref_slice %arg3[%add3A, %dma_start3A, %dma_start3A_142] : memref<32x81x128xi32, #tpu.memory_space<hbm>> -> memref<1x81x128xi32, #tpu.memory_space<hbm>>
      %dma_start3A_144 = tpu.memref_squeeze %dma_start3A_143 : memref<1x81x128xi32, #tpu.memory_space<hbm>> -> memref<81x128xi32, #tpu.memory_space<hbm>>
      %dma_start3A_145 = arith.constant 0 : i32
      %dma_start3A_146 = arith.constant 0 : i32
      %dma_start3A_147 = tpu.memref_slice %arg3[%add3A, %dma_start3A_145, %dma_start3A_146] : memref<32x81x128xi32, #tpu.memory_space<hbm>> -> memref<1x81x128xi32, #tpu.memory_space<hbm>>
      %dma_start3A_148 = tpu.memref_squeeze %dma_start3A_147 : memref<1x81x128xi32, #tpu.memory_space<hbm>> -> memref<81x128xi32, #tpu.memory_space<hbm>>
      tpu.enqueue_dma source(%dma_start3A_148 : memref<81x128xi32, #tpu.memory_space<hbm>>) target(%arg10 : memref<81x128xi32, #tpu.memory_space<vmem>>) target_semaphore(%run_scoped3A : memref<!tpu.dma_semaphore, #tpu.memory_space<semaphore_mem>>)
      %dma_wait3A = arith.constant 0 : i32
      %dma_wait3A_149 = arith.constant 0 : i32
      %dma_wait3A_150 = tpu.memref_slice %arg3[%add3A, %dma_wait3A, %dma_wait3A_149] : memref<32x81x128xi32, #tpu.memory_space<hbm>> -> memref<1x81x128xi32, #tpu.memory_space<hbm>>
      %dma_wait3A_151 = tpu.memref_squeeze %dma_wait3A_150 : memref<1x81x128xi32, #tpu.memory_space<hbm>> -> memref<81x128xi32, #tpu.memory_space<hbm>>
      %dma_wait3A_152 = arith.constant 0 : i32
      %dma_wait3A_153 = arith.constant 0 : i32
      %dma_wait3A_154 = tpu.memref_slice %arg3[%add3A, %dma_wait3A_152, %dma_wait3A_153] : memref<32x81x128xi32, #tpu.memory_space<hbm>> -> memref<1x81x128xi32, #tpu.memory_space<hbm>>
      %dma_wait3A_155 = tpu.memref_squeeze %dma_wait3A_154 : memref<1x81x128xi32, #tpu.memory_space<hbm>> -> memref<81x128xi32, #tpu.memory_space<hbm>>
      tpu.wait_dma2 semaphore(%run_scoped3A : memref<!tpu.dma_semaphore, #tpu.memory_space<semaphore_mem>>) src(%dma_wait3A_155 : memref<81x128xi32, #tpu.memory_space<hbm>>) dst(%arg10 : memref<81x128xi32, #tpu.memory_space<vmem>>)
      tpu.yield
    }) : () -> ()
    "tpu.region"() ({
      %run_scoped3A = tpu.sem_alloc : memref<!tpu.dma_semaphore, #tpu.memory_space<semaphore_mem>>
      tpu.enqueue_dma source(%arg4 : memref<10000xf32, #tpu.memory_space<hbm>>) target(%arg12 : memref<10000xf32, #tpu.memory_space<vmem>>) target_semaphore(%run_scoped3A : memref<!tpu.dma_semaphore, #tpu.memory_space<semaphore_mem>>)
      tpu.wait_dma2 semaphore(%run_scoped3A : memref<!tpu.dma_semaphore, #tpu.memory_space<semaphore_mem>>) src(%arg4 : memref<10000xf32, #tpu.memory_space<hbm>>) dst(%arg12 : memref<10000xf32, #tpu.memory_space<vmem>>)
      tpu.yield
    }) : () -> ()
    "tpu.region"() ({
      %run_scoped3A = tpu.sem_alloc : memref<!tpu.dma_semaphore, #tpu.memory_space<semaphore_mem>>
      tpu.enqueue_dma source(%arg5 : memref<10000xf32, #tpu.memory_space<hbm>>) target(%arg13 : memref<10000xf32, #tpu.memory_space<vmem>>) target_semaphore(%run_scoped3A : memref<!tpu.dma_semaphore, #tpu.memory_space<semaphore_mem>>)
      tpu.wait_dma2 semaphore(%run_scoped3A : memref<!tpu.dma_semaphore, #tpu.memory_space<semaphore_mem>>) src(%arg5 : memref<10000xf32, #tpu.memory_space<hbm>>) dst(%arg13 : memref<10000xf32, #tpu.memory_space<vmem>>)
      tpu.yield
    }) : () -> ()
    %broadcast_in_dim3A = arith.constant -3.000000e+38 : f32
    %broadcast_in_dim3A_7 = vector.broadcast %broadcast_in_dim3A : f32 to vector<16xf32>
    %scan3A_8 = arith.constant 0 : i32
    %scan3A_9 = arith.constant 81 : i32
    %scan3A_10 = arith.addi %scan3A_8, %scan3A_9 : i32
    %scan3A_11 = arith.constant 1 : i32
    %scan3A_12 = scf.for %scan3A_142 = %scan3A_8 to %scan3A_10 step %scan3A_11 iter_args(%scan3A_143 = %broadcast_in_dim3A_7) -> (vector<16xf32>)  : i32 {
      %get3A_144 = arith.index_cast %scan3A_142 : i32 to index
      %get3A_145 = arith.constant 0 : index
      %get3A_146 = tpu.vector_load %arg9[%get3A_144, %get3A_145] {strides = array<i32>} : memref<81x128xi32, #tpu.memory_space<vmem>>, vector<16xi32>,
      %get3A_147 = arith.index_cast %scan3A_142 : i32 to index
      %get3A_148 = arith.constant 0 : index
      %get3A_149 = tpu.vector_load %arg10[%get3A_147, %get3A_148] {strides = array<i32>} : memref<81x128xi32, #tpu.memory_space<vmem>>, vector<16xi32>,
      %gather3A = tpu.vector_load_idx %arg12[%get3A_146] : memref<10000xf32, #tpu.memory_space<vmem>>[vector<16xi32>], vector<16xf32>,
      %gather3A_150 = tpu.vector_load_idx %arg13[%get3A_149] : memref<10000xf32, #tpu.memory_space<vmem>>[vector<16xi32>], vector<16xf32>,
      %add3A_151 = arith.addf %gather3A, %gather3A_150 : vector<16xf32>
      %ge3A = arith.constant 0.000000e+00 : f32
      %ge3A_152 = vector.broadcast %ge3A : f32 to vector<16xf32>
      %ge3A_153 = arith.cmpf oge, %add3A_151, %ge3A_152 : vector<16xf32>
      %mul3A_154 = arith.constant 2.000000e-01 : f32
      %mul3A_155 = vector.broadcast %mul3A_154 : f32 to vector<16xf32>
      %mul3A_156 = arith.mulf %mul3A_155, %add3A_151 : vector<16xf32>
      %select_n3A = arith.select %ge3A_153, %add3A_151, %mul3A_156 : vector<16xi1>, vector<16xf32>
      %swap3A_157 = arith.index_cast %scan3A_142 : i32 to index
      %swap3A_158 = arith.constant 0 : index
      %swap3A_159 = tpu.vector_load %arg11[%swap3A_157, %swap3A_158] {strides = array<i32>} : memref<81x128xf32, #tpu.memory_space<vmem>>, vector<16xf32>,
      tpu.vector_store %arg11[%swap3A_157, %swap3A_158], %select_n3A {strides = array<i32>} : memref<81x128xf32, #tpu.memory_space<vmem>>, vector<16xf32>,
      %max3A_160 = arith.maximumf %scan3A_143, %select_n3A : vector<16xf32>
      %get3A_161 = arith.index_cast %scan3A_142 : i32 to index
      %get3A_162 = arith.constant 16 : index
      %get3A_163 = tpu.vector_load %arg9[%get3A_161, %get3A_162] {strides = array<i32>} : memref<81x128xi32, #tpu.memory_space<vmem>>, vector<16xi32>,
      %get3A_164 = arith.index_cast %scan3A_142 : i32 to index
      %get3A_165 = arith.constant 16 : index
      %get3A_166 = tpu.vector_load %arg10[%get3A_164, %get3A_165] {strides = array<i32>} : memref<81x128xi32, #tpu.memory_space<vmem>>, vector<16xi32>,
      %gather3A_167 = tpu.vector_load_idx %arg12[%get3A_163] : memref<10000xf32, #tpu.memory_space<vmem>>[vector<16xi32>], vector<16xf32>,
      %gather3A_168 = tpu.vector_load_idx %arg13[%get3A_166] : memref<10000xf32, #tpu.memory_space<vmem>>[vector<16xi32>], vector<16xf32>,
      %add3A_169 = arith.addf %gather3A_167, %gather3A_168 : vector<16xf32>
      %ge3A_170 = arith.constant 0.000000e+00 : f32
      %ge3A_171 = vector.broadcast %ge3A_170 : f32 to vector<16xf32>
      %ge3A_172 = arith.cmpf oge, %add3A_169, %ge3A_171 : vector<16xf32>
      %mul3A_173 = arith.constant 2.000000e-01 : f32
      %mul3A_174 = vector.broadcast %mul3A_173 : f32 to vector<16xf32>
      %mul3A_175 = arith.mulf %mul3A_174, %add3A_169 : vector<16xf32>
      %select_n3A_176 = arith.select %ge3A_172, %add3A_169, %mul3A_175 : vector<16xi1>, vector<16xf32>
      %swap3A_177 = arith.index_cast %scan3A_142 : i32 to index
      %swap3A_178 = arith.constant 16 : index
      %swap3A_179 = tpu.vector_load %arg11[%swap3A_177, %swap3A_178] {strides = array<i32>} : memref<81x128xf32, #tpu.memory_space<vmem>>, vector<16xf32>,
      tpu.vector_store %arg11[%swap3A_177, %swap3A_178], %select_n3A_176 {strides = array<i32>} : memref<81x128xf32, #tpu.memory_space<vmem>>, vector<16xf32>,
      %max3A_180 = arith.maximumf %max3A_160, %select_n3A_176 : vector<16xf32>
      %get3A_181 = arith.index_cast %scan3A_142 : i32 to index
      %get3A_182 = arith.constant 32 : index
      %get3A_183 = tpu.vector_load %arg9[%get3A_181, %get3A_182] {strides = array<i32>} : memref<81x128xi32, #tpu.memory_space<vmem>>, vector<16xi32>,
      %get3A_184 = arith.index_cast %scan3A_142 : i32 to index
      %get3A_185 = arith.constant 32 : index
      %get3A_186 = tpu.vector_load %arg10[%get3A_184, %get3A_185] {strides = array<i32>} : memref<81x128xi32, #tpu.memory_space<vmem>>, vector<16xi32>,
      %gather3A_187 = tpu.vector_load_idx %arg12[%get3A_183] : memref<10000xf32, #tpu.memory_space<vmem>>[vector<16xi32>], vector<16xf32>,
      %gather3A_188 = tpu.vector_load_idx %arg13[%get3A_186] : memref<10000xf32, #tpu.memory_space<vmem>>[vector<16xi32>], vector<16xf32>,
      %add3A_189 = arith.addf %gather3A_187, %gather3A_188 : vector<16xf32>
      %ge3A_190 = arith.constant 0.000000e+00 : f32
      %ge3A_191 = vector.broadcast %ge3A_190 : f32 to vector<16xf32>
      %ge3A_192 = arith.cmpf oge, %add3A_189, %ge3A_191 : vector<16xf32>
      %mul3A_193 = arith.constant 2.000000e-01 : f32
      %mul3A_194 = vector.broadcast %mul3A_193 : f32 to vector<16xf32>
      %mul3A_195 = arith.mulf %mul3A_194, %add3A_189 : vector<16xf32>
      %select_n3A_196 = arith.select %ge3A_192, %add3A_189, %mul3A_195 : vector<16xi1>, vector<16xf32>
      %swap3A_197 = arith.index_cast %scan3A_142 : i32 to index
      %swap3A_198 = arith.constant 32 : index
      %swap3A_199 = tpu.vector_load %arg11[%swap3A_197, %swap3A_198] {strides = array<i32>} : memref<81x128xf32, #tpu.memory_space<vmem>>, vector<16xf32>,
      tpu.vector_store %arg11[%swap3A_197, %swap3A_198], %select_n3A_196 {strides = array<i32>} : memref<81x128xf32, #tpu.memory_space<vmem>>, vector<16xf32>,
      %max3A_200 = arith.maximumf %max3A_180, %select_n3A_196 : vector<16xf32>
      %get3A_201 = arith.index_cast %scan3A_142 : i32 to index
      %get3A_202 = arith.constant 48 : index
      %get3A_203 = tpu.vector_load %arg9[%get3A_201, %get3A_202] {strides = array<i32>} : memref<81x128xi32, #tpu.memory_space<vmem>>, vector<16xi32>,
      %get3A_204 = arith.index_cast %scan3A_142 : i32 to index
      %get3A_205 = arith.constant 48 : index
      %get3A_206 = tpu.vector_load %arg10[%get3A_204, %get3A_205] {strides = array<i32>} : memref<81x128xi32, #tpu.memory_space<vmem>>, vector<16xi32>,
      %gather3A_207 = tpu.vector_load_idx %arg12[%get3A_203] : memref<10000xf32, #tpu.memory_space<vmem>>[vector<16xi32>], vector<16xf32>,
      %gather3A_208 = tpu.vector_load_idx %arg13[%get3A_206] : memref<10000xf32, #tpu.memory_space<vmem>>[vector<16xi32>], vector<16xf32>,
      %add3A_209 = arith.addf %gather3A_207, %gather3A_208 : vector<16xf32>
      %ge3A_210 = arith.constant 0.000000e+00 : f32
      %ge3A_211 = vector.broadcast %ge3A_210 : f32 to vector<16xf32>
      %ge3A_212 = arith.cmpf oge, %add3A_209, %ge3A_211 : vector<16xf32>
      %mul3A_213 = arith.constant 2.000000e-01 : f32
      %mul3A_214 = vector.broadcast %mul3A_213 : f32 to vector<16xf32>
      %mul3A_215 = arith.mulf %mul3A_214, %add3A_209 : vector<16xf32>
      %select_n3A_216 = arith.select %ge3A_212, %add3A_209, %mul3A_215 : vector<16xi1>, vector<16xf32>
      %swap3A_217 = arith.index_cast %scan3A_142 : i32 to index
      %swap3A_218 = arith.constant 48 : index
      %swap3A_219 = tpu.vector_load %arg11[%swap3A_217, %swap3A_218] {strides = array<i32>} : memref<81x128xf32, #tpu.memory_space<vmem>>, vector<16xf32>,
      tpu.vector_store %arg11[%swap3A_217, %swap3A_218], %select_n3A_216 {strides = array<i32>} : memref<81x128xf32, #tpu.memory_space<vmem>>, vector<16xf32>,
      %max3A_220 = arith.maximumf %max3A_200, %select_n3A_216 : vector<16xf32>
      %get3A_221 = arith.index_cast %scan3A_142 : i32 to index
      %get3A_222 = arith.constant 64 : index
      %get3A_223 = tpu.vector_load %arg9[%get3A_221, %get3A_222] {strides = array<i32>} : memref<81x128xi32, #tpu.memory_space<vmem>>, vector<16xi32>,
      %get3A_224 = arith.index_cast %scan3A_142 : i32 to index
      %get3A_225 = arith.constant 64 : index
      %get3A_226 = tpu.vector_load %arg10[%get3A_224, %get3A_225] {strides = array<i32>} : memref<81x128xi32, #tpu.memory_space<vmem>>, vector<16xi32>,
      %gather3A_227 = tpu.vector_load_idx %arg12[%get3A_223] : memref<10000xf32, #tpu.memory_space<vmem>>[vector<16xi32>], vector<16xf32>,
      %gather3A_228 = tpu.vector_load_idx %arg13[%get3A_226] : memref<10000xf32, #tpu.memory_space<vmem>>[vector<16xi32>], vector<16xf32>,
      %add3A_229 = arith.addf %gather3A_227, %gather3A_228 : vector<16xf32>
      %ge3A_230 = arith.constant 0.000000e+00 : f32
      %ge3A_231 = vector.broadcast %ge3A_230 : f32 to vector<16xf32>
      %ge3A_232 = arith.cmpf oge, %add3A_229, %ge3A_231 : vector<16xf32>
      %mul3A_233 = arith.constant 2.000000e-01 : f32
      %mul3A_234 = vector.broadcast %mul3A_233 : f32 to vector<16xf32>
      %mul3A_235 = arith.mulf %mul3A_234, %add3A_229 : vector<16xf32>
      %select_n3A_236 = arith.select %ge3A_232, %add3A_229, %mul3A_235 : vector<16xi1>, vector<16xf32>
      %swap3A_237 = arith.index_cast %scan3A_142 : i32 to index
      %swap3A_238 = arith.constant 64 : index
      %swap3A_239 = tpu.vector_load %arg11[%swap3A_237, %swap3A_238] {strides = array<i32>} : memref<81x128xf32, #tpu.memory_space<vmem>>, vector<16xf32>,
      tpu.vector_store %arg11[%swap3A_237, %swap3A_238], %select_n3A_236 {strides = array<i32>} : memref<81x128xf32, #tpu.memory_space<vmem>>, vector<16xf32>,
      %max3A_240 = arith.maximumf %max3A_220, %select_n3A_236 : vector<16xf32>
      %get3A_241 = arith.index_cast %scan3A_142 : i32 to index
      %get3A_242 = arith.constant 80 : index
      %get3A_243 = tpu.vector_load %arg9[%get3A_241, %get3A_242] {strides = array<i32>} : memref<81x128xi32, #tpu.memory_space<vmem>>, vector<16xi32>,
      %get3A_244 = arith.index_cast %scan3A_142 : i32 to index
      %get3A_245 = arith.constant 80 : index
      %get3A_246 = tpu.vector_load %arg10[%get3A_244, %get3A_245] {strides = array<i32>} : memref<81x128xi32, #tpu.memory_space<vmem>>, vector<16xi32>,
      %gather3A_247 = tpu.vector_load_idx %arg12[%get3A_243] : memref<10000xf32, #tpu.memory_space<vmem>>[vector<16xi32>], vector<16xf32>,
      %gather3A_248 = tpu.vector_load_idx %arg13[%get3A_246] : memref<10000xf32, #tpu.memory_space<vmem>>[vector<16xi32>], vector<16xf32>,
      %add3A_249 = arith.addf %gather3A_247, %gather3A_248 : vector<16xf32>
      %ge3A_250 = arith.constant 0.000000e+00 : f32
      %ge3A_251 = vector.broadcast %ge3A_250 : f32 to vector<16xf32>
      %ge3A_252 = arith.cmpf oge, %add3A_249, %ge3A_251 : vector<16xf32>
      %mul3A_253 = arith.constant 2.000000e-01 : f32
      %mul3A_254 = vector.broadcast %mul3A_253 : f32 to vector<16xf32>
      %mul3A_255 = arith.mulf %mul3A_254, %add3A_249 : vector<16xf32>
      %select_n3A_256 = arith.select %ge3A_252, %add3A_249, %mul3A_255 : vector<16xi1>, vector<16xf32>
      %swap3A_257 = arith.index_cast %scan3A_142 : i32 to index
      %swap3A_258 = arith.constant 80 : index
      %swap3A_259 = tpu.vector_load %arg11[%swap3A_257, %swap3A_258] {strides = array<i32>} : memref<81x128xf32, #tpu.memory_space<vmem>>, vector<16xf32>,
      tpu.vector_store %arg11[%swap3A_257, %swap3A_258], %select_n3A_256 {strides = array<i32>} : memref<81x128xf32, #tpu.memory_space<vmem>>, vector<16xf32>,
      %max3A_260 = arith.maximumf %max3A_240, %select_n3A_256 : vector<16xf32>
      %get3A_261 = arith.index_cast %scan3A_142 : i32 to index
      %get3A_262 = arith.constant 96 : index
      %get3A_263 = tpu.vector_load %arg9[%get3A_261, %get3A_262] {strides = array<i32>} : memref<81x128xi32, #tpu.memory_space<vmem>>, vector<16xi32>,
      %get3A_264 = arith.index_cast %scan3A_142 : i32 to index
      %get3A_265 = arith.constant 96 : index
      %get3A_266 = tpu.vector_load %arg10[%get3A_264, %get3A_265] {strides = array<i32>} : memref<81x128xi32, #tpu.memory_space<vmem>>, vector<16xi32>,
      %gather3A_267 = tpu.vector_load_idx %arg12[%get3A_263] : memref<10000xf32, #tpu.memory_space<vmem>>[vector<16xi32>], vector<16xf32>,
      %gather3A_268 = tpu.vector_load_idx %arg13[%get3A_266] : memref<10000xf32, #tpu.memory_space<vmem>>[vector<16xi32>], vector<16xf32>,
      %add3A_269 = arith.addf %gather3A_267, %gather3A_268 : vector<16xf32>
      %ge3A_270 = arith.constant 0.000000e+00 : f32
      %ge3A_271 = vector.broadcast %ge3A_270 : f32 to vector<16xf32>
      %ge3A_272 = arith.cmpf oge, %add3A_269, %ge3A_271 : vector<16xf32>
      %mul3A_273 = arith.constant 2.000000e-01 : f32
      %mul3A_274 = vector.broadcast %mul3A_273 : f32 to vector<16xf32>
      %mul3A_275 = arith.mulf %mul3A_274, %add3A_269 : vector<16xf32>
      %select_n3A_276 = arith.select %ge3A_272, %add3A_269, %mul3A_275 : vector<16xi1>, vector<16xf32>
      %swap3A_277 = arith.index_cast %scan3A_142 : i32 to index
      %swap3A_278 = arith.constant 96 : index
      %swap3A_279 = tpu.vector_load %arg11[%swap3A_277, %swap3A_278] {strides = array<i32>} : memref<81x128xf32, #tpu.memory_space<vmem>>, vector<16xf32>,
      tpu.vector_store %arg11[%swap3A_277, %swap3A_278], %select_n3A_276 {strides = array<i32>} : memref<81x128xf32, #tpu.memory_space<vmem>>, vector<16xf32>,
      %max3A_280 = arith.maximumf %max3A_260, %select_n3A_276 : vector<16xf32>
      %get3A_281 = arith.index_cast %scan3A_142 : i32 to index
      %get3A_282 = arith.constant 112 : index
      %get3A_283 = tpu.vector_load %arg9[%get3A_281, %get3A_282] {strides = array<i32>} : memref<81x128xi32, #tpu.memory_space<vmem>>, vector<16xi32>,
      %get3A_284 = arith.index_cast %scan3A_142 : i32 to index
      %get3A_285 = arith.constant 112 : index
      %get3A_286 = tpu.vector_load %arg10[%get3A_284, %get3A_285] {strides = array<i32>} : memref<81x128xi32, #tpu.memory_space<vmem>>, vector<16xi32>,
      %gather3A_287 = tpu.vector_load_idx %arg12[%get3A_283] : memref<10000xf32, #tpu.memory_space<vmem>>[vector<16xi32>], vector<16xf32>,
      %gather3A_288 = tpu.vector_load_idx %arg13[%get3A_286] : memref<10000xf32, #tpu.memory_space<vmem>>[vector<16xi32>], vector<16xf32>,
      %add3A_289 = arith.addf %gather3A_287, %gather3A_288 : vector<16xf32>
      %ge3A_290 = arith.constant 0.000000e+00 : f32
      %ge3A_291 = vector.broadcast %ge3A_290 : f32 to vector<16xf32>
      %ge3A_292 = arith.cmpf oge, %add3A_289, %ge3A_291 : vector<16xf32>
      %mul3A_293 = arith.constant 2.000000e-01 : f32
      %mul3A_294 = vector.broadcast %mul3A_293 : f32 to vector<16xf32>
      %mul3A_295 = arith.mulf %mul3A_294, %add3A_289 : vector<16xf32>
      %select_n3A_296 = arith.select %ge3A_292, %add3A_289, %mul3A_295 : vector<16xi1>, vector<16xf32>
      %swap3A_297 = arith.index_cast %scan3A_142 : i32 to index
      %swap3A_298 = arith.constant 112 : index
      %swap3A_299 = tpu.vector_load %arg11[%swap3A_297, %swap3A_298] {strides = array<i32>} : memref<81x128xf32, #tpu.memory_space<vmem>>, vector<16xf32>,
      tpu.vector_store %arg11[%swap3A_297, %swap3A_298], %select_n3A_296 {strides = array<i32>} : memref<81x128xf32, #tpu.memory_space<vmem>>, vector<16xf32>,
      %max3A_300 = arith.maximumf %max3A_280, %select_n3A_296 : vector<16xf32>
      scf.yield %max3A_300 : vector<16xf32>
    }
    %scan3A_13 = arith.constant 81 : i32
    %swap3A = arith.constant 0 : index
    %swap3A_14 = tpu.vector_load %arg15[%swap3A] {strides = array<i32>} : memref<16xf32, #tpu.memory_space<vmem>>, vector<16xf32>,
    tpu.vector_store %arg15[%swap3A], %scan3A_12 {strides = array<i32>} : memref<16xf32, #tpu.memory_space<vmem>>, vector<16xf32>,
    %swap3A_15 = arith.constant 0 : i32
    %swap3A_16 = arith.index_cast %swap3A_15 : i32 to index
    %swap3A_17 = arith.constant 0 : index
    %swap3A_18 = tpu.vector_load %arg16[%swap3A_16, %swap3A_17] {strides = array<i32>} : memref<1x16xf32, #tpu.memory_space<vmem>>, vector<16xf32>,
    tpu.vector_store %arg16[%swap3A_16, %swap3A_17], %scan3A_12 {strides = array<i32>} : memref<1x16xf32, #tpu.memory_space<vmem>>, vector<16xf32>,
    %mul3A_19 = arith.constant 16 : i32
    %mul3A_20 = arith.muli %add3A, %mul3A_19 : i32
    "tpu.region"() ({
      %run_scoped3A = tpu.sem_alloc : memref<!tpu.dma_semaphore, #tpu.memory_space<semaphore_mem>>
      %dma_start3A = tpu.memref_slice %arg8[%mul3A_20] : memref<512xf32, #tpu.memory_space<hbm>> -> memref<16xf32, #tpu.memory_space<hbm>>
      %dma_start3A_142 = tpu.memref_slice %arg8[%mul3A_20] : memref<512xf32, #tpu.memory_space<hbm>> -> memref<16xf32, #tpu.memory_space<hbm>>
      tpu.enqueue_dma source(%arg15 : memref<16xf32, #tpu.memory_space<vmem>>) target(%dma_start3A_142 : memref<16xf32, #tpu.memory_space<hbm>>) target_semaphore(%run_scoped3A : memref<!tpu.dma_semaphore, #tpu.memory_space<semaphore_mem>>)
      %dma_wait3A = tpu.memref_slice %arg8[%mul3A_20] : memref<512xf32, #tpu.memory_space<hbm>> -> memref<16xf32, #tpu.memory_space<hbm>>
      %dma_wait3A_143 = tpu.memref_slice %arg8[%mul3A_20] : memref<512xf32, #tpu.memory_space<hbm>> -> memref<16xf32, #tpu.memory_space<hbm>>
      tpu.wait_dma2 semaphore(%run_scoped3A : memref<!tpu.dma_semaphore, #tpu.memory_space<semaphore_mem>>) src(%arg15 : memref<16xf32, #tpu.memory_space<vmem>>) dst(%dma_wait3A_143 : memref<16xf32, #tpu.memory_space<hbm>>)
      tpu.yield
    }) : () -> ()
    "tpu.region"() ({
      %run_scoped3A = tpu.sem_alloc : memref<!tpu.dma_semaphore, #tpu.memory_space<semaphore_mem>>
      %dma_start3A = arith.constant 0 : i32
      %dma_start3A_142 = arith.constant 0 : i32
      %dma_start3A_143 = tpu.memref_slice %arg18[%arg1, %dma_start3A, %dma_start3A_142] : memref<16x1x16xf32, #tpu.memory_space<vmem_shared>> -> memref<1x1x16xf32, #tpu.memory_space<vmem_shared>>
      %dma_start3A_144 = tpu.memref_squeeze %dma_start3A_143 : memref<1x1x16xf32, #tpu.memory_space<vmem_shared>> -> memref<1x16xf32, #tpu.memory_space<vmem_shared>>
      %dma_start3A_145 = arith.constant 0 : i32
      %dma_start3A_146 = arith.constant 0 : i32
      %dma_start3A_147 = tpu.memref_slice %arg18[%arg1, %dma_start3A_145, %dma_start3A_146] : memref<16x1x16xf32, #tpu.memory_space<vmem_shared>> -> memref<1x1x16xf32, #tpu.memory_space<vmem_shared>>
      %dma_start3A_148 = tpu.memref_squeeze %dma_start3A_147 : memref<1x1x16xf32, #tpu.memory_space<vmem_shared>> -> memref<1x16xf32, #tpu.memory_space<vmem_shared>>
      tpu.enqueue_dma source(%arg16 : memref<1x16xf32, #tpu.memory_space<vmem>>) target(%dma_start3A_148 : memref<1x16xf32, #tpu.memory_space<vmem_shared>>) target_semaphore(%run_scoped3A : memref<!tpu.dma_semaphore, #tpu.memory_space<semaphore_mem>>)
      %dma_wait3A = arith.constant 0 : i32
      %dma_wait3A_149 = arith.constant 0 : i32
      %dma_wait3A_150 = tpu.memref_slice %arg18[%arg1, %dma_wait3A, %dma_wait3A_149] : memref<16x1x16xf32, #tpu.memory_space<vmem_shared>> -> memref<1x1x16xf32, #tpu.memory_space<vmem_shared>>
      %dma_wait3A_151 = tpu.memref_squeeze %dma_wait3A_150 : memref<1x1x16xf32, #tpu.memory_space<vmem_shared>> -> memref<1x16xf32, #tpu.memory_space<vmem_shared>>
      %dma_wait3A_152 = arith.constant 0 : i32
      %dma_wait3A_153 = arith.constant 0 : i32
      %dma_wait3A_154 = tpu.memref_slice %arg18[%arg1, %dma_wait3A_152, %dma_wait3A_153] : memref<16x1x16xf32, #tpu.memory_space<vmem_shared>> -> memref<1x1x16xf32, #tpu.memory_space<vmem_shared>>
      %dma_wait3A_155 = tpu.memref_squeeze %dma_wait3A_154 : memref<1x1x16xf32, #tpu.memory_space<vmem_shared>> -> memref<1x16xf32, #tpu.memory_space<vmem_shared>>
      tpu.wait_dma2 semaphore(%run_scoped3A : memref<!tpu.dma_semaphore, #tpu.memory_space<semaphore_mem>>) src(%arg16 : memref<1x16xf32, #tpu.memory_space<vmem>>) dst(%dma_wait3A_155 : memref<1x16xf32, #tpu.memory_space<vmem_shared>>)
      tpu.yield
    }) : () -> ()
    %barrier3A = arith.constant 0 : index
    tpu.barrier barrier_id(%barrier3A)
    "tpu.region"() ({
      %run_scoped3A = tpu.sem_alloc : memref<!tpu.dma_semaphore, #tpu.memory_space<semaphore_mem>>
      tpu.enqueue_dma source(%arg18 : memref<16x1x16xf32, #tpu.memory_space<vmem_shared>>) target(%arg17 : memref<16x1x16xf32, #tpu.memory_space<vmem>>) target_semaphore(%run_scoped3A : memref<!tpu.dma_semaphore, #tpu.memory_space<semaphore_mem>>)
      tpu.wait_dma2 semaphore(%run_scoped3A : memref<!tpu.dma_semaphore, #tpu.memory_space<semaphore_mem>>) src(%arg18 : memref<16x1x16xf32, #tpu.memory_space<vmem_shared>>) dst(%arg17 : memref<16x1x16xf32, #tpu.memory_space<vmem>>)
      tpu.yield
    }) : () -> ()
    %get3A = arith.constant 0 : i32
    %get3A_21 = arith.constant 0 : i32
    %get3A_22 = arith.index_cast %get3A : i32 to index
    %get3A_23 = arith.index_cast %get3A_21 : i32 to index
    %get3A_24 = arith.constant 0 : index
    %get3A_25 = tpu.vector_load %arg17[%get3A_22, %get3A_23, %get3A_24] {strides = array<i32>} : memref<16x1x16xf32, #tpu.memory_space<vmem>>, vector<16xf32>,
    %get3A_26 = arith.constant 1 : i32
    %get3A_27 = arith.constant 0 : i32
    %get3A_28 = arith.index_cast %get3A_26 : i32 to index
    %get3A_29 = arith.index_cast %get3A_27 : i32 to index
    %get3A_30 = arith.constant 0 : index
    %get3A_31 = tpu.vector_load %arg17[%get3A_28, %get3A_29, %get3A_30] {strides = array<i32>} : memref<16x1x16xf32, #tpu.memory_space<vmem>>, vector<16xf32>,
    %max3A = arith.maximumf %get3A_25, %get3A_31 : vector<16xf32>
    %get3A_32 = arith.constant 2 : i32
    %get3A_33 = arith.constant 0 : i32
    %get3A_34 = arith.index_cast %get3A_32 : i32 to index
    %get3A_35 = arith.index_cast %get3A_33 : i32 to index
    %get3A_36 = arith.constant 0 : index
    %get3A_37 = tpu.vector_load %arg17[%get3A_34, %get3A_35, %get3A_36] {strides = array<i32>} : memref<16x1x16xf32, #tpu.memory_space<vmem>>, vector<16xf32>,
    %max3A_38 = arith.maximumf %max3A, %get3A_37 : vector<16xf32>
    %get3A_39 = arith.constant 3 : i32
    %get3A_40 = arith.constant 0 : i32
    %get3A_41 = arith.index_cast %get3A_39 : i32 to index
    %get3A_42 = arith.index_cast %get3A_40 : i32 to index
    %get3A_43 = arith.constant 0 : index
    %get3A_44 = tpu.vector_load %arg17[%get3A_41, %get3A_42, %get3A_43] {strides = array<i32>} : memref<16x1x16xf32, #tpu.memory_space<vmem>>, vector<16xf32>,
    %max3A_45 = arith.maximumf %max3A_38, %get3A_44 : vector<16xf32>
    %get3A_46 = arith.constant 4 : i32
    %get3A_47 = arith.constant 0 : i32
    %get3A_48 = arith.index_cast %get3A_46 : i32 to index
    %get3A_49 = arith.index_cast %get3A_47 : i32 to index
    %get3A_50 = arith.constant 0 : index
    %get3A_51 = tpu.vector_load %arg17[%get3A_48, %get3A_49, %get3A_50] {strides = array<i32>} : memref<16x1x16xf32, #tpu.memory_space<vmem>>, vector<16xf32>,
    %max3A_52 = arith.maximumf %max3A_45, %get3A_51 : vector<16xf32>
    %get3A_53 = arith.constant 5 : i32
    %get3A_54 = arith.constant 0 : i32
    %get3A_55 = arith.index_cast %get3A_53 : i32 to index
    %get3A_56 = arith.index_cast %get3A_54 : i32 to index
    %get3A_57 = arith.constant 0 : index
    %get3A_58 = tpu.vector_load %arg17[%get3A_55, %get3A_56, %get3A_57] {strides = array<i32>} : memref<16x1x16xf32, #tpu.memory_space<vmem>>, vector<16xf32>,
    %max3A_59 = arith.maximumf %max3A_52, %get3A_58 : vector<16xf32>
    %get3A_60 = arith.constant 6 : i32
    %get3A_61 = arith.constant 0 : i32
    %get3A_62 = arith.index_cast %get3A_60 : i32 to index
    %get3A_63 = arith.index_cast %get3A_61 : i32 to index
    %get3A_64 = arith.constant 0 : index
    %get3A_65 = tpu.vector_load %arg17[%get3A_62, %get3A_63, %get3A_64] {strides = array<i32>} : memref<16x1x16xf32, #tpu.memory_space<vmem>>, vector<16xf32>,
    %max3A_66 = arith.maximumf %max3A_59, %get3A_65 : vector<16xf32>
    %get3A_67 = arith.constant 7 : i32
    %get3A_68 = arith.constant 0 : i32
    %get3A_69 = arith.index_cast %get3A_67 : i32 to index
    %get3A_70 = arith.index_cast %get3A_68 : i32 to index
    %get3A_71 = arith.constant 0 : index
    %get3A_72 = tpu.vector_load %arg17[%get3A_69, %get3A_70, %get3A_71] {strides = array<i32>} : memref<16x1x16xf32, #tpu.memory_space<vmem>>, vector<16xf32>,
    %max3A_73 = arith.maximumf %max3A_66, %get3A_72 : vector<16xf32>
    %get3A_74 = arith.constant 8 : i32
    %get3A_75 = arith.constant 0 : i32
    %get3A_76 = arith.index_cast %get3A_74 : i32 to index
    %get3A_77 = arith.index_cast %get3A_75 : i32 to index
    %get3A_78 = arith.constant 0 : index
    %get3A_79 = tpu.vector_load %arg17[%get3A_76, %get3A_77, %get3A_78] {strides = array<i32>} : memref<16x1x16xf32, #tpu.memory_space<vmem>>, vector<16xf32>,
    %max3A_80 = arith.maximumf %max3A_73, %get3A_79 : vector<16xf32>
    %get3A_81 = arith.constant 9 : i32
    %get3A_82 = arith.constant 0 : i32
    %get3A_83 = arith.index_cast %get3A_81 : i32 to index
    %get3A_84 = arith.index_cast %get3A_82 : i32 to index
    %get3A_85 = arith.constant 0 : index
    %get3A_86 = tpu.vector_load %arg17[%get3A_83, %get3A_84, %get3A_85] {strides = array<i32>} : memref<16x1x16xf32, #tpu.memory_space<vmem>>, vector<16xf32>,
    %max3A_87 = arith.maximumf %max3A_80, %get3A_86 : vector<16xf32>
    %get3A_88 = arith.constant 10 : i32
    %get3A_89 = arith.constant 0 : i32
    %get3A_90 = arith.index_cast %get3A_88 : i32 to index
    %get3A_91 = arith.index_cast %get3A_89 : i32 to index
    %get3A_92 = arith.constant 0 : index
    %get3A_93 = tpu.vector_load %arg17[%get3A_90, %get3A_91, %get3A_92] {strides = array<i32>} : memref<16x1x16xf32, #tpu.memory_space<vmem>>, vector<16xf32>,
    %max3A_94 = arith.maximumf %max3A_87, %get3A_93 : vector<16xf32>
    %get3A_95 = arith.constant 11 : i32
    %get3A_96 = arith.constant 0 : i32
    %get3A_97 = arith.index_cast %get3A_95 : i32 to index
    %get3A_98 = arith.index_cast %get3A_96 : i32 to index
    %get3A_99 = arith.constant 0 : index
    %get3A_100 = tpu.vector_load %arg17[%get3A_97, %get3A_98, %get3A_99] {strides = array<i32>} : memref<16x1x16xf32, #tpu.memory_space<vmem>>, vector<16xf32>,
    %max3A_101 = arith.maximumf %max3A_94, %get3A_100 : vector<16xf32>
    %get3A_102 = arith.constant 12 : i32
    %get3A_103 = arith.constant 0 : i32
    %get3A_104 = arith.index_cast %get3A_102 : i32 to index
    %get3A_105 = arith.index_cast %get3A_103 : i32 to index
    %get3A_106 = arith.constant 0 : index
    %get3A_107 = tpu.vector_load %arg17[%get3A_104, %get3A_105, %get3A_106] {strides = array<i32>} : memref<16x1x16xf32, #tpu.memory_space<vmem>>, vector<16xf32>,
    %max3A_108 = arith.maximumf %max3A_101, %get3A_107 : vector<16xf32>
    %get3A_109 = arith.constant 13 : i32
    %get3A_110 = arith.constant 0 : i32
    %get3A_111 = arith.index_cast %get3A_109 : i32 to index
    %get3A_112 = arith.index_cast %get3A_110 : i32 to index
    %get3A_113 = arith.constant 0 : index
    %get3A_114 = tpu.vector_load %arg17[%get3A_111, %get3A_112, %get3A_113] {strides = array<i32>} : memref<16x1x16xf32, #tpu.memory_space<vmem>>, vector<16xf32>,
    %max3A_115 = arith.maximumf %max3A_108, %get3A_114 : vector<16xf32>
    %get3A_116 = arith.constant 14 : i32
    %get3A_117 = arith.constant 0 : i32
    %get3A_118 = arith.index_cast %get3A_116 : i32 to index
    %get3A_119 = arith.index_cast %get3A_117 : i32 to index
    %get3A_120 = arith.constant 0 : index
    %get3A_121 = tpu.vector_load %arg17[%get3A_118, %get3A_119, %get3A_120] {strides = array<i32>} : memref<16x1x16xf32, #tpu.memory_space<vmem>>, vector<16xf32>,
    %max3A_122 = arith.maximumf %max3A_115, %get3A_121 : vector<16xf32>
    %get3A_123 = arith.constant 15 : i32
    %get3A_124 = arith.constant 0 : i32
    %get3A_125 = arith.index_cast %get3A_123 : i32 to index
    %get3A_126 = arith.index_cast %get3A_124 : i32 to index
    %get3A_127 = arith.constant 0 : index
    %get3A_128 = tpu.vector_load %arg17[%get3A_125, %get3A_126, %get3A_127] {strides = array<i32>} : memref<16x1x16xf32, #tpu.memory_space<vmem>>, vector<16xf32>,
    %max3A_129 = arith.maximumf %max3A_122, %get3A_128 : vector<16xf32>
    %reduce_max3A = arith.constant true
    %reduce_max3A_130 = vector.broadcast %reduce_max3A : i1 to vector<16xi1>
    %reduce_max3A_131 = tpu.scan <max>, %max3A_129 masked %reduce_max3A_130 : vector<16xf32>, vector<16xi1> -> vector<16xf32>
    %reduce_max3A_132 = vector.extract %reduce_max3A_131[15] : f32 from vector<16xf32>
    %scan3A_133 = arith.constant 0 : i32
    %scan3A_134 = arith.constant 0 : i32
    %scan3A_135 = arith.constant 81 : i32
    %scan3A_136 = arith.addi %scan3A_134, %scan3A_135 : i32
    %scan3A_137 = arith.constant 1 : i32
    %scan3A_138 = scf.for %scan3A_142 = %scan3A_134 to %scan3A_136 step %scan3A_137 iter_args(%scan3A_143 = %scan3A_133) -> (i32)  : i32 {
      %mul3A_144 = arith.constant 128 : i32
      %mul3A_145 = arith.muli %scan3A_142, %mul3A_144 : i32
      %add3A_146 = arith.constant 0 : i32
      %add3A_147 = arith.addi %mul3A_145, %add3A_146 : i32
      %broadcast_in_dim3A_148 = vector.broadcast %add3A_147 : i32 to vector<16xi32>
      %lt3A = arith.constant 10000 : i32
      %lt3A_149 = vector.broadcast %lt3A : i32 to vector<16xi32>
      %lt3A_150 = arith.cmpi slt, %broadcast_in_dim3A_148, %lt3A_149 : vector<16xi32>
      %get3A_151 = arith.index_cast %scan3A_142 : i32 to index
      %get3A_152 = arith.constant 0 : index
      %get3A_153 = tpu.vector_load %arg11[%get3A_151, %get3A_152] {strides = array<i32>} : memref<81x128xf32, #tpu.memory_space<vmem>>, vector<16xf32>,
      %sub3A = vector.broadcast %reduce_max3A_132 : f32 to vector<16xf32>
      %sub3A_154 = arith.subf %get3A_153, %sub3A : vector<16xf32>
      %exp3A = math.exp %sub3A_154 : vector<16xf32>
      %jit3A = arith.constant 0.000000e+00 : f32
      %broadcast_in_dim3A_155 = vector.broadcast %jit3A : f32 to vector<16xf32>
      %select_n3A = arith.select %lt3A_150, %exp3A, %broadcast_in_dim3A_155 : vector<16xi1>, vector<16xf32>
      %swap3A_156 = arith.index_cast %scan3A_142 : i32 to index
      %swap3A_157 = arith.constant 0 : index
      %swap3A_158 = tpu.vector_load %arg11[%swap3A_156, %swap3A_157] {strides = array<i32>} : memref<81x128xf32, #tpu.memory_space<vmem>>, vector<16xf32>,
      tpu.vector_store %arg11[%swap3A_156, %swap3A_157], %select_n3A {strides = array<i32>} : memref<81x128xf32, #tpu.memory_space<vmem>>, vector<16xf32>,
      %get3A_159 = arith.index_cast %scan3A_142 : i32 to index
      %get3A_160 = arith.constant 0 : index
      %get3A_161 = tpu.vector_load %arg10[%get3A_159, %get3A_160] {strides = array<i32>} : memref<81x128xi32, #tpu.memory_space<vmem>>, vector<16xi32>,
      tpu.vector_store_idx %arg14[%get3A_161], %select_n3A {add = true} : memref<10000xf32, #tpu.memory_space<vmem>>[vector<16xi32>], vector<16xf32>,
      %mul3A_162 = arith.constant 128 : i32
      %mul3A_163 = arith.muli %scan3A_142, %mul3A_162 : i32
      %add3A_164 = arith.constant 16 : i32
      %add3A_165 = arith.addi %mul3A_163, %add3A_164 : i32
      %broadcast_in_dim3A_166 = vector.broadcast %add3A_165 : i32 to vector<16xi32>
      %lt3A_167 = arith.constant 10000 : i32
      %lt3A_168 = vector.broadcast %lt3A_167 : i32 to vector<16xi32>
      %lt3A_169 = arith.cmpi slt, %broadcast_in_dim3A_166, %lt3A_168 : vector<16xi32>
      %get3A_170 = arith.index_cast %scan3A_142 : i32 to index
      %get3A_171 = arith.constant 16 : index
      %get3A_172 = tpu.vector_load %arg11[%get3A_170, %get3A_171] {strides = array<i32>} : memref<81x128xf32, #tpu.memory_space<vmem>>, vector<16xf32>,
      %sub3A_173 = vector.broadcast %reduce_max3A_132 : f32 to vector<16xf32>
      %sub3A_174 = arith.subf %get3A_172, %sub3A_173 : vector<16xf32>
      %exp3A_175 = math.exp %sub3A_174 : vector<16xf32>
      %jit3A_176 = arith.constant 0.000000e+00 : f32
      %broadcast_in_dim3A_177 = vector.broadcast %jit3A_176 : f32 to vector<16xf32>
      %select_n3A_178 = arith.select %lt3A_169, %exp3A_175, %broadcast_in_dim3A_177 : vector<16xi1>, vector<16xf32>
      %swap3A_179 = arith.index_cast %scan3A_142 : i32 to index
      %swap3A_180 = arith.constant 16 : index
      %swap3A_181 = tpu.vector_load %arg11[%swap3A_179, %swap3A_180] {strides = array<i32>} : memref<81x128xf32, #tpu.memory_space<vmem>>, vector<16xf32>,
      tpu.vector_store %arg11[%swap3A_179, %swap3A_180], %select_n3A_178 {strides = array<i32>} : memref<81x128xf32, #tpu.memory_space<vmem>>, vector<16xf32>,
      %get3A_182 = arith.index_cast %scan3A_142 : i32 to index
      %get3A_183 = arith.constant 16 : index
      %get3A_184 = tpu.vector_load %arg10[%get3A_182, %get3A_183] {strides = array<i32>} : memref<81x128xi32, #tpu.memory_space<vmem>>, vector<16xi32>,
      tpu.vector_store_idx %arg14[%get3A_184], %select_n3A_178 {add = true} : memref<10000xf32, #tpu.memory_space<vmem>>[vector<16xi32>], vector<16xf32>,
      %mul3A_185 = arith.constant 128 : i32
      %mul3A_186 = arith.muli %scan3A_142, %mul3A_185 : i32
      %add3A_187 = arith.constant 32 : i32
      %add3A_188 = arith.addi %mul3A_186, %add3A_187 : i32
      %broadcast_in_dim3A_189 = vector.broadcast %add3A_188 : i32 to vector<16xi32>
      %lt3A_190 = arith.constant 10000 : i32
      %lt3A_191 = vector.broadcast %lt3A_190 : i32 to vector<16xi32>
      %lt3A_192 = arith.cmpi slt, %broadcast_in_dim3A_189, %lt3A_191 : vector<16xi32>
      %get3A_193 = arith.index_cast %scan3A_142 : i32 to index
      %get3A_194 = arith.constant 32 : index
      %get3A_195 = tpu.vector_load %arg11[%get3A_193, %get3A_194] {strides = array<i32>} : memref<81x128xf32, #tpu.memory_space<vmem>>, vector<16xf32>,
      %sub3A_196 = vector.broadcast %reduce_max3A_132 : f32 to vector<16xf32>
      %sub3A_197 = arith.subf %get3A_195, %sub3A_196 : vector<16xf32>
      %exp3A_198 = math.exp %sub3A_197 : vector<16xf32>
      %jit3A_199 = arith.constant 0.000000e+00 : f32
      %broadcast_in_dim3A_200 = vector.broadcast %jit3A_199 : f32 to vector<16xf32>
      %select_n3A_201 = arith.select %lt3A_192, %exp3A_198, %broadcast_in_dim3A_200 : vector<16xi1>, vector<16xf32>
      %swap3A_202 = arith.index_cast %scan3A_142 : i32 to index
      %swap3A_203 = arith.constant 32 : index
      %swap3A_204 = tpu.vector_load %arg11[%swap3A_202, %swap3A_203] {strides = array<i32>} : memref<81x128xf32, #tpu.memory_space<vmem>>, vector<16xf32>,
      tpu.vector_store %arg11[%swap3A_202, %swap3A_203], %select_n3A_201 {strides = array<i32>} : memref<81x128xf32, #tpu.memory_space<vmem>>, vector<16xf32>,
      %get3A_205 = arith.index_cast %scan3A_142 : i32 to index
      %get3A_206 = arith.constant 32 : index
      %get3A_207 = tpu.vector_load %arg10[%get3A_205, %get3A_206] {strides = array<i32>} : memref<81x128xi32, #tpu.memory_space<vmem>>, vector<16xi32>,
      tpu.vector_store_idx %arg14[%get3A_207], %select_n3A_201 {add = true} : memref<10000xf32, #tpu.memory_space<vmem>>[vector<16xi32>], vector<16xf32>,
      %mul3A_208 = arith.constant 128 : i32
      %mul3A_209 = arith.muli %scan3A_142, %mul3A_208 : i32
      %add3A_210 = arith.constant 48 : i32
      %add3A_211 = arith.addi %mul3A_209, %add3A_210 : i32
      %broadcast_in_dim3A_212 = vector.broadcast %add3A_211 : i32 to vector<16xi32>
      %lt3A_213 = arith.constant 10000 : i32
      %lt3A_214 = vector.broadcast %lt3A_213 : i32 to vector<16xi32>
      %lt3A_215 = arith.cmpi slt, %broadcast_in_dim3A_212, %lt3A_214 : vector<16xi32>
      %get3A_216 = arith.index_cast %scan3A_142 : i32 to index
      %get3A_217 = arith.constant 48 : index
      %get3A_218 = tpu.vector_load %arg11[%get3A_216, %get3A_217] {strides = array<i32>} : memref<81x128xf32, #tpu.memory_space<vmem>>, vector<16xf32>,
      %sub3A_219 = vector.broadcast %reduce_max3A_132 : f32 to vector<16xf32>
      %sub3A_220 = arith.subf %get3A_218, %sub3A_219 : vector<16xf32>
      %exp3A_221 = math.exp %sub3A_220 : vector<16xf32>
      %jit3A_222 = arith.constant 0.000000e+00 : f32
      %broadcast_in_dim3A_223 = vector.broadcast %jit3A_222 : f32 to vector<16xf32>
      %select_n3A_224 = arith.select %lt3A_215, %exp3A_221, %broadcast_in_dim3A_223 : vector<16xi1>, vector<16xf32>
      %swap3A_225 = arith.index_cast %scan3A_142 : i32 to index
      %swap3A_226 = arith.constant 48 : index
      %swap3A_227 = tpu.vector_load %arg11[%swap3A_225, %swap3A_226] {strides = array<i32>} : memref<81x128xf32, #tpu.memory_space<vmem>>, vector<16xf32>,
      tpu.vector_store %arg11[%swap3A_225, %swap3A_226], %select_n3A_224 {strides = array<i32>} : memref<81x128xf32, #tpu.memory_space<vmem>>, vector<16xf32>,
      %get3A_228 = arith.index_cast %scan3A_142 : i32 to index
      %get3A_229 = arith.constant 48 : index
      %get3A_230 = tpu.vector_load %arg10[%get3A_228, %get3A_229] {strides = array<i32>} : memref<81x128xi32, #tpu.memory_space<vmem>>, vector<16xi32>,
      tpu.vector_store_idx %arg14[%get3A_230], %select_n3A_224 {add = true} : memref<10000xf32, #tpu.memory_space<vmem>>[vector<16xi32>], vector<16xf32>,
      %mul3A_231 = arith.constant 128 : i32
      %mul3A_232 = arith.muli %scan3A_142, %mul3A_231 : i32
      %add3A_233 = arith.constant 64 : i32
      %add3A_234 = arith.addi %mul3A_232, %add3A_233 : i32
      %broadcast_in_dim3A_235 = vector.broadcast %add3A_234 : i32 to vector<16xi32>
      %lt3A_236 = arith.constant 10000 : i32
      %lt3A_237 = vector.broadcast %lt3A_236 : i32 to vector<16xi32>
      %lt3A_238 = arith.cmpi slt, %broadcast_in_dim3A_235, %lt3A_237 : vector<16xi32>
      %get3A_239 = arith.index_cast %scan3A_142 : i32 to index
      %get3A_240 = arith.constant 64 : index
      %get3A_241 = tpu.vector_load %arg11[%get3A_239, %get3A_240] {strides = array<i32>} : memref<81x128xf32, #tpu.memory_space<vmem>>, vector<16xf32>,
      %sub3A_242 = vector.broadcast %reduce_max3A_132 : f32 to vector<16xf32>
      %sub3A_243 = arith.subf %get3A_241, %sub3A_242 : vector<16xf32>
      %exp3A_244 = math.exp %sub3A_243 : vector<16xf32>
      %jit3A_245 = arith.constant 0.000000e+00 : f32
      %broadcast_in_dim3A_246 = vector.broadcast %jit3A_245 : f32 to vector<16xf32>
      %select_n3A_247 = arith.select %lt3A_238, %exp3A_244, %broadcast_in_dim3A_246 : vector<16xi1>, vector<16xf32>
      %swap3A_248 = arith.index_cast %scan3A_142 : i32 to index
      %swap3A_249 = arith.constant 64 : index
      %swap3A_250 = tpu.vector_load %arg11[%swap3A_248, %swap3A_249] {strides = array<i32>} : memref<81x128xf32, #tpu.memory_space<vmem>>, vector<16xf32>,
      tpu.vector_store %arg11[%swap3A_248, %swap3A_249], %select_n3A_247 {strides = array<i32>} : memref<81x128xf32, #tpu.memory_space<vmem>>, vector<16xf32>,
      %get3A_251 = arith.index_cast %scan3A_142 : i32 to index
      %get3A_252 = arith.constant 64 : index
      %get3A_253 = tpu.vector_load %arg10[%get3A_251, %get3A_252] {strides = array<i32>} : memref<81x128xi32, #tpu.memory_space<vmem>>, vector<16xi32>,
      tpu.vector_store_idx %arg14[%get3A_253], %select_n3A_247 {add = true} : memref<10000xf32, #tpu.memory_space<vmem>>[vector<16xi32>], vector<16xf32>,
      %mul3A_254 = arith.constant 128 : i32
      %mul3A_255 = arith.muli %scan3A_142, %mul3A_254 : i32
      %add3A_256 = arith.constant 80 : i32
      %add3A_257 = arith.addi %mul3A_255, %add3A_256 : i32
      %broadcast_in_dim3A_258 = vector.broadcast %add3A_257 : i32 to vector<16xi32>
      %lt3A_259 = arith.constant 10000 : i32
      %lt3A_260 = vector.broadcast %lt3A_259 : i32 to vector<16xi32>
      %lt3A_261 = arith.cmpi slt, %broadcast_in_dim3A_258, %lt3A_260 : vector<16xi32>
      %get3A_262 = arith.index_cast %scan3A_142 : i32 to index
      %get3A_263 = arith.constant 80 : index
      %get3A_264 = tpu.vector_load %arg11[%get3A_262, %get3A_263] {strides = array<i32>} : memref<81x128xf32, #tpu.memory_space<vmem>>, vector<16xf32>,
      %sub3A_265 = vector.broadcast %reduce_max3A_132 : f32 to vector<16xf32>
      %sub3A_266 = arith.subf %get3A_264, %sub3A_265 : vector<16xf32>
      %exp3A_267 = math.exp %sub3A_266 : vector<16xf32>
      %jit3A_268 = arith.constant 0.000000e+00 : f32
      %broadcast_in_dim3A_269 = vector.broadcast %jit3A_268 : f32 to vector<16xf32>
      %select_n3A_270 = arith.select %lt3A_261, %exp3A_267, %broadcast_in_dim3A_269 : vector<16xi1>, vector<16xf32>
      %swap3A_271 = arith.index_cast %scan3A_142 : i32 to index
      %swap3A_272 = arith.constant 80 : index
      %swap3A_273 = tpu.vector_load %arg11[%swap3A_271, %swap3A_272] {strides = array<i32>} : memref<81x128xf32, #tpu.memory_space<vmem>>, vector<16xf32>,
      tpu.vector_store %arg11[%swap3A_271, %swap3A_272], %select_n3A_270 {strides = array<i32>} : memref<81x128xf32, #tpu.memory_space<vmem>>, vector<16xf32>,
      %get3A_274 = arith.index_cast %scan3A_142 : i32 to index
      %get3A_275 = arith.constant 80 : index
      %get3A_276 = tpu.vector_load %arg10[%get3A_274, %get3A_275] {strides = array<i32>} : memref<81x128xi32, #tpu.memory_space<vmem>>, vector<16xi32>,
      tpu.vector_store_idx %arg14[%get3A_276], %select_n3A_270 {add = true} : memref<10000xf32, #tpu.memory_space<vmem>>[vector<16xi32>], vector<16xf32>,
      %mul3A_277 = arith.constant 128 : i32
      %mul3A_278 = arith.muli %scan3A_142, %mul3A_277 : i32
      %add3A_279 = arith.constant 96 : i32
      %add3A_280 = arith.addi %mul3A_278, %add3A_279 : i32
      %broadcast_in_dim3A_281 = vector.broadcast %add3A_280 : i32 to vector<16xi32>
      %lt3A_282 = arith.constant 10000 : i32
      %lt3A_283 = vector.broadcast %lt3A_282 : i32 to vector<16xi32>
      %lt3A_284 = arith.cmpi slt, %broadcast_in_dim3A_281, %lt3A_283 : vector<16xi32>
      %get3A_285 = arith.index_cast %scan3A_142 : i32 to index
      %get3A_286 = arith.constant 96 : index
      %get3A_287 = tpu.vector_load %arg11[%get3A_285, %get3A_286] {strides = array<i32>} : memref<81x128xf32, #tpu.memory_space<vmem>>, vector<16xf32>,
      %sub3A_288 = vector.broadcast %reduce_max3A_132 : f32 to vector<16xf32>
      %sub3A_289 = arith.subf %get3A_287, %sub3A_288 : vector<16xf32>
      %exp3A_290 = math.exp %sub3A_289 : vector<16xf32>
      %jit3A_291 = arith.constant 0.000000e+00 : f32
      %broadcast_in_dim3A_292 = vector.broadcast %jit3A_291 : f32 to vector<16xf32>
      %select_n3A_293 = arith.select %lt3A_284, %exp3A_290, %broadcast_in_dim3A_292 : vector<16xi1>, vector<16xf32>
      %swap3A_294 = arith.index_cast %scan3A_142 : i32 to index
      %swap3A_295 = arith.constant 96 : index
      %swap3A_296 = tpu.vector_load %arg11[%swap3A_294, %swap3A_295] {strides = array<i32>} : memref<81x128xf32, #tpu.memory_space<vmem>>, vector<16xf32>,
      tpu.vector_store %arg11[%swap3A_294, %swap3A_295], %select_n3A_293 {strides = array<i32>} : memref<81x128xf32, #tpu.memory_space<vmem>>, vector<16xf32>,
      %get3A_297 = arith.index_cast %scan3A_142 : i32 to index
      %get3A_298 = arith.constant 96 : index
      %get3A_299 = tpu.vector_load %arg10[%get3A_297, %get3A_298] {strides = array<i32>} : memref<81x128xi32, #tpu.memory_space<vmem>>, vector<16xi32>,
      tpu.vector_store_idx %arg14[%get3A_299], %select_n3A_293 {add = true} : memref<10000xf32, #tpu.memory_space<vmem>>[vector<16xi32>], vector<16xf32>,
      %mul3A_300 = arith.constant 128 : i32
      %mul3A_301 = arith.muli %scan3A_142, %mul3A_300 : i32
      %add3A_302 = arith.constant 112 : i32
      %add3A_303 = arith.addi %mul3A_301, %add3A_302 : i32
      %broadcast_in_dim3A_304 = vector.broadcast %add3A_303 : i32 to vector<16xi32>
      %lt3A_305 = arith.constant 10000 : i32
      %lt3A_306 = vector.broadcast %lt3A_305 : i32 to vector<16xi32>
      %lt3A_307 = arith.cmpi slt, %broadcast_in_dim3A_304, %lt3A_306 : vector<16xi32>
      %get3A_308 = arith.index_cast %scan3A_142 : i32 to index
      %get3A_309 = arith.constant 112 : index
      %get3A_310 = tpu.vector_load %arg11[%get3A_308, %get3A_309] {strides = array<i32>} : memref<81x128xf32, #tpu.memory_space<vmem>>, vector<16xf32>,
      %sub3A_311 = vector.broadcast %reduce_max3A_132 : f32 to vector<16xf32>
      %sub3A_312 = arith.subf %get3A_310, %sub3A_311 : vector<16xf32>
      %exp3A_313 = math.exp %sub3A_312 : vector<16xf32>
      %jit3A_314 = arith.constant 0.000000e+00 : f32
      %broadcast_in_dim3A_315 = vector.broadcast %jit3A_314 : f32 to vector<16xf32>
      %select_n3A_316 = arith.select %lt3A_307, %exp3A_313, %broadcast_in_dim3A_315 : vector<16xi1>, vector<16xf32>
      %swap3A_317 = arith.index_cast %scan3A_142 : i32 to index
      %swap3A_318 = arith.constant 112 : index
      %swap3A_319 = tpu.vector_load %arg11[%swap3A_317, %swap3A_318] {strides = array<i32>} : memref<81x128xf32, #tpu.memory_space<vmem>>, vector<16xf32>,
      tpu.vector_store %arg11[%swap3A_317, %swap3A_318], %select_n3A_316 {strides = array<i32>} : memref<81x128xf32, #tpu.memory_space<vmem>>, vector<16xf32>,
      %get3A_320 = arith.index_cast %scan3A_142 : i32 to index
      %get3A_321 = arith.constant 112 : index
      %get3A_322 = tpu.vector_load %arg10[%get3A_320, %get3A_321] {strides = array<i32>} : memref<81x128xi32, #tpu.memory_space<vmem>>, vector<16xi32>,
      tpu.vector_store_idx %arg14[%get3A_322], %select_n3A_316 {add = true} : memref<10000xf32, #tpu.memory_space<vmem>>[vector<16xi32>], vector<16xf32>,
      %scan3A_323 = arith.constant 0 : i32
      scf.yield %scan3A_323 : i32
    }
    %scan3A_139 = arith.constant 81 : i32
    %mul3A_140 = arith.constant 10000 : i32
    %mul3A_141 = arith.muli %add3A, %mul3A_140 : i32
    "tpu.region"() ({
      %run_scoped3A = tpu.sem_alloc : memref<!tpu.dma_semaphore, #tpu.memory_space<semaphore_mem>>
      %dma_start3A = tpu.memref_slice %arg7[%mul3A_141] : memref<320000xf32, #tpu.memory_space<hbm>> -> memref<10000xf32, #tpu.memory_space<hbm>>
      %dma_start3A_142 = tpu.memref_slice %arg7[%mul3A_141] : memref<320000xf32, #tpu.memory_space<hbm>> -> memref<10000xf32, #tpu.memory_space<hbm>>
      tpu.enqueue_dma source(%arg14 : memref<10000xf32, #tpu.memory_space<vmem>>) target(%dma_start3A_142 : memref<10000xf32, #tpu.memory_space<hbm>>) target_semaphore(%run_scoped3A : memref<!tpu.dma_semaphore, #tpu.memory_space<semaphore_mem>>)
      %dma_wait3A = tpu.memref_slice %arg7[%mul3A_141] : memref<320000xf32, #tpu.memory_space<hbm>> -> memref<10000xf32, #tpu.memory_space<hbm>>
      %dma_wait3A_143 = tpu.memref_slice %arg7[%mul3A_141] : memref<320000xf32, #tpu.memory_space<hbm>> -> memref<10000xf32, #tpu.memory_space<hbm>>
      tpu.wait_dma2 semaphore(%run_scoped3A : memref<!tpu.dma_semaphore, #tpu.memory_space<semaphore_mem>>) src(%arg14 : memref<10000xf32, #tpu.memory_space<vmem>>) dst(%dma_wait3A_143 : memref<10000xf32, #tpu.memory_space<hbm>>)
      tpu.yield
    }) : () -> ()
    "tpu.region"() ({
      %run_scoped3A = tpu.sem_alloc : memref<!tpu.dma_semaphore, #tpu.memory_space<semaphore_mem>>
      %dma_start3A = arith.constant 0 : i32
      %dma_start3A_142 = arith.constant 0 : i32
      %dma_start3A_143 = tpu.memref_slice %arg6[%add3A, %dma_start3A, %dma_start3A_142] : memref<32x81x128xf32, #tpu.memory_space<hbm>> -> memref<1x81x128xf32, #tpu.memory_space<hbm>>
      %dma_start3A_144 = tpu.memref_squeeze %dma_start3A_143 : memref<1x81x128xf32, #tpu.memory_space<hbm>> -> memref<81x128xf32, #tpu.memory_space<hbm>>
      %dma_start3A_145 = arith.constant 0 : i32
      %dma_start3A_146 = arith.constant 0 : i32
      %dma_start3A_147 = tpu.memref_slice %arg6[%add3A, %dma_start3A_145, %dma_start3A_146] : memref<32x81x128xf32, #tpu.memory_space<hbm>> -> memref<1x81x128xf32, #tpu.memory_space<hbm>>
      %dma_start3A_148 = tpu.memref_squeeze %dma_start3A_147 : memref<1x81x128xf32, #tpu.memory_space<hbm>> -> memref<81x128xf32, #tpu.memory_space<hbm>>
      tpu.enqueue_dma source(%arg11 : memref<81x128xf32, #tpu.memory_space<vmem>>) target(%dma_start3A_148 : memref<81x128xf32, #tpu.memory_space<hbm>>) target_semaphore(%run_scoped3A : memref<!tpu.dma_semaphore, #tpu.memory_space<semaphore_mem>>)
      %dma_wait3A = arith.constant 0 : i32
      %dma_wait3A_149 = arith.constant 0 : i32
      %dma_wait3A_150 = tpu.memref_slice %arg6[%add3A, %dma_wait3A, %dma_wait3A_149] : memref<32x81x128xf32, #tpu.memory_space<hbm>> -> memref<1x81x128xf32, #tpu.memory_space<hbm>>
      %dma_wait3A_151 = tpu.memref_squeeze %dma_wait3A_150 : memref<1x81x128xf32, #tpu.memory_space<hbm>> -> memref<81x128xf32, #tpu.memory_space<hbm>>
      %dma_wait3A_152 = arith.constant 0 : i32
      %dma_wait3A_153 = arith.constant 0 : i32
      %dma_wait3A_154 = tpu.memref_slice %arg6[%add3A, %dma_wait3A_152, %dma_wait3A_153] : memref<32x81x128xf32, #tpu.memory_space<hbm>> -> memref<1x81x128xf32, #tpu.memory_space<hbm>>
      %dma_wait3A_155 = tpu.memref_squeeze %dma_wait3A_154 : memref<1x81x128xf32, #tpu.memory_space<hbm>> -> memref<81x128xf32, #tpu.memory_space<hbm>>
      tpu.wait_dma2 semaphore(%run_scoped3A : memref<!tpu.dma_semaphore, #tpu.memory_space<semaphore_mem>>) src(%arg11 : memref<81x128xf32, #tpu.memory_space<vmem>>) dst(%dma_wait3A_155 : memref<81x128xf32, #tpu.memory_space<hbm>>)
      tpu.yield
    }) : () -> ()
    return
  }
}

#map = affine_map<(d0, d1) -> (0, 0, 0)>
#map1 = affine_map<(d0, d1) -> (0)>
module attributes {stable_mosaic.version = 14 : i64} {
  func.func @_sc_logits_body(%arg0: i32, %arg1: i32, %arg2: memref<32x81x128xi32, #tpu.memory_space<hbm>>, %arg3: memref<32x81x128xi32, #tpu.memory_space<hbm>>, %arg4: memref<10000xf32, #tpu.memory_space<hbm>>, %arg5: memref<10000xf32, #tpu.memory_space<hbm>>, %arg6: memref<32x81x128xf32, #tpu.memory_space<hbm>>, %arg7: memref<320000xf32, #tpu.memory_space<hbm>>, %arg8: memref<512xf32, #tpu.memory_space<hbm>>, %arg9: memref<81x128xi32, #tpu.memory_space<vmem>>, %arg10: memref<81x128xi32, #tpu.memory_space<vmem>>, %arg11: memref<81x128xf32, #tpu.memory_space<vmem>>, %arg12: memref<10000xf32, #tpu.memory_space<vmem>>, %arg13: memref<10000xf32, #tpu.memory_space<vmem>>, %arg14: memref<10000xf32, #tpu.memory_space<vmem>>, %arg15: memref<16xf32, #tpu.memory_space<vmem>>, %arg16: memref<1x16xf32, #tpu.memory_space<vmem>>, %arg17: memref<16x1x16xf32, #tpu.memory_space<vmem>>, %arg18: memref<16x1x16xf32, #tpu.memory_space<vmem_shared>>) attributes {dimension_semantics = [#tpu.dimension_semantics<core_parallel>, #tpu.dimension_semantics<subcore_parallel>], iteration_bounds = array<i64: 2, 16>, scalar_prefetch = 0 : i64, scratch_operands = 10 : i64, tpu.core_type = #tpu.core_type<sc_vector_subcore>, window_params = [{transform_indices = #map}, {transform_indices = #map}, {transform_indices = #map1}, {transform_indices = #map1}, {transform_indices = #map}, {transform_indices = #map1}, {transform_indices = #map1}]} {
    %mul3A = arith.constant 2 : i32
    %mul3A_0 = arith.muli %arg1, %mul3A : i32
    %add3A = arith.addi %mul3A_0, %arg0 : i32
    %scan3A = arith.constant 0 : i32
    %scan3A_1 = arith.constant 0 : i32
    %scan3A_2 = arith.constant 625 : i32
    %scan3A_3 = arith.addi %scan3A_1, %scan3A_2 : i32
    %scan3A_4 = arith.constant 1 : i32
    %scan3A_5 = scf.for %scan3A_142 = %scan3A_1 to %scan3A_3 step %scan3A_4 iter_args(%scan3A_143 = %scan3A) -> (i32)  : i32 {
      %broadcast_in_dim3A_144 = arith.constant 0.000000e+00 : f32
      %broadcast_in_dim3A_145 = vector.broadcast %broadcast_in_dim3A_144 : f32 to vector<16xf32>
      %mul3A_146 = arith.constant 16 : i32
      %mul3A_147 = arith.muli %scan3A_142, %mul3A_146 : i32
      %swap3A_148 = arith.index_cast %mul3A_147 : i32 to index
      %swap3A_149 = tpu.vector_load %arg14[%swap3A_148] {strides = array<i32>} : memref<10000xf32, #tpu.memory_space<vmem>>, vector<16xf32>,
      tpu.vector_store %arg14[%swap3A_148], %broadcast_in_dim3A_145 {strides = array<i32>} : memref<10000xf32, #tpu.memory_space<vmem>>, vector<16xf32>,
      %scan3A_150 = arith.constant 0 : i32
      scf.yield %scan3A_150 : i32
    }
    %scan3A_6 = arith.constant 625 : i32
    "tpu.region"() ({
      %run_scoped3A = tpu.sem_alloc : memref<!tpu.dma_semaphore, #tpu.memory_space<semaphore_mem>>
      %dma_start3A = arith.constant 0 : i32
      %dma_start3A_142 = arith.constant 0 : i32
      %dma_start3A_143 = tpu.memref_slice %arg2[%add3A, %dma_start3A, %dma_start3A_142] : memref<32x81x128xi32, #tpu.memory_space<hbm>> -> memref<1x81x128xi32, #tpu.memory_space<hbm>>
      %dma_start3A_144 = tpu.memref_squeeze %dma_start3A_143 : memref<1x81x128xi32, #tpu.memory_space<hbm>> -> memref<81x128xi32, #tpu.memory_space<hbm>>
      %dma_start3A_145 = arith.constant 0 : i32
      %dma_start3A_146 = arith.constant 0 : i32
      %dma_start3A_147 = tpu.memref_slice %arg2[%add3A, %dma_start3A_145, %dma_start3A_146] : memref<32x81x128xi32, #tpu.memory_space<hbm>> -> memref<1x81x128xi32, #tpu.memory_space<hbm>>
      %dma_start3A_148 = tpu.memref_squeeze %dma_start3A_147 : memref<1x81x128xi32, #tpu.memory_space<hbm>> -> memref<81x128xi32, #tpu.memory_space<hbm>>
      tpu.enqueue_dma source(%dma_start3A_148 : memref<81x128xi32, #tpu.memory_space<hbm>>) target(%arg9 : memref<81x128xi32, #tpu.memory_space<vmem>>) target_semaphore(%run_scoped3A : memref<!tpu.dma_semaphore, #tpu.memory_space<semaphore_mem>>)
      %dma_wait3A = arith.constant 0 : i32
      %dma_wait3A_149 = arith.constant 0 : i32
      %dma_wait3A_150 = tpu.memref_slice %arg2[%add3A, %dma_wait3A, %dma_wait3A_149] : memref<32x81x128xi32, #tpu.memory_space<hbm>> -> memref<1x81x128xi32, #tpu.memory_space<hbm>>
      %dma_wait3A_151 = tpu.memref_squeeze %dma_wait3A_150 : memref<1x81x128xi32, #tpu.memory_space<hbm>> -> memref<81x128xi32, #tpu.memory_space<hbm>>
      %dma_wait3A_152 = arith.constant 0 : i32
      %dma_wait3A_153 = arith.constant 0 : i32
      %dma_wait3A_154 = tpu.memref_slice %arg2[%add3A, %dma_wait3A_152, %dma_wait3A_153] : memref<32x81x128xi32, #tpu.memory_space<hbm>> -> memref<1x81x128xi32, #tpu.memory_space<hbm>>
      %dma_wait3A_155 = tpu.memref_squeeze %dma_wait3A_154 : memref<1x81x128xi32, #tpu.memory_space<hbm>> -> memref<81x128xi32, #tpu.memory_space<hbm>>
      tpu.wait_dma2 semaphore(%run_scoped3A : memref<!tpu.dma_semaphore, #tpu.memory_space<semaphore_mem>>) src(%dma_wait3A_155 : memref<81x128xi32, #tpu.memory_space<hbm>>) dst(%arg9 : memref<81x128xi32, #tpu.memory_space<vmem>>)
      tpu.yield
    }) : () -> ()
    "tpu.region"() ({
      %run_scoped3A = tpu.sem_alloc : memref<!tpu.dma_semaphore, #tpu.memory_space<semaphore_mem>>
      %dma_start3A = arith.constant 0 : i32
      %dma_start3A_142 = arith.constant 0 : i32
      %dma_start3A_143 = tpu.memref_slice %arg3[%add3A, %dma_start3A, %dma_start3A_142] : memref<32x81x128xi32, #tpu.memory_space<hbm>> -> memref<1x81x128xi32, #tpu.memory_space<hbm>>
      %dma_start3A_144 = tpu.memref_squeeze %dma_start3A_143 : memref<1x81x128xi32, #tpu.memory_space<hbm>> -> memref<81x128xi32, #tpu.memory_space<hbm>>
      %dma_start3A_145 = arith.constant 0 : i32
      %dma_start3A_146 = arith.constant 0 : i32
      %dma_start3A_147 = tpu.memref_slice %arg3[%add3A, %dma_start3A_145, %dma_start3A_146] : memref<32x81x128xi32, #tpu.memory_space<hbm>> -> memref<1x81x128xi32, #tpu.memory_space<hbm>>
      %dma_start3A_148 = tpu.memref_squeeze %dma_start3A_147 : memref<1x81x128xi32, #tpu.memory_space<hbm>> -> memref<81x128xi32, #tpu.memory_space<hbm>>
      tpu.enqueue_dma source(%dma_start3A_148 : memref<81x128xi32, #tpu.memory_space<hbm>>) target(%arg10 : memref<81x128xi32, #tpu.memory_space<vmem>>) target_semaphore(%run_scoped3A : memref<!tpu.dma_semaphore, #tpu.memory_space<semaphore_mem>>)
      %dma_wait3A = arith.constant 0 : i32
      %dma_wait3A_149 = arith.constant 0 : i32
      %dma_wait3A_150 = tpu.memref_slice %arg3[%add3A, %dma_wait3A, %dma_wait3A_149] : memref<32x81x128xi32, #tpu.memory_space<hbm>> -> memref<1x81x128xi32, #tpu.memory_space<hbm>>
      %dma_wait3A_151 = tpu.memref_squeeze %dma_wait3A_150 : memref<1x81x128xi32, #tpu.memory_space<hbm>> -> memref<81x128xi32, #tpu.memory_space<hbm>>
      %dma_wait3A_152 = arith.constant 0 : i32
      %dma_wait3A_153 = arith.constant 0 : i32
      %dma_wait3A_154 = tpu.memref_slice %arg3[%add3A, %dma_wait3A_152, %dma_wait3A_153] : memref<32x81x128xi32, #tpu.memory_space<hbm>> -> memref<1x81x128xi32, #tpu.memory_space<hbm>>
      %dma_wait3A_155 = tpu.memref_squeeze %dma_wait3A_154 : memref<1x81x128xi32, #tpu.memory_space<hbm>> -> memref<81x128xi32, #tpu.memory_space<hbm>>
      tpu.wait_dma2 semaphore(%run_scoped3A : memref<!tpu.dma_semaphore, #tpu.memory_space<semaphore_mem>>) src(%dma_wait3A_155 : memref<81x128xi32, #tpu.memory_space<hbm>>) dst(%arg10 : memref<81x128xi32, #tpu.memory_space<vmem>>)
      tpu.yield
    }) : () -> ()
    "tpu.region"() ({
      %run_scoped3A = tpu.sem_alloc : memref<!tpu.dma_semaphore, #tpu.memory_space<semaphore_mem>>
      tpu.enqueue_dma source(%arg4 : memref<10000xf32, #tpu.memory_space<hbm>>) target(%arg12 : memref<10000xf32, #tpu.memory_space<vmem>>) target_semaphore(%run_scoped3A : memref<!tpu.dma_semaphore, #tpu.memory_space<semaphore_mem>>)
      tpu.wait_dma2 semaphore(%run_scoped3A : memref<!tpu.dma_semaphore, #tpu.memory_space<semaphore_mem>>) src(%arg4 : memref<10000xf32, #tpu.memory_space<hbm>>) dst(%arg12 : memref<10000xf32, #tpu.memory_space<vmem>>)
      tpu.yield
    }) : () -> ()
    "tpu.region"() ({
      %run_scoped3A = tpu.sem_alloc : memref<!tpu.dma_semaphore, #tpu.memory_space<semaphore_mem>>
      tpu.enqueue_dma source(%arg5 : memref<10000xf32, #tpu.memory_space<hbm>>) target(%arg13 : memref<10000xf32, #tpu.memory_space<vmem>>) target_semaphore(%run_scoped3A : memref<!tpu.dma_semaphore, #tpu.memory_space<semaphore_mem>>)
      tpu.wait_dma2 semaphore(%run_scoped3A : memref<!tpu.dma_semaphore, #tpu.memory_space<semaphore_mem>>) src(%arg5 : memref<10000xf32, #tpu.memory_space<hbm>>) dst(%arg13 : memref<10000xf32, #tpu.memory_space<vmem>>)
      tpu.yield
    }) : () -> ()
    %broadcast_in_dim3A = arith.constant -3.000000e+38 : f32
    %broadcast_in_dim3A_7 = vector.broadcast %broadcast_in_dim3A : f32 to vector<16xf32>
    %scan3A_8 = arith.constant 0 : i32
    %scan3A_9 = arith.constant 81 : i32
    %scan3A_10 = arith.addi %scan3A_8, %scan3A_9 : i32
    %scan3A_11 = arith.constant 1 : i32
    %scan3A_12 = scf.for %scan3A_142 = %scan3A_8 to %scan3A_10 step %scan3A_11 iter_args(%scan3A_143 = %broadcast_in_dim3A_7) -> (vector<16xf32>)  : i32 {
      %get3A_144 = arith.index_cast %scan3A_142 : i32 to index
      %get3A_145 = arith.constant 0 : index
      %get3A_146 = tpu.vector_load %arg9[%get3A_144, %get3A_145] {strides = array<i32>} : memref<81x128xi32, #tpu.memory_space<vmem>>, vector<16xi32>,
      %get3A_147 = arith.index_cast %scan3A_142 : i32 to index
      %get3A_148 = arith.constant 0 : index
      %get3A_149 = tpu.vector_load %arg10[%get3A_147, %get3A_148] {strides = array<i32>} : memref<81x128xi32, #tpu.memory_space<vmem>>, vector<16xi32>,
      %gather3A = tpu.vector_load_idx %arg12[%get3A_146] : memref<10000xf32, #tpu.memory_space<vmem>>[vector<16xi32>], vector<16xf32>,
      %gather3A_150 = tpu.vector_load_idx %arg13[%get3A_149] : memref<10000xf32, #tpu.memory_space<vmem>>[vector<16xi32>], vector<16xf32>,
      %add3A_151 = arith.addf %gather3A, %gather3A_150 : vector<16xf32>
      %ge3A = arith.constant 0.000000e+00 : f32
      %ge3A_152 = vector.broadcast %ge3A : f32 to vector<16xf32>
      %ge3A_153 = arith.cmpf oge, %add3A_151, %ge3A_152 : vector<16xf32>
      %mul3A_154 = arith.constant 2.000000e-01 : f32
      %mul3A_155 = vector.broadcast %mul3A_154 : f32 to vector<16xf32>
      %mul3A_156 = arith.mulf %mul3A_155, %add3A_151 : vector<16xf32>
      %select_n3A = arith.select %ge3A_153, %add3A_151, %mul3A_156 : vector<16xi1>, vector<16xf32>
      %swap3A_157 = arith.index_cast %scan3A_142 : i32 to index
      %swap3A_158 = arith.constant 0 : index
      %swap3A_159 = tpu.vector_load %arg11[%swap3A_157, %swap3A_158] {strides = array<i32>} : memref<81x128xf32, #tpu.memory_space<vmem>>, vector<16xf32>,
      tpu.vector_store %arg11[%swap3A_157, %swap3A_158], %select_n3A {strides = array<i32>} : memref<81x128xf32, #tpu.memory_space<vmem>>, vector<16xf32>,
      %max3A_160 = arith.maximumf %scan3A_143, %select_n3A : vector<16xf32>
      %get3A_161 = arith.index_cast %scan3A_142 : i32 to index
      %get3A_162 = arith.constant 16 : index
      %get3A_163 = tpu.vector_load %arg9[%get3A_161, %get3A_162] {strides = array<i32>} : memref<81x128xi32, #tpu.memory_space<vmem>>, vector<16xi32>,
      %get3A_164 = arith.index_cast %scan3A_142 : i32 to index
      %get3A_165 = arith.constant 16 : index
      %get3A_166 = tpu.vector_load %arg10[%get3A_164, %get3A_165] {strides = array<i32>} : memref<81x128xi32, #tpu.memory_space<vmem>>, vector<16xi32>,
      %gather3A_167 = tpu.vector_load_idx %arg12[%get3A_163] : memref<10000xf32, #tpu.memory_space<vmem>>[vector<16xi32>], vector<16xf32>,
      %gather3A_168 = tpu.vector_load_idx %arg13[%get3A_166] : memref<10000xf32, #tpu.memory_space<vmem>>[vector<16xi32>], vector<16xf32>,
      %add3A_169 = arith.addf %gather3A_167, %gather3A_168 : vector<16xf32>
      %ge3A_170 = arith.constant 0.000000e+00 : f32
      %ge3A_171 = vector.broadcast %ge3A_170 : f32 to vector<16xf32>
      %ge3A_172 = arith.cmpf oge, %add3A_169, %ge3A_171 : vector<16xf32>
      %mul3A_173 = arith.constant 2.000000e-01 : f32
      %mul3A_174 = vector.broadcast %mul3A_173 : f32 to vector<16xf32>
      %mul3A_175 = arith.mulf %mul3A_174, %add3A_169 : vector<16xf32>
      %select_n3A_176 = arith.select %ge3A_172, %add3A_169, %mul3A_175 : vector<16xi1>, vector<16xf32>
      %swap3A_177 = arith.index_cast %scan3A_142 : i32 to index
      %swap3A_178 = arith.constant 16 : index
      %swap3A_179 = tpu.vector_load %arg11[%swap3A_177, %swap3A_178] {strides = array<i32>} : memref<81x128xf32, #tpu.memory_space<vmem>>, vector<16xf32>,
      tpu.vector_store %arg11[%swap3A_177, %swap3A_178], %select_n3A_176 {strides = array<i32>} : memref<81x128xf32, #tpu.memory_space<vmem>>, vector<16xf32>,
      %max3A_180 = arith.maximumf %max3A_160, %select_n3A_176 : vector<16xf32>
      %get3A_181 = arith.index_cast %scan3A_142 : i32 to index
      %get3A_182 = arith.constant 32 : index
      %get3A_183 = tpu.vector_load %arg9[%get3A_181, %get3A_182] {strides = array<i32>} : memref<81x128xi32, #tpu.memory_space<vmem>>, vector<16xi32>,
      %get3A_184 = arith.index_cast %scan3A_142 : i32 to index
      %get3A_185 = arith.constant 32 : index
      %get3A_186 = tpu.vector_load %arg10[%get3A_184, %get3A_185] {strides = array<i32>} : memref<81x128xi32, #tpu.memory_space<vmem>>, vector<16xi32>,
      %gather3A_187 = tpu.vector_load_idx %arg12[%get3A_183] : memref<10000xf32, #tpu.memory_space<vmem>>[vector<16xi32>], vector<16xf32>,
      %gather3A_188 = tpu.vector_load_idx %arg13[%get3A_186] : memref<10000xf32, #tpu.memory_space<vmem>>[vector<16xi32>], vector<16xf32>,
      %add3A_189 = arith.addf %gather3A_187, %gather3A_188 : vector<16xf32>
      %ge3A_190 = arith.constant 0.000000e+00 : f32
      %ge3A_191 = vector.broadcast %ge3A_190 : f32 to vector<16xf32>
      %ge3A_192 = arith.cmpf oge, %add3A_189, %ge3A_191 : vector<16xf32>
      %mul3A_193 = arith.constant 2.000000e-01 : f32
      %mul3A_194 = vector.broadcast %mul3A_193 : f32 to vector<16xf32>
      %mul3A_195 = arith.mulf %mul3A_194, %add3A_189 : vector<16xf32>
      %select_n3A_196 = arith.select %ge3A_192, %add3A_189, %mul3A_195 : vector<16xi1>, vector<16xf32>
      %swap3A_197 = arith.index_cast %scan3A_142 : i32 to index
      %swap3A_198 = arith.constant 32 : index
      %swap3A_199 = tpu.vector_load %arg11[%swap3A_197, %swap3A_198] {strides = array<i32>} : memref<81x128xf32, #tpu.memory_space<vmem>>, vector<16xf32>,
      tpu.vector_store %arg11[%swap3A_197, %swap3A_198], %select_n3A_196 {strides = array<i32>} : memref<81x128xf32, #tpu.memory_space<vmem>>, vector<16xf32>,
      %max3A_200 = arith.maximumf %max3A_180, %select_n3A_196 : vector<16xf32>
      %get3A_201 = arith.index_cast %scan3A_142 : i32 to index
      %get3A_202 = arith.constant 48 : index
      %get3A_203 = tpu.vector_load %arg9[%get3A_201, %get3A_202] {strides = array<i32>} : memref<81x128xi32, #tpu.memory_space<vmem>>, vector<16xi32>,
      %get3A_204 = arith.index_cast %scan3A_142 : i32 to index
      %get3A_205 = arith.constant 48 : index
      %get3A_206 = tpu.vector_load %arg10[%get3A_204, %get3A_205] {strides = array<i32>} : memref<81x128xi32, #tpu.memory_space<vmem>>, vector<16xi32>,
      %gather3A_207 = tpu.vector_load_idx %arg12[%get3A_203] : memref<10000xf32, #tpu.memory_space<vmem>>[vector<16xi32>], vector<16xf32>,
      %gather3A_208 = tpu.vector_load_idx %arg13[%get3A_206] : memref<10000xf32, #tpu.memory_space<vmem>>[vector<16xi32>], vector<16xf32>,
      %add3A_209 = arith.addf %gather3A_207, %gather3A_208 : vector<16xf32>
      %ge3A_210 = arith.constant 0.000000e+00 : f32
      %ge3A_211 = vector.broadcast %ge3A_210 : f32 to vector<16xf32>
      %ge3A_212 = arith.cmpf oge, %add3A_209, %ge3A_211 : vector<16xf32>
      %mul3A_213 = arith.constant 2.000000e-01 : f32
      %mul3A_214 = vector.broadcast %mul3A_213 : f32 to vector<16xf32>
      %mul3A_215 = arith.mulf %mul3A_214, %add3A_209 : vector<16xf32>
      %select_n3A_216 = arith.select %ge3A_212, %add3A_209, %mul3A_215 : vector<16xi1>, vector<16xf32>
      %swap3A_217 = arith.index_cast %scan3A_142 : i32 to index
      %swap3A_218 = arith.constant 48 : index
      %swap3A_219 = tpu.vector_load %arg11[%swap3A_217, %swap3A_218] {strides = array<i32>} : memref<81x128xf32, #tpu.memory_space<vmem>>, vector<16xf32>,
      tpu.vector_store %arg11[%swap3A_217, %swap3A_218], %select_n3A_216 {strides = array<i32>} : memref<81x128xf32, #tpu.memory_space<vmem>>, vector<16xf32>,
      %max3A_220 = arith.maximumf %max3A_200, %select_n3A_216 : vector<16xf32>
      %get3A_221 = arith.index_cast %scan3A_142 : i32 to index
      %get3A_222 = arith.constant 64 : index
      %get3A_223 = tpu.vector_load %arg9[%get3A_221, %get3A_222] {strides = array<i32>} : memref<81x128xi32, #tpu.memory_space<vmem>>, vector<16xi32>,
      %get3A_224 = arith.index_cast %scan3A_142 : i32 to index
      %get3A_225 = arith.constant 64 : index
      %get3A_226 = tpu.vector_load %arg10[%get3A_224, %get3A_225] {strides = array<i32>} : memref<81x128xi32, #tpu.memory_space<vmem>>, vector<16xi32>,
      %gather3A_227 = tpu.vector_load_idx %arg12[%get3A_223] : memref<10000xf32, #tpu.memory_space<vmem>>[vector<16xi32>], vector<16xf32>,
      %gather3A_228 = tpu.vector_load_idx %arg13[%get3A_226] : memref<10000xf32, #tpu.memory_space<vmem>>[vector<16xi32>], vector<16xf32>,
      %add3A_229 = arith.addf %gather3A_227, %gather3A_228 : vector<16xf32>
      %ge3A_230 = arith.constant 0.000000e+00 : f32
      %ge3A_231 = vector.broadcast %ge3A_230 : f32 to vector<16xf32>
      %ge3A_232 = arith.cmpf oge, %add3A_229, %ge3A_231 : vector<16xf32>
      %mul3A_233 = arith.constant 2.000000e-01 : f32
      %mul3A_234 = vector.broadcast %mul3A_233 : f32 to vector<16xf32>
      %mul3A_235 = arith.mulf %mul3A_234, %add3A_229 : vector<16xf32>
      %select_n3A_236 = arith.select %ge3A_232, %add3A_229, %mul3A_235 : vector<16xi1>, vector<16xf32>
      %swap3A_237 = arith.index_cast %scan3A_142 : i32 to index
      %swap3A_238 = arith.constant 64 : index
      %swap3A_239 = tpu.vector_load %arg11[%swap3A_237, %swap3A_238] {strides = array<i32>} : memref<81x128xf32, #tpu.memory_space<vmem>>, vector<16xf32>,
      tpu.vector_store %arg11[%swap3A_237, %swap3A_238], %select_n3A_236 {strides = array<i32>} : memref<81x128xf32, #tpu.memory_space<vmem>>, vector<16xf32>,
      %max3A_240 = arith.maximumf %max3A_220, %select_n3A_236 : vector<16xf32>
      %get3A_241 = arith.index_cast %scan3A_142 : i32 to index
      %get3A_242 = arith.constant 80 : index
      %get3A_243 = tpu.vector_load %arg9[%get3A_241, %get3A_242] {strides = array<i32>} : memref<81x128xi32, #tpu.memory_space<vmem>>, vector<16xi32>,
      %get3A_244 = arith.index_cast %scan3A_142 : i32 to index
      %get3A_245 = arith.constant 80 : index
      %get3A_246 = tpu.vector_load %arg10[%get3A_244, %get3A_245] {strides = array<i32>} : memref<81x128xi32, #tpu.memory_space<vmem>>, vector<16xi32>,
      %gather3A_247 = tpu.vector_load_idx %arg12[%get3A_243] : memref<10000xf32, #tpu.memory_space<vmem>>[vector<16xi32>], vector<16xf32>,
      %gather3A_248 = tpu.vector_load_idx %arg13[%get3A_246] : memref<10000xf32, #tpu.memory_space<vmem>>[vector<16xi32>], vector<16xf32>,
      %add3A_249 = arith.addf %gather3A_247, %gather3A_248 : vector<16xf32>
      %ge3A_250 = arith.constant 0.000000e+00 : f32
      %ge3A_251 = vector.broadcast %ge3A_250 : f32 to vector<16xf32>
      %ge3A_252 = arith.cmpf oge, %add3A_249, %ge3A_251 : vector<16xf32>
      %mul3A_253 = arith.constant 2.000000e-01 : f32
      %mul3A_254 = vector.broadcast %mul3A_253 : f32 to vector<16xf32>
      %mul3A_255 = arith.mulf %mul3A_254, %add3A_249 : vector<16xf32>
      %select_n3A_256 = arith.select %ge3A_252, %add3A_249, %mul3A_255 : vector<16xi1>, vector<16xf32>
      %swap3A_257 = arith.index_cast %scan3A_142 : i32 to index
      %swap3A_258 = arith.constant 80 : index
      %swap3A_259 = tpu.vector_load %arg11[%swap3A_257, %swap3A_258] {strides = array<i32>} : memref<81x128xf32, #tpu.memory_space<vmem>>, vector<16xf32>,
      tpu.vector_store %arg11[%swap3A_257, %swap3A_258], %select_n3A_256 {strides = array<i32>} : memref<81x128xf32, #tpu.memory_space<vmem>>, vector<16xf32>,
      %max3A_260 = arith.maximumf %max3A_240, %select_n3A_256 : vector<16xf32>
      %get3A_261 = arith.index_cast %scan3A_142 : i32 to index
      %get3A_262 = arith.constant 96 : index
      %get3A_263 = tpu.vector_load %arg9[%get3A_261, %get3A_262] {strides = array<i32>} : memref<81x128xi32, #tpu.memory_space<vmem>>, vector<16xi32>,
      %get3A_264 = arith.index_cast %scan3A_142 : i32 to index
      %get3A_265 = arith.constant 96 : index
      %get3A_266 = tpu.vector_load %arg10[%get3A_264, %get3A_265] {strides = array<i32>} : memref<81x128xi32, #tpu.memory_space<vmem>>, vector<16xi32>,
      %gather3A_267 = tpu.vector_load_idx %arg12[%get3A_263] : memref<10000xf32, #tpu.memory_space<vmem>>[vector<16xi32>], vector<16xf32>,
      %gather3A_268 = tpu.vector_load_idx %arg13[%get3A_266] : memref<10000xf32, #tpu.memory_space<vmem>>[vector<16xi32>], vector<16xf32>,
      %add3A_269 = arith.addf %gather3A_267, %gather3A_268 : vector<16xf32>
      %ge3A_270 = arith.constant 0.000000e+00 : f32
      %ge3A_271 = vector.broadcast %ge3A_270 : f32 to vector<16xf32>
      %ge3A_272 = arith.cmpf oge, %add3A_269, %ge3A_271 : vector<16xf32>
      %mul3A_273 = arith.constant 2.000000e-01 : f32
      %mul3A_274 = vector.broadcast %mul3A_273 : f32 to vector<16xf32>
      %mul3A_275 = arith.mulf %mul3A_274, %add3A_269 : vector<16xf32>
      %select_n3A_276 = arith.select %ge3A_272, %add3A_269, %mul3A_275 : vector<16xi1>, vector<16xf32>
      %swap3A_277 = arith.index_cast %scan3A_142 : i32 to index
      %swap3A_278 = arith.constant 96 : index
      %swap3A_279 = tpu.vector_load %arg11[%swap3A_277, %swap3A_278] {strides = array<i32>} : memref<81x128xf32, #tpu.memory_space<vmem>>, vector<16xf32>,
      tpu.vector_store %arg11[%swap3A_277, %swap3A_278], %select_n3A_276 {strides = array<i32>} : memref<81x128xf32, #tpu.memory_space<vmem>>, vector<16xf32>,
      %max3A_280 = arith.maximumf %max3A_260, %select_n3A_276 : vector<16xf32>
      %get3A_281 = arith.index_cast %scan3A_142 : i32 to index
      %get3A_282 = arith.constant 112 : index
      %get3A_283 = tpu.vector_load %arg9[%get3A_281, %get3A_282] {strides = array<i32>} : memref<81x128xi32, #tpu.memory_space<vmem>>, vector<16xi32>,
      %get3A_284 = arith.index_cast %scan3A_142 : i32 to index
      %get3A_285 = arith.constant 112 : index
      %get3A_286 = tpu.vector_load %arg10[%get3A_284, %get3A_285] {strides = array<i32>} : memref<81x128xi32, #tpu.memory_space<vmem>>, vector<16xi32>,
      %gather3A_287 = tpu.vector_load_idx %arg12[%get3A_283] : memref<10000xf32, #tpu.memory_space<vmem>>[vector<16xi32>], vector<16xf32>,
      %gather3A_288 = tpu.vector_load_idx %arg13[%get3A_286] : memref<10000xf32, #tpu.memory_space<vmem>>[vector<16xi32>], vector<16xf32>,
      %add3A_289 = arith.addf %gather3A_287, %gather3A_288 : vector<16xf32>
      %ge3A_290 = arith.constant 0.000000e+00 : f32
      %ge3A_291 = vector.broadcast %ge3A_290 : f32 to vector<16xf32>
      %ge3A_292 = arith.cmpf oge, %add3A_289, %ge3A_291 : vector<16xf32>
      %mul3A_293 = arith.constant 2.000000e-01 : f32
      %mul3A_294 = vector.broadcast %mul3A_293 : f32 to vector<16xf32>
      %mul3A_295 = arith.mulf %mul3A_294, %add3A_289 : vector<16xf32>
      %select_n3A_296 = arith.select %ge3A_292, %add3A_289, %mul3A_295 : vector<16xi1>, vector<16xf32>
      %swap3A_297 = arith.index_cast %scan3A_142 : i32 to index
      %swap3A_298 = arith.constant 112 : index
      %swap3A_299 = tpu.vector_load %arg11[%swap3A_297, %swap3A_298] {strides = array<i32>} : memref<81x128xf32, #tpu.memory_space<vmem>>, vector<16xf32>,
      tpu.vector_store %arg11[%swap3A_297, %swap3A_298], %select_n3A_296 {strides = array<i32>} : memref<81x128xf32, #tpu.memory_space<vmem>>, vector<16xf32>,
      %max3A_300 = arith.maximumf %max3A_280, %select_n3A_296 : vector<16xf32>
      scf.yield %max3A_300 : vector<16xf32>
    }
    %scan3A_13 = arith.constant 81 : i32
    %swap3A = arith.constant 0 : index
    %swap3A_14 = tpu.vector_load %arg15[%swap3A] {strides = array<i32>} : memref<16xf32, #tpu.memory_space<vmem>>, vector<16xf32>,
    tpu.vector_store %arg15[%swap3A], %scan3A_12 {strides = array<i32>} : memref<16xf32, #tpu.memory_space<vmem>>, vector<16xf32>,
    %swap3A_15 = arith.constant 0 : i32
    %swap3A_16 = arith.index_cast %swap3A_15 : i32 to index
    %swap3A_17 = arith.constant 0 : index
    %swap3A_18 = tpu.vector_load %arg16[%swap3A_16, %swap3A_17] {strides = array<i32>} : memref<1x16xf32, #tpu.memory_space<vmem>>, vector<16xf32>,
    tpu.vector_store %arg16[%swap3A_16, %swap3A_17], %scan3A_12 {strides = array<i32>} : memref<1x16xf32, #tpu.memory_space<vmem>>, vector<16xf32>,
    %mul3A_19 = arith.constant 16 : i32
    %mul3A_20 = arith.muli %add3A, %mul3A_19 : i32
    "tpu.region"() ({
      %run_scoped3A = tpu.sem_alloc : memref<!tpu.dma_semaphore, #tpu.memory_space<semaphore_mem>>
      %dma_start3A = tpu.memref_slice %arg8[%mul3A_20] : memref<512xf32, #tpu.memory_space<hbm>> -> memref<16xf32, #tpu.memory_space<hbm>>
      %dma_start3A_142 = tpu.memref_slice %arg8[%mul3A_20] : memref<512xf32, #tpu.memory_space<hbm>> -> memref<16xf32, #tpu.memory_space<hbm>>
      tpu.enqueue_dma source(%arg15 : memref<16xf32, #tpu.memory_space<vmem>>) target(%dma_start3A_142 : memref<16xf32, #tpu.memory_space<hbm>>) target_semaphore(%run_scoped3A : memref<!tpu.dma_semaphore, #tpu.memory_space<semaphore_mem>>)
      %dma_wait3A = tpu.memref_slice %arg8[%mul3A_20] : memref<512xf32, #tpu.memory_space<hbm>> -> memref<16xf32, #tpu.memory_space<hbm>>
      %dma_wait3A_143 = tpu.memref_slice %arg8[%mul3A_20] : memref<512xf32, #tpu.memory_space<hbm>> -> memref<16xf32, #tpu.memory_space<hbm>>
      tpu.wait_dma2 semaphore(%run_scoped3A : memref<!tpu.dma_semaphore, #tpu.memory_space<semaphore_mem>>) src(%arg15 : memref<16xf32, #tpu.memory_space<vmem>>) dst(%dma_wait3A_143 : memref<16xf32, #tpu.memory_space<hbm>>)
      tpu.yield
    }) : () -> ()
    "tpu.region"() ({
      %run_scoped3A = tpu.sem_alloc : memref<!tpu.dma_semaphore, #tpu.memory_space<semaphore_mem>>
      %dma_start3A = arith.constant 0 : i32
      %dma_start3A_142 = arith.constant 0 : i32
      %dma_start3A_143 = tpu.memref_slice %arg18[%arg1, %dma_start3A, %dma_start3A_142] : memref<16x1x16xf32, #tpu.memory_space<vmem_shared>> -> memref<1x1x16xf32, #tpu.memory_space<vmem_shared>>
      %dma_start3A_144 = tpu.memref_squeeze %dma_start3A_143 : memref<1x1x16xf32, #tpu.memory_space<vmem_shared>> -> memref<1x16xf32, #tpu.memory_space<vmem_shared>>
      %dma_start3A_145 = arith.constant 0 : i32
      %dma_start3A_146 = arith.constant 0 : i32
      %dma_start3A_147 = tpu.memref_slice %arg18[%arg1, %dma_start3A_145, %dma_start3A_146] : memref<16x1x16xf32, #tpu.memory_space<vmem_shared>> -> memref<1x1x16xf32, #tpu.memory_space<vmem_shared>>
      %dma_start3A_148 = tpu.memref_squeeze %dma_start3A_147 : memref<1x1x16xf32, #tpu.memory_space<vmem_shared>> -> memref<1x16xf32, #tpu.memory_space<vmem_shared>>
      tpu.enqueue_dma source(%arg16 : memref<1x16xf32, #tpu.memory_space<vmem>>) target(%dma_start3A_148 : memref<1x16xf32, #tpu.memory_space<vmem_shared>>) target_semaphore(%run_scoped3A : memref<!tpu.dma_semaphore, #tpu.memory_space<semaphore_mem>>)
      %dma_wait3A = arith.constant 0 : i32
      %dma_wait3A_149 = arith.constant 0 : i32
      %dma_wait3A_150 = tpu.memref_slice %arg18[%arg1, %dma_wait3A, %dma_wait3A_149] : memref<16x1x16xf32, #tpu.memory_space<vmem_shared>> -> memref<1x1x16xf32, #tpu.memory_space<vmem_shared>>
      %dma_wait3A_151 = tpu.memref_squeeze %dma_wait3A_150 : memref<1x1x16xf32, #tpu.memory_space<vmem_shared>> -> memref<1x16xf32, #tpu.memory_space<vmem_shared>>
      %dma_wait3A_152 = arith.constant 0 : i32
      %dma_wait3A_153 = arith.constant 0 : i32
      %dma_wait3A_154 = tpu.memref_slice %arg18[%arg1, %dma_wait3A_152, %dma_wait3A_153] : memref<16x1x16xf32, #tpu.memory_space<vmem_shared>> -> memref<1x1x16xf32, #tpu.memory_space<vmem_shared>>
      %dma_wait3A_155 = tpu.memref_squeeze %dma_wait3A_154 : memref<1x1x16xf32, #tpu.memory_space<vmem_shared>> -> memref<1x16xf32, #tpu.memory_space<vmem_shared>>
      tpu.wait_dma2 semaphore(%run_scoped3A : memref<!tpu.dma_semaphore, #tpu.memory_space<semaphore_mem>>) src(%arg16 : memref<1x16xf32, #tpu.memory_space<vmem>>) dst(%dma_wait3A_155 : memref<1x16xf32, #tpu.memory_space<vmem_shared>>)
      tpu.yield
    }) : () -> ()
    %barrier3A = arith.constant 0 : index
    tpu.barrier barrier_id(%barrier3A)
    "tpu.region"() ({
      %run_scoped3A = tpu.sem_alloc : memref<!tpu.dma_semaphore, #tpu.memory_space<semaphore_mem>>
      tpu.enqueue_dma source(%arg18 : memref<16x1x16xf32, #tpu.memory_space<vmem_shared>>) target(%arg17 : memref<16x1x16xf32, #tpu.memory_space<vmem>>) target_semaphore(%run_scoped3A : memref<!tpu.dma_semaphore, #tpu.memory_space<semaphore_mem>>)
      tpu.wait_dma2 semaphore(%run_scoped3A : memref<!tpu.dma_semaphore, #tpu.memory_space<semaphore_mem>>) src(%arg18 : memref<16x1x16xf32, #tpu.memory_space<vmem_shared>>) dst(%arg17 : memref<16x1x16xf32, #tpu.memory_space<vmem>>)
      tpu.yield
    }) : () -> ()
    %get3A = arith.constant 0 : i32
    %get3A_21 = arith.constant 0 : i32
    %get3A_22 = arith.index_cast %get3A : i32 to index
    %get3A_23 = arith.index_cast %get3A_21 : i32 to index
    %get3A_24 = arith.constant 0 : index
    %get3A_25 = tpu.vector_load %arg17[%get3A_22, %get3A_23, %get3A_24] {strides = array<i32>} : memref<16x1x16xf32, #tpu.memory_space<vmem>>, vector<16xf32>,
    %get3A_26 = arith.constant 1 : i32
    %get3A_27 = arith.constant 0 : i32
    %get3A_28 = arith.index_cast %get3A_26 : i32 to index
    %get3A_29 = arith.index_cast %get3A_27 : i32 to index
    %get3A_30 = arith.constant 0 : index
    %get3A_31 = tpu.vector_load %arg17[%get3A_28, %get3A_29, %get3A_30] {strides = array<i32>} : memref<16x1x16xf32, #tpu.memory_space<vmem>>, vector<16xf32>,
    %max3A = arith.maximumf %get3A_25, %get3A_31 : vector<16xf32>
    %get3A_32 = arith.constant 2 : i32
    %get3A_33 = arith.constant 0 : i32
    %get3A_34 = arith.index_cast %get3A_32 : i32 to index
    %get3A_35 = arith.index_cast %get3A_33 : i32 to index
    %get3A_36 = arith.constant 0 : index
    %get3A_37 = tpu.vector_load %arg17[%get3A_34, %get3A_35, %get3A_36] {strides = array<i32>} : memref<16x1x16xf32, #tpu.memory_space<vmem>>, vector<16xf32>,
    %max3A_38 = arith.maximumf %max3A, %get3A_37 : vector<16xf32>
    %get3A_39 = arith.constant 3 : i32
    %get3A_40 = arith.constant 0 : i32
    %get3A_41 = arith.index_cast %get3A_39 : i32 to index
    %get3A_42 = arith.index_cast %get3A_40 : i32 to index
    %get3A_43 = arith.constant 0 : index
    %get3A_44 = tpu.vector_load %arg17[%get3A_41, %get3A_42, %get3A_43] {strides = array<i32>} : memref<16x1x16xf32, #tpu.memory_space<vmem>>, vector<16xf32>,
    %max3A_45 = arith.maximumf %max3A_38, %get3A_44 : vector<16xf32>
    %get3A_46 = arith.constant 4 : i32
    %get3A_47 = arith.constant 0 : i32
    %get3A_48 = arith.index_cast %get3A_46 : i32 to index
    %get3A_49 = arith.index_cast %get3A_47 : i32 to index
    %get3A_50 = arith.constant 0 : index
    %get3A_51 = tpu.vector_load %arg17[%get3A_48, %get3A_49, %get3A_50] {strides = array<i32>} : memref<16x1x16xf32, #tpu.memory_space<vmem>>, vector<16xf32>,
    %max3A_52 = arith.maximumf %max3A_45, %get3A_51 : vector<16xf32>
    %get3A_53 = arith.constant 5 : i32
    %get3A_54 = arith.constant 0 : i32
    %get3A_55 = arith.index_cast %get3A_53 : i32 to index
    %get3A_56 = arith.index_cast %get3A_54 : i32 to index
    %get3A_57 = arith.constant 0 : index
    %get3A_58 = tpu.vector_load %arg17[%get3A_55, %get3A_56, %get3A_57] {strides = array<i32>} : memref<16x1x16xf32, #tpu.memory_space<vmem>>, vector<16xf32>,
    %max3A_59 = arith.maximumf %max3A_52, %get3A_58 : vector<16xf32>
    %get3A_60 = arith.constant 6 : i32
    %get3A_61 = arith.constant 0 : i32
    %get3A_62 = arith.index_cast %get3A_60 : i32 to index
    %get3A_63 = arith.index_cast %get3A_61 : i32 to index
    %get3A_64 = arith.constant 0 : index
    %get3A_65 = tpu.vector_load %arg17[%get3A_62, %get3A_63, %get3A_64] {strides = array<i32>} : memref<16x1x16xf32, #tpu.memory_space<vmem>>, vector<16xf32>,
    %max3A_66 = arith.maximumf %max3A_59, %get3A_65 : vector<16xf32>
    %get3A_67 = arith.constant 7 : i32
    %get3A_68 = arith.constant 0 : i32
    %get3A_69 = arith.index_cast %get3A_67 : i32 to index
    %get3A_70 = arith.index_cast %get3A_68 : i32 to index
    %get3A_71 = arith.constant 0 : index
    %get3A_72 = tpu.vector_load %arg17[%get3A_69, %get3A_70, %get3A_71] {strides = array<i32>} : memref<16x1x16xf32, #tpu.memory_space<vmem>>, vector<16xf32>,
    %max3A_73 = arith.maximumf %max3A_66, %get3A_72 : vector<16xf32>
    %get3A_74 = arith.constant 8 : i32
    %get3A_75 = arith.constant 0 : i32
    %get3A_76 = arith.index_cast %get3A_74 : i32 to index
    %get3A_77 = arith.index_cast %get3A_75 : i32 to index
    %get3A_78 = arith.constant 0 : index
    %get3A_79 = tpu.vector_load %arg17[%get3A_76, %get3A_77, %get3A_78] {strides = array<i32>} : memref<16x1x16xf32, #tpu.memory_space<vmem>>, vector<16xf32>,
    %max3A_80 = arith.maximumf %max3A_73, %get3A_79 : vector<16xf32>
    %get3A_81 = arith.constant 9 : i32
    %get3A_82 = arith.constant 0 : i32
    %get3A_83 = arith.index_cast %get3A_81 : i32 to index
    %get3A_84 = arith.index_cast %get3A_82 : i32 to index
    %get3A_85 = arith.constant 0 : index
    %get3A_86 = tpu.vector_load %arg17[%get3A_83, %get3A_84, %get3A_85] {strides = array<i32>} : memref<16x1x16xf32, #tpu.memory_space<vmem>>, vector<16xf32>,
    %max3A_87 = arith.maximumf %max3A_80, %get3A_86 : vector<16xf32>
    %get3A_88 = arith.constant 10 : i32
    %get3A_89 = arith.constant 0 : i32
    %get3A_90 = arith.index_cast %get3A_88 : i32 to index
    %get3A_91 = arith.index_cast %get3A_89 : i32 to index
    %get3A_92 = arith.constant 0 : index
    %get3A_93 = tpu.vector_load %arg17[%get3A_90, %get3A_91, %get3A_92] {strides = array<i32>} : memref<16x1x16xf32, #tpu.memory_space<vmem>>, vector<16xf32>,
    %max3A_94 = arith.maximumf %max3A_87, %get3A_93 : vector<16xf32>
    %get3A_95 = arith.constant 11 : i32
    %get3A_96 = arith.constant 0 : i32
    %get3A_97 = arith.index_cast %get3A_95 : i32 to index
    %get3A_98 = arith.index_cast %get3A_96 : i32 to index
    %get3A_99 = arith.constant 0 : index
    %get3A_100 = tpu.vector_load %arg17[%get3A_97, %get3A_98, %get3A_99] {strides = array<i32>} : memref<16x1x16xf32, #tpu.memory_space<vmem>>, vector<16xf32>,
    %max3A_101 = arith.maximumf %max3A_94, %get3A_100 : vector<16xf32>
    %get3A_102 = arith.constant 12 : i32
    %get3A_103 = arith.constant 0 : i32
    %get3A_104 = arith.index_cast %get3A_102 : i32 to index
    %get3A_105 = arith.index_cast %get3A_103 : i32 to index
    %get3A_106 = arith.constant 0 : index
    %get3A_107 = tpu.vector_load %arg17[%get3A_104, %get3A_105, %get3A_106] {strides = array<i32>} : memref<16x1x16xf32, #tpu.memory_space<vmem>>, vector<16xf32>,
    %max3A_108 = arith.maximumf %max3A_101, %get3A_107 : vector<16xf32>
    %get3A_109 = arith.constant 13 : i32
    %get3A_110 = arith.constant 0 : i32
    %get3A_111 = arith.index_cast %get3A_109 : i32 to index
    %get3A_112 = arith.index_cast %get3A_110 : i32 to index
    %get3A_113 = arith.constant 0 : index
    %get3A_114 = tpu.vector_load %arg17[%get3A_111, %get3A_112, %get3A_113] {strides = array<i32>} : memref<16x1x16xf32, #tpu.memory_space<vmem>>, vector<16xf32>,
    %max3A_115 = arith.maximumf %max3A_108, %get3A_114 : vector<16xf32>
    %get3A_116 = arith.constant 14 : i32
    %get3A_117 = arith.constant 0 : i32
    %get3A_118 = arith.index_cast %get3A_116 : i32 to index
    %get3A_119 = arith.index_cast %get3A_117 : i32 to index
    %get3A_120 = arith.constant 0 : index
    %get3A_121 = tpu.vector_load %arg17[%get3A_118, %get3A_119, %get3A_120] {strides = array<i32>} : memref<16x1x16xf32, #tpu.memory_space<vmem>>, vector<16xf32>,
    %max3A_122 = arith.maximumf %max3A_115, %get3A_121 : vector<16xf32>
    %get3A_123 = arith.constant 15 : i32
    %get3A_124 = arith.constant 0 : i32
    %get3A_125 = arith.index_cast %get3A_123 : i32 to index
    %get3A_126 = arith.index_cast %get3A_124 : i32 to index
    %get3A_127 = arith.constant 0 : index
    %get3A_128 = tpu.vector_load %arg17[%get3A_125, %get3A_126, %get3A_127] {strides = array<i32>} : memref<16x1x16xf32, #tpu.memory_space<vmem>>, vector<16xf32>,
    %max3A_129 = arith.maximumf %max3A_122, %get3A_128 : vector<16xf32>
    %reduce_max3A = arith.constant true
    %reduce_max3A_130 = vector.broadcast %reduce_max3A : i1 to vector<16xi1>
    %reduce_max3A_131 = tpu.scan <max>, %max3A_129 masked %reduce_max3A_130 : vector<16xf32>, vector<16xi1> -> vector<16xf32>
    %reduce_max3A_132 = vector.extract %reduce_max3A_131[15] : f32 from vector<16xf32>
    %scan3A_133 = arith.constant 0 : i32
    %scan3A_134 = arith.constant 0 : i32
    %scan3A_135 = arith.constant 81 : i32
    %scan3A_136 = arith.addi %scan3A_134, %scan3A_135 : i32
    %scan3A_137 = arith.constant 1 : i32
    %scan3A_138 = scf.for %scan3A_142 = %scan3A_134 to %scan3A_136 step %scan3A_137 iter_args(%scan3A_143 = %scan3A_133) -> (i32)  : i32 {
      %mul3A_144 = arith.constant 128 : i32
      %mul3A_145 = arith.muli %scan3A_142, %mul3A_144 : i32
      %add3A_146 = arith.constant 0 : i32
      %add3A_147 = arith.addi %mul3A_145, %add3A_146 : i32
      %broadcast_in_dim3A_148 = vector.broadcast %add3A_147 : i32 to vector<16xi32>
      %lt3A = arith.constant 10000 : i32
      %lt3A_149 = vector.broadcast %lt3A : i32 to vector<16xi32>
      %lt3A_150 = arith.cmpi slt, %broadcast_in_dim3A_148, %lt3A_149 : vector<16xi32>
      %get3A_151 = arith.index_cast %scan3A_142 : i32 to index
      %get3A_152 = arith.constant 0 : index
      %get3A_153 = tpu.vector_load %arg11[%get3A_151, %get3A_152] {strides = array<i32>} : memref<81x128xf32, #tpu.memory_space<vmem>>, vector<16xf32>,
      %sub3A = vector.broadcast %reduce_max3A_132 : f32 to vector<16xf32>
      %sub3A_154 = arith.subf %get3A_153, %sub3A : vector<16xf32>
      %exp3A = math.exp %sub3A_154 : vector<16xf32>
      %jit3A = arith.constant 0.000000e+00 : f32
      %broadcast_in_dim3A_155 = vector.broadcast %jit3A : f32 to vector<16xf32>
      %select_n3A = arith.select %lt3A_150, %exp3A, %broadcast_in_dim3A_155 : vector<16xi1>, vector<16xf32>
      %swap3A_156 = arith.index_cast %scan3A_142 : i32 to index
      %swap3A_157 = arith.constant 0 : index
      %swap3A_158 = tpu.vector_load %arg11[%swap3A_156, %swap3A_157] {strides = array<i32>} : memref<81x128xf32, #tpu.memory_space<vmem>>, vector<16xf32>,
      tpu.vector_store %arg11[%swap3A_156, %swap3A_157], %select_n3A {strides = array<i32>} : memref<81x128xf32, #tpu.memory_space<vmem>>, vector<16xf32>,
      %get3A_159 = arith.index_cast %scan3A_142 : i32 to index
      %get3A_160 = arith.constant 0 : index
      %get3A_161 = tpu.vector_load %arg10[%get3A_159, %get3A_160] {strides = array<i32>} : memref<81x128xi32, #tpu.memory_space<vmem>>, vector<16xi32>,
      tpu.vector_store_idx %arg14[%get3A_161], %select_n3A {add = true} : memref<10000xf32, #tpu.memory_space<vmem>>[vector<16xi32>], vector<16xf32>,
      %mul3A_162 = arith.constant 128 : i32
      %mul3A_163 = arith.muli %scan3A_142, %mul3A_162 : i32
      %add3A_164 = arith.constant 16 : i32
      %add3A_165 = arith.addi %mul3A_163, %add3A_164 : i32
      %broadcast_in_dim3A_166 = vector.broadcast %add3A_165 : i32 to vector<16xi32>
      %lt3A_167 = arith.constant 10000 : i32
      %lt3A_168 = vector.broadcast %lt3A_167 : i32 to vector<16xi32>
      %lt3A_169 = arith.cmpi slt, %broadcast_in_dim3A_166, %lt3A_168 : vector<16xi32>
      %get3A_170 = arith.index_cast %scan3A_142 : i32 to index
      %get3A_171 = arith.constant 16 : index
      %get3A_172 = tpu.vector_load %arg11[%get3A_170, %get3A_171] {strides = array<i32>} : memref<81x128xf32, #tpu.memory_space<vmem>>, vector<16xf32>,
      %sub3A_173 = vector.broadcast %reduce_max3A_132 : f32 to vector<16xf32>
      %sub3A_174 = arith.subf %get3A_172, %sub3A_173 : vector<16xf32>
      %exp3A_175 = math.exp %sub3A_174 : vector<16xf32>
      %jit3A_176 = arith.constant 0.000000e+00 : f32
      %broadcast_in_dim3A_177 = vector.broadcast %jit3A_176 : f32 to vector<16xf32>
      %select_n3A_178 = arith.select %lt3A_169, %exp3A_175, %broadcast_in_dim3A_177 : vector<16xi1>, vector<16xf32>
      %swap3A_179 = arith.index_cast %scan3A_142 : i32 to index
      %swap3A_180 = arith.constant 16 : index
      %swap3A_181 = tpu.vector_load %arg11[%swap3A_179, %swap3A_180] {strides = array<i32>} : memref<81x128xf32, #tpu.memory_space<vmem>>, vector<16xf32>,
      tpu.vector_store %arg11[%swap3A_179, %swap3A_180], %select_n3A_178 {strides = array<i32>} : memref<81x128xf32, #tpu.memory_space<vmem>>, vector<16xf32>,
      %get3A_182 = arith.index_cast %scan3A_142 : i32 to index
      %get3A_183 = arith.constant 16 : index
      %get3A_184 = tpu.vector_load %arg10[%get3A_182, %get3A_183] {strides = array<i32>} : memref<81x128xi32, #tpu.memory_space<vmem>>, vector<16xi32>,
      tpu.vector_store_idx %arg14[%get3A_184], %select_n3A_178 {add = true} : memref<10000xf32, #tpu.memory_space<vmem>>[vector<16xi32>], vector<16xf32>,
      %mul3A_185 = arith.constant 128 : i32
      %mul3A_186 = arith.muli %scan3A_142, %mul3A_185 : i32
      %add3A_187 = arith.constant 32 : i32
      %add3A_188 = arith.addi %mul3A_186, %add3A_187 : i32
      %broadcast_in_dim3A_189 = vector.broadcast %add3A_188 : i32 to vector<16xi32>
      %lt3A_190 = arith.constant 10000 : i32
      %lt3A_191 = vector.broadcast %lt3A_190 : i32 to vector<16xi32>
      %lt3A_192 = arith.cmpi slt, %broadcast_in_dim3A_189, %lt3A_191 : vector<16xi32>
      %get3A_193 = arith.index_cast %scan3A_142 : i32 to index
      %get3A_194 = arith.constant 32 : index
      %get3A_195 = tpu.vector_load %arg11[%get3A_193, %get3A_194] {strides = array<i32>} : memref<81x128xf32, #tpu.memory_space<vmem>>, vector<16xf32>,
      %sub3A_196 = vector.broadcast %reduce_max3A_132 : f32 to vector<16xf32>
      %sub3A_197 = arith.subf %get3A_195, %sub3A_196 : vector<16xf32>
      %exp3A_198 = math.exp %sub3A_197 : vector<16xf32>
      %jit3A_199 = arith.constant 0.000000e+00 : f32
      %broadcast_in_dim3A_200 = vector.broadcast %jit3A_199 : f32 to vector<16xf32>
      %select_n3A_201 = arith.select %lt3A_192, %exp3A_198, %broadcast_in_dim3A_200 : vector<16xi1>, vector<16xf32>
      %swap3A_202 = arith.index_cast %scan3A_142 : i32 to index
      %swap3A_203 = arith.constant 32 : index
      %swap3A_204 = tpu.vector_load %arg11[%swap3A_202, %swap3A_203] {strides = array<i32>} : memref<81x128xf32, #tpu.memory_space<vmem>>, vector<16xf32>,
      tpu.vector_store %arg11[%swap3A_202, %swap3A_203], %select_n3A_201 {strides = array<i32>} : memref<81x128xf32, #tpu.memory_space<vmem>>, vector<16xf32>,
      %get3A_205 = arith.index_cast %scan3A_142 : i32 to index
      %get3A_206 = arith.constant 32 : index
      %get3A_207 = tpu.vector_load %arg10[%get3A_205, %get3A_206] {strides = array<i32>} : memref<81x128xi32, #tpu.memory_space<vmem>>, vector<16xi32>,
      tpu.vector_store_idx %arg14[%get3A_207], %select_n3A_201 {add = true} : memref<10000xf32, #tpu.memory_space<vmem>>[vector<16xi32>], vector<16xf32>,
      %mul3A_208 = arith.constant 128 : i32
      %mul3A_209 = arith.muli %scan3A_142, %mul3A_208 : i32
      %add3A_210 = arith.constant 48 : i32
      %add3A_211 = arith.addi %mul3A_209, %add3A_210 : i32
      %broadcast_in_dim3A_212 = vector.broadcast %add3A_211 : i32 to vector<16xi32>
      %lt3A_213 = arith.constant 10000 : i32
      %lt3A_214 = vector.broadcast %lt3A_213 : i32 to vector<16xi32>
      %lt3A_215 = arith.cmpi slt, %broadcast_in_dim3A_212, %lt3A_214 : vector<16xi32>
      %get3A_216 = arith.index_cast %scan3A_142 : i32 to index
      %get3A_217 = arith.constant 48 : index
      %get3A_218 = tpu.vector_load %arg11[%get3A_216, %get3A_217] {strides = array<i32>} : memref<81x128xf32, #tpu.memory_space<vmem>>, vector<16xf32>,
      %sub3A_219 = vector.broadcast %reduce_max3A_132 : f32 to vector<16xf32>
      %sub3A_220 = arith.subf %get3A_218, %sub3A_219 : vector<16xf32>
      %exp3A_221 = math.exp %sub3A_220 : vector<16xf32>
      %jit3A_222 = arith.constant 0.000000e+00 : f32
      %broadcast_in_dim3A_223 = vector.broadcast %jit3A_222 : f32 to vector<16xf32>
      %select_n3A_224 = arith.select %lt3A_215, %exp3A_221, %broadcast_in_dim3A_223 : vector<16xi1>, vector<16xf32>
      %swap3A_225 = arith.index_cast %scan3A_142 : i32 to index
      %swap3A_226 = arith.constant 48 : index
      %swap3A_227 = tpu.vector_load %arg11[%swap3A_225, %swap3A_226] {strides = array<i32>} : memref<81x128xf32, #tpu.memory_space<vmem>>, vector<16xf32>,
      tpu.vector_store %arg11[%swap3A_225, %swap3A_226], %select_n3A_224 {strides = array<i32>} : memref<81x128xf32, #tpu.memory_space<vmem>>, vector<16xf32>,
      %get3A_228 = arith.index_cast %scan3A_142 : i32 to index
      %get3A_229 = arith.constant 48 : index
      %get3A_230 = tpu.vector_load %arg10[%get3A_228, %get3A_229] {strides = array<i32>} : memref<81x128xi32, #tpu.memory_space<vmem>>, vector<16xi32>,
      tpu.vector_store_idx %arg14[%get3A_230], %select_n3A_224 {add = true} : memref<10000xf32, #tpu.memory_space<vmem>>[vector<16xi32>], vector<16xf32>,
      %mul3A_231 = arith.constant 128 : i32
      %mul3A_232 = arith.muli %scan3A_142, %mul3A_231 : i32
      %add3A_233 = arith.constant 64 : i32
      %add3A_234 = arith.addi %mul3A_232, %add3A_233 : i32
      %broadcast_in_dim3A_235 = vector.broadcast %add3A_234 : i32 to vector<16xi32>
      %lt3A_236 = arith.constant 10000 : i32
      %lt3A_237 = vector.broadcast %lt3A_236 : i32 to vector<16xi32>
      %lt3A_238 = arith.cmpi slt, %broadcast_in_dim3A_235, %lt3A_237 : vector<16xi32>
      %get3A_239 = arith.index_cast %scan3A_142 : i32 to index
      %get3A_240 = arith.constant 64 : index
      %get3A_241 = tpu.vector_load %arg11[%get3A_239, %get3A_240] {strides = array<i32>} : memref<81x128xf32, #tpu.memory_space<vmem>>, vector<16xf32>,
      %sub3A_242 = vector.broadcast %reduce_max3A_132 : f32 to vector<16xf32>
      %sub3A_243 = arith.subf %get3A_241, %sub3A_242 : vector<16xf32>
      %exp3A_244 = math.exp %sub3A_243 : vector<16xf32>
      %jit3A_245 = arith.constant 0.000000e+00 : f32
      %broadcast_in_dim3A_246 = vector.broadcast %jit3A_245 : f32 to vector<16xf32>
      %select_n3A_247 = arith.select %lt3A_238, %exp3A_244, %broadcast_in_dim3A_246 : vector<16xi1>, vector<16xf32>
      %swap3A_248 = arith.index_cast %scan3A_142 : i32 to index
      %swap3A_249 = arith.constant 64 : index
      %swap3A_250 = tpu.vector_load %arg11[%swap3A_248, %swap3A_249] {strides = array<i32>} : memref<81x128xf32, #tpu.memory_space<vmem>>, vector<16xf32>,
      tpu.vector_store %arg11[%swap3A_248, %swap3A_249], %select_n3A_247 {strides = array<i32>} : memref<81x128xf32, #tpu.memory_space<vmem>>, vector<16xf32>,
      %get3A_251 = arith.index_cast %scan3A_142 : i32 to index
      %get3A_252 = arith.constant 64 : index
      %get3A_253 = tpu.vector_load %arg10[%get3A_251, %get3A_252] {strides = array<i32>} : memref<81x128xi32, #tpu.memory_space<vmem>>, vector<16xi32>,
      tpu.vector_store_idx %arg14[%get3A_253], %select_n3A_247 {add = true} : memref<10000xf32, #tpu.memory_space<vmem>>[vector<16xi32>], vector<16xf32>,
      %mul3A_254 = arith.constant 128 : i32
      %mul3A_255 = arith.muli %scan3A_142, %mul3A_254 : i32
      %add3A_256 = arith.constant 80 : i32
      %add3A_257 = arith.addi %mul3A_255, %add3A_256 : i32
      %broadcast_in_dim3A_258 = vector.broadcast %add3A_257 : i32 to vector<16xi32>
      %lt3A_259 = arith.constant 10000 : i32
      %lt3A_260 = vector.broadcast %lt3A_259 : i32 to vector<16xi32>
      %lt3A_261 = arith.cmpi slt, %broadcast_in_dim3A_258, %lt3A_260 : vector<16xi32>
      %get3A_262 = arith.index_cast %scan3A_142 : i32 to index
      %get3A_263 = arith.constant 80 : index
      %get3A_264 = tpu.vector_load %arg11[%get3A_262, %get3A_263] {strides = array<i32>} : memref<81x128xf32, #tpu.memory_space<vmem>>, vector<16xf32>,
      %sub3A_265 = vector.broadcast %reduce_max3A_132 : f32 to vector<16xf32>
      %sub3A_266 = arith.subf %get3A_264, %sub3A_265 : vector<16xf32>
      %exp3A_267 = math.exp %sub3A_266 : vector<16xf32>
      %jit3A_268 = arith.constant 0.000000e+00 : f32
      %broadcast_in_dim3A_269 = vector.broadcast %jit3A_268 : f32 to vector<16xf32>
      %select_n3A_270 = arith.select %lt3A_261, %exp3A_267, %broadcast_in_dim3A_269 : vector<16xi1>, vector<16xf32>
      %swap3A_271 = arith.index_cast %scan3A_142 : i32 to index
      %swap3A_272 = arith.constant 80 : index
      %swap3A_273 = tpu.vector_load %arg11[%swap3A_271, %swap3A_272] {strides = array<i32>} : memref<81x128xf32, #tpu.memory_space<vmem>>, vector<16xf32>,
      tpu.vector_store %arg11[%swap3A_271, %swap3A_272], %select_n3A_270 {strides = array<i32>} : memref<81x128xf32, #tpu.memory_space<vmem>>, vector<16xf32>,
      %get3A_274 = arith.index_cast %scan3A_142 : i32 to index
      %get3A_275 = arith.constant 80 : index
      %get3A_276 = tpu.vector_load %arg10[%get3A_274, %get3A_275] {strides = array<i32>} : memref<81x128xi32, #tpu.memory_space<vmem>>, vector<16xi32>,
      tpu.vector_store_idx %arg14[%get3A_276], %select_n3A_270 {add = true} : memref<10000xf32, #tpu.memory_space<vmem>>[vector<16xi32>], vector<16xf32>,
      %mul3A_277 = arith.constant 128 : i32
      %mul3A_278 = arith.muli %scan3A_142, %mul3A_277 : i32
      %add3A_279 = arith.constant 96 : i32
      %add3A_280 = arith.addi %mul3A_278, %add3A_279 : i32
      %broadcast_in_dim3A_281 = vector.broadcast %add3A_280 : i32 to vector<16xi32>
      %lt3A_282 = arith.constant 10000 : i32
      %lt3A_283 = vector.broadcast %lt3A_282 : i32 to vector<16xi32>
      %lt3A_284 = arith.cmpi slt, %broadcast_in_dim3A_281, %lt3A_283 : vector<16xi32>
      %get3A_285 = arith.index_cast %scan3A_142 : i32 to index
      %get3A_286 = arith.constant 96 : index
      %get3A_287 = tpu.vector_load %arg11[%get3A_285, %get3A_286] {strides = array<i32>} : memref<81x128xf32, #tpu.memory_space<vmem>>, vector<16xf32>,
      %sub3A_288 = vector.broadcast %reduce_max3A_132 : f32 to vector<16xf32>
      %sub3A_289 = arith.subf %get3A_287, %sub3A_288 : vector<16xf32>
      %exp3A_290 = math.exp %sub3A_289 : vector<16xf32>
      %jit3A_291 = arith.constant 0.000000e+00 : f32
      %broadcast_in_dim3A_292 = vector.broadcast %jit3A_291 : f32 to vector<16xf32>
      %select_n3A_293 = arith.select %lt3A_284, %exp3A_290, %broadcast_in_dim3A_292 : vector<16xi1>, vector<16xf32>
      %swap3A_294 = arith.index_cast %scan3A_142 : i32 to index
      %swap3A_295 = arith.constant 96 : index
      %swap3A_296 = tpu.vector_load %arg11[%swap3A_294, %swap3A_295] {strides = array<i32>} : memref<81x128xf32, #tpu.memory_space<vmem>>, vector<16xf32>,
      tpu.vector_store %arg11[%swap3A_294, %swap3A_295], %select_n3A_293 {strides = array<i32>} : memref<81x128xf32, #tpu.memory_space<vmem>>, vector<16xf32>,
      %get3A_297 = arith.index_cast %scan3A_142 : i32 to index
      %get3A_298 = arith.constant 96 : index
      %get3A_299 = tpu.vector_load %arg10[%get3A_297, %get3A_298] {strides = array<i32>} : memref<81x128xi32, #tpu.memory_space<vmem>>, vector<16xi32>,
      tpu.vector_store_idx %arg14[%get3A_299], %select_n3A_293 {add = true} : memref<10000xf32, #tpu.memory_space<vmem>>[vector<16xi32>], vector<16xf32>,
      %mul3A_300 = arith.constant 128 : i32
      %mul3A_301 = arith.muli %scan3A_142, %mul3A_300 : i32
      %add3A_302 = arith.constant 112 : i32
      %add3A_303 = arith.addi %mul3A_301, %add3A_302 : i32
      %broadcast_in_dim3A_304 = vector.broadcast %add3A_303 : i32 to vector<16xi32>
      %lt3A_305 = arith.constant 10000 : i32
      %lt3A_306 = vector.broadcast %lt3A_305 : i32 to vector<16xi32>
      %lt3A_307 = arith.cmpi slt, %broadcast_in_dim3A_304, %lt3A_306 : vector<16xi32>
      %get3A_308 = arith.index_cast %scan3A_142 : i32 to index
      %get3A_309 = arith.constant 112 : index
      %get3A_310 = tpu.vector_load %arg11[%get3A_308, %get3A_309] {strides = array<i32>} : memref<81x128xf32, #tpu.memory_space<vmem>>, vector<16xf32>,
      %sub3A_311 = vector.broadcast %reduce_max3A_132 : f32 to vector<16xf32>
      %sub3A_312 = arith.subf %get3A_310, %sub3A_311 : vector<16xf32>
      %exp3A_313 = math.exp %sub3A_312 : vector<16xf32>
      %jit3A_314 = arith.constant 0.000000e+00 : f32
      %broadcast_in_dim3A_315 = vector.broadcast %jit3A_314 : f32 to vector<16xf32>
      %select_n3A_316 = arith.select %lt3A_307, %exp3A_313, %broadcast_in_dim3A_315 : vector<16xi1>, vector<16xf32>
      %swap3A_317 = arith.index_cast %scan3A_142 : i32 to index
      %swap3A_318 = arith.constant 112 : index
      %swap3A_319 = tpu.vector_load %arg11[%swap3A_317, %swap3A_318] {strides = array<i32>} : memref<81x128xf32, #tpu.memory_space<vmem>>, vector<16xf32>,
      tpu.vector_store %arg11[%swap3A_317, %swap3A_318], %select_n3A_316 {strides = array<i32>} : memref<81x128xf32, #tpu.memory_space<vmem>>, vector<16xf32>,
      %get3A_320 = arith.index_cast %scan3A_142 : i32 to index
      %get3A_321 = arith.constant 112 : index
      %get3A_322 = tpu.vector_load %arg10[%get3A_320, %get3A_321] {strides = array<i32>} : memref<81x128xi32, #tpu.memory_space<vmem>>, vector<16xi32>,
      tpu.vector_store_idx %arg14[%get3A_322], %select_n3A_316 {add = true} : memref<10000xf32, #tpu.memory_space<vmem>>[vector<16xi32>], vector<16xf32>,
      %scan3A_323 = arith.constant 0 : i32
      scf.yield %scan3A_323 : i32
    }
    %scan3A_139 = arith.constant 81 : i32
    %mul3A_140 = arith.constant 10000 : i32
    %mul3A_141 = arith.muli %add3A, %mul3A_140 : i32
    "tpu.region"() ({
      %run_scoped3A = tpu.sem_alloc : memref<!tpu.dma_semaphore, #tpu.memory_space<semaphore_mem>>
      %dma_start3A = tpu.memref_slice %arg7[%mul3A_141] : memref<320000xf32, #tpu.memory_space<hbm>> -> memref<10000xf32, #tpu.memory_space<hbm>>
      %dma_start3A_142 = tpu.memref_slice %arg7[%mul3A_141] : memref<320000xf32, #tpu.memory_space<hbm>> -> memref<10000xf32, #tpu.memory_space<hbm>>
      tpu.enqueue_dma source(%arg14 : memref<10000xf32, #tpu.memory_space<vmem>>) target(%dma_start3A_142 : memref<10000xf32, #tpu.memory_space<hbm>>) target_semaphore(%run_scoped3A : memref<!tpu.dma_semaphore, #tpu.memory_space<semaphore_mem>>)
      %dma_wait3A = tpu.memref_slice %arg7[%mul3A_141] : memref<320000xf32, #tpu.memory_space<hbm>> -> memref<10000xf32, #tpu.memory_space<hbm>>
      %dma_wait3A_143 = tpu.memref_slice %arg7[%mul3A_141] : memref<320000xf32, #tpu.memory_space<hbm>> -> memref<10000xf32, #tpu.memory_space<hbm>>
      tpu.wait_dma2 semaphore(%run_scoped3A : memref<!tpu.dma_semaphore, #tpu.memory_space<semaphore_mem>>) src(%arg14 : memref<10000xf32, #tpu.memory_space<vmem>>) dst(%dma_wait3A_143 : memref<10000xf32, #tpu.memory_space<hbm>>)
      tpu.yield
    }) : () -> ()
    "tpu.region"() ({
      %run_scoped3A = tpu.sem_alloc : memref<!tpu.dma_semaphore, #tpu.memory_space<semaphore_mem>>
      %dma_start3A = arith.constant 0 : i32
      %dma_start3A_142 = arith.constant 0 : i32
      %dma_start3A_143 = tpu.memref_slice %arg6[%add3A, %dma_start3A, %dma_start3A_142] : memref<32x81x128xf32, #tpu.memory_space<hbm>> -> memref<1x81x128xf32, #tpu.memory_space<hbm>>
      %dma_start3A_144 = tpu.memref_squeeze %dma_start3A_143 : memref<1x81x128xf32, #tpu.memory_space<hbm>> -> memref<81x128xf32, #tpu.memory_space<hbm>>
      %dma_start3A_145 = arith.constant 0 : i32
      %dma_start3A_146 = arith.constant 0 : i32
      %dma_start3A_147 = tpu.memref_slice %arg6[%add3A, %dma_start3A_145, %dma_start3A_146] : memref<32x81x128xf32, #tpu.memory_space<hbm>> -> memref<1x81x128xf32, #tpu.memory_space<hbm>>
      %dma_start3A_148 = tpu.memref_squeeze %dma_start3A_147 : memref<1x81x128xf32, #tpu.memory_space<hbm>> -> memref<81x128xf32, #tpu.memory_space<hbm>>
      tpu.enqueue_dma source(%arg11 : memref<81x128xf32, #tpu.memory_space<vmem>>) target(%dma_start3A_148 : memref<81x128xf32, #tpu.memory_space<hbm>>) target_semaphore(%run_scoped3A : memref<!tpu.dma_semaphore, #tpu.memory_space<semaphore_mem>>)
      %dma_wait3A = arith.constant 0 : i32
      %dma_wait3A_149 = arith.constant 0 : i32
      %dma_wait3A_150 = tpu.memref_slice %arg6[%add3A, %dma_wait3A, %dma_wait3A_149] : memref<32x81x128xf32, #tpu.memory_space<hbm>> -> memref<1x81x128xf32, #tpu.memory_space<hbm>>
      %dma_wait3A_151 = tpu.memref_squeeze %dma_wait3A_150 : memref<1x81x128xf32, #tpu.memory_space<hbm>> -> memref<81x128xf32, #tpu.memory_space<hbm>>
      %dma_wait3A_152 = arith.constant 0 : i32
      %dma_wait3A_153 = arith.constant 0 : i32
      %dma_wait3A_154 = tpu.memref_slice %arg6[%add3A, %dma_wait3A_152, %dma_wait3A_153] : memref<32x81x128xf32, #tpu.memory_space<hbm>> -> memref<1x81x128xf32, #tpu.memory_space<hbm>>
      %dma_wait3A_155 = tpu.memref_squeeze %dma_wait3A_154 : memref<1x81x128xf32, #tpu.memory_space<hbm>> -> memref<81x128xf32, #tpu.memory_space<hbm>>
      tpu.wait_dma2 semaphore(%run_scoped3A : memref<!tpu.dma_semaphore, #tpu.memory_space<semaphore_mem>>) src(%arg11 : memref<81x128xf32, #tpu.memory_space<vmem>>) dst(%dma_wait3A_155 : memref<81x128xf32, #tpu.memory_space<hbm>>)
      tpu.yield
    }) : () -> ()
    return
  }
}

#map = affine_map<(d0, d1) -> (0, 0)>
#map1 = affine_map<(d0, d1) -> (0, 0, 0)>
module attributes {stable_mosaic.version = 14 : i64} {
  func.func @_sc_aggregate_body(%arg0: i32, %arg1: i32, %arg2: memref<2592x128xi32, #tpu.memory_space<hbm>>, %arg3: memref<2592x128xi32, #tpu.memory_space<hbm>>, %arg4: memref<2592x128xf32, #tpu.memory_space<hbm>>, %arg5: memref<10000x128xf32, #tpu.memory_space<hbm>>, %arg6: memref<2x10000x128xf32, #tpu.memory_space<hbm>>, %arg7: memref<128xi32, #tpu.memory_space<vmem>>, %arg8: memref<128xi32, #tpu.memory_space<vmem>>, %arg9: memref<128xf32, #tpu.memory_space<vmem>>, %arg10: memref<128x128xf32, #tpu.memory_space<vmem>>, %arg11: memref<10000x128xf32, #tpu.memory_space<vmem_shared>>) attributes {dimension_semantics = [#tpu.dimension_semantics<core_parallel>, #tpu.dimension_semantics<subcore_parallel>], iteration_bounds = array<i64: 2, 16>, scalar_prefetch = 0 : i64, scratch_operands = 5 : i64, tpu.core_type = #tpu.core_type<sc_vector_subcore>, window_params = [{transform_indices = #map}, {transform_indices = #map}, {transform_indices = #map}, {transform_indices = #map}, {transform_indices = #map1}]} {
    %mul3A = arith.constant 2 : i32
    %mul3A_0 = arith.muli %arg1, %mul3A : i32
    %add3A = arith.addi %mul3A_0, %arg0 : i32
    %mul3A_1 = arith.constant 81 : i32
    %mul3A_2 = arith.muli %add3A, %mul3A_1 : i32
    %scan3A = arith.constant 0 : i32
    %scan3A_3 = arith.constant 0 : i32
    %scan3A_4 = arith.constant 128 : i32
    %scan3A_5 = arith.addi %scan3A_3, %scan3A_4 : i32
    %scan3A_6 = arith.constant 1 : i32
    %scan3A_7 = scf.for %scan3A_80 = %scan3A_3 to %scan3A_5 step %scan3A_6 iter_args(%scan3A_81 = %scan3A) -> (i32)  : i32 {
      %broadcast_in_dim3A = arith.constant 0.000000e+00 : f32
      %broadcast_in_dim3A_82 = vector.broadcast %broadcast_in_dim3A : f32 to vector<16xf32>
      %swap3A = arith.index_cast %scan3A_80 : i32 to index
      %swap3A_83 = arith.constant 0 : index
      %swap3A_84 = tpu.vector_load %arg10[%swap3A, %swap3A_83] {strides = array<i32>} : memref<128x128xf32, #tpu.memory_space<vmem>>, vector<16xf32>,
      tpu.vector_store %arg10[%swap3A, %swap3A_83], %broadcast_in_dim3A_82 {strides = array<i32>} : memref<128x128xf32, #tpu.memory_space<vmem>>, vector<16xf32>,
      %broadcast_in_dim3A_85 = arith.constant 0.000000e+00 : f32
      %broadcast_in_dim3A_86 = vector.broadcast %broadcast_in_dim3A_85 : f32 to vector<16xf32>
      %swap3A_87 = arith.index_cast %scan3A_80 : i32 to index
      %swap3A_88 = arith.constant 16 : index
      %swap3A_89 = tpu.vector_load %arg10[%swap3A_87, %swap3A_88] {strides = array<i32>} : memref<128x128xf32, #tpu.memory_space<vmem>>, vector<16xf32>,
      tpu.vector_store %arg10[%swap3A_87, %swap3A_88], %broadcast_in_dim3A_86 {strides = array<i32>} : memref<128x128xf32, #tpu.memory_space<vmem>>, vector<16xf32>,
      %broadcast_in_dim3A_90 = arith.constant 0.000000e+00 : f32
      %broadcast_in_dim3A_91 = vector.broadcast %broadcast_in_dim3A_90 : f32 to vector<16xf32>
      %swap3A_92 = arith.index_cast %scan3A_80 : i32 to index
      %swap3A_93 = arith.constant 32 : index
      %swap3A_94 = tpu.vector_load %arg10[%swap3A_92, %swap3A_93] {strides = array<i32>} : memref<128x128xf32, #tpu.memory_space<vmem>>, vector<16xf32>,
      tpu.vector_store %arg10[%swap3A_92, %swap3A_93], %broadcast_in_dim3A_91 {strides = array<i32>} : memref<128x128xf32, #tpu.memory_space<vmem>>, vector<16xf32>,
      %broadcast_in_dim3A_95 = arith.constant 0.000000e+00 : f32
      %broadcast_in_dim3A_96 = vector.broadcast %broadcast_in_dim3A_95 : f32 to vector<16xf32>
      %swap3A_97 = arith.index_cast %scan3A_80 : i32 to index
      %swap3A_98 = arith.constant 48 : index
      %swap3A_99 = tpu.vector_load %arg10[%swap3A_97, %swap3A_98] {strides = array<i32>} : memref<128x128xf32, #tpu.memory_space<vmem>>, vector<16xf32>,
      tpu.vector_store %arg10[%swap3A_97, %swap3A_98], %broadcast_in_dim3A_96 {strides = array<i32>} : memref<128x128xf32, #tpu.memory_space<vmem>>, vector<16xf32>,
      %broadcast_in_dim3A_100 = arith.constant 0.000000e+00 : f32
      %broadcast_in_dim3A_101 = vector.broadcast %broadcast_in_dim3A_100 : f32 to vector<16xf32>
      %swap3A_102 = arith.index_cast %scan3A_80 : i32 to index
      %swap3A_103 = arith.constant 64 : index
      %swap3A_104 = tpu.vector_load %arg10[%swap3A_102, %swap3A_103] {strides = array<i32>} : memref<128x128xf32, #tpu.memory_space<vmem>>, vector<16xf32>,
      tpu.vector_store %arg10[%swap3A_102, %swap3A_103], %broadcast_in_dim3A_101 {strides = array<i32>} : memref<128x128xf32, #tpu.memory_space<vmem>>, vector<16xf32>,
      %broadcast_in_dim3A_105 = arith.constant 0.000000e+00 : f32
      %broadcast_in_dim3A_106 = vector.broadcast %broadcast_in_dim3A_105 : f32 to vector<16xf32>
      %swap3A_107 = arith.index_cast %scan3A_80 : i32 to index
      %swap3A_108 = arith.constant 80 : index
      %swap3A_109 = tpu.vector_load %arg10[%swap3A_107, %swap3A_108] {strides = array<i32>} : memref<128x128xf32, #tpu.memory_space<vmem>>, vector<16xf32>,
      tpu.vector_store %arg10[%swap3A_107, %swap3A_108], %broadcast_in_dim3A_106 {strides = array<i32>} : memref<128x128xf32, #tpu.memory_space<vmem>>, vector<16xf32>,
      %broadcast_in_dim3A_110 = arith.constant 0.000000e+00 : f32
      %broadcast_in_dim3A_111 = vector.broadcast %broadcast_in_dim3A_110 : f32 to vector<16xf32>
      %swap3A_112 = arith.index_cast %scan3A_80 : i32 to index
      %swap3A_113 = arith.constant 96 : index
      %swap3A_114 = tpu.vector_load %arg10[%swap3A_112, %swap3A_113] {strides = array<i32>} : memref<128x128xf32, #tpu.memory_space<vmem>>, vector<16xf32>,
      tpu.vector_store %arg10[%swap3A_112, %swap3A_113], %broadcast_in_dim3A_111 {strides = array<i32>} : memref<128x128xf32, #tpu.memory_space<vmem>>, vector<16xf32>,
      %broadcast_in_dim3A_115 = arith.constant 0.000000e+00 : f32
      %broadcast_in_dim3A_116 = vector.broadcast %broadcast_in_dim3A_115 : f32 to vector<16xf32>
      %swap3A_117 = arith.index_cast %scan3A_80 : i32 to index
      %swap3A_118 = arith.constant 112 : index
      %swap3A_119 = tpu.vector_load %arg10[%swap3A_117, %swap3A_118] {strides = array<i32>} : memref<128x128xf32, #tpu.memory_space<vmem>>, vector<16xf32>,
      tpu.vector_store %arg10[%swap3A_117, %swap3A_118], %broadcast_in_dim3A_116 {strides = array<i32>} : memref<128x128xf32, #tpu.memory_space<vmem>>, vector<16xf32>,
      %scan3A_120 = arith.constant 0 : i32
      scf.yield %scan3A_120 : i32
    }
    %scan3A_8 = arith.constant 128 : i32
    %mul3A_9 = arith.constant 624 : i32
    %mul3A_10 = arith.muli %arg1, %mul3A_9 : i32
    %add3A_11 = arith.constant 0 : i32
    %add3A_12 = arith.addi %mul3A_10, %add3A_11 : i32
    "tpu.region"() ({
      %run_scoped3A = tpu.sem_alloc : memref<!tpu.dma_semaphore, #tpu.memory_space<semaphore_mem>>
      %dma_start3A = arith.constant 0 : i32
      %dma_start3A_80 = arith.constant 0 : i32
      %dma_start3A_81 = tpu.memref_slice %arg10[%dma_start3A, %dma_start3A_80] : memref<128x128xf32, #tpu.memory_space<vmem>> -> memref<48x128xf32, #tpu.memory_space<vmem>>
      %dma_start3A_82 = arith.constant 0 : i32
      %dma_start3A_83 = tpu.memref_slice %arg11[%add3A_12, %dma_start3A_82] : memref<10000x128xf32, #tpu.memory_space<vmem_shared>> -> memref<48x128xf32, #tpu.memory_space<vmem_shared>>
      %dma_start3A_84 = arith.constant 0 : i32
      %dma_start3A_85 = tpu.memref_slice %arg11[%add3A_12, %dma_start3A_84] : memref<10000x128xf32, #tpu.memory_space<vmem_shared>> -> memref<48x128xf32, #tpu.memory_space<vmem_shared>>
      %dma_start3A_86 = arith.constant 0 : i32
      %dma_start3A_87 = arith.constant 0 : i32
      %dma_start3A_88 = tpu.memref_slice %arg10[%dma_start3A_86, %dma_start3A_87] : memref<128x128xf32, #tpu.memory_space<vmem>> -> memref<48x128xf32, #tpu.memory_space<vmem>>
      tpu.enqueue_dma source(%dma_start3A_88 : memref<48x128xf32, #tpu.memory_space<vmem>>) target(%dma_start3A_85 : memref<48x128xf32, #tpu.memory_space<vmem_shared>>) target_semaphore(%run_scoped3A : memref<!tpu.dma_semaphore, #tpu.memory_space<semaphore_mem>>)
      %dma_wait3A = arith.constant 0 : i32
      %dma_wait3A_89 = arith.constant 0 : i32
      %dma_wait3A_90 = tpu.memref_slice %arg10[%dma_wait3A, %dma_wait3A_89] : memref<128x128xf32, #tpu.memory_space<vmem>> -> memref<48x128xf32, #tpu.memory_space<vmem>>
      %dma_wait3A_91 = arith.constant 0 : i32
      %dma_wait3A_92 = tpu.memref_slice %arg11[%add3A_12, %dma_wait3A_91] : memref<10000x128xf32, #tpu.memory_space<vmem_shared>> -> memref<48x128xf32, #tpu.memory_space<vmem_shared>>
      %dma_wait3A_93 = arith.constant 0 : i32
      %dma_wait3A_94 = tpu.memref_slice %arg11[%add3A_12, %dma_wait3A_93] : memref<10000x128xf32, #tpu.memory_space<vmem_shared>> -> memref<48x128xf32, #tpu.memory_space<vmem_shared>>
      %dma_wait3A_95 = arith.constant 0 : i32
      %dma_wait3A_96 = arith.constant 0 : i32
      %dma_wait3A_97 = tpu.memref_slice %arg10[%dma_wait3A_95, %dma_wait3A_96] : memref<128x128xf32, #tpu.memory_space<vmem>> -> memref<48x128xf32, #tpu.memory_space<vmem>>
      tpu.wait_dma2 semaphore(%run_scoped3A : memref<!tpu.dma_semaphore, #tpu.memory_space<semaphore_mem>>) src(%dma_wait3A_97 : memref<48x128xf32, #tpu.memory_space<vmem>>) dst(%dma_wait3A_94 : memref<48x128xf32, #tpu.memory_space<vmem_shared>>)
      tpu.yield
    }) : () -> ()
    %mul3A_13 = arith.constant 624 : i32
    %mul3A_14 = arith.muli %arg1, %mul3A_13 : i32
    %add3A_15 = arith.constant 48 : i32
    %add3A_16 = arith.addi %mul3A_14, %add3A_15 : i32
    "tpu.region"() ({
      %run_scoped3A = tpu.sem_alloc : memref<!tpu.dma_semaphore, #tpu.memory_space<semaphore_mem>>
      %dma_start3A = arith.constant 0 : i32
      %dma_start3A_80 = arith.constant 0 : i32
      %dma_start3A_81 = tpu.memref_slice %arg10[%dma_start3A, %dma_start3A_80] : memref<128x128xf32, #tpu.memory_space<vmem>> -> memref<48x128xf32, #tpu.memory_space<vmem>>
      %dma_start3A_82 = arith.constant 0 : i32
      %dma_start3A_83 = tpu.memref_slice %arg11[%add3A_16, %dma_start3A_82] : memref<10000x128xf32, #tpu.memory_space<vmem_shared>> -> memref<48x128xf32, #tpu.memory_space<vmem_shared>>
      %dma_start3A_84 = arith.constant 0 : i32
      %dma_start3A_85 = tpu.memref_slice %arg11[%add3A_16, %dma_start3A_84] : memref<10000x128xf32, #tpu.memory_space<vmem_shared>> -> memref<48x128xf32, #tpu.memory_space<vmem_shared>>
      %dma_start3A_86 = arith.constant 0 : i32
      %dma_start3A_87 = arith.constant 0 : i32
      %dma_start3A_88 = tpu.memref_slice %arg10[%dma_start3A_86, %dma_start3A_87] : memref<128x128xf32, #tpu.memory_space<vmem>> -> memref<48x128xf32, #tpu.memory_space<vmem>>
      tpu.enqueue_dma source(%dma_start3A_88 : memref<48x128xf32, #tpu.memory_space<vmem>>) target(%dma_start3A_85 : memref<48x128xf32, #tpu.memory_space<vmem_shared>>) target_semaphore(%run_scoped3A : memref<!tpu.dma_semaphore, #tpu.memory_space<semaphore_mem>>)
      %dma_wait3A = arith.constant 0 : i32
      %dma_wait3A_89 = arith.constant 0 : i32
      %dma_wait3A_90 = tpu.memref_slice %arg10[%dma_wait3A, %dma_wait3A_89] : memref<128x128xf32, #tpu.memory_space<vmem>> -> memref<48x128xf32, #tpu.memory_space<vmem>>
      %dma_wait3A_91 = arith.constant 0 : i32
      %dma_wait3A_92 = tpu.memref_slice %arg11[%add3A_16, %dma_wait3A_91] : memref<10000x128xf32, #tpu.memory_space<vmem_shared>> -> memref<48x128xf32, #tpu.memory_space<vmem_shared>>
      %dma_wait3A_93 = arith.constant 0 : i32
      %dma_wait3A_94 = tpu.memref_slice %arg11[%add3A_16, %dma_wait3A_93] : memref<10000x128xf32, #tpu.memory_space<vmem_shared>> -> memref<48x128xf32, #tpu.memory_space<vmem_shared>>
      %dma_wait3A_95 = arith.constant 0 : i32
      %dma_wait3A_96 = arith.constant 0 : i32
      %dma_wait3A_97 = tpu.memref_slice %arg10[%dma_wait3A_95, %dma_wait3A_96] : memref<128x128xf32, #tpu.memory_space<vmem>> -> memref<48x128xf32, #tpu.memory_space<vmem>>
      tpu.wait_dma2 semaphore(%run_scoped3A : memref<!tpu.dma_semaphore, #tpu.memory_space<semaphore_mem>>) src(%dma_wait3A_97 : memref<48x128xf32, #tpu.memory_space<vmem>>) dst(%dma_wait3A_94 : memref<48x128xf32, #tpu.memory_space<vmem_shared>>)
      tpu.yield
    }) : () -> ()
    %mul3A_17 = arith.constant 624 : i32
    %mul3A_18 = arith.muli %arg1, %mul3A_17 : i32
    %add3A_19 = arith.constant 96 : i32
    %add3A_20 = arith.addi %mul3A_18, %add3A_19 : i32
    "tpu.region"() ({
      %run_scoped3A = tpu.sem_alloc : memref<!tpu.dma_semaphore, #tpu.memory_space<semaphore_mem>>
      %dma_start3A = arith.constant 0 : i32
      %dma_start3A_80 = arith.constant 0 : i32
      %dma_start3A_81 = tpu.memref_slice %arg10[%dma_start3A, %dma_start3A_80] : memref<128x128xf32, #tpu.memory_space<vmem>> -> memref<48x128xf32, #tpu.memory_space<vmem>>
      %dma_start3A_82 = arith.constant 0 : i32
      %dma_start3A_83 = tpu.memref_slice %arg11[%add3A_20, %dma_start3A_82] : memref<10000x128xf32, #tpu.memory_space<vmem_shared>> -> memref<48x128xf32, #tpu.memory_space<vmem_shared>>
      %dma_start3A_84 = arith.constant 0 : i32
      %dma_start3A_85 = tpu.memref_slice %arg11[%add3A_20, %dma_start3A_84] : memref<10000x128xf32, #tpu.memory_space<vmem_shared>> -> memref<48x128xf32, #tpu.memory_space<vmem_shared>>
      %dma_start3A_86 = arith.constant 0 : i32
      %dma_start3A_87 = arith.constant 0 : i32
      %dma_start3A_88 = tpu.memref_slice %arg10[%dma_start3A_86, %dma_start3A_87] : memref<128x128xf32, #tpu.memory_space<vmem>> -> memref<48x128xf32, #tpu.memory_space<vmem>>
      tpu.enqueue_dma source(%dma_start3A_88 : memref<48x128xf32, #tpu.memory_space<vmem>>) target(%dma_start3A_85 : memref<48x128xf32, #tpu.memory_space<vmem_shared>>) target_semaphore(%run_scoped3A : memref<!tpu.dma_semaphore, #tpu.memory_space<semaphore_mem>>)
      %dma_wait3A = arith.constant 0 : i32
      %dma_wait3A_89 = arith.constant 0 : i32
      %dma_wait3A_90 = tpu.memref_slice %arg10[%dma_wait3A, %dma_wait3A_89] : memref<128x128xf32, #tpu.memory_space<vmem>> -> memref<48x128xf32, #tpu.memory_space<vmem>>
      %dma_wait3A_91 = arith.constant 0 : i32
      %dma_wait3A_92 = tpu.memref_slice %arg11[%add3A_20, %dma_wait3A_91] : memref<10000x128xf32, #tpu.memory_space<vmem_shared>> -> memref<48x128xf32, #tpu.memory_space<vmem_shared>>
      %dma_wait3A_93 = arith.constant 0 : i32
      %dma_wait3A_94 = tpu.memref_slice %arg11[%add3A_20, %dma_wait3A_93] : memref<10000x128xf32, #tpu.memory_space<vmem_shared>> -> memref<48x128xf32, #tpu.memory_space<vmem_shared>>
      %dma_wait3A_95 = arith.constant 0 : i32
      %dma_wait3A_96 = arith.constant 0 : i32
      %dma_wait3A_97 = tpu.memref_slice %arg10[%dma_wait3A_95, %dma_wait3A_96] : memref<128x128xf32, #tpu.memory_space<vmem>> -> memref<48x128xf32, #tpu.memory_space<vmem>>
      tpu.wait_dma2 semaphore(%run_scoped3A : memref<!tpu.dma_semaphore, #tpu.memory_space<semaphore_mem>>) src(%dma_wait3A_97 : memref<48x128xf32, #tpu.memory_space<vmem>>) dst(%dma_wait3A_94 : memref<48x128xf32, #tpu.memory_space<vmem_shared>>)
      tpu.yield
    }) : () -> ()
    %mul3A_21 = arith.constant 624 : i32
    %mul3A_22 = arith.muli %arg1, %mul3A_21 : i32
    %add3A_23 = arith.constant 144 : i32
    %add3A_24 = arith.addi %mul3A_22, %add3A_23 : i32
    "tpu.region"() ({
      %run_scoped3A = tpu.sem_alloc : memref<!tpu.dma_semaphore, #tpu.memory_space<semaphore_mem>>
      %dma_start3A = arith.constant 0 : i32
      %dma_start3A_80 = arith.constant 0 : i32
      %dma_start3A_81 = tpu.memref_slice %arg10[%dma_start3A, %dma_start3A_80] : memref<128x128xf32, #tpu.memory_space<vmem>> -> memref<48x128xf32, #tpu.memory_space<vmem>>
      %dma_start3A_82 = arith.constant 0 : i32
      %dma_start3A_83 = tpu.memref_slice %arg11[%add3A_24, %dma_start3A_82] : memref<10000x128xf32, #tpu.memory_space<vmem_shared>> -> memref<48x128xf32, #tpu.memory_space<vmem_shared>>
      %dma_start3A_84 = arith.constant 0 : i32
      %dma_start3A_85 = tpu.memref_slice %arg11[%add3A_24, %dma_start3A_84] : memref<10000x128xf32, #tpu.memory_space<vmem_shared>> -> memref<48x128xf32, #tpu.memory_space<vmem_shared>>
      %dma_start3A_86 = arith.constant 0 : i32
      %dma_start3A_87 = arith.constant 0 : i32
      %dma_start3A_88 = tpu.memref_slice %arg10[%dma_start3A_86, %dma_start3A_87] : memref<128x128xf32, #tpu.memory_space<vmem>> -> memref<48x128xf32, #tpu.memory_space<vmem>>
      tpu.enqueue_dma source(%dma_start3A_88 : memref<48x128xf32, #tpu.memory_space<vmem>>) target(%dma_start3A_85 : memref<48x128xf32, #tpu.memory_space<vmem_shared>>) target_semaphore(%run_scoped3A : memref<!tpu.dma_semaphore, #tpu.memory_space<semaphore_mem>>)
      %dma_wait3A = arith.constant 0 : i32
      %dma_wait3A_89 = arith.constant 0 : i32
      %dma_wait3A_90 = tpu.memref_slice %arg10[%dma_wait3A, %dma_wait3A_89] : memref<128x128xf32, #tpu.memory_space<vmem>> -> memref<48x128xf32, #tpu.memory_space<vmem>>
      %dma_wait3A_91 = arith.constant 0 : i32
      %dma_wait3A_92 = tpu.memref_slice %arg11[%add3A_24, %dma_wait3A_91] : memref<10000x128xf32, #tpu.memory_space<vmem_shared>> -> memref<48x128xf32, #tpu.memory_space<vmem_shared>>
      %dma_wait3A_93 = arith.constant 0 : i32
      %dma_wait3A_94 = tpu.memref_slice %arg11[%add3A_24, %dma_wait3A_93] : memref<10000x128xf32, #tpu.memory_space<vmem_shared>> -> memref<48x128xf32, #tpu.memory_space<vmem_shared>>
      %dma_wait3A_95 = arith.constant 0 : i32
      %dma_wait3A_96 = arith.constant 0 : i32
      %dma_wait3A_97 = tpu.memref_slice %arg10[%dma_wait3A_95, %dma_wait3A_96] : memref<128x128xf32, #tpu.memory_space<vmem>> -> memref<48x128xf32, #tpu.memory_space<vmem>>
      tpu.wait_dma2 semaphore(%run_scoped3A : memref<!tpu.dma_semaphore, #tpu.memory_space<semaphore_mem>>) src(%dma_wait3A_97 : memref<48x128xf32, #tpu.memory_space<vmem>>) dst(%dma_wait3A_94 : memref<48x128xf32, #tpu.memory_space<vmem_shared>>)
      tpu.yield
    }) : () -> ()
    %mul3A_25 = arith.constant 624 : i32
    %mul3A_26 = arith.muli %arg1, %mul3A_25 : i32
    %add3A_27 = arith.constant 192 : i32
    %add3A_28 = arith.addi %mul3A_26, %add3A_27 : i32
    "tpu.region"() ({
      %run_scoped3A = tpu.sem_alloc : memref<!tpu.dma_semaphore, #tpu.memory_space<semaphore_mem>>
      %dma_start3A = arith.constant 0 : i32
      %dma_start3A_80 = arith.constant 0 : i32
      %dma_start3A_81 = tpu.memref_slice %arg10[%dma_start3A, %dma_start3A_80] : memref<128x128xf32, #tpu.memory_space<vmem>> -> memref<48x128xf32, #tpu.memory_space<vmem>>
      %dma_start3A_82 = arith.constant 0 : i32
      %dma_start3A_83 = tpu.memref_slice %arg11[%add3A_28, %dma_start3A_82] : memref<10000x128xf32, #tpu.memory_space<vmem_shared>> -> memref<48x128xf32, #tpu.memory_space<vmem_shared>>
      %dma_start3A_84 = arith.constant 0 : i32
      %dma_start3A_85 = tpu.memref_slice %arg11[%add3A_28, %dma_start3A_84] : memref<10000x128xf32, #tpu.memory_space<vmem_shared>> -> memref<48x128xf32, #tpu.memory_space<vmem_shared>>
      %dma_start3A_86 = arith.constant 0 : i32
      %dma_start3A_87 = arith.constant 0 : i32
      %dma_start3A_88 = tpu.memref_slice %arg10[%dma_start3A_86, %dma_start3A_87] : memref<128x128xf32, #tpu.memory_space<vmem>> -> memref<48x128xf32, #tpu.memory_space<vmem>>
      tpu.enqueue_dma source(%dma_start3A_88 : memref<48x128xf32, #tpu.memory_space<vmem>>) target(%dma_start3A_85 : memref<48x128xf32, #tpu.memory_space<vmem_shared>>) target_semaphore(%run_scoped3A : memref<!tpu.dma_semaphore, #tpu.memory_space<semaphore_mem>>)
      %dma_wait3A = arith.constant 0 : i32
      %dma_wait3A_89 = arith.constant 0 : i32
      %dma_wait3A_90 = tpu.memref_slice %arg10[%dma_wait3A, %dma_wait3A_89] : memref<128x128xf32, #tpu.memory_space<vmem>> -> memref<48x128xf32, #tpu.memory_space<vmem>>
      %dma_wait3A_91 = arith.constant 0 : i32
      %dma_wait3A_92 = tpu.memref_slice %arg11[%add3A_28, %dma_wait3A_91] : memref<10000x128xf32, #tpu.memory_space<vmem_shared>> -> memref<48x128xf32, #tpu.memory_space<vmem_shared>>
      %dma_wait3A_93 = arith.constant 0 : i32
      %dma_wait3A_94 = tpu.memref_slice %arg11[%add3A_28, %dma_wait3A_93] : memref<10000x128xf32, #tpu.memory_space<vmem_shared>> -> memref<48x128xf32, #tpu.memory_space<vmem_shared>>
      %dma_wait3A_95 = arith.constant 0 : i32
      %dma_wait3A_96 = arith.constant 0 : i32
      %dma_wait3A_97 = tpu.memref_slice %arg10[%dma_wait3A_95, %dma_wait3A_96] : memref<128x128xf32, #tpu.memory_space<vmem>> -> memref<48x128xf32, #tpu.memory_space<vmem>>
      tpu.wait_dma2 semaphore(%run_scoped3A : memref<!tpu.dma_semaphore, #tpu.memory_space<semaphore_mem>>) src(%dma_wait3A_97 : memref<48x128xf32, #tpu.memory_space<vmem>>) dst(%dma_wait3A_94 : memref<48x128xf32, #tpu.memory_space<vmem_shared>>)
      tpu.yield
    }) : () -> ()
    %mul3A_29 = arith.constant 624 : i32
    %mul3A_30 = arith.muli %arg1, %mul3A_29 : i32
    %add3A_31 = arith.constant 240 : i32
    %add3A_32 = arith.addi %mul3A_30, %add3A_31 : i32
    "tpu.region"() ({
      %run_scoped3A = tpu.sem_alloc : memref<!tpu.dma_semaphore, #tpu.memory_space<semaphore_mem>>
      %dma_start3A = arith.constant 0 : i32
      %dma_start3A_80 = arith.constant 0 : i32
      %dma_start3A_81 = tpu.memref_slice %arg10[%dma_start3A, %dma_start3A_80] : memref<128x128xf32, #tpu.memory_space<vmem>> -> memref<48x128xf32, #tpu.memory_space<vmem>>
      %dma_start3A_82 = arith.constant 0 : i32
      %dma_start3A_83 = tpu.memref_slice %arg11[%add3A_32, %dma_start3A_82] : memref<10000x128xf32, #tpu.memory_space<vmem_shared>> -> memref<48x128xf32, #tpu.memory_space<vmem_shared>>
      %dma_start3A_84 = arith.constant 0 : i32
      %dma_start3A_85 = tpu.memref_slice %arg11[%add3A_32, %dma_start3A_84] : memref<10000x128xf32, #tpu.memory_space<vmem_shared>> -> memref<48x128xf32, #tpu.memory_space<vmem_shared>>
      %dma_start3A_86 = arith.constant 0 : i32
      %dma_start3A_87 = arith.constant 0 : i32
      %dma_start3A_88 = tpu.memref_slice %arg10[%dma_start3A_86, %dma_start3A_87] : memref<128x128xf32, #tpu.memory_space<vmem>> -> memref<48x128xf32, #tpu.memory_space<vmem>>
      tpu.enqueue_dma source(%dma_start3A_88 : memref<48x128xf32, #tpu.memory_space<vmem>>) target(%dma_start3A_85 : memref<48x128xf32, #tpu.memory_space<vmem_shared>>) target_semaphore(%run_scoped3A : memref<!tpu.dma_semaphore, #tpu.memory_space<semaphore_mem>>)
      %dma_wait3A = arith.constant 0 : i32
      %dma_wait3A_89 = arith.constant 0 : i32
      %dma_wait3A_90 = tpu.memref_slice %arg10[%dma_wait3A, %dma_wait3A_89] : memref<128x128xf32, #tpu.memory_space<vmem>> -> memref<48x128xf32, #tpu.memory_space<vmem>>
      %dma_wait3A_91 = arith.constant 0 : i32
      %dma_wait3A_92 = tpu.memref_slice %arg11[%add3A_32, %dma_wait3A_91] : memref<10000x128xf32, #tpu.memory_space<vmem_shared>> -> memref<48x128xf32, #tpu.memory_space<vmem_shared>>
      %dma_wait3A_93 = arith.constant 0 : i32
      %dma_wait3A_94 = tpu.memref_slice %arg11[%add3A_32, %dma_wait3A_93] : memref<10000x128xf32, #tpu.memory_space<vmem_shared>> -> memref<48x128xf32, #tpu.memory_space<vmem_shared>>
      %dma_wait3A_95 = arith.constant 0 : i32
      %dma_wait3A_96 = arith.constant 0 : i32
      %dma_wait3A_97 = tpu.memref_slice %arg10[%dma_wait3A_95, %dma_wait3A_96] : memref<128x128xf32, #tpu.memory_space<vmem>> -> memref<48x128xf32, #tpu.memory_space<vmem>>
      tpu.wait_dma2 semaphore(%run_scoped3A : memref<!tpu.dma_semaphore, #tpu.memory_space<semaphore_mem>>) src(%dma_wait3A_97 : memref<48x128xf32, #tpu.memory_space<vmem>>) dst(%dma_wait3A_94 : memref<48x128xf32, #tpu.memory_space<vmem_shared>>)
      tpu.yield
    }) : () -> ()
    %mul3A_33 = arith.constant 624 : i32
    %mul3A_34 = arith.muli %arg1, %mul3A_33 : i32
    %add3A_35 = arith.constant 288 : i32
    %add3A_36 = arith.addi %mul3A_34, %add3A_35 : i32
    "tpu.region"() ({
      %run_scoped3A = tpu.sem_alloc : memref<!tpu.dma_semaphore, #tpu.memory_space<semaphore_mem>>
      %dma_start3A = arith.constant 0 : i32
      %dma_start3A_80 = arith.constant 0 : i32
      %dma_start3A_81 = tpu.memref_slice %arg10[%dma_start3A, %dma_start3A_80] : memref<128x128xf32, #tpu.memory_space<vmem>> -> memref<48x128xf32, #tpu.memory_space<vmem>>
      %dma_start3A_82 = arith.constant 0 : i32
      %dma_start3A_83 = tpu.memref_slice %arg11[%add3A_36, %dma_start3A_82] : memref<10000x128xf32, #tpu.memory_space<vmem_shared>> -> memref<48x128xf32, #tpu.memory_space<vmem_shared>>
      %dma_start3A_84 = arith.constant 0 : i32
      %dma_start3A_85 = tpu.memref_slice %arg11[%add3A_36, %dma_start3A_84] : memref<10000x128xf32, #tpu.memory_space<vmem_shared>> -> memref<48x128xf32, #tpu.memory_space<vmem_shared>>
      %dma_start3A_86 = arith.constant 0 : i32
      %dma_start3A_87 = arith.constant 0 : i32
      %dma_start3A_88 = tpu.memref_slice %arg10[%dma_start3A_86, %dma_start3A_87] : memref<128x128xf32, #tpu.memory_space<vmem>> -> memref<48x128xf32, #tpu.memory_space<vmem>>
      tpu.enqueue_dma source(%dma_start3A_88 : memref<48x128xf32, #tpu.memory_space<vmem>>) target(%dma_start3A_85 : memref<48x128xf32, #tpu.memory_space<vmem_shared>>) target_semaphore(%run_scoped3A : memref<!tpu.dma_semaphore, #tpu.memory_space<semaphore_mem>>)
      %dma_wait3A = arith.constant 0 : i32
      %dma_wait3A_89 = arith.constant 0 : i32
      %dma_wait3A_90 = tpu.memref_slice %arg10[%dma_wait3A, %dma_wait3A_89] : memref<128x128xf32, #tpu.memory_space<vmem>> -> memref<48x128xf32, #tpu.memory_space<vmem>>
      %dma_wait3A_91 = arith.constant 0 : i32
      %dma_wait3A_92 = tpu.memref_slice %arg11[%add3A_36, %dma_wait3A_91] : memref<10000x128xf32, #tpu.memory_space<vmem_shared>> -> memref<48x128xf32, #tpu.memory_space<vmem_shared>>
      %dma_wait3A_93 = arith.constant 0 : i32
      %dma_wait3A_94 = tpu.memref_slice %arg11[%add3A_36, %dma_wait3A_93] : memref<10000x128xf32, #tpu.memory_space<vmem_shared>> -> memref<48x128xf32, #tpu.memory_space<vmem_shared>>
      %dma_wait3A_95 = arith.constant 0 : i32
      %dma_wait3A_96 = arith.constant 0 : i32
      %dma_wait3A_97 = tpu.memref_slice %arg10[%dma_wait3A_95, %dma_wait3A_96] : memref<128x128xf32, #tpu.memory_space<vmem>> -> memref<48x128xf32, #tpu.memory_space<vmem>>
      tpu.wait_dma2 semaphore(%run_scoped3A : memref<!tpu.dma_semaphore, #tpu.memory_space<semaphore_mem>>) src(%dma_wait3A_97 : memref<48x128xf32, #tpu.memory_space<vmem>>) dst(%dma_wait3A_94 : memref<48x128xf32, #tpu.memory_space<vmem_shared>>)
      tpu.yield
    }) : () -> ()
    %mul3A_37 = arith.constant 624 : i32
    %mul3A_38 = arith.muli %arg1, %mul3A_37 : i32
    %add3A_39 = arith.constant 336 : i32
    %add3A_40 = arith.addi %mul3A_38, %add3A_39 : i32
    "tpu.region"() ({
      %run_scoped3A = tpu.sem_alloc : memref<!tpu.dma_semaphore, #tpu.memory_space<semaphore_mem>>
      %dma_start3A = arith.constant 0 : i32
      %dma_start3A_80 = arith.constant 0 : i32
      %dma_start3A_81 = tpu.memref_slice %arg10[%dma_start3A, %dma_start3A_80] : memref<128x128xf32, #tpu.memory_space<vmem>> -> memref<48x128xf32, #tpu.memory_space<vmem>>
      %dma_start3A_82 = arith.constant 0 : i32
      %dma_start3A_83 = tpu.memref_slice %arg11[%add3A_40, %dma_start3A_82] : memref<10000x128xf32, #tpu.memory_space<vmem_shared>> -> memref<48x128xf32, #tpu.memory_space<vmem_shared>>
      %dma_start3A_84 = arith.constant 0 : i32
      %dma_start3A_85 = tpu.memref_slice %arg11[%add3A_40, %dma_start3A_84] : memref<10000x128xf32, #tpu.memory_space<vmem_shared>> -> memref<48x128xf32, #tpu.memory_space<vmem_shared>>
      %dma_start3A_86 = arith.constant 0 : i32
      %dma_start3A_87 = arith.constant 0 : i32
      %dma_start3A_88 = tpu.memref_slice %arg10[%dma_start3A_86, %dma_start3A_87] : memref<128x128xf32, #tpu.memory_space<vmem>> -> memref<48x128xf32, #tpu.memory_space<vmem>>
      tpu.enqueue_dma source(%dma_start3A_88 : memref<48x128xf32, #tpu.memory_space<vmem>>) target(%dma_start3A_85 : memref<48x128xf32, #tpu.memory_space<vmem_shared>>) target_semaphore(%run_scoped3A : memref<!tpu.dma_semaphore, #tpu.memory_space<semaphore_mem>>)
      %dma_wait3A = arith.constant 0 : i32
      %dma_wait3A_89 = arith.constant 0 : i32
      %dma_wait3A_90 = tpu.memref_slice %arg10[%dma_wait3A, %dma_wait3A_89] : memref<128x128xf32, #tpu.memory_space<vmem>> -> memref<48x128xf32, #tpu.memory_space<vmem>>
      %dma_wait3A_91 = arith.constant 0 : i32
      %dma_wait3A_92 = tpu.memref_slice %arg11[%add3A_40, %dma_wait3A_91] : memref<10000x128xf32, #tpu.memory_space<vmem_shared>> -> memref<48x128xf32, #tpu.memory_space<vmem_shared>>
      %dma_wait3A_93 = arith.constant 0 : i32
      %dma_wait3A_94 = tpu.memref_slice %arg11[%add3A_40, %dma_wait3A_93] : memref<10000x128xf32, #tpu.memory_space<vmem_shared>> -> memref<48x128xf32, #tpu.memory_space<vmem_shared>>
      %dma_wait3A_95 = arith.constant 0 : i32
      %dma_wait3A_96 = arith.constant 0 : i32
      %dma_wait3A_97 = tpu.memref_slice %arg10[%dma_wait3A_95, %dma_wait3A_96] : memref<128x128xf32, #tpu.memory_space<vmem>> -> memref<48x128xf32, #tpu.memory_space<vmem>>
      tpu.wait_dma2 semaphore(%run_scoped3A : memref<!tpu.dma_semaphore, #tpu.memory_space<semaphore_mem>>) src(%dma_wait3A_97 : memref<48x128xf32, #tpu.memory_space<vmem>>) dst(%dma_wait3A_94 : memref<48x128xf32, #tpu.memory_space<vmem_shared>>)
      tpu.yield
    }) : () -> ()
    %mul3A_41 = arith.constant 624 : i32
    %mul3A_42 = arith.muli %arg1, %mul3A_41 : i32
    %add3A_43 = arith.constant 384 : i32
    %add3A_44 = arith.addi %mul3A_42, %add3A_43 : i32
    "tpu.region"() ({
      %run_scoped3A = tpu.sem_alloc : memref<!tpu.dma_semaphore, #tpu.memory_space<semaphore_mem>>
      %dma_start3A = arith.constant 0 : i32
      %dma_start3A_80 = arith.constant 0 : i32
      %dma_start3A_81 = tpu.memref_slice %arg10[%dma_start3A, %dma_start3A_80] : memref<128x128xf32, #tpu.memory_space<vmem>> -> memref<48x128xf32, #tpu.memory_space<vmem>>
      %dma_start3A_82 = arith.constant 0 : i32
      %dma_start3A_83 = tpu.memref_slice %arg11[%add3A_44, %dma_start3A_82] : memref<10000x128xf32, #tpu.memory_space<vmem_shared>> -> memref<48x128xf32, #tpu.memory_space<vmem_shared>>
      %dma_start3A_84 = arith.constant 0 : i32
      %dma_start3A_85 = tpu.memref_slice %arg11[%add3A_44, %dma_start3A_84] : memref<10000x128xf32, #tpu.memory_space<vmem_shared>> -> memref<48x128xf32, #tpu.memory_space<vmem_shared>>
      %dma_start3A_86 = arith.constant 0 : i32
      %dma_start3A_87 = arith.constant 0 : i32
      %dma_start3A_88 = tpu.memref_slice %arg10[%dma_start3A_86, %dma_start3A_87] : memref<128x128xf32, #tpu.memory_space<vmem>> -> memref<48x128xf32, #tpu.memory_space<vmem>>
      tpu.enqueue_dma source(%dma_start3A_88 : memref<48x128xf32, #tpu.memory_space<vmem>>) target(%dma_start3A_85 : memref<48x128xf32, #tpu.memory_space<vmem_shared>>) target_semaphore(%run_scoped3A : memref<!tpu.dma_semaphore, #tpu.memory_space<semaphore_mem>>)
      %dma_wait3A = arith.constant 0 : i32
      %dma_wait3A_89 = arith.constant 0 : i32
      %dma_wait3A_90 = tpu.memref_slice %arg10[%dma_wait3A, %dma_wait3A_89] : memref<128x128xf32, #tpu.memory_space<vmem>> -> memref<48x128xf32, #tpu.memory_space<vmem>>
      %dma_wait3A_91 = arith.constant 0 : i32
      %dma_wait3A_92 = tpu.memref_slice %arg11[%add3A_44, %dma_wait3A_91] : memref<10000x128xf32, #tpu.memory_space<vmem_shared>> -> memref<48x128xf32, #tpu.memory_space<vmem_shared>>
      %dma_wait3A_93 = arith.constant 0 : i32
      %dma_wait3A_94 = tpu.memref_slice %arg11[%add3A_44, %dma_wait3A_93] : memref<10000x128xf32, #tpu.memory_space<vmem_shared>> -> memref<48x128xf32, #tpu.memory_space<vmem_shared>>
      %dma_wait3A_95 = arith.constant 0 : i32
      %dma_wait3A_96 = arith.constant 0 : i32
      %dma_wait3A_97 = tpu.memref_slice %arg10[%dma_wait3A_95, %dma_wait3A_96] : memref<128x128xf32, #tpu.memory_space<vmem>> -> memref<48x128xf32, #tpu.memory_space<vmem>>
      tpu.wait_dma2 semaphore(%run_scoped3A : memref<!tpu.dma_semaphore, #tpu.memory_space<semaphore_mem>>) src(%dma_wait3A_97 : memref<48x128xf32, #tpu.memory_space<vmem>>) dst(%dma_wait3A_94 : memref<48x128xf32, #tpu.memory_space<vmem_shared>>)
      tpu.yield
    }) : () -> ()
    %mul3A_45 = arith.constant 624 : i32
    %mul3A_46 = arith.muli %arg1, %mul3A_45 : i32
    %add3A_47 = arith.constant 432 : i32
    %add3A_48 = arith.addi %mul3A_46, %add3A_47 : i32
    "tpu.region"() ({
      %run_scoped3A = tpu.sem_alloc : memref<!tpu.dma_semaphore, #tpu.memory_space<semaphore_mem>>
      %dma_start3A = arith.constant 0 : i32
      %dma_start3A_80 = arith.constant 0 : i32
      %dma_start3A_81 = tpu.memref_slice %arg10[%dma_start3A, %dma_start3A_80] : memref<128x128xf32, #tpu.memory_space<vmem>> -> memref<48x128xf32, #tpu.memory_space<vmem>>
      %dma_start3A_82 = arith.constant 0 : i32
      %dma_start3A_83 = tpu.memref_slice %arg11[%add3A_48, %dma_start3A_82] : memref<10000x128xf32, #tpu.memory_space<vmem_shared>> -> memref<48x128xf32, #tpu.memory_space<vmem_shared>>
      %dma_start3A_84 = arith.constant 0 : i32
      %dma_start3A_85 = tpu.memref_slice %arg11[%add3A_48, %dma_start3A_84] : memref<10000x128xf32, #tpu.memory_space<vmem_shared>> -> memref<48x128xf32, #tpu.memory_space<vmem_shared>>
      %dma_start3A_86 = arith.constant 0 : i32
      %dma_start3A_87 = arith.constant 0 : i32
      %dma_start3A_88 = tpu.memref_slice %arg10[%dma_start3A_86, %dma_start3A_87] : memref<128x128xf32, #tpu.memory_space<vmem>> -> memref<48x128xf32, #tpu.memory_space<vmem>>
      tpu.enqueue_dma source(%dma_start3A_88 : memref<48x128xf32, #tpu.memory_space<vmem>>) target(%dma_start3A_85 : memref<48x128xf32, #tpu.memory_space<vmem_shared>>) target_semaphore(%run_scoped3A : memref<!tpu.dma_semaphore, #tpu.memory_space<semaphore_mem>>)
      %dma_wait3A = arith.constant 0 : i32
      %dma_wait3A_89 = arith.constant 0 : i32
      %dma_wait3A_90 = tpu.memref_slice %arg10[%dma_wait3A, %dma_wait3A_89] : memref<128x128xf32, #tpu.memory_space<vmem>> -> memref<48x128xf32, #tpu.memory_space<vmem>>
      %dma_wait3A_91 = arith.constant 0 : i32
      %dma_wait3A_92 = tpu.memref_slice %arg11[%add3A_48, %dma_wait3A_91] : memref<10000x128xf32, #tpu.memory_space<vmem_shared>> -> memref<48x128xf32, #tpu.memory_space<vmem_shared>>
      %dma_wait3A_93 = arith.constant 0 : i32
      %dma_wait3A_94 = tpu.memref_slice %arg11[%add3A_48, %dma_wait3A_93] : memref<10000x128xf32, #tpu.memory_space<vmem_shared>> -> memref<48x128xf32, #tpu.memory_space<vmem_shared>>
      %dma_wait3A_95 = arith.constant 0 : i32
      %dma_wait3A_96 = arith.constant 0 : i32
      %dma_wait3A_97 = tpu.memref_slice %arg10[%dma_wait3A_95, %dma_wait3A_96] : memref<128x128xf32, #tpu.memory_space<vmem>> -> memref<48x128xf32, #tpu.memory_space<vmem>>
      tpu.wait_dma2 semaphore(%run_scoped3A : memref<!tpu.dma_semaphore, #tpu.memory_space<semaphore_mem>>) src(%dma_wait3A_97 : memref<48x128xf32, #tpu.memory_space<vmem>>) dst(%dma_wait3A_94 : memref<48x128xf32, #tpu.memory_space<vmem_shared>>)
      tpu.yield
    }) : () -> ()
    %mul3A_49 = arith.constant 624 : i32
    %mul3A_50 = arith.muli %arg1, %mul3A_49 : i32
    %add3A_51 = arith.constant 480 : i32
    %add3A_52 = arith.addi %mul3A_50, %add3A_51 : i32
    "tpu.region"() ({
      %run_scoped3A = tpu.sem_alloc : memref<!tpu.dma_semaphore, #tpu.memory_space<semaphore_mem>>
      %dma_start3A = arith.constant 0 : i32
      %dma_start3A_80 = arith.constant 0 : i32
      %dma_start3A_81 = tpu.memref_slice %arg10[%dma_start3A, %dma_start3A_80] : memref<128x128xf32, #tpu.memory_space<vmem>> -> memref<48x128xf32, #tpu.memory_space<vmem>>
      %dma_start3A_82 = arith.constant 0 : i32
      %dma_start3A_83 = tpu.memref_slice %arg11[%add3A_52, %dma_start3A_82] : memref<10000x128xf32, #tpu.memory_space<vmem_shared>> -> memref<48x128xf32, #tpu.memory_space<vmem_shared>>
      %dma_start3A_84 = arith.constant 0 : i32
      %dma_start3A_85 = tpu.memref_slice %arg11[%add3A_52, %dma_start3A_84] : memref<10000x128xf32, #tpu.memory_space<vmem_shared>> -> memref<48x128xf32, #tpu.memory_space<vmem_shared>>
      %dma_start3A_86 = arith.constant 0 : i32
      %dma_start3A_87 = arith.constant 0 : i32
      %dma_start3A_88 = tpu.memref_slice %arg10[%dma_start3A_86, %dma_start3A_87] : memref<128x128xf32, #tpu.memory_space<vmem>> -> memref<48x128xf32, #tpu.memory_space<vmem>>
      tpu.enqueue_dma source(%dma_start3A_88 : memref<48x128xf32, #tpu.memory_space<vmem>>) target(%dma_start3A_85 : memref<48x128xf32, #tpu.memory_space<vmem_shared>>) target_semaphore(%run_scoped3A : memref<!tpu.dma_semaphore, #tpu.memory_space<semaphore_mem>>)
      %dma_wait3A = arith.constant 0 : i32
      %dma_wait3A_89 = arith.constant 0 : i32
      %dma_wait3A_90 = tpu.memref_slice %arg10[%dma_wait3A, %dma_wait3A_89] : memref<128x128xf32, #tpu.memory_space<vmem>> -> memref<48x128xf32, #tpu.memory_space<vmem>>
      %dma_wait3A_91 = arith.constant 0 : i32
      %dma_wait3A_92 = tpu.memref_slice %arg11[%add3A_52, %dma_wait3A_91] : memref<10000x128xf32, #tpu.memory_space<vmem_shared>> -> memref<48x128xf32, #tpu.memory_space<vmem_shared>>
      %dma_wait3A_93 = arith.constant 0 : i32
      %dma_wait3A_94 = tpu.memref_slice %arg11[%add3A_52, %dma_wait3A_93] : memref<10000x128xf32, #tpu.memory_space<vmem_shared>> -> memref<48x128xf32, #tpu.memory_space<vmem_shared>>
      %dma_wait3A_95 = arith.constant 0 : i32
      %dma_wait3A_96 = arith.constant 0 : i32
      %dma_wait3A_97 = tpu.memref_slice %arg10[%dma_wait3A_95, %dma_wait3A_96] : memref<128x128xf32, #tpu.memory_space<vmem>> -> memref<48x128xf32, #tpu.memory_space<vmem>>
      tpu.wait_dma2 semaphore(%run_scoped3A : memref<!tpu.dma_semaphore, #tpu.memory_space<semaphore_mem>>) src(%dma_wait3A_97 : memref<48x128xf32, #tpu.memory_space<vmem>>) dst(%dma_wait3A_94 : memref<48x128xf32, #tpu.memory_space<vmem_shared>>)
      tpu.yield
    }) : () -> ()
    %mul3A_53 = arith.constant 624 : i32
    %mul3A_54 = arith.muli %arg1, %mul3A_53 : i32
    %add3A_55 = arith.constant 528 : i32
    %add3A_56 = arith.addi %mul3A_54, %add3A_55 : i32
    "tpu.region"() ({
      %run_scoped3A = tpu.sem_alloc : memref<!tpu.dma_semaphore, #tpu.memory_space<semaphore_mem>>
      %dma_start3A = arith.constant 0 : i32
      %dma_start3A_80 = arith.constant 0 : i32
      %dma_start3A_81 = tpu.memref_slice %arg10[%dma_start3A, %dma_start3A_80] : memref<128x128xf32, #tpu.memory_space<vmem>> -> memref<48x128xf32, #tpu.memory_space<vmem>>
      %dma_start3A_82 = arith.constant 0 : i32
      %dma_start3A_83 = tpu.memref_slice %arg11[%add3A_56, %dma_start3A_82] : memref<10000x128xf32, #tpu.memory_space<vmem_shared>> -> memref<48x128xf32, #tpu.memory_space<vmem_shared>>
      %dma_start3A_84 = arith.constant 0 : i32
      %dma_start3A_85 = tpu.memref_slice %arg11[%add3A_56, %dma_start3A_84] : memref<10000x128xf32, #tpu.memory_space<vmem_shared>> -> memref<48x128xf32, #tpu.memory_space<vmem_shared>>
      %dma_start3A_86 = arith.constant 0 : i32
      %dma_start3A_87 = arith.constant 0 : i32
      %dma_start3A_88 = tpu.memref_slice %arg10[%dma_start3A_86, %dma_start3A_87] : memref<128x128xf32, #tpu.memory_space<vmem>> -> memref<48x128xf32, #tpu.memory_space<vmem>>
      tpu.enqueue_dma source(%dma_start3A_88 : memref<48x128xf32, #tpu.memory_space<vmem>>) target(%dma_start3A_85 : memref<48x128xf32, #tpu.memory_space<vmem_shared>>) target_semaphore(%run_scoped3A : memref<!tpu.dma_semaphore, #tpu.memory_space<semaphore_mem>>)
      %dma_wait3A = arith.constant 0 : i32
      %dma_wait3A_89 = arith.constant 0 : i32
      %dma_wait3A_90 = tpu.memref_slice %arg10[%dma_wait3A, %dma_wait3A_89] : memref<128x128xf32, #tpu.memory_space<vmem>> -> memref<48x128xf32, #tpu.memory_space<vmem>>
      %dma_wait3A_91 = arith.constant 0 : i32
      %dma_wait3A_92 = tpu.memref_slice %arg11[%add3A_56, %dma_wait3A_91] : memref<10000x128xf32, #tpu.memory_space<vmem_shared>> -> memref<48x128xf32, #tpu.memory_space<vmem_shared>>
      %dma_wait3A_93 = arith.constant 0 : i32
      %dma_wait3A_94 = tpu.memref_slice %arg11[%add3A_56, %dma_wait3A_93] : memref<10000x128xf32, #tpu.memory_space<vmem_shared>> -> memref<48x128xf32, #tpu.memory_space<vmem_shared>>
      %dma_wait3A_95 = arith.constant 0 : i32
      %dma_wait3A_96 = arith.constant 0 : i32
      %dma_wait3A_97 = tpu.memref_slice %arg10[%dma_wait3A_95, %dma_wait3A_96] : memref<128x128xf32, #tpu.memory_space<vmem>> -> memref<48x128xf32, #tpu.memory_space<vmem>>
      tpu.wait_dma2 semaphore(%run_scoped3A : memref<!tpu.dma_semaphore, #tpu.memory_space<semaphore_mem>>) src(%dma_wait3A_97 : memref<48x128xf32, #tpu.memory_space<vmem>>) dst(%dma_wait3A_94 : memref<48x128xf32, #tpu.memory_space<vmem_shared>>)
      tpu.yield
    }) : () -> ()
    %mul3A_57 = arith.constant 624 : i32
    %mul3A_58 = arith.muli %arg1, %mul3A_57 : i32
    %add3A_59 = arith.constant 576 : i32
    %add3A_60 = arith.addi %mul3A_58, %add3A_59 : i32
    "tpu.region"() ({
      %run_scoped3A = tpu.sem_alloc : memref<!tpu.dma_semaphore, #tpu.memory_space<semaphore_mem>>
      %dma_start3A = arith.constant 0 : i32
      %dma_start3A_80 = arith.constant 0 : i32
      %dma_start3A_81 = tpu.memref_slice %arg10[%dma_start3A, %dma_start3A_80] : memref<128x128xf32, #tpu.memory_space<vmem>> -> memref<48x128xf32, #tpu.memory_space<vmem>>
      %dma_start3A_82 = arith.constant 0 : i32
      %dma_start3A_83 = tpu.memref_slice %arg11[%add3A_60, %dma_start3A_82] : memref<10000x128xf32, #tpu.memory_space<vmem_shared>> -> memref<48x128xf32, #tpu.memory_space<vmem_shared>>
      %dma_start3A_84 = arith.constant 0 : i32
      %dma_start3A_85 = tpu.memref_slice %arg11[%add3A_60, %dma_start3A_84] : memref<10000x128xf32, #tpu.memory_space<vmem_shared>> -> memref<48x128xf32, #tpu.memory_space<vmem_shared>>
      %dma_start3A_86 = arith.constant 0 : i32
      %dma_start3A_87 = arith.constant 0 : i32
      %dma_start3A_88 = tpu.memref_slice %arg10[%dma_start3A_86, %dma_start3A_87] : memref<128x128xf32, #tpu.memory_space<vmem>> -> memref<48x128xf32, #tpu.memory_space<vmem>>
      tpu.enqueue_dma source(%dma_start3A_88 : memref<48x128xf32, #tpu.memory_space<vmem>>) target(%dma_start3A_85 : memref<48x128xf32, #tpu.memory_space<vmem_shared>>) target_semaphore(%run_scoped3A : memref<!tpu.dma_semaphore, #tpu.memory_space<semaphore_mem>>)
      %dma_wait3A = arith.constant 0 : i32
      %dma_wait3A_89 = arith.constant 0 : i32
      %dma_wait3A_90 = tpu.memref_slice %arg10[%dma_wait3A, %dma_wait3A_89] : memref<128x128xf32, #tpu.memory_space<vmem>> -> memref<48x128xf32, #tpu.memory_space<vmem>>
      %dma_wait3A_91 = arith.constant 0 : i32
      %dma_wait3A_92 = tpu.memref_slice %arg11[%add3A_60, %dma_wait3A_91] : memref<10000x128xf32, #tpu.memory_space<vmem_shared>> -> memref<48x128xf32, #tpu.memory_space<vmem_shared>>
      %dma_wait3A_93 = arith.constant 0 : i32
      %dma_wait3A_94 = tpu.memref_slice %arg11[%add3A_60, %dma_wait3A_93] : memref<10000x128xf32, #tpu.memory_space<vmem_shared>> -> memref<48x128xf32, #tpu.memory_space<vmem_shared>>
      %dma_wait3A_95 = arith.constant 0 : i32
      %dma_wait3A_96 = arith.constant 0 : i32
      %dma_wait3A_97 = tpu.memref_slice %arg10[%dma_wait3A_95, %dma_wait3A_96] : memref<128x128xf32, #tpu.memory_space<vmem>> -> memref<48x128xf32, #tpu.memory_space<vmem>>
      tpu.wait_dma2 semaphore(%run_scoped3A : memref<!tpu.dma_semaphore, #tpu.memory_space<semaphore_mem>>) src(%dma_wait3A_97 : memref<48x128xf32, #tpu.memory_space<vmem>>) dst(%dma_wait3A_94 : memref<48x128xf32, #tpu.memory_space<vmem_shared>>)
      tpu.yield
    }) : () -> ()
    %eq3A = arith.constant 15 : i32
    %eq3A_61 = arith.cmpi eq, %arg1, %eq3A : i32
    %convert_element_type3A = arith.extui %eq3A_61 : i1 to i32
    %cond3A = arith.constant 0 : i32
    %cond3A_62 = arith.cmpi ne, %convert_element_type3A, %cond3A : i32
    scf.if %cond3A_62 {
      "tpu.region"() ({
        %run_scoped3A = tpu.sem_alloc : memref<!tpu.dma_semaphore, #tpu.memory_space<semaphore_mem>>
        %dma_start3A = arith.constant 0 : i32
        %dma_start3A_80 = arith.constant 0 : i32
        %dma_start3A_81 = tpu.memref_slice %arg10[%dma_start3A, %dma_start3A_80] : memref<128x128xf32, #tpu.memory_space<vmem>> -> memref<16x128xf32, #tpu.memory_space<vmem>>
        %dma_start3A_82 = arith.constant 9984 : i32
        %dma_start3A_83 = arith.constant 0 : i32
        %dma_start3A_84 = tpu.memref_slice %arg11[%dma_start3A_82, %dma_start3A_83] : memref<10000x128xf32, #tpu.memory_space<vmem_shared>> -> memref<16x128xf32, #tpu.memory_space<vmem_shared>>
        %dma_start3A_85 = arith.constant 9984 : i32
        %dma_start3A_86 = arith.constant 0 : i32
        %dma_start3A_87 = tpu.memref_slice %arg11[%dma_start3A_85, %dma_start3A_86] : memref<10000x128xf32, #tpu.memory_space<vmem_shared>> -> memref<16x128xf32, #tpu.memory_space<vmem_shared>>
        %dma_start3A_88 = arith.constant 0 : i32
        %dma_start3A_89 = arith.constant 0 : i32
        %dma_start3A_90 = tpu.memref_slice %arg10[%dma_start3A_88, %dma_start3A_89] : memref<128x128xf32, #tpu.memory_space<vmem>> -> memref<16x128xf32, #tpu.memory_space<vmem>>
        tpu.enqueue_dma source(%dma_start3A_90 : memref<16x128xf32, #tpu.memory_space<vmem>>) target(%dma_start3A_87 : memref<16x128xf32, #tpu.memory_space<vmem_shared>>) target_semaphore(%run_scoped3A : memref<!tpu.dma_semaphore, #tpu.memory_space<semaphore_mem>>)
        %dma_wait3A = arith.constant 0 : i32
        %dma_wait3A_91 = arith.constant 0 : i32
        %dma_wait3A_92 = tpu.memref_slice %arg10[%dma_wait3A, %dma_wait3A_91] : memref<128x128xf32, #tpu.memory_space<vmem>> -> memref<16x128xf32, #tpu.memory_space<vmem>>
        %dma_wait3A_93 = arith.constant 9984 : i32
        %dma_wait3A_94 = arith.constant 0 : i32
        %dma_wait3A_95 = tpu.memref_slice %arg11[%dma_wait3A_93, %dma_wait3A_94] : memref<10000x128xf32, #tpu.memory_space<vmem_shared>> -> memref<16x128xf32, #tpu.memory_space<vmem_shared>>
        %dma_wait3A_96 = arith.constant 9984 : i32
        %dma_wait3A_97 = arith.constant 0 : i32
        %dma_wait3A_98 = tpu.memref_slice %arg11[%dma_wait3A_96, %dma_wait3A_97] : memref<10000x128xf32, #tpu.memory_space<vmem_shared>> -> memref<16x128xf32, #tpu.memory_space<vmem_shared>>
        %dma_wait3A_99 = arith.constant 0 : i32
        %dma_wait3A_100 = arith.constant 0 : i32
        %dma_wait3A_101 = tpu.memref_slice %arg10[%dma_wait3A_99, %dma_wait3A_100] : memref<128x128xf32, #tpu.memory_space<vmem>> -> memref<16x128xf32, #tpu.memory_space<vmem>>
        tpu.wait_dma2 semaphore(%run_scoped3A : memref<!tpu.dma_semaphore, #tpu.memory_space<semaphore_mem>>) src(%dma_wait3A_101 : memref<16x128xf32, #tpu.memory_space<vmem>>) dst(%dma_wait3A_98 : memref<16x128xf32, #tpu.memory_space<vmem_shared>>)
        tpu.yield
      }) : () -> ()
    } else {
    }
    %barrier3A = arith.constant 0 : index
    tpu.barrier barrier_id(%barrier3A)
    %scan3A_63 = arith.constant 0 : i32
    %scan3A_64 = arith.constant 0 : i32
    %scan3A_65 = arith.constant 81 : i32
    %scan3A_66 = arith.addi %scan3A_64, %scan3A_65 : i32
    %scan3A_67 = arith.constant 1 : i32
    %scan3A_68 = scf.for %scan3A_80 = %scan3A_64 to %scan3A_66 step %scan3A_67 iter_args(%scan3A_81 = %scan3A_63) -> (i32)  : i32 {
      %add3A_82 = arith.addi %mul3A_2, %scan3A_80 : i32
      "tpu.region"() ({
        %run_scoped3A = tpu.sem_alloc : memref<!tpu.dma_semaphore, #tpu.memory_space<semaphore_mem>>
        %dma_start3A = arith.constant 0 : i32
        %dma_start3A_88 = tpu.memref_slice %arg2[%add3A_82, %dma_start3A] : memref<2592x128xi32, #tpu.memory_space<hbm>> -> memref<1x128xi32, #tpu.memory_space<hbm>>
        %dma_start3A_89 = tpu.memref_squeeze %dma_start3A_88 : memref<1x128xi32, #tpu.memory_space<hbm>> -> memref<128xi32, #tpu.memory_space<hbm>>
        %dma_start3A_90 = arith.constant 0 : i32
        %dma_start3A_91 = tpu.memref_slice %arg2[%add3A_82, %dma_start3A_90] : memref<2592x128xi32, #tpu.memory_space<hbm>> -> memref<1x128xi32, #tpu.memory_space<hbm>>
        %dma_start3A_92 = tpu.memref_squeeze %dma_start3A_91 : memref<1x128xi32, #tpu.memory_space<hbm>> -> memref<128xi32, #tpu.memory_space<hbm>>
        tpu.enqueue_dma source(%dma_start3A_92 : memref<128xi32, #tpu.memory_space<hbm>>) target(%arg7 : memref<128xi32, #tpu.memory_space<vmem>>) target_semaphore(%run_scoped3A : memref<!tpu.dma_semaphore, #tpu.memory_space<semaphore_mem>>)
        %dma_wait3A = arith.constant 0 : i32
        %dma_wait3A_93 = tpu.memref_slice %arg2[%add3A_82, %dma_wait3A] : memref<2592x128xi32, #tpu.memory_space<hbm>> -> memref<1x128xi32, #tpu.memory_space<hbm>>
        %dma_wait3A_94 = tpu.memref_squeeze %dma_wait3A_93 : memref<1x128xi32, #tpu.memory_space<hbm>> -> memref<128xi32, #tpu.memory_space<hbm>>
        %dma_wait3A_95 = arith.constant 0 : i32
        %dma_wait3A_96 = tpu.memref_slice %arg2[%add3A_82, %dma_wait3A_95] : memref<2592x128xi32, #tpu.memory_space<hbm>> -> memref<1x128xi32, #tpu.memory_space<hbm>>
        %dma_wait3A_97 = tpu.memref_squeeze %dma_wait3A_96 : memref<1x128xi32, #tpu.memory_space<hbm>> -> memref<128xi32, #tpu.memory_space<hbm>>
        tpu.wait_dma2 semaphore(%run_scoped3A : memref<!tpu.dma_semaphore, #tpu.memory_space<semaphore_mem>>) src(%dma_wait3A_97 : memref<128xi32, #tpu.memory_space<hbm>>) dst(%arg7 : memref<128xi32, #tpu.memory_space<vmem>>)
        tpu.yield
      }) : () -> ()
      %add3A_83 = arith.addi %mul3A_2, %scan3A_80 : i32
      "tpu.region"() ({
        %run_scoped3A = tpu.sem_alloc : memref<!tpu.dma_semaphore, #tpu.memory_space<semaphore_mem>>
        %dma_start3A = arith.constant 0 : i32
        %dma_start3A_88 = tpu.memref_slice %arg3[%add3A_83, %dma_start3A] : memref<2592x128xi32, #tpu.memory_space<hbm>> -> memref<1x128xi32, #tpu.memory_space<hbm>>
        %dma_start3A_89 = tpu.memref_squeeze %dma_start3A_88 : memref<1x128xi32, #tpu.memory_space<hbm>> -> memref<128xi32, #tpu.memory_space<hbm>>
        %dma_start3A_90 = arith.constant 0 : i32
        %dma_start3A_91 = tpu.memref_slice %arg3[%add3A_83, %dma_start3A_90] : memref<2592x128xi32, #tpu.memory_space<hbm>> -> memref<1x128xi32, #tpu.memory_space<hbm>>
        %dma_start3A_92 = tpu.memref_squeeze %dma_start3A_91 : memref<1x128xi32, #tpu.memory_space<hbm>> -> memref<128xi32, #tpu.memory_space<hbm>>
        tpu.enqueue_dma source(%dma_start3A_92 : memref<128xi32, #tpu.memory_space<hbm>>) target(%arg8 : memref<128xi32, #tpu.memory_space<vmem>>) target_semaphore(%run_scoped3A : memref<!tpu.dma_semaphore, #tpu.memory_space<semaphore_mem>>)
        %dma_wait3A = arith.constant 0 : i32
        %dma_wait3A_93 = tpu.memref_slice %arg3[%add3A_83, %dma_wait3A] : memref<2592x128xi32, #tpu.memory_space<hbm>> -> memref<1x128xi32, #tpu.memory_space<hbm>>
        %dma_wait3A_94 = tpu.memref_squeeze %dma_wait3A_93 : memref<1x128xi32, #tpu.memory_space<hbm>> -> memref<128xi32, #tpu.memory_space<hbm>>
        %dma_wait3A_95 = arith.constant 0 : i32
        %dma_wait3A_96 = tpu.memref_slice %arg3[%add3A_83, %dma_wait3A_95] : memref<2592x128xi32, #tpu.memory_space<hbm>> -> memref<1x128xi32, #tpu.memory_space<hbm>>
        %dma_wait3A_97 = tpu.memref_squeeze %dma_wait3A_96 : memref<1x128xi32, #tpu.memory_space<hbm>> -> memref<128xi32, #tpu.memory_space<hbm>>
        tpu.wait_dma2 semaphore(%run_scoped3A : memref<!tpu.dma_semaphore, #tpu.memory_space<semaphore_mem>>) src(%dma_wait3A_97 : memref<128xi32, #tpu.memory_space<hbm>>) dst(%arg8 : memref<128xi32, #tpu.memory_space<vmem>>)
        tpu.yield
      }) : () -> ()
      %add3A_84 = arith.addi %mul3A_2, %scan3A_80 : i32
      "tpu.region"() ({
        %run_scoped3A = tpu.sem_alloc : memref<!tpu.dma_semaphore, #tpu.memory_space<semaphore_mem>>
        %dma_start3A = arith.constant 0 : i32
        %dma_start3A_88 = tpu.memref_slice %arg4[%add3A_84, %dma_start3A] : memref<2592x128xf32, #tpu.memory_space<hbm>> -> memref<1x128xf32, #tpu.memory_space<hbm>>
        %dma_start3A_89 = tpu.memref_squeeze %dma_start3A_88 : memref<1x128xf32, #tpu.memory_space<hbm>> -> memref<128xf32, #tpu.memory_space<hbm>>
        %dma_start3A_90 = arith.constant 0 : i32
        %dma_start3A_91 = tpu.memref_slice %arg4[%add3A_84, %dma_start3A_90] : memref<2592x128xf32, #tpu.memory_space<hbm>> -> memref<1x128xf32, #tpu.memory_space<hbm>>
        %dma_start3A_92 = tpu.memref_squeeze %dma_start3A_91 : memref<1x128xf32, #tpu.memory_space<hbm>> -> memref<128xf32, #tpu.memory_space<hbm>>
        tpu.enqueue_dma source(%dma_start3A_92 : memref<128xf32, #tpu.memory_space<hbm>>) target(%arg9 : memref<128xf32, #tpu.memory_space<vmem>>) target_semaphore(%run_scoped3A : memref<!tpu.dma_semaphore, #tpu.memory_space<semaphore_mem>>)
        %dma_wait3A = arith.constant 0 : i32
        %dma_wait3A_93 = tpu.memref_slice %arg4[%add3A_84, %dma_wait3A] : memref<2592x128xf32, #tpu.memory_space<hbm>> -> memref<1x128xf32, #tpu.memory_space<hbm>>
        %dma_wait3A_94 = tpu.memref_squeeze %dma_wait3A_93 : memref<1x128xf32, #tpu.memory_space<hbm>> -> memref<128xf32, #tpu.memory_space<hbm>>
        %dma_wait3A_95 = arith.constant 0 : i32
        %dma_wait3A_96 = tpu.memref_slice %arg4[%add3A_84, %dma_wait3A_95] : memref<2592x128xf32, #tpu.memory_space<hbm>> -> memref<1x128xf32, #tpu.memory_space<hbm>>
        %dma_wait3A_97 = tpu.memref_squeeze %dma_wait3A_96 : memref<1x128xf32, #tpu.memory_space<hbm>> -> memref<128xf32, #tpu.memory_space<hbm>>
        tpu.wait_dma2 semaphore(%run_scoped3A : memref<!tpu.dma_semaphore, #tpu.memory_space<semaphore_mem>>) src(%dma_wait3A_97 : memref<128xf32, #tpu.memory_space<hbm>>) dst(%arg9 : memref<128xf32, #tpu.memory_space<vmem>>)
        tpu.yield
      }) : () -> ()
      "tpu.region"() ({
        %run_scoped3A = tpu.sem_alloc : memref<!tpu.dma_semaphore, #tpu.memory_space<semaphore_mem>>
        %dma_start3A = arith.constant 0 : i32
        %dma_start3A_88 = arith.constant 0 : i32
        %dma_start3A_89 = tpu.memref_slice %arg5[%dma_start3A, %dma_start3A_88] : memref<10000x128xf32, #tpu.memory_space<hbm>> -> memref<10000x128xf32, #tpu.memory_space<hbm>>
        tpu.enqueue_indirect_dma source(%dma_start3A_89 : memref<10000x128xf32, #tpu.memory_space<hbm>>) target(%arg10 : memref<128x128xf32, #tpu.memory_space<vmem>>) offsets(%arg7 : memref<128xi32, #tpu.memory_space<vmem>>) semaphore(%run_scoped3A : memref<!tpu.dma_semaphore, #tpu.memory_space<semaphore_mem>>)
        %dma_wait3A = arith.constant 0 : i32
        %dma_wait3A_90 = arith.constant 0 : i32
        %dma_wait3A_91 = tpu.memref_slice %arg5[%dma_wait3A, %dma_wait3A_90] : memref<10000x128xf32, #tpu.memory_space<hbm>> -> memref<10000x128xf32, #tpu.memory_space<hbm>>
        tpu.wait_indirect_dma semaphore(%run_scoped3A : memref<!tpu.dma_semaphore, #tpu.memory_space<semaphore_mem>>) src(%dma_wait3A_91 : memref<10000x128xf32, #tpu.memory_space<hbm>>) dst(%arg10 : memref<128x128xf32, #tpu.memory_space<vmem>>)
        tpu.yield
      }) : () -> ()
      %parallel_loop3A = arith.constant 0 : i32
      %parallel_loop3A_85 = arith.constant 128 : i32
      %parallel_loop3A_86 = arith.constant 1 : i32
      scf.for %parallel_loop3A_88 = %parallel_loop3A to %parallel_loop3A_85 step %parallel_loop3A_86  : i32 {
        %parallel_loop3A_89 = vector.broadcast %parallel_loop3A_88 : i32 to vector<16xi32>
        %parallel_loop3A_90 = tpu.vector_load_idx %arg9[%parallel_loop3A_89] : memref<128xf32, #tpu.memory_space<vmem>>[vector<16xi32>], vector<16xf32>,
        %parallel_loop3A_91 = arith.index_cast %parallel_loop3A_88 : i32 to index
        %parallel_loop3A_92 = arith.constant 0 : index
        %parallel_loop3A_93 = tpu.vector_load %arg10[%parallel_loop3A_91, %parallel_loop3A_92] {strides = array<i32>} : memref<128x128xf32, #tpu.memory_space<vmem>>, vector<16xf32>,
        %parallel_loop3A_94 = arith.mulf %parallel_loop3A_93, %parallel_loop3A_90 : vector<16xf32>
        %parallel_loop3A_95 = arith.index_cast %parallel_loop3A_88 : i32 to index
        %parallel_loop3A_96 = arith.constant 0 : index
        %parallel_loop3A_97 = tpu.vector_load %arg10[%parallel_loop3A_95, %parallel_loop3A_96] {strides = array<i32>} : memref<128x128xf32, #tpu.memory_space<vmem>>, vector<16xf32>,
        tpu.vector_store %arg10[%parallel_loop3A_95, %parallel_loop3A_96], %parallel_loop3A_94 {strides = array<i32>} : memref<128x128xf32, #tpu.memory_space<vmem>>, vector<16xf32>,
        %parallel_loop3A_98 = arith.index_cast %parallel_loop3A_88 : i32 to index
        %parallel_loop3A_99 = arith.constant 16 : index
        %parallel_loop3A_100 = tpu.vector_load %arg10[%parallel_loop3A_98, %parallel_loop3A_99] {strides = array<i32>} : memref<128x128xf32, #tpu.memory_space<vmem>>, vector<16xf32>,
        %parallel_loop3A_101 = arith.mulf %parallel_loop3A_100, %parallel_loop3A_90 : vector<16xf32>
        %parallel_loop3A_102 = arith.index_cast %parallel_loop3A_88 : i32 to index
        %parallel_loop3A_103 = arith.constant 16 : index
        %parallel_loop3A_104 = tpu.vector_load %arg10[%parallel_loop3A_102, %parallel_loop3A_103] {strides = array<i32>} : memref<128x128xf32, #tpu.memory_space<vmem>>, vector<16xf32>,
        tpu.vector_store %arg10[%parallel_loop3A_102, %parallel_loop3A_103], %parallel_loop3A_101 {strides = array<i32>} : memref<128x128xf32, #tpu.memory_space<vmem>>, vector<16xf32>,
        %parallel_loop3A_105 = arith.index_cast %parallel_loop3A_88 : i32 to index
        %parallel_loop3A_106 = arith.constant 32 : index
        %parallel_loop3A_107 = tpu.vector_load %arg10[%parallel_loop3A_105, %parallel_loop3A_106] {strides = array<i32>} : memref<128x128xf32, #tpu.memory_space<vmem>>, vector<16xf32>,
        %parallel_loop3A_108 = arith.mulf %parallel_loop3A_107, %parallel_loop3A_90 : vector<16xf32>
        %parallel_loop3A_109 = arith.index_cast %parallel_loop3A_88 : i32 to index
        %parallel_loop3A_110 = arith.constant 32 : index
        %parallel_loop3A_111 = tpu.vector_load %arg10[%parallel_loop3A_109, %parallel_loop3A_110] {strides = array<i32>} : memref<128x128xf32, #tpu.memory_space<vmem>>, vector<16xf32>,
        tpu.vector_store %arg10[%parallel_loop3A_109, %parallel_loop3A_110], %parallel_loop3A_108 {strides = array<i32>} : memref<128x128xf32, #tpu.memory_space<vmem>>, vector<16xf32>,
        %parallel_loop3A_112 = arith.index_cast %parallel_loop3A_88 : i32 to index
        %parallel_loop3A_113 = arith.constant 48 : index
        %parallel_loop3A_114 = tpu.vector_load %arg10[%parallel_loop3A_112, %parallel_loop3A_113] {strides = array<i32>} : memref<128x128xf32, #tpu.memory_space<vmem>>, vector<16xf32>,
        %parallel_loop3A_115 = arith.mulf %parallel_loop3A_114, %parallel_loop3A_90 : vector<16xf32>
        %parallel_loop3A_116 = arith.index_cast %parallel_loop3A_88 : i32 to index
        %parallel_loop3A_117 = arith.constant 48 : index
        %parallel_loop3A_118 = tpu.vector_load %arg10[%parallel_loop3A_116, %parallel_loop3A_117] {strides = array<i32>} : memref<128x128xf32, #tpu.memory_space<vmem>>, vector<16xf32>,
        tpu.vector_store %arg10[%parallel_loop3A_116, %parallel_loop3A_117], %parallel_loop3A_115 {strides = array<i32>} : memref<128x128xf32, #tpu.memory_space<vmem>>, vector<16xf32>,
        %parallel_loop3A_119 = arith.index_cast %parallel_loop3A_88 : i32 to index
        %parallel_loop3A_120 = arith.constant 64 : index
        %parallel_loop3A_121 = tpu.vector_load %arg10[%parallel_loop3A_119, %parallel_loop3A_120] {strides = array<i32>} : memref<128x128xf32, #tpu.memory_space<vmem>>, vector<16xf32>,
        %parallel_loop3A_122 = arith.mulf %parallel_loop3A_121, %parallel_loop3A_90 : vector<16xf32>
        %parallel_loop3A_123 = arith.index_cast %parallel_loop3A_88 : i32 to index
        %parallel_loop3A_124 = arith.constant 64 : index
        %parallel_loop3A_125 = tpu.vector_load %arg10[%parallel_loop3A_123, %parallel_loop3A_124] {strides = array<i32>} : memref<128x128xf32, #tpu.memory_space<vmem>>, vector<16xf32>,
        tpu.vector_store %arg10[%parallel_loop3A_123, %parallel_loop3A_124], %parallel_loop3A_122 {strides = array<i32>} : memref<128x128xf32, #tpu.memory_space<vmem>>, vector<16xf32>,
        %parallel_loop3A_126 = arith.index_cast %parallel_loop3A_88 : i32 to index
        %parallel_loop3A_127 = arith.constant 80 : index
        %parallel_loop3A_128 = tpu.vector_load %arg10[%parallel_loop3A_126, %parallel_loop3A_127] {strides = array<i32>} : memref<128x128xf32, #tpu.memory_space<vmem>>, vector<16xf32>,
        %parallel_loop3A_129 = arith.mulf %parallel_loop3A_128, %parallel_loop3A_90 : vector<16xf32>
        %parallel_loop3A_130 = arith.index_cast %parallel_loop3A_88 : i32 to index
        %parallel_loop3A_131 = arith.constant 80 : index
        %parallel_loop3A_132 = tpu.vector_load %arg10[%parallel_loop3A_130, %parallel_loop3A_131] {strides = array<i32>} : memref<128x128xf32, #tpu.memory_space<vmem>>, vector<16xf32>,
        tpu.vector_store %arg10[%parallel_loop3A_130, %parallel_loop3A_131], %parallel_loop3A_129 {strides = array<i32>} : memref<128x128xf32, #tpu.memory_space<vmem>>, vector<16xf32>,
        %parallel_loop3A_133 = arith.index_cast %parallel_loop3A_88 : i32 to index
        %parallel_loop3A_134 = arith.constant 96 : index
        %parallel_loop3A_135 = tpu.vector_load %arg10[%parallel_loop3A_133, %parallel_loop3A_134] {strides = array<i32>} : memref<128x128xf32, #tpu.memory_space<vmem>>, vector<16xf32>,
        %parallel_loop3A_136 = arith.mulf %parallel_loop3A_135, %parallel_loop3A_90 : vector<16xf32>
        %parallel_loop3A_137 = arith.index_cast %parallel_loop3A_88 : i32 to index
        %parallel_loop3A_138 = arith.constant 96 : index
        %parallel_loop3A_139 = tpu.vector_load %arg10[%parallel_loop3A_137, %parallel_loop3A_138] {strides = array<i32>} : memref<128x128xf32, #tpu.memory_space<vmem>>, vector<16xf32>,
        tpu.vector_store %arg10[%parallel_loop3A_137, %parallel_loop3A_138], %parallel_loop3A_136 {strides = array<i32>} : memref<128x128xf32, #tpu.memory_space<vmem>>, vector<16xf32>,
        %parallel_loop3A_140 = arith.index_cast %parallel_loop3A_88 : i32 to index
        %parallel_loop3A_141 = arith.constant 112 : index
        %parallel_loop3A_142 = tpu.vector_load %arg10[%parallel_loop3A_140, %parallel_loop3A_141] {strides = array<i32>} : memref<128x128xf32, #tpu.memory_space<vmem>>, vector<16xf32>,
        %parallel_loop3A_143 = arith.mulf %parallel_loop3A_142, %parallel_loop3A_90 : vector<16xf32>
        %parallel_loop3A_144 = arith.index_cast %parallel_loop3A_88 : i32 to index
        %parallel_loop3A_145 = arith.constant 112 : index
        %parallel_loop3A_146 = tpu.vector_load %arg10[%parallel_loop3A_144, %parallel_loop3A_145] {strides = array<i32>} : memref<128x128xf32, #tpu.memory_space<vmem>>, vector<16xf32>,
        tpu.vector_store %arg10[%parallel_loop3A_144, %parallel_loop3A_145], %parallel_loop3A_143 {strides = array<i32>} : memref<128x128xf32, #tpu.memory_space<vmem>>, vector<16xf32>,
      } {sc.loop_unroll_factor = 2 : i64, sc.parallel_access}
      "tpu.region"() ({
        %run_scoped3A = tpu.sem_alloc : memref<!tpu.dma_semaphore, #tpu.memory_space<semaphore_mem>>
        %dma_start3A = arith.constant 0 : i32
        %dma_start3A_88 = arith.constant 0 : i32
        %dma_start3A_89 = tpu.memref_slice %arg11[%dma_start3A, %dma_start3A_88] : memref<10000x128xf32, #tpu.memory_space<vmem_shared>> -> memref<10000x128xf32, #tpu.memory_space<vmem_shared>>
        tpu.enqueue_indirect_dma source(%arg10 : memref<128x128xf32, #tpu.memory_space<vmem>>) target(%dma_start3A_89 : memref<10000x128xf32, #tpu.memory_space<vmem_shared>>) offsets(%arg8 : memref<128xi32, #tpu.memory_space<vmem>>) semaphore(%run_scoped3A : memref<!tpu.dma_semaphore, #tpu.memory_space<semaphore_mem>>) {add = true}
        %dma_wait3A = arith.constant 0 : i32
        %dma_wait3A_90 = arith.constant 0 : i32
        %dma_wait3A_91 = tpu.memref_slice %arg11[%dma_wait3A, %dma_wait3A_90] : memref<10000x128xf32, #tpu.memory_space<vmem_shared>> -> memref<10000x128xf32, #tpu.memory_space<vmem_shared>>
        tpu.wait_indirect_dma semaphore(%run_scoped3A : memref<!tpu.dma_semaphore, #tpu.memory_space<semaphore_mem>>) src(%arg10 : memref<128x128xf32, #tpu.memory_space<vmem>>) dst(%dma_wait3A_91 : memref<10000x128xf32, #tpu.memory_space<vmem_shared>>)
        tpu.yield
      }) : () -> ()
      %scan3A_87 = arith.constant 0 : i32
      scf.yield %scan3A_87 : i32
    }
    %scan3A_69 = arith.constant 81 : i32
    %barrier3A_70 = arith.constant 0 : index
    tpu.barrier barrier_id(%barrier3A_70)
    %mul3A_71 = arith.constant 624 : i32
    %mul3A_72 = arith.muli %arg1, %mul3A_71 : i32
    %mul3A_73 = arith.constant 624 : i32
    %mul3A_74 = arith.muli %arg1, %mul3A_73 : i32
    "tpu.region"() ({
      %run_scoped3A = tpu.sem_alloc : memref<!tpu.dma_semaphore, #tpu.memory_space<semaphore_mem>>
      %dma_start3A = arith.constant 0 : i32
      %dma_start3A_80 = tpu.memref_slice %arg6[%arg0, %mul3A_74, %dma_start3A] : memref<2x10000x128xf32, #tpu.memory_space<hbm>> -> memref<1x624x128xf32, #tpu.memory_space<hbm>>
      %dma_start3A_81 = tpu.memref_squeeze %dma_start3A_80 : memref<1x624x128xf32, #tpu.memory_space<hbm>> -> memref<624x128xf32, #tpu.memory_space<hbm>>
      %dma_start3A_82 = arith.constant 0 : i32
      %dma_start3A_83 = tpu.memref_slice %arg11[%mul3A_72, %dma_start3A_82] : memref<10000x128xf32, #tpu.memory_space<vmem_shared>> -> memref<624x128xf32, #tpu.memory_space<vmem_shared>>
      tpu.enqueue_dma source(%dma_start3A_83 : memref<624x128xf32, #tpu.memory_space<vmem_shared>>) target(%dma_start3A_81 : memref<624x128xf32, #tpu.memory_space<hbm>>) target_semaphore(%run_scoped3A : memref<!tpu.dma_semaphore, #tpu.memory_space<semaphore_mem>>)
      %dma_wait3A = arith.constant 0 : i32
      %dma_wait3A_84 = tpu.memref_slice %arg6[%arg0, %mul3A_74, %dma_wait3A] : memref<2x10000x128xf32, #tpu.memory_space<hbm>> -> memref<1x624x128xf32, #tpu.memory_space<hbm>>
      %dma_wait3A_85 = tpu.memref_squeeze %dma_wait3A_84 : memref<1x624x128xf32, #tpu.memory_space<hbm>> -> memref<624x128xf32, #tpu.memory_space<hbm>>
      %dma_wait3A_86 = arith.constant 0 : i32
      %dma_wait3A_87 = tpu.memref_slice %arg11[%mul3A_72, %dma_wait3A_86] : memref<10000x128xf32, #tpu.memory_space<vmem_shared>> -> memref<624x128xf32, #tpu.memory_space<vmem_shared>>
      tpu.wait_dma2 semaphore(%run_scoped3A : memref<!tpu.dma_semaphore, #tpu.memory_space<semaphore_mem>>) src(%dma_wait3A_87 : memref<624x128xf32, #tpu.memory_space<vmem_shared>>) dst(%dma_wait3A_85 : memref<624x128xf32, #tpu.memory_space<hbm>>)
      tpu.yield
    }) : () -> ()
    %eq3A_75 = arith.constant 15 : i32
    %eq3A_76 = arith.cmpi eq, %arg1, %eq3A_75 : i32
    %convert_element_type3A_77 = arith.extui %eq3A_76 : i1 to i32
    %cond3A_78 = arith.constant 0 : i32
    %cond3A_79 = arith.cmpi ne, %convert_element_type3A_77, %cond3A_78 : i32
    scf.if %cond3A_79 {
      "tpu.region"() ({
        %run_scoped3A = tpu.sem_alloc : memref<!tpu.dma_semaphore, #tpu.memory_space<semaphore_mem>>
        %dma_start3A = arith.constant 9984 : i32
        %dma_start3A_80 = arith.constant 0 : i32
        %dma_start3A_81 = tpu.memref_slice %arg6[%arg0, %dma_start3A, %dma_start3A_80] : memref<2x10000x128xf32, #tpu.memory_space<hbm>> -> memref<1x16x128xf32, #tpu.memory_space<hbm>>
        %dma_start3A_82 = tpu.memref_squeeze %dma_start3A_81 : memref<1x16x128xf32, #tpu.memory_space<hbm>> -> memref<16x128xf32, #tpu.memory_space<hbm>>
        %dma_start3A_83 = arith.constant 9984 : i32
        %dma_start3A_84 = arith.constant 0 : i32
        %dma_start3A_85 = tpu.memref_slice %arg11[%dma_start3A_83, %dma_start3A_84] : memref<10000x128xf32, #tpu.memory_space<vmem_shared>> -> memref<16x128xf32, #tpu.memory_space<vmem_shared>>
        tpu.enqueue_dma source(%dma_start3A_85 : memref<16x128xf32, #tpu.memory_space<vmem_shared>>) target(%dma_start3A_82 : memref<16x128xf32, #tpu.memory_space<hbm>>) target_semaphore(%run_scoped3A : memref<!tpu.dma_semaphore, #tpu.memory_space<semaphore_mem>>)
        %dma_wait3A = arith.constant 9984 : i32
        %dma_wait3A_86 = arith.constant 0 : i32
        %dma_wait3A_87 = tpu.memref_slice %arg6[%arg0, %dma_wait3A, %dma_wait3A_86] : memref<2x10000x128xf32, #tpu.memory_space<hbm>> -> memref<1x16x128xf32, #tpu.memory_space<hbm>>
        %dma_wait3A_88 = tpu.memref_squeeze %dma_wait3A_87 : memref<1x16x128xf32, #tpu.memory_space<hbm>> -> memref<16x128xf32, #tpu.memory_space<hbm>>
        %dma_wait3A_89 = arith.constant 9984 : i32
        %dma_wait3A_90 = arith.constant 0 : i32
        %dma_wait3A_91 = tpu.memref_slice %arg11[%dma_wait3A_89, %dma_wait3A_90] : memref<10000x128xf32, #tpu.memory_space<vmem_shared>> -> memref<16x128xf32, #tpu.memory_space<vmem_shared>>
        tpu.wait_dma2 semaphore(%run_scoped3A : memref<!tpu.dma_semaphore, #tpu.memory_space<semaphore_mem>>) src(%dma_wait3A_91 : memref<16x128xf32, #tpu.memory_space<vmem_shared>>) dst(%dma_wait3A_88 : memref<16x128xf32, #tpu.memory_space<hbm>>)
        tpu.yield
      }) : () -> ()
    } else {
    }
    return
  }
}

module attributes {stable_mosaic.version = 14 : i64} {
  func.func @_tc_in_body(%arg0: memref<10000x128xf32, #tpu.memory_space<vmem>>, %arg1: memref<128x128xf32, #tpu.memory_space<vmem>>, %arg2: memref<128x2xf32, #tpu.memory_space<vmem>>, %arg3: memref<10000x128xf32, #tpu.memory_space<vmem>>, %arg4: memref<10000x2xf32, #tpu.memory_space<vmem>>) attributes {dimension_semantics = [], scalar_prefetch = 0 : i64, scratch_operands = 0 : i64, tpu.core_type = #tpu.core_type<tc>} {
    %get3A = arith.constant 0 : index
    %get3A_0 = arith.constant 0 : index
    %get3A_1 = vector.load %arg0[%get3A, %get3A_0] : memref<10000x128xf32, #tpu.memory_space<vmem>>, vector<10000x128xf32>
    %get3A_2 = arith.constant 0 : index
    %get3A_3 = arith.constant 0 : index
    %get3A_4 = vector.load %arg1[%get3A_2, %get3A_3] : memref<128x128xf32, #tpu.memory_space<vmem>>, vector<128x128xf32>
    %dot_general3A = arith.constant dense<0.000000e+00> : vector<10000x128xf32>
    %dot_general3A_5 = tpu.matmul %get3A_1, %get3A_4, %dot_general3A {dimension_numbers = #tpu.dot_dimension_numbers<[1], [0], [0], [1], [0, 0, 1, 1], [], []>, transpose_lhs_hint = false} : vector<10000x128xf32>, vector<128x128xf32>, vector<10000x128xf32> -> vector<10000x128xf32>
    %swap3A = arith.constant 0 : index
    %swap3A_6 = arith.constant 0 : index
    %swap3A_7 = vector.load %arg3[%swap3A, %swap3A_6] : memref<10000x128xf32, #tpu.memory_space<vmem>>, vector<10000x128xf32>
    tpu.vector_store %arg3[%swap3A, %swap3A_6], %dot_general3A_5 {strides = array<i32>} : memref<10000x128xf32, #tpu.memory_space<vmem>>, vector<10000x128xf32>,
    %get3A_8 = arith.constant 0 : index
    %get3A_9 = arith.constant 0 : index
    %get3A_10 = vector.load %arg2[%get3A_8, %get3A_9] : memref<128x2xf32, #tpu.memory_space<vmem>>, vector<128x2xf32>
    %dot_general3A_11 = arith.constant dense<0.000000e+00> : vector<10000x2xf32>
    %dot_general3A_12 = tpu.matmul %dot_general3A_5, %get3A_10, %dot_general3A_11 {dimension_numbers = #tpu.dot_dimension_numbers<[1], [0], [0], [1], [0, 0, 1, 1], [], []>, transpose_lhs_hint = false} : vector<10000x128xf32>, vector<128x2xf32>, vector<10000x2xf32> -> vector<10000x2xf32>
    %swap3A_13 = arith.constant 0 : index
    %swap3A_14 = arith.constant 0 : index
    %swap3A_15 = vector.load %arg4[%swap3A_13, %swap3A_14] : memref<10000x2xf32, #tpu.memory_space<vmem>>, vector<10000x2xf32>
    tpu.vector_store %arg4[%swap3A_13, %swap3A_14], %dot_general3A_12 {strides = array<i32>} : memref<10000x2xf32, #tpu.memory_space<vmem>>, vector<10000x2xf32>,
    return
  }
}

module attributes {stable_mosaic.version = 14 : i64} {
  func.func @_tc_mid_body(%arg0: memref<2x10000x128xf32, #tpu.memory_space<vmem>>, %arg1: memref<32x10000xf32, #tpu.memory_space<vmem>>, %arg2: memref<32x16xf32, #tpu.memory_space<vmem>>, %arg3: memref<128xf32, #tpu.memory_space<vmem>>, %arg4: memref<128x128xf32, #tpu.memory_space<vmem>>, %arg5: memref<128x2xf32, #tpu.memory_space<vmem>>, %arg6: memref<10000x128xf32, #tpu.memory_space<vmem>>, %arg7: memref<10000x2xf32, #tpu.memory_space<vmem>>) attributes {dimension_semantics = [], scalar_prefetch = 0 : i64, scratch_operands = 0 : i64, tpu.core_type = #tpu.core_type<tc>} {
    %get3A = arith.constant 0 : index
    %get3A_0 = arith.constant 0 : index
    %get3A_1 = vector.load %arg2[%get3A, %get3A_0] : memref<32x16xf32, #tpu.memory_space<vmem>>, vector<32x16xf32>
    %reshape3A = vector.shape_cast %get3A_1 : vector<32x16xf32> to vector<16x2x16xf32>
    %reduce_max3A = arith.constant dense<0xFF800000> : vector<2xf32>
    %reduce_max3A_2 = vector.multi_reduction <maximumf>, %reshape3A, %reduce_max3A [0, 2] : vector<16x2x16xf32> to vector<2xf32>
    %reduce_max3A_3 = vector.shape_cast %reduce_max3A_2 : vector<2xf32> to vector<1x2xf32>
    %reduce_max3A_4 = arith.constant dense<0xFF800000> : vector<1xf32>
    %reduce_max3A_5 = vector.multi_reduction <maximumf>, %reduce_max3A_3, %reduce_max3A_4 [1] : vector<1x2xf32> to vector<1xf32>
    %reduce_max3A_6 = vector.shape_cast %reduce_max3A_5 : vector<1xf32> to vector<1x1xf32>
    %reduce_max3A_7 = vector.extract %reduce_max3A_6[0, 0] : f32 from vector<1x1xf32>
    %sub3A = vector.broadcast %reduce_max3A_7 : f32 to vector<2xf32>
    %sub3A_8 = arith.subf %reduce_max3A_2, %sub3A : vector<2xf32>
    %exp3A = math.exp %sub3A_8 : vector<2xf32>
    %get3A_9 = arith.constant 0 : index
    %get3A_10 = arith.constant 0 : index
    %get3A_11 = vector.load %arg1[%get3A_9, %get3A_10] : memref<32x10000xf32, #tpu.memory_space<vmem>>, vector<32x10000xf32>
    %reshape3A_12 = vector.shape_cast %get3A_11 : vector<32x10000xf32> to vector<16x2x10000xf32>
    %broadcast_in_dim3A = vector.shape_cast %exp3A : vector<2xf32> to vector<1x2x1xf32>
    %mul3A = vector.broadcast %broadcast_in_dim3A : vector<1x2x1xf32> to vector<16x2x10000xf32>
    %mul3A_13 = arith.mulf %reshape3A_12, %mul3A : vector<16x2x10000xf32>
    %reduce_sum3A = arith.constant dense<0.000000e+00> : vector<10000xf32>
    %reduce_sum3A_14 = vector.multi_reduction <add>, %mul3A_13, %reduce_sum3A [0, 1] : vector<16x2x10000xf32> to vector<10000xf32>
    %get3A_15 = arith.constant 0 : index
    %get3A_16 = arith.constant 0 : index
    %get3A_17 = arith.constant 0 : index
    %get3A_18 = vector.load %arg0[%get3A_15, %get3A_16, %get3A_17] : memref<2x10000x128xf32, #tpu.memory_space<vmem>>, vector<1x10000x128xf32>
    %get3A_19 = vector.shape_cast %get3A_18 : vector<1x10000x128xf32> to vector<10000x128xf32>
    %slice3A = vector.extract_strided_slice %exp3A {offsets = [0], sizes = [1], strides = [1]} : vector<2xf32> to vector<1xf32>
    %squeeze3A = vector.extract %slice3A[0] : f32 from vector<1xf32>
    %mul3A_20 = vector.broadcast %squeeze3A : f32 to vector<10000x128xf32>
    %mul3A_21 = arith.mulf %get3A_19, %mul3A_20 : vector<10000x128xf32>
    %get3A_22 = arith.constant 1 : index
    %get3A_23 = arith.constant 0 : index
    %get3A_24 = arith.constant 0 : index
    %get3A_25 = vector.load %arg0[%get3A_22, %get3A_23, %get3A_24] : memref<2x10000x128xf32, #tpu.memory_space<vmem>>, vector<1x10000x128xf32>
    %get3A_26 = vector.shape_cast %get3A_25 : vector<1x10000x128xf32> to vector<10000x128xf32>
    %slice3A_27 = vector.extract_strided_slice %exp3A {offsets = [1], sizes = [1], strides = [1]} : vector<2xf32> to vector<1xf32>
    %squeeze3A_28 = vector.extract %slice3A_27[0] : f32 from vector<1xf32>
    %mul3A_29 = vector.broadcast %squeeze3A_28 : f32 to vector<10000x128xf32>
    %mul3A_30 = arith.mulf %get3A_26, %mul3A_29 : vector<10000x128xf32>
    %add3A = arith.addf %mul3A_21, %mul3A_30 : vector<10000x128xf32>
    %broadcast_in_dim3A_31 = vector.shape_cast %reduce_sum3A_14 : vector<10000xf32> to vector<10000x1xf32>
    %add3A_32 = arith.constant 1.000000e-16 : f32
    %add3A_33 = vector.broadcast %add3A_32 : f32 to vector<10000x1xf32>
    %add3A_34 = arith.addf %broadcast_in_dim3A_31, %add3A_33 : vector<10000x1xf32>
    %div3A = vector.broadcast %add3A_34 : vector<10000x1xf32> to vector<10000x128xf32>
    %div3A_35 = arith.divf %add3A, %div3A : vector<10000x128xf32>
    %get3A_36 = arith.constant 0 : index
    %get3A_37 = vector.load %arg3[%get3A_36] : memref<128xf32, #tpu.memory_space<vmem>>, vector<128xf32>
    %broadcast_in_dim3A_38 = vector.shape_cast %get3A_37 : vector<128xf32> to vector<1x128xf32>
    %add3A_39 = vector.broadcast %broadcast_in_dim3A_38 : vector<1x128xf32> to vector<10000x128xf32>
    %add3A_40 = arith.addf %div3A_35, %add3A_39 : vector<10000x128xf32>
    %max3A = arith.constant 0.000000e+00 : f32
    %max3A_41 = vector.broadcast %max3A : f32 to vector<10000x128xf32>
    %max3A_42 = arith.maximumf %add3A_40, %max3A_41 : vector<10000x128xf32>
    %get3A_43 = arith.constant 0 : index
    %get3A_44 = arith.constant 0 : index
    %get3A_45 = vector.load %arg4[%get3A_43, %get3A_44] : memref<128x128xf32, #tpu.memory_space<vmem>>, vector<128x128xf32>
    %dot_general3A = arith.constant dense<0.000000e+00> : vector<10000x128xf32>
    %dot_general3A_46 = tpu.matmul %max3A_42, %get3A_45, %dot_general3A {dimension_numbers = #tpu.dot_dimension_numbers<[1], [0], [0], [1], [0, 0, 1, 1], [], []>, transpose_lhs_hint = false} : vector<10000x128xf32>, vector<128x128xf32>, vector<10000x128xf32> -> vector<10000x128xf32>
    %swap3A = arith.constant 0 : index
    %swap3A_47 = arith.constant 0 : index
    %swap3A_48 = vector.load %arg6[%swap3A, %swap3A_47] : memref<10000x128xf32, #tpu.memory_space<vmem>>, vector<10000x128xf32>
    tpu.vector_store %arg6[%swap3A, %swap3A_47], %dot_general3A_46 {strides = array<i32>} : memref<10000x128xf32, #tpu.memory_space<vmem>>, vector<10000x128xf32>,
    %get3A_49 = arith.constant 0 : index
    %get3A_50 = arith.constant 0 : index
    %get3A_51 = vector.load %arg5[%get3A_49, %get3A_50] : memref<128x2xf32, #tpu.memory_space<vmem>>, vector<128x2xf32>
    %dot_general3A_52 = arith.constant dense<0.000000e+00> : vector<10000x2xf32>
    %dot_general3A_53 = tpu.matmul %dot_general3A_46, %get3A_51, %dot_general3A_52 {dimension_numbers = #tpu.dot_dimension_numbers<[1], [0], [0], [1], [0, 0, 1, 1], [], []>, transpose_lhs_hint = false} : vector<10000x128xf32>, vector<128x2xf32>, vector<10000x2xf32> -> vector<10000x2xf32>
    %swap3A_54 = arith.constant 0 : index
    %swap3A_55 = arith.constant 0 : index
    %swap3A_56 = vector.load %arg7[%swap3A_54, %swap3A_55] : memref<10000x2xf32, #tpu.memory_space<vmem>>, vector<10000x2xf32>
    tpu.vector_store %arg7[%swap3A_54, %swap3A_55], %dot_general3A_53 {strides = array<i32>} : memref<10000x2xf32, #tpu.memory_space<vmem>>, vector<10000x2xf32>,
    return
  }
}

module attributes {stable_mosaic.version = 14 : i64} {
  func.func @_tc_out_body(%arg0: memref<2x10000x128xf32, #tpu.memory_space<vmem>>, %arg1: memref<32x10000xf32, #tpu.memory_space<vmem>>, %arg2: memref<32x16xf32, #tpu.memory_space<vmem>>, %arg3: memref<128xf32, #tpu.memory_space<vmem>>, %arg4: memref<1x128xf32, #tpu.memory_space<vmem>>) attributes {dimension_semantics = [], scalar_prefetch = 0 : i64, scratch_operands = 0 : i64, tpu.core_type = #tpu.core_type<tc>} {
    %get3A = arith.constant 0 : index
    %get3A_0 = arith.constant 0 : index
    %get3A_1 = vector.load %arg2[%get3A, %get3A_0] : memref<32x16xf32, #tpu.memory_space<vmem>>, vector<32x16xf32>
    %reshape3A = vector.shape_cast %get3A_1 : vector<32x16xf32> to vector<16x2x16xf32>
    %reduce_max3A = arith.constant dense<0xFF800000> : vector<2xf32>
    %reduce_max3A_2 = vector.multi_reduction <maximumf>, %reshape3A, %reduce_max3A [0, 2] : vector<16x2x16xf32> to vector<2xf32>
    %reduce_max3A_3 = vector.shape_cast %reduce_max3A_2 : vector<2xf32> to vector<1x2xf32>
    %reduce_max3A_4 = arith.constant dense<0xFF800000> : vector<1xf32>
    %reduce_max3A_5 = vector.multi_reduction <maximumf>, %reduce_max3A_3, %reduce_max3A_4 [1] : vector<1x2xf32> to vector<1xf32>
    %reduce_max3A_6 = vector.shape_cast %reduce_max3A_5 : vector<1xf32> to vector<1x1xf32>
    %reduce_max3A_7 = vector.extract %reduce_max3A_6[0, 0] : f32 from vector<1x1xf32>
    %sub3A = vector.broadcast %reduce_max3A_7 : f32 to vector<2xf32>
    %sub3A_8 = arith.subf %reduce_max3A_2, %sub3A : vector<2xf32>
    %exp3A = math.exp %sub3A_8 : vector<2xf32>
    %get3A_9 = arith.constant 0 : index
    %get3A_10 = arith.constant 0 : index
    %get3A_11 = vector.load %arg1[%get3A_9, %get3A_10] : memref<32x10000xf32, #tpu.memory_space<vmem>>, vector<32x10000xf32>
    %reshape3A_12 = vector.shape_cast %get3A_11 : vector<32x10000xf32> to vector<16x2x10000xf32>
    %broadcast_in_dim3A = vector.shape_cast %exp3A : vector<2xf32> to vector<1x2x1xf32>
    %mul3A = vector.broadcast %broadcast_in_dim3A : vector<1x2x1xf32> to vector<16x2x10000xf32>
    %mul3A_13 = arith.mulf %reshape3A_12, %mul3A : vector<16x2x10000xf32>
    %reduce_sum3A = arith.constant dense<0.000000e+00> : vector<10000xf32>
    %reduce_sum3A_14 = vector.multi_reduction <add>, %mul3A_13, %reduce_sum3A [0, 1] : vector<16x2x10000xf32> to vector<10000xf32>
    %get3A_15 = arith.constant 0 : index
    %get3A_16 = arith.constant 0 : index
    %get3A_17 = arith.constant 0 : index
    %get3A_18 = vector.load %arg0[%get3A_15, %get3A_16, %get3A_17] : memref<2x10000x128xf32, #tpu.memory_space<vmem>>, vector<1x10000x128xf32>
    %get3A_19 = vector.shape_cast %get3A_18 : vector<1x10000x128xf32> to vector<10000x128xf32>
    %slice3A = vector.extract_strided_slice %exp3A {offsets = [0], sizes = [1], strides = [1]} : vector<2xf32> to vector<1xf32>
    %squeeze3A = vector.extract %slice3A[0] : f32 from vector<1xf32>
    %mul3A_20 = vector.broadcast %squeeze3A : f32 to vector<10000x128xf32>
    %mul3A_21 = arith.mulf %get3A_19, %mul3A_20 : vector<10000x128xf32>
    %get3A_22 = arith.constant 1 : index
    %get3A_23 = arith.constant 0 : index
    %get3A_24 = arith.constant 0 : index
    %get3A_25 = vector.load %arg0[%get3A_22, %get3A_23, %get3A_24] : memref<2x10000x128xf32, #tpu.memory_space<vmem>>, vector<1x10000x128xf32>
    %get3A_26 = vector.shape_cast %get3A_25 : vector<1x10000x128xf32> to vector<10000x128xf32>
    %slice3A_27 = vector.extract_strided_slice %exp3A {offsets = [1], sizes = [1], strides = [1]} : vector<2xf32> to vector<1xf32>
    %squeeze3A_28 = vector.extract %slice3A_27[0] : f32 from vector<1xf32>
    %mul3A_29 = vector.broadcast %squeeze3A_28 : f32 to vector<10000x128xf32>
    %mul3A_30 = arith.mulf %get3A_26, %mul3A_29 : vector<10000x128xf32>
    %add3A = arith.addf %mul3A_21, %mul3A_30 : vector<10000x128xf32>
    %broadcast_in_dim3A_31 = vector.shape_cast %reduce_sum3A_14 : vector<10000xf32> to vector<10000x1xf32>
    %add3A_32 = arith.constant 1.000000e-16 : f32
    %add3A_33 = vector.broadcast %add3A_32 : f32 to vector<10000x1xf32>
    %add3A_34 = arith.addf %broadcast_in_dim3A_31, %add3A_33 : vector<10000x1xf32>
    %div3A = vector.broadcast %add3A_34 : vector<10000x1xf32> to vector<10000x128xf32>
    %div3A_35 = arith.divf %add3A, %div3A : vector<10000x128xf32>
    %get3A_36 = arith.constant 0 : index
    %get3A_37 = vector.load %arg3[%get3A_36] : memref<128xf32, #tpu.memory_space<vmem>>, vector<128xf32>
    %broadcast_in_dim3A_38 = vector.shape_cast %get3A_37 : vector<128xf32> to vector<1x128xf32>
    %add3A_39 = vector.broadcast %broadcast_in_dim3A_38 : vector<1x128xf32> to vector<10000x128xf32>
    %add3A_40 = arith.addf %div3A_35, %add3A_39 : vector<10000x128xf32>
    %max3A = arith.constant 0.000000e+00 : f32
    %max3A_41 = vector.broadcast %max3A : f32 to vector<10000x128xf32>
    %max3A_42 = arith.maximumf %add3A_40, %max3A_41 : vector<10000x128xf32>
    %reduce_sum3A_43 = arith.constant dense<0.000000e+00> : vector<128xf32>
    %reduce_sum3A_44 = vector.multi_reduction <add>, %max3A_42, %reduce_sum3A_43 [0] : vector<10000x128xf32> to vector<128xf32>
    %broadcast_in_dim3A_45 = vector.shape_cast %reduce_sum3A_44 : vector<128xf32> to vector<1x128xf32>
    %div3A_46 = arith.constant 1.000000e+04 : f32
    %div3A_47 = vector.broadcast %div3A_46 : f32 to vector<1x128xf32>
    %div3A_48 = arith.divf %broadcast_in_dim3A_45, %div3A_47 : vector<1x128xf32>
    %swap3A = arith.constant 0 : index
    %swap3A_49 = arith.constant 0 : index
    %swap3A_50 = vector.load %arg4[%swap3A, %swap3A_49] : memref<1x128xf32, #tpu.memory_space<vmem>>, vector<1x128xf32>
    tpu.vector_store %arg4[%swap3A, %swap3A_49], %div3A_48 {strides = array<i32>} : memref<1x128xf32, #tpu.memory_space<vmem>>, vector<1x128xf32>,
    return
  }
}

</mosaic_0001>

<sc_bundles>
// kernel: kernel.12.cloned.1.call-start
scs
__scs_entry_jumppad:
0x0: {  	(pc) =	sbr.rel $0x88, $3  }
0x1: {  	(tag) =	ssettag $0x0;
	lr =	simm.s32 $0x1  }
0x2: {  	[smem:$0x3F97] =	sst lr;
	_ =	strace $0xD0000000  }
0x3: {  	_ = 	snop  }
0x4: {  	_ = 	snop  }
0x5: {  	_ = 	snop  }
0x6: {  	_ = 	snop  }
0x7: {  	_ = 	snop  }
__scs_overlays_trampoline_lowered:
0x8: {  	[smem:$0x3FA6] =	sst s0  }
0x9: {  	[smem:$0x3FA7] =	sst s1  }
0xa: {  	[smem:$0x3FA8] =	sst s2  }
0xb: {  	[smem:$0x3FA9] =	sst s3  }
0xc: {  	[smem:$0x3FAA] =	sst s4  }
0xd: {  	[smem:$0x3FAB] =	sst s5  }
0xe: {  	[smem:$0x3FAC] =	sst s6  }
0xf: {  	[smem:$0x3FAD] =	sst s7  }
0x10: {  	[smem:$0x3FAE] =	sst s8  }
0x11: {  	[smem:$0x3FAF] =	sst s9;
	s0 =	simm.s32 @!p0 $0x0  }
0x12: {  	s1 =	sld [smem:$0x3F95];
	s0 =	simm.s32 @p0 $0x1  }
0x13: {  	[smem:$0x3FB0] =	sst s0;
	s0 =	simm.s32 @!p1 $0x0  }
0x14: {  	s2 =	sld [smem:$0x3F94];
	s0 =	simm.s32 @p1 $0x1  }
0x15: {  	[smem:$0x3FB1] =	sst s0;
	s0 =	simm.s32 @!p2 $0x0  }
0x16: {  	s3 =	sld [smem:$0x3FDB];
	s0 =	simm.s32 @p2 $0x1  }
0x17: {  	s4 =	simm.s32 $0x1BF5;
	[smem:$0x3FB3] =	sst s0  }
0x18: {  	s0 =	sld [smem:$0x3F96];
	_ =	swait.ge [sflag:s4], $0x0  }
0x19: {  	s7 =	sld [smem:$0x3F97]  }
0x1a: {  	s8 =	sadd.s32 $0xFFFFE003, lr  }
0x1b: {  	s9 =	sadd.s32 $0xFFFFFEF7, lr;
	s5 =	simm.s32 $0xFFFFFFFF;
	p2 =	slt.u32 s8, $0xFFFFF086  }
0x1c: {  	p1 =	slt.u32 s9, $0xF7A;
	s5 =	simm.s32 @!p2 $0x0  }
0x1d: {  	s5 =	simm.s32 @p1 $0x1;
	p0 =	seq.s32 s7, s2  }
0x1e: {  	s7 =	smul.u32 @!p0 $0xF7A, s2;
	p2 =	seq.s32 @!p0 s5, $0x0  }
0x1f: {  	s9 =	smul.u32 $0xF7A, s1;
	s8 =	simm.s32 @!p0 $0x1BF5;
	p2 =	por !p2, p0  }
0x20: {  	[sflag:s8] =	ssyncset.s32 @!p0 $0xFFFFF086;
	s6 =	sadd.s32 @!p0 s3, s7;
	s7 =	simm.s32 @!p0 $0x108  }
0x21: {  	s3 =	sadd.s32 s3, s9;
	s6 =	sadd.s32 @!p0 $0x88, s6;
	s7 =	simm.s32 @p2 $0x1082  }
0x22: {  	[simem:s7], [sflag:s8] =	dma.local @!p0 [hbm:s6], $0xF7A  }
0x23: {  	s9 =	sor.u32 $0xD0000000, s2;
	s6 =	simm.s32 $0x108;
	_ =	swait.ge @!p0 [sflag:s8], $0x0  }
0x24: {  	s3 =	sadd.s32 $0x88, s3;
	s6 =	simm.s32 @!p1 $0x1082;
	[sflag:s4] =	ssyncset.s32 $0xFFFFF086  }
0x25: {  	[simem:s6], [sflag:s4] =	dma.local [hbm:s3], $0xF7A  }
0x26: {  	[smem:$0x3F97] =	sst s1;
	(tag) =	ssettag s2;
	_ =	strace s9  }
0x27: {  	s1 =	sld [smem:$0x3FA7]  }
0x28: {  	s2 =	sld [smem:$0x3FA8]  }
0x29: {  	s4 =	sld [smem:$0x3FAA]  }
0x2a: {  	p0 =	seq.s32 s5, $0x0;
	s5 =	sld [smem:$0x3FAB]  }
0x2b: {  	s6 =	sld [smem:$0x3FAC]  }
0x2c: {  	s7 =	sld [smem:$0x3FAD]  }
0x2d: {  	s3 =	simm.s32 $0x108;
	s8 =	sld [smem:$0x3FAE]  }
0x2e: {  	s3 =	simm.s32 @!p0 $0x1082;
	s9 =	sld [smem:$0x3FAF]  }
0x2f: {  	lr =	sadd.s32 s0, s3;
	s0 =	sld [smem:$0x3FA6]  }
0x30: {  	s3 =	sld [smem:$0x3FA9]  }
0x31: {  	[smem:$0x3FB2] =	sst s10  }
0x32: {  	s10 =	sld [smem:$0x3FB0];
	_ =	sdelay $0x3  }
0x33: {  	p0 =	seq.s32 s10, $0x1;
	s10 =	sld [smem:$0x3FB2];
	_ =	sdelay $0x3  }
0x34: {  	[smem:$0x3FB2] =	sst s10  }
0x35: {  	s10 =	sld [smem:$0x3FB1];
	_ =	sdelay $0x3  }
0x36: {  	p1 =	seq.s32 s10, $0x1;
	s10 =	sld [smem:$0x3FB2];
	_ =	sdelay $0x3  }
0x37: {  	[smem:$0x3FB2] =	sst s10  }
0x38: {  	s10 =	sld [smem:$0x3FB3]  }
0x39: {  	_ = 	snop;
	(pc) =	sbr.ind lr, $3  }
0x3a: {  	_ = 	snop  }
0x3b: {  	_ = 	snop  }
0x3c: {  	p2 =	seq.s32 s10, $0x1;
	s10 =	sld [smem:$0x3FB2]  }
0x3d: {  	_ =	shalt  }
0x3e: {  	_ =	shalt  }
0x3f: {  	_ =	shalt  }
0x40: {  	_ =	shalt  }
0x41: {  	_ =	shalt  }
0x42: {  	_ =	shalt  }
0x43: {  	_ =	shalt  }
0x44: {  	_ =	shalt  }
0x45: {  	_ =	shalt  }
0x46: {  	_ =	shalt  }
0x47: {  	_ =	shalt  }
0x48: {  	_ =	shalt  }
0x49: {  	_ =	shalt  }
0x4a: {  	_ =	shalt  }
0x4b: {  	_ =	shalt  }
0x4c: {  	_ =	shalt  }
0x4d: {  	_ =	shalt  }
0x4e: {  	_ =	shalt  }
0x4f: {  	_ =	shalt  }
0x50: {  	_ =	shalt  }
0x51: {  	_ =	shalt  }
0x52: {  	_ =	shalt  }
0x53: {  	_ =	shalt  }
0x54: {  	_ =	shalt  }
0x55: {  	_ =	shalt  }
0x56: {  	_ =	shalt  }
0x57: {  	_ =	shalt  }
0x58: {  	_ =	shalt  }
0x59: {  	_ =	shalt  }
0x5a: {  	_ =	shalt  }
0x5b: {  	_ =	shalt  }
0x5c: {  	_ =	shalt  }
0x5d: {  	_ =	shalt  }
0x5e: {  	_ =	shalt  }
0x5f: {  	_ =	shalt  }
0x60: {  	_ =	shalt  }
0x61: {  	_ =	shalt  }
0x62: {  	_ =	shalt  }
0x63: {  	_ =	shalt  }
0x64: {  	_ =	shalt  }
0x65: {  	_ =	shalt  }
0x66: {  	_ =	shalt  }
0x67: {  	_ =	shalt  }
0x68: {  	_ =	shalt  }
0x69: {  	_ =	shalt  }
0x6a: {  	_ =	shalt  }
0x6b: {  	_ =	shalt  }
0x6c: {  	_ =	shalt  }
0x6d: {  	_ =	shalt  }
0x6e: {  	_ =	shalt  }
0x6f: {  	_ =	shalt  }
0x70: {  	_ =	shalt  }
0x71: {  	_ =	shalt  }
0x72: {  	_ =	shalt  }
0x73: {  	_ =	shalt  }
0x74: {  	_ =	shalt  }
0x75: {  	_ =	shalt  }
0x76: {  	_ =	shalt  }
0x77: {  	_ =	shalt  }
0x78: {  	_ =	shalt  }
0x79: {  	_ =	shalt  }
0x7a: {  	_ =	shalt  }
0x7b: {  	_ =	shalt  }
0x7c: {  	_ =	shalt  }
0x7d: {  	_ =	shalt  }
0x7e: {  	_ =	shalt  }
0x7f: {  	_ =	shalt  }
0x80: {  	_ =	shalt  }
0x81: {  	_ =	shalt  }
0x82: {  	_ =	shalt  }
0x83: {  	_ =	shalt  }
0x84: {  	_ =	shalt  }
0x85: {  	_ =	shalt  }
0x86: {  	_ =	shalt  }
0x87: {  	_ =	shalt  }
.Lfunc_end0:
.L_simem_size_0:
called_computation.1_lowered:
.L_overlay_start_0:
0x88: {  	s2 =	sld [smem:$0x3FD9]  }
0x89: {  	s3 =	sld [smem:$0x3FFE];
	_ =	sdelay $0x1  }
0x8a: {  	s1 =	srdreg.scid  }
0x8b: {  	s0 =	sand.u32 $0x1, s1  }
0x8c: {  	s16 =	sshll.u32 s0, $0xA;
	s2 =	sadd.s32 s3, s2  }
0x8d: {  	s2 =	sadd.s32 s2, s16  }
0x8e: {  	[smem:$0x3FBE] =	sst s2  }
0x8f: {  	_ = 	snop  }
0x90: {  	(tm) =	ssettm $0x1  }
0x91: {  	s17 =	sld [smem:$0x3FFB];
	_ =	sdelay $0x3  }
0x92: {  	_ =	strace s17  }
0x93: {  	s2 =	sld [smem:$0x3FFC];
	_ =	sdelay $0x3  }
0x94: {  	_ =	strace s2  }
0x95: {  	s2 =	sld [smem:$0x3FFD];
	_ =	sdelay $0x3  }
0x96: {  	_ =	strace s2  }
0x97: {  	_ =	strace $0x8FFFFFFF  }
0x98: {  	s18 =	sld [smem:$0x3FDB];
	_ =	sdelay $0x1  }
0x99: {  	s19 =	simm.s32 $_scs_section_size  }
0x9a: {  	s4 =	simm.s32 $_size__tile_overlayer_lowered;
	s5 =	simm.s32 $_tile_overlayer_lowered  }
0x9b: {  	s22 =	simm.s32 $0x1BFF;
	s21 =	sshll.u32 s5, $0x1;
	s2 =	sadd.s32 s19, s18  }
0x9c: {  	s6 =	simm.s32 $0x0;
	s20 =	sshll.u32 s4, $0x1;
	s4 =	sadd.s32 s21, s2  }
0x9d: {  	[timem:s6], [sflag:s22] =	dma.local [hbm:s4], s20  }
0x9e: {  	_ =	swait.ge [sflag:s22], s20  }
0x9f: {  	s3 =	ssub.s32 $0x0, s20;
	[sflag:s22] =	ssyncset.done $0x0  }
0xa0: {  	[sflag:s22] =	ssyncadd.s32 s3;
	_ =	sdelay $0x1  }
0xa1: {  	s23 =	simm.s32 $0x1B8B  }
0xa2: {  	_ =	swait.ge [sflag:s23], $0x1  }
0xa3: {  	[sflag:s23] =	ssyncset.done $0x0  }
0xa4: {  	s25 =	simm.s32 $0x1B8E;
	s24 =	sld [smem:$0x3FFE];
	[sflag:s23] =	ssyncadd.s32 $0xFFFFFFFF  }
0xa5: {  	s26 =	simm.s32 $execute0_lowered;
	[smem:$0x3FD2] =	sst s25  }
0xa6: {  	s4 =	sshll.u32 s26, $0x1;
	_ =	strace $0x80000049;
	[dreg:$0x1] =	wrdreg $0xFFFFFFFF  }
0xa7: {  	s28 =	simm.s32 $_size_execute0_lowered;
	s2 =	sadd.s32 s2, s4;
	[dreg:$0x0] =	wrdreg $0x0  }
0xa8: {  	s4 =	sshll.u32 s28, $0x1;
	[dreg:$0x2] =	wrdreg s2  }
0xa9: {  	[dreg:$0x3] =	wrdreg s4  }
0xaa: {  	[dreg:$0x4] =	wrdreg $0xC0  }
0xab: {  	_ =	task [dreg:s6], $0x5FFFF  }
0xac: {  	[dreg:$0x1] =	wrdreg $0xFFFFFFFF  }
0xad: {  	[dreg:$0x0] =	wrdreg $0x60  }
0xae: {  	[dreg:$0x2] =	wrdreg s24  }
0xaf: {  	[dreg:$0x3] =	wrdreg $0x41800  }
0xb0: {  	[dreg:$0x4] =	wrdreg $0x9  }
0xb1: {  	_ =	task.clear_ibuf [dreg:s6], $0x5FFFF;
	_ =	strace $0x90000049  }
0xb2: {  	s29 =	simm.s32 $0x9;
	_ =	strace $0x8000004B  }
0xb3: {  	_ =	swait.ge [sflag:s29], $0x1  }
0xb4: {  	[sflag:s29] =	ssyncadd.s32 $0xFFFFFFFF  }
0xb5: {  	_ =	strace $0x9000004B  }
0xb6: {  	_ =	sfence  }
0xb7: {  	s30 =	sld [smem:$0x0];
	_ =	sdelay $0x2  }
0xb8: {  	s31 =	sshll.u32 s1, $0xD;
	s1 =	sshrl.u32 s1, $0x2  }
0xb9: {  	s3 =	sand.u32 $0x4000, s31;
	s1 =	sadd.s32 s1, s30  }
0xba: {  	s0 =	sor.u32 s3, s0;
	s1 =	sshll.u32 s1, $0x11  }
0xbb: {  	s0 =	sor.u32 s1, s0  }
0xbc: {  	s0 =	sadd.s32 $0x8F2B, s0  }
0xbd: {  	[sflag:s0] =	ssyncadd.remote.s32 $0x1  }
0xbe: {  	_ =	sfence.sel $0xFFFF  }
0xbf: {  	[dreg:$0x0] =	wrdreg $0xFFFFFFFF;
	(pc) =	sbr.abs _section_cstart, $3  }
0xc0: {  	[dreg:$0x1] =	wrdreg $0xFFFFFFFF  }
0xc1: {  	_ =	task.clear_ibuf [dreg:s6], $0x2FFFF;
	_ =	strace $0x9FFFFFFF  }
0xc2: {  	(tm) =	ssettm $0x7FFFFFFF  }
0xc3: {  	_ =	shalt  }
tec
execute0_lowered:
.L_overlay_start_1:
0x0: {  	(tag) =	ssettag $0x1  }
0x1: {  	s0 =	rddreg [dreg:$0x0]  }
0x2: {  	s1 =	rddreg [dreg:$0x1];
	s2 =	simm.s32 $0x0  }
0x3: {  	s3 =	srdreg.scid;
	s13 =	stileid.u32;
	s28 =	simm.s32 $0x1  }
0x4: {  	s29 =	simm.s32 $0x80;
	s30 =	simm.s32 $0x100;
	s31 =	simm.s32 $0x0  }
0x5: {  	[smem:$0x7FF] =	sst s2;
	s4 =	sadd.s32 $0x55200, s0;
	s5 =	sadd.s32 $0x5F400, s0  }
0x6: {  	s6 =	sadd.s32 $0x69600, s0;
	s7 =	sadd.s32 $0x18400, s0;
	s3 =	sand.u32 $0x1, s3  }
0x7: {  	s8 =	smul.u32 $0x4E000, s13;
	s0 =	sadd.s32 $0x73800, s0;
	s10 =	sshll.u32 s13, $0x1  }
0x8: {  	s26 =	smul.u32 $0x13800, s13;
	p0 =	sne.s32 s13, $0xF;
	_ =	strace $0x8000004A  }
0x9: {  	s9 =	ssub.s32 $0x2, s3;
	s10 =	sor.u32 s3, s10;
	s3 =	smul.u32 $0x138800, s3  }
0xa: {  	s11 =	sshrl.u32 s9, $0x1;
	s12 =	sshrl.u32 s8, $0x2;
	s8 =	smul.u32 $0x51, s10  }
0xb: {  	s11 =	ssub.s32 s9, s11;
	s9 =	sadd.s32 s12, s1;
	s10 =	sadd.s32 s26, s3  }
0xc: {  	s3 =	sshrl.u32 s3, $0x3;
	s26 =	simm.s32 $0x180;
	s22 =	sadd.s32 $0x1800, s9  }
0xd: {  	s23 =	sadd.s32 $0x3000, s9;
	s24 =	sadd.s32 $0x4800, s9;
	s25 =	sadd.s32 $0x6000, s9  }
0xe: {  	s14 =	sadd.s32 $0x7800, s9;
	s15 =	sadd.s32 $0x9000, s9;
	s16 =	sadd.s32 $0xA800, s9  }
0xf: {  	s17 =	sadd.s32 $0xC000, s9;
	s18 =	sadd.s32 $0xD800, s9;
	[dreg:$0x3] =	wrdreg s22  }
0x10: {  	s19 =	sadd.s32 $0xF000, s9;
	s20 =	sadd.s32 $0x10800, s9;
	[dreg:$0x4] =	wrdreg s23  }
0x11: {  	s21 =	sadd.s32 $0x12000, s9;
	s10 =	sshrl.u32 s10, $0x3;
	[dreg:$0x5] =	wrdreg s24  }
0x12: {  	s3 =	sadd.s32 s0, s3;
	[dreg:$0x6] =	wrdreg s25;
	s22 =	sadd.s32 s0, s10  }
0x13: {  	v0 =	vimm.f32 $0.0e+00;
	s23 =	sadd.s32 $0x138000, s1;
	s24 =	sadd.s32 $0x27000, s3;
	s25 =	smax.u32 s11, $0x1  }
.LBB2_1:
0x14: {  	s0 =	simm.s32 $0x0;
	s3 =	simm.s32 $0x200  }
.LBB2_2:
0x15: {  	p1 =	sne.s32 s3, $0xFE00;
	[tilespmem:s0+$0x1F0] =	vst v0  }
0x16: {  	[tilespmem:s0+$0x180] =	vst v0  }
0x17: {  	[tilespmem:s0+$0x190] =	vst v0  }
.Ltmp0:
0x18: {  	[tilespmem:s0+$0x1A0] =	vst v0;
	(pc) =	sbr.rel @p1 .LBB2_2-.Ltmp0, $4  }
0x19: {  	[tilespmem:s0+$0x1B0] =	vst v0  }
0x1a: {  	[tilespmem:s0+$0x1C0] =	vst v0  }
0x1b: {  	[tilespmem:s0+$0x1D0] =	vst v0  }
0x1c: {  	[tilespmem:s0+$0x1E0] =	vst v0;
	s0 =	sshra.s32 s3, $0x2;
	s3 =	sadd.s32 $0x200, s3  }
0x1d: {  	[tilespmem:s0+$0x1F0] =	vst v0  }
0x1e: {  	[tilespmem:s0+$0x180] =	vst v0  }
0x1f: {  	[tilespmem:s0+$0x190] =	vst v0  }
0x20: {  	[tilespmem:s0+$0x1A0] =	vst v0  }
0x21: {  	[tilespmem:s0+$0x1B0] =	vst v0  }
0x22: {  	[tilespmem:s0+$0x1C0] =	vst v0  }
0x23: {  	[tilespmem:s0+$0x1D0] =	vst v0  }
0x24: {  	[tilespmem:s0+$0x1E0] =	vst v0  }
0x25: {  	[spmem:s9] =	stream.linear.scatter [tilespmem:s26], [sflag:$0x1], $0x1800, $0x38;
	[tilespmem:$0x17A00] =	vst v63  }
0x26: {  	_ =	swait.ge [sflag:s28], $0x1800  }
0x27: {  	[sflag:s28] =	ssyncset.done $0x0  }
0x28: {  	s10 =	rddreg [dreg:$0x3];
	[sflag:s28] =	ssyncadd.s32 $0xFFFFE800  }
0x29: {  	[spmem:s10] =	stream.linear.scatter [tilespmem:s26], [sflag:$0x1], $0x1800, $0x38;
	[tilespmem:$0x17A00] =	vst v63  }
0x2a: {  	_ =	swait.ge [sflag:s28], $0x1800  }
0x2b: {  	[sflag:s28] =	ssyncset.done $0x0  }
0x2c: {  	s11 =	rddreg [dreg:$0x4];
	[sflag:s28] =	ssyncadd.s32 $0xFFFFE800  }
0x2d: {  	[spmem:s11] =	stream.linear.scatter [tilespmem:s26], [sflag:$0x1], $0x1800, $0x38;
	[tilespmem:$0x17A00] =	vst v63  }
0x2e: {  	_ =	swait.ge [sflag:s28], $0x1800  }
0x2f: {  	[sflag:s28] =	ssyncset.done $0x0  }
0x30: {  	s12 =	rddreg [dreg:$0x5];
	[sflag:s28] =	ssyncadd.s32 $0xFFFFE800  }
0x31: {  	[spmem:s12] =	stream.linear.scatter [tilespmem:s26], [sflag:$0x1], $0x1800, $0x38;
	[tilespmem:$0x17A00] =	vst v63  }
0x32: {  	_ =	swait.ge [sflag:s28], $0x1800  }
0x33: {  	[sflag:s28] =	ssyncset.done $0x0  }
0x34: {  	s13 =	rddreg [dreg:$0x6];
	[sflag:s28] =	ssyncadd.s32 $0xFFFFE800  }
0x35: {  	[spmem:s13] =	stream.linear.scatter [tilespmem:s26], [sflag:$0x1], $0x1800, $0x38;
	[tilespmem:$0x17A00] =	vst v63  }
0x36: {  	_ =	swait.ge [sflag:s28], $0x1800  }
0x37: {  	[sflag:s28] =	ssyncset.done $0x0  }
0x38: {  	[sflag:s28] =	ssyncadd.s32 $0xFFFFE800  }
0x39: {  	[spmem:s14] =	stream.linear.scatter [tilespmem:s26], [sflag:$0x1], $0x1800, $0x38;
	[tilespmem:$0x17A00] =	vst v63  }
0x3a: {  	_ =	swait.ge [sflag:s28], $0x1800  }
0x3b: {  	[sflag:s28] =	ssyncset.done $0x0  }
0x3c: {  	[sflag:s28] =	ssyncadd.s32 $0xFFFFE800  }
0x3d: {  	[spmem:s15] =	stream.linear.scatter [tilespmem:s26], [sflag:$0x1], $0x1800, $0x38;
	[tilespmem:$0x17A00] =	vst v63  }
0x3e: {  	_ =	swait.ge [sflag:s28], $0x1800  }
0x3f: {  	[sflag:s28] =	ssyncset.done $0x0  }
0x40: {  	[sflag:s28] =	ssyncadd.s32 $0xFFFFE800  }
0x41: {  	[spmem:s16] =	stream.linear.scatter [tilespmem:s26], [sflag:$0x1], $0x1800, $0x38;
	[tilespmem:$0x17A00] =	vst v63  }
0x42: {  	_ =	swait.ge [sflag:s28], $0x1800  }
0x43: {  	[sflag:s28] =	ssyncset.done $0x0  }
0x44: {  	[sflag:s28] =	ssyncadd.s32 $0xFFFFE800  }
0x45: {  	[spmem:s17] =	stream.linear.scatter [tilespmem:s26], [sflag:$0x1], $0x1800, $0x38;
	[tilespmem:$0x17A00] =	vst v63  }
0x46: {  	_ =	swait.ge [sflag:s28], $0x1800  }
0x47: {  	[sflag:s28] =	ssyncset.done $0x0  }
0x48: {  	[sflag:s28] =	ssyncadd.s32 $0xFFFFE800  }
0x49: {  	[spmem:s18] =	stream.linear.scatter [tilespmem:s26], [sflag:$0x1], $0x1800, $0x38;
	[tilespmem:$0x17A00] =	vst v63  }
0x4a: {  	_ =	swait.ge [sflag:s28], $0x1800  }
0x4b: {  	[sflag:s28] =	ssyncset.done $0x0  }
0x4c: {  	[sflag:s28] =	ssyncadd.s32 $0xFFFFE800  }
0x4d: {  	[spmem:s19] =	stream.linear.scatter [tilespmem:s26], [sflag:$0x1], $0x1800, $0x38;
	[tilespmem:$0x17A00] =	vst v63  }
0x4e: {  	_ =	swait.ge [sflag:s28], $0x1800  }
0x4f: {  	[sflag:s28] =	ssyncset.done $0x0  }
0x50: {  	[sflag:s28] =	ssyncadd.s32 $0xFFFFE800  }
0x51: {  	[spmem:s20] =	stream.linear.scatter [tilespmem:s26], [sflag:$0x1], $0x1800, $0x38;
	[tilespmem:$0x17A00] =	vst v63  }
0x52: {  	_ =	swait.ge [sflag:s28], $0x1800  }
0x53: {  	[sflag:s28] =	ssyncset.done $0x0  }
0x54: {  	[sflag:s28] =	ssyncadd.s32 $0xFFFFE800  }
0x55: {  	[spmem:s21] =	stream.linear.scatter [tilespmem:s26], [sflag:$0x1], $0x1800, $0x38;
	[tilespmem:$0x17A00] =	vst v63  }
0x56: {  	_ =	swait.ge [sflag:s28], $0x1800  }
0x57: {  	[sflag:s28] =	ssyncset.done $0x0  }
0x58: {  	s0 =	simm.s32 @!p0 $0x180;
	[sflag:s28] =	ssyncadd.s32 $0xFFFFE800  }
0x59: {  	[spmem:s23] =	stream.linear.scatter @!p0 [tilespmem:s0], [sflag:$0x1], $0x800, $0x38;
	[tilespmem:$0x17A00] =	vst v63  }
0x5a: {  	s0 =	simm.s32 @!p0 $0x1  }
0x5b: {  	_ =	swait.ge @!p0 [sflag:s0], $0x800  }
0x5c: {  	[sflag:s0] =	ssyncset.done @!p0 $0x0  }
0x5d: {  	[sflag:s0] =	ssyncadd.s32 @!p0 $0xFFFFF800  }
0x5e: {  	s0 =	simm.s32 $0x0;
	[bflag:$0x0] =	sbarrier.arrive $0xFFFF  }
.LBB2_4:
0x5f: {  	s3 =	sadd.s32 s8, s0  }
0x60: {  	s3 =	sshll.u32 s3, $0x4  }
0x61: {  	s10 =	sadd.s32 s4, s3  }
0x62: {  	[tilespmem:s31], [sflag:$0x1] =	stream.linear.gather [hbm4b:s10+s31], $0x80, $0x38;
	[tilespmem:$0x17A00] =	vst v63  }
0x63: {  	_ =	swait.ge [sflag:s28], $0x80  }
0x64: {  	[sflag:s28] =	ssyncset.done $0x0  }
0x65: {  	s12 =	sadd.s32 s5, s3;
	[sflag:s28] =	ssyncadd.s32 $0xFFFFFF80  }
0x66: {  	[tilespmem:s29], [sflag:$0x1] =	stream.linear.gather [hbm4b:s12+s31], $0x80, $0x38;
	[tilespmem:$0x17A00] =	vst v63  }
0x67: {  	_ =	swait.ge [sflag:s28], $0x80  }
0x68: {  	[sflag:s28] =	ssyncset.done $0x0  }
0x69: {  	s3 =	sadd.s32 s6, s3;
	[sflag:s28] =	ssyncadd.s32 $0xFFFFFF80  }
0x6a: {  	v1 =	vmov s31;
	[tilespmem:s30], [sflag:$0x1] =	stream.linear.gather [hbm4b:s3+s31], $0x80, $0x38;
	[tilespmem:$0x17A00] =	vst v63  }
0x6b: {  	v1 =	vand.u32 $0xFFFFFFFE, v1;
	_ =	swait.ge [sflag:s28], $0x80  }
0x6c: {  	v1 =	vbroadcast v1, $0x0;
	[sflag:s28] =	ssyncset.done $0x0  }
0x6d: {  	[sflag:s28] =	ssyncadd.s32 $0xFFFFFF80  }
0x6e: {  	[tilespmem:s26], [sflag:$0x1] =	stream.indirect.gather [hbm4b:s7+s29], $0x80, s31, s29, $0xb8;
	[tilespmem:$0x17A00] =	vst v63  }
0x6f: {  	_ =	swait.ge [sflag:s28], $0x4000  }
0x70: {  	[sflag:s28] =	ssyncset.done $0x0  }
0x71: {  	[sflag:s28] =	ssyncadd.s32 $0xFFFFC000  }
0x72: {  	s3 =	simm.s32 $0x200;
	v2 =	vld.idx.msk [tilespmem:v1+s30+$0x0], $0xffff  }
0x73: {  	v1 =	vld [tilespmem:s3+$0xFFFFFFF0]  }
0x74: {  	v3 =	vld [tilespmem:s3+$0xFFFFFF80]  }
0x75: {  	s13 =	simm.s32 $0x1;
	v6 =	vld [tilespmem:s3+$0xFFFFFF90]  }
0x76: {  	v7 =	vmov s13;
	v8 =	vld [tilespmem:s3+$0xFFFFFFA0]  }
0x77: {  	v11 =	vld [tilespmem:s3+$0xFFFFFFB0]  }
0x78: {  	v5 =	vld [tilespmem:s3+$0xFFFFFFC0]  }
0x79: {  	v4 =	vld [tilespmem:s3+$0xFFFFFFD0];
	v9 =	vmul.f32 v1, v2  }
0x7a: {  	v10 =	vmul.f32 v3, v2;
	v3 =	vld [tilespmem:s3+$0xFFFFFFE0]  }
0x7b: {  	v1 =	vld.idx.msk [tilespmem:v7+s30+$0x0], $0xffff;
	v6 =	vmul.f32 v6, v2;
	[tilespmem:s3+$0xFFFFFFF0] =	vst v9  }
0x7c: {  	s11 =	simm.s32 $0x2;
	v7 =	vld [tilespmem:s3+$0x0];
	[tilespmem:s3+$0xFFFFFF80] =	vst v10;
	v9 =	vmul.f32 v8, v2  }
0x7d: {  	s10 =	simm.s32 $0x200;
	s12 =	simm.s32 $0x4;
	v10 =	vmov s11;
	[tilespmem:s3+$0xFFFFFF90] =	vst v6;
	v8 =	vmul.f32 v11, v2;
	v6 =	vld [tilespmem:s3+$0x10]  }
.LBB2_5:
0x7e: {  	p1 =	slt.u32 s12, $0x7E;
	v10 =	vand.u32 $0xFFFFFFFE, v10;
	s13 =	sadd.s32 $0x1, s11;
	[tilespmem:s3+$0xFFFFFFA0] =	vst v9;
	v5 =	vmul.f32 v5, v2;
	v9 =	vld [tilespmem:s3+$0x20];
	s11 =	smov.u32 s12  }
0x7f: {  	v10 =	vbroadcast v10, $0x0;
	v11 =	vmov s13;
	[tilespmem:s3+$0xFFFFFFB0] =	vst v8;
	v4 =	vmul.f32 v4, v2;
	v8 =	vld [tilespmem:s3+$0x30]  }
0x80: {  	[tilespmem:s3+$0xFFFFFFC0] =	vst v5;
	v2 =	vmul.f32 v3, v2;
	v3 =	vld [tilespmem:s3+$0x40]  }
0x81: {  	[tilespmem:s3+$0xFFFFFFD0] =	vst v4;
	v4 =	vmul.f32 v7, v1;
	v5 =	vld [tilespmem:s3+$0x50]  }
0x82: {  	[tilespmem:s3+$0xFFFFFFE0] =	vst v2;
	v2 =	vmul.f32 v6, v1;
	v6 =	vld [tilespmem:s3+$0x60]  }
0x83: {  	[tilespmem:s3+$0x0] =	vst v4;
	v4 =	vmul.f32 v9, v1;
	v7 =	vld [tilespmem:s3+$0x70]  }
0x84: {  	v9 =	vld.idx.msk [tilespmem:v11+s30+$0x0], $0xffff;
	[tilespmem:s3+$0x10] =	vst v2;
	v8 =	vmul.f32 v8, v1  }
0x85: {  	s3 =	sadd.s32 $0x100, s3;
	v2 =	vld.idx.msk [tilespmem:v10+s30+$0x0], $0xffff;
	[tilespmem:s10+$0x20] =	vst v4;
	v3 =	vmul.f32 v3, v1  }
0x86: {  	v4 =	vld [tilespmem:s3+$0xFFFFFFF0];
	[tilespmem:s10+$0x30] =	vst v8;
	v5 =	vmul.f32 v5, v1  }
0x87: {  	v8 =	vld [tilespmem:s3+$0xFFFFFF80];
	[tilespmem:s10+$0x40] =	vst v3;
	v3 =	vmul.f32 v6, v1  }
0x88: {  	v6 =	vld [tilespmem:s3+$0xFFFFFF90];
	[tilespmem:s10+$0x50] =	vst v5;
	v5 =	vmul.f32 v7, v1  }
0x89: {  	v7 =	vld [tilespmem:s3+$0xFFFFFFA0];
	[tilespmem:s10+$0x60] =	vst v3  }
0x8a: {  	v1 =	vmov v9;
	v11 =	vld [tilespmem:s3+$0xFFFFFFB0];
	[tilespmem:s10+$0x70] =	vst v5;
	s10 =	smov.u32 s3  }
.Ltmp1:
0x8b: {  	v5 =	vld [tilespmem:s3+$0xFFFFFFC0];
	v9 =	vmul.f32 v4, v2;
	(pc) =	sbr.rel @p1 .LBB2_5-.Ltmp1, $4  }
0x8c: {  	v8 =	vmul.f32 v8, v2;
	v4 =	vld [tilespmem:s3+$0xFFFFFFD0]  }
0x8d: {  	v6 =	vmul.f32 v6, v2;
	v3 =	vld [tilespmem:s3+$0xFFFFFFE0];
	[tilespmem:s3+$0xFFFFFFF0] =	vst v9  }
0x8e: {  	[tilespmem:s3+$0xFFFFFF80] =	vst v8;
	v9 =	vmul.f32 v7, v2;
	v7 =	vld [tilespmem:s3+$0x0]  }
0x8f: {  	s12 =	sadd.s32 $0x2, s12;
	v10 =	vmov s11;
	[tilespmem:s3+$0xFFFFFF90] =	vst v6;
	v8 =	vmul.f32 v11, v2;
	v6 =	vld [tilespmem:s3+$0x10]  }
0x90: {  	v11 =	vld [tilespmem:s3+$0x20]  }
0x91: {  	v10 =	vand.u32 $0xFFFFFFFE, v10;
	v12 =	vld [tilespmem:s3+$0x30]  }
0x92: {  	v14 =	vld [tilespmem:s3+$0x40];
	[tilespmem:s3+$0xFFFFFFA0] =	vst v9;
	v5 =	vmul.f32 v5, v2;
	v10 =	vbroadcast v10, $0x0  }
0x93: {  	v44 =	vld [tilespmem:s3+$0x50];
	[tilespmem:s3+$0xFFFFFFB0] =	vst v8;
	v4 =	vmul.f32 v4, v2  }
0x94: {  	v45 =	vld [tilespmem:s3+$0x60];
	s13 =	sadd.s32 $0x100, s3;
	[tilespmem:s3+$0xFFFFFFC0] =	vst v5;
	v2 =	vmul.f32 v3, v2  }
0x95: {  	v50 =	vld [tilespmem:s13+$0xFFFFFFF0];
	v7 =	vmul.f32 v7, v1;
	[tilespmem:s3+$0xFFFFFFD0] =	vst v4  }
0x96: {  	v51 =	vld [tilespmem:s13+$0xFFFFFF80];
	v46 =	vmul.f32 v6, v1;
	[tilespmem:s3+$0xFFFFFFE0] =	vst v2  }
0x97: {  	v3 =	vld [tilespmem:s3+$0x70];
	[tilespmem:s3+$0x0] =	vst v7;
	v2 =	vmul.f32 v11, v1  }
0x98: {  	v49 =	vmul.f32 v12, v1;
	[tilespmem:s3+$0x10] =	vst v46;
	v48 =	vld.idx.msk [tilespmem:v10+s30+$0x0], $0xffff  }
0x99: {  	v53 =	vld [tilespmem:s13+$0xFFFFFF90];
	[tilespmem:s10+$0x20] =	vst v2;
	v2 =	vmul.f32 v14, v1  }
0x9a: {  	s11 =	sadd.s32 $0x1, s11;
	v54 =	vld [tilespmem:s13+$0xFFFFFFA0];
	v52 =	vmul.f32 v44, v1;
	[tilespmem:s10+$0x30] =	vst v49  }
0x9b: {  	v13 =	vmov s11;
	v56 =	vld [tilespmem:s13+$0xFFFFFFD0];
	[tilespmem:s10+$0x40] =	vst v2;
	v2 =	vmul.f32 v45, v1  }
0x9c: {  	[tilespmem:s10+$0x50] =	vst v52;
	v1 =	vmul.f32 v3, v1;
	v3 =	vld [tilespmem:s13+$0xFFFFFFB0]  }
0x9d: {  	[tilespmem:s10+$0x60] =	vst v2;
	v2 =	vld [tilespmem:s13+$0xFFFFFFC0];
	v55 =	vmul.f32 v50, v48  }
0x9e: {  	v57 =	vld [tilespmem:s13+$0xFFFFFFE0];
	[tilespmem:s10+$0x70] =	vst v1;
	v1 =	vmul.f32 v51, v48  }
0x9f: {  	v58 =	vld [tilespmem:s13+$0x0];
	v9 =	vmul.f32 v53, v48;
	[tilespmem:s13+$0xFFFFFFF0] =	vst v55  }
0xa0: {  	v47 =	vld.idx.msk [tilespmem:v13+s30+$0x0], $0xffff;
	[tilespmem:s13+$0xFFFFFF80] =	vst v1;
	v1 =	vmul.f32 v54, v48  }
0xa1: {  	v59 =	vld [tilespmem:s13+$0x10];
	[tilespmem:s13+$0xFFFFFF90] =	vst v9;
	v3 =	vmul.f32 v3, v48  }
0xa2: {  	[tilespmem:s13+$0xFFFFFFA0] =	vst v1;
	v1 =	vmul.f32 v2, v48;
	v2 =	vld [tilespmem:s13+$0x20]  }
0xa3: {  	v60 =	vld [tilespmem:s13+$0x30];
	[tilespmem:s13+$0xFFFFFFB0] =	vst v3;
	v3 =	vmul.f32 v56, v48  }
0xa4: {  	v61 =	vld [tilespmem:s13+$0x40];
	[tilespmem:s13+$0xFFFFFFC0] =	vst v1;
	v1 =	vmul.f32 v57, v48  }
0xa5: {  	v62 =	vld [tilespmem:s13+$0x50];
	[tilespmem:s13+$0xFFFFFFD0] =	vst v3;
	v3 =	vmul.f32 v58, v47  }
0xa6: {  	v63 =	vld [tilespmem:s13+$0x60];
	[tilespmem:s13+$0xFFFFFFE0] =	vst v1;
	v1 =	vmul.f32 v59, v47  }
0xa7: {  	[tilespmem:s13+$0x0] =	vst v3;
	v3 =	vld [tilespmem:s13+$0x70];
	v2 =	vmul.f32 v2, v47  }
0xa8: {  	[tilespmem:s13+$0x10] =	vst v1;
	v1 =	vmul.f32 v60, v47  }
0xa9: {  	[tilespmem:s13+$0x20] =	vst v2;
	v2 =	vmul.f32 v61, v47  }
0xaa: {  	[tilespmem:s13+$0x30] =	vst v1;
	v1 =	vmul.f32 v62, v47  }
0xab: {  	[tilespmem:s13+$0x40] =	vst v2;
	v2 =	vmul.f32 v63, v47  }
0xac: {  	s0 =	sadd.s32 $0x1, s0;
	[tilespmem:s13+$0x50] =	vst v1;
	v1 =	vmul.f32 v3, v47  }
0xad: {  	p1 =	sne.s32 s0, $0x51;
	[tilespmem:s13+$0x60] =	vst v2  }
.Ltmp2:
0xae: {  	[tilespmem:s13+$0x70] =	vst v1;
	(pc) =	sbr.rel @p1 .LBB2_4-.Ltmp2, $4  }
0xaf: {  	[spmem:s1] =	stream.indirect.scatter.add.f32 [tilespmem:s26], [sflag:$0x1], $0x80, s29, s29, $0xb8;
	[tilespmem:$0x17A00] =	vst v63  }
0xb0: {  	_ =	swait.ge [sflag:s28], $0x4000  }
0xb1: {  	[sflag:s28] =	ssyncset.done $0x0  }
0xb2: {  	[sflag:s28] =	ssyncadd.s32 $0xFFFFC000  }
0xb3: {  	s0 =	stileid.u32  }
0xb4: {  	s0 =	sshll.u32 s0, $0x6  }
0xb5: {  	[bflag:$0x0] =	sbarrier.arrive $0xFFFF;
	s3 =	sshrl.u32 s9, $0x3;
	s0 =	sor.u32 $0x1C01, s0  }
0xb6: {  	[hbm:s22], [sflag:s0] =	dma.local [spmem:s3], $0x2700  }
0xb7: {  	_ =	swait.ge [sflag:s28], $0x2700  }
0xb8: {  	s2 =	sadd.s32 $0x1, s2;
	[sflag:s28] =	ssyncset.done $0x0  }
0xb9: {  	p1 =	sne.s32 s2, s25;
	s3 =	sshrl.u32 @!p0 s23, $0x3;
	[sflag:s28] =	ssyncadd.s32 $0xFFFFD900  }
0xba: {  	[hbm:s24], [sflag:s0] =	dma.local @!p0 [spmem:s3], $0x100  }
.Ltmp3:
0xbb: {  	_ = 	snop;
	(pc) =	sbr.rel @p1 .LBB2_1-.Ltmp3, $4  }
0xbc: {  	s0 =	simm.s32 @!p0 $0x1  }
0xbd: {  	_ =	swait.ge @!p0 [sflag:s0], $0x100  }
0xbe: {  	[sflag:s0] =	ssyncset.done @!p0 $0x0  }
0xbf: {  	[sflag:s0] =	ssyncadd.s32 @!p0 $0xFFFFFF00  }
0xc0: {  	_ =	sfence.sel $0x180000  }
0xc1: {  	[bflag:$0x0] =	sbarrier.arrive $0xFFFF  }
0xc2: {  	_ =	strace $0x9000004A  }
0xc3: {  	s0 =	stileid.u32;
	[bflag:$0x2] =	sbarrier.arrive $0xFFFF  }
0xc4: {  	p0 =	sne.s32 s0, $0x0;
	s0 =	rddreg [dreg:$0x2]  }
0xc5: {  	s0 =	sadd.s32 @!p0 $0x100000, s0  }
0xc6: {  	[sflag:s0] =	ssyncadd.tile.s32 @!p0 $0x1;
	_ =	shalt  }
.Lfunc_end2:
_tile_overlayer_lowered:
.L_overlay_start_2:
0xc7: {  	(tag) =	ssettag $0x2  }
0xc8: {  	s0 =	rddreg [dreg:$0x0];
	s2 =	stileid.u32  }
0xc9: {  	s1 =	rddreg [dreg:$0x1];
	p0 =	sne.s32 s2, $0x0  }
0xca: {  	s3 =	rddreg [dreg:$0x2];
	[bflag:$0x3] =	sbarrier.arrive $0xFFFF;
	s2 =	simm.s32 @!p0 $0x1C01  }
0xcb: {  	[timem:s3], [sflag:s2] =	dma.local @!p0 [hbm:s0], s1  }
0xcc: {  	s0 =	simm.s32 @!p0 $0x1  }
0xcd: {  	_ =	swait.ge @!p0 [sflag:s0], s1  }
0xce: {  	s1 =	ssub.s32 @!p0 $0x0, s1;
	[sflag:s0] =	ssyncset.done @!p0 $0x0  }
0xcf: {  	[sflag:s0] =	ssyncadd.s32 @!p0 s1  }
0xd0: {  	[bflag:$0x3] =	sbarrier.arrive $0xFFFF  }
0xd1: {  	_ =	shalt  }

// kernel: kernel.15.cloned.1.call-start
scs
__scs_entry_jumppad:
0x0: {  	(pc) =	sbr.rel $0x88, $3  }
0x1: {  	(tag) =	ssettag $0x0;
	lr =	simm.s32 $0x1  }
0x2: {  	[smem:$0x3F97] =	sst lr;
	_ =	strace $0xD0000000  }
0x3: {  	_ = 	snop  }
0x4: {  	_ = 	snop  }
0x5: {  	_ = 	snop  }
0x6: {  	_ = 	snop  }
0x7: {  	_ = 	snop  }
__scs_overlays_trampoline_lowered:
0x8: {  	[smem:$0x3FA6] =	sst s0  }
0x9: {  	[smem:$0x3FA7] =	sst s1  }
0xa: {  	[smem:$0x3FA8] =	sst s2  }
0xb: {  	[smem:$0x3FA9] =	sst s3  }
0xc: {  	[smem:$0x3FAA] =	sst s4  }
0xd: {  	[smem:$0x3FAB] =	sst s5  }
0xe: {  	[smem:$0x3FAC] =	sst s6  }
0xf: {  	[smem:$0x3FAD] =	sst s7  }
0x10: {  	[smem:$0x3FAE] =	sst s8  }
0x11: {  	[smem:$0x3FAF] =	sst s9;
	s0 =	simm.s32 @!p0 $0x0  }
0x12: {  	s1 =	sld [smem:$0x3F95];
	s0 =	simm.s32 @p0 $0x1  }
0x13: {  	[smem:$0x3FB0] =	sst s0;
	s0 =	simm.s32 @!p1 $0x0  }
0x14: {  	s2 =	sld [smem:$0x3F94];
	s0 =	simm.s32 @p1 $0x1  }
0x15: {  	[smem:$0x3FB1] =	sst s0;
	s0 =	simm.s32 @!p2 $0x0  }
0x16: {  	s3 =	sld [smem:$0x3FDB];
	s0 =	simm.s32 @p2 $0x1  }
0x17: {  	s4 =	simm.s32 $0x1BF5;
	[smem:$0x3FB3] =	sst s0  }
0x18: {  	s0 =	sld [smem:$0x3F96];
	_ =	swait.ge [sflag:s4], $0x0  }
0x19: {  	s7 =	sld [smem:$0x3F97]  }
0x1a: {  	s8 =	sadd.s32 $0xFFFFE003, lr  }
0x1b: {  	s9 =	sadd.s32 $0xFFFFFEF7, lr;
	s5 =	simm.s32 $0xFFFFFFFF;
	p2 =	slt.u32 s8, $0xFFFFF086  }
0x1c: {  	p1 =	slt.u32 s9, $0xF7A;
	s5 =	simm.s32 @!p2 $0x0  }
0x1d: {  	s5 =	simm.s32 @p1 $0x1;
	p0 =	seq.s32 s7, s2  }
0x1e: {  	s7 =	smul.u32 @!p0 $0xF7A, s2;
	p2 =	seq.s32 @!p0 s5, $0x0  }
0x1f: {  	s9 =	smul.u32 $0xF7A, s1;
	s8 =	simm.s32 @!p0 $0x1BF5;
	p2 =	por !p2, p0  }
0x20: {  	[sflag:s8] =	ssyncset.s32 @!p0 $0xFFFFF086;
	s6 =	sadd.s32 @!p0 s3, s7;
	s7 =	simm.s32 @!p0 $0x108  }
0x21: {  	s3 =	sadd.s32 s3, s9;
	s6 =	sadd.s32 @!p0 $0x88, s6;
	s7 =	simm.s32 @p2 $0x1082  }
0x22: {  	[simem:s7], [sflag:s8] =	dma.local @!p0 [hbm:s6], $0xF7A  }
0x23: {  	s9 =	sor.u32 $0xD0000000, s2;
	s6 =	simm.s32 $0x108;
	_ =	swait.ge @!p0 [sflag:s8], $0x0  }
0x24: {  	s3 =	sadd.s32 $0x88, s3;
	s6 =	simm.s32 @!p1 $0x1082;
	[sflag:s4] =	ssyncset.s32 $0xFFFFF086  }
0x25: {  	[simem:s6], [sflag:s4] =	dma.local [hbm:s3], $0xF7A  }
0x26: {  	[smem:$0x3F97] =	sst s1;
	(tag) =	ssettag s2;
	_ =	strace s9  }
0x27: {  	s1 =	sld [smem:$0x3FA7]  }
0x28: {  	s2 =	sld [smem:$0x3FA8]  }
0x29: {  	s4 =	sld [smem:$0x3FAA]  }
0x2a: {  	p0 =	seq.s32 s5, $0x0;
	s5 =	sld [smem:$0x3FAB]  }
0x2b: {  	s6 =	sld [smem:$0x3FAC]  }
0x2c: {  	s7 =	sld [smem:$0x3FAD]  }
0x2d: {  	s3 =	simm.s32 $0x108;
	s8 =	sld [smem:$0x3FAE]  }
0x2e: {  	s3 =	simm.s32 @!p0 $0x1082;
	s9 =	sld [smem:$0x3FAF]  }
0x2f: {  	lr =	sadd.s32 s0, s3;
	s0 =	sld [smem:$0x3FA6]  }
0x30: {  	s3 =	sld [smem:$0x3FA9]  }
0x31: {  	[smem:$0x3FB2] =	sst s10  }
0x32: {  	s10 =	sld [smem:$0x3FB0];
	_ =	sdelay $0x3  }
0x33: {  	p0 =	seq.s32 s10, $0x1;
	s10 =	sld [smem:$0x3FB2];
	_ =	sdelay $0x3  }
0x34: {  	[smem:$0x3FB2] =	sst s10  }
0x35: {  	s10 =	sld [smem:$0x3FB1];
	_ =	sdelay $0x3  }
0x36: {  	p1 =	seq.s32 s10, $0x1;
	s10 =	sld [smem:$0x3FB2];
	_ =	sdelay $0x3  }
0x37: {  	[smem:$0x3FB2] =	sst s10  }
0x38: {  	s10 =	sld [smem:$0x3FB3]  }
0x39: {  	_ = 	snop;
	(pc) =	sbr.ind lr, $3  }
0x3a: {  	_ = 	snop  }
0x3b: {  	_ = 	snop  }
0x3c: {  	p2 =	seq.s32 s10, $0x1;
	s10 =	sld [smem:$0x3FB2]  }
0x3d: {  	_ =	shalt  }
0x3e: {  	_ =	shalt  }
0x3f: {  	_ =	shalt  }
0x40: {  	_ =	shalt  }
0x41: {  	_ =	shalt  }
0x42: {  	_ =	shalt  }
0x43: {  	_ =	shalt  }
0x44: {  	_ =	shalt  }
0x45: {  	_ =	shalt  }
0x46: {  	_ =	shalt  }
0x47: {  	_ =	shalt  }
0x48: {  	_ =	shalt  }
0x49: {  	_ =	shalt  }
0x4a: {  	_ =	shalt  }
0x4b: {  	_ =	shalt  }
0x4c: {  	_ =	shalt  }
0x4d: {  	_ =	shalt  }
0x4e: {  	_ =	shalt  }
0x4f: {  	_ =	shalt  }
0x50: {  	_ =	shalt  }
0x51: {  	_ =	shalt  }
0x52: {  	_ =	shalt  }
0x53: {  	_ =	shalt  }
0x54: {  	_ =	shalt  }
0x55: {  	_ =	shalt  }
0x56: {  	_ =	shalt  }
0x57: {  	_ =	shalt  }
0x58: {  	_ =	shalt  }
0x59: {  	_ =	shalt  }
0x5a: {  	_ =	shalt  }
0x5b: {  	_ =	shalt  }
0x5c: {  	_ =	shalt  }
0x5d: {  	_ =	shalt  }
0x5e: {  	_ =	shalt  }
0x5f: {  	_ =	shalt  }
0x60: {  	_ =	shalt  }
0x61: {  	_ =	shalt  }
0x62: {  	_ =	shalt  }
0x63: {  	_ =	shalt  }
0x64: {  	_ =	shalt  }
0x65: {  	_ =	shalt  }
0x66: {  	_ =	shalt  }
0x67: {  	_ =	shalt  }
0x68: {  	_ =	shalt  }
0x69: {  	_ =	shalt  }
0x6a: {  	_ =	shalt  }
0x6b: {  	_ =	shalt  }
0x6c: {  	_ =	shalt  }
0x6d: {  	_ =	shalt  }
0x6e: {  	_ =	shalt  }
0x6f: {  	_ =	shalt  }
0x70: {  	_ =	shalt  }
0x71: {  	_ =	shalt  }
0x72: {  	_ =	shalt  }
0x73: {  	_ =	shalt  }
0x74: {  	_ =	shalt  }
0x75: {  	_ =	shalt  }
0x76: {  	_ =	shalt  }
0x77: {  	_ =	shalt  }
0x78: {  	_ =	shalt  }
0x79: {  	_ =	shalt  }
0x7a: {  	_ =	shalt  }
0x7b: {  	_ =	shalt  }
0x7c: {  	_ =	shalt  }
0x7d: {  	_ =	shalt  }
0x7e: {  	_ =	shalt  }
0x7f: {  	_ =	shalt  }
0x80: {  	_ =	shalt  }
0x81: {  	_ =	shalt  }
0x82: {  	_ =	shalt  }
0x83: {  	_ =	shalt  }
0x84: {  	_ =	shalt  }
0x85: {  	_ =	shalt  }
0x86: {  	_ =	shalt  }
0x87: {  	_ =	shalt  }
.Lfunc_end0:
.L_simem_size_0:
called_computation.2_lowered:
.L_overlay_start_0:
0x88: {  	s2 =	sld [smem:$0x3FD9]  }
0x89: {  	s3 =	sld [smem:$0x3FFE];
	_ =	sdelay $0x1  }
0x8a: {  	s1 =	srdreg.scid  }
0x8b: {  	s0 =	sand.u32 $0x1, s1  }
0x8c: {  	s16 =	sshll.u32 s0, $0xA;
	s2 =	sadd.s32 s3, s2  }
0x8d: {  	s2 =	sadd.s32 s2, s16  }
0x8e: {  	[smem:$0x3FBE] =	sst s2  }
0x8f: {  	_ = 	snop  }
0x90: {  	(tm) =	ssettm $0x1  }
0x91: {  	s17 =	sld [smem:$0x3FFB];
	_ =	sdelay $0x3  }
0x92: {  	_ =	strace s17  }
0x93: {  	s2 =	sld [smem:$0x3FFC];
	_ =	sdelay $0x3  }
0x94: {  	_ =	strace s2  }
0x95: {  	s2 =	sld [smem:$0x3FFD];
	_ =	sdelay $0x3  }
0x96: {  	_ =	strace s2  }
0x97: {  	_ =	strace $0x8FFFFFFF  }
0x98: {  	s18 =	sld [smem:$0x3FDB];
	_ =	sdelay $0x1  }
0x99: {  	s19 =	simm.s32 $_scs_section_size  }
0x9a: {  	s4 =	simm.s32 $_size__tile_overlayer_lowered;
	s5 =	simm.s32 $_tile_overlayer_lowered  }
0x9b: {  	s22 =	simm.s32 $0x1BFF;
	s21 =	sshll.u32 s5, $0x1;
	s2 =	sadd.s32 s19, s18  }
0x9c: {  	s6 =	simm.s32 $0x0;
	s20 =	sshll.u32 s4, $0x1;
	s4 =	sadd.s32 s21, s2  }
0x9d: {  	[timem:s6], [sflag:s22] =	dma.local [hbm:s4], s20  }
0x9e: {  	_ =	swait.ge [sflag:s22], s20  }
0x9f: {  	s3 =	ssub.s32 $0x0, s20;
	[sflag:s22] =	ssyncset.done $0x0  }
0xa0: {  	[sflag:s22] =	ssyncadd.s32 s3;
	_ =	sdelay $0x1  }
0xa1: {  	s23 =	simm.s32 $0x1B8B  }
0xa2: {  	_ =	swait.ge [sflag:s23], $0x1  }
0xa3: {  	[sflag:s23] =	ssyncset.done $0x0  }
0xa4: {  	s25 =	simm.s32 $0x1B8E;
	s24 =	sld [smem:$0x3FFE];
	[sflag:s23] =	ssyncadd.s32 $0xFFFFFFFF  }
0xa5: {  	s26 =	simm.s32 $execute0_lowered;
	[smem:$0x3FD2] =	sst s25  }
0xa6: {  	s4 =	sshll.u32 s26, $0x1;
	_ =	strace $0x8000004C;
	[dreg:$0x1] =	wrdreg $0xFFFFFFFF  }
0xa7: {  	s28 =	simm.s32 $_size_execute0_lowered;
	s2 =	sadd.s32 s2, s4;
	[dreg:$0x0] =	wrdreg $0x0  }
0xa8: {  	s4 =	sshll.u32 s28, $0x1;
	[dreg:$0x2] =	wrdreg s2  }
0xa9: {  	[dreg:$0x3] =	wrdreg s4  }
0xaa: {  	[dreg:$0x4] =	wrdreg $0xC0  }
0xab: {  	_ =	task [dreg:s6], $0x5FFFF  }
0xac: {  	[dreg:$0x1] =	wrdreg $0xFFFFFFFF  }
0xad: {  	[dreg:$0x0] =	wrdreg $0x60  }
0xae: {  	[dreg:$0x2] =	wrdreg s24  }
0xaf: {  	[dreg:$0x3] =	wrdreg $0x103800  }
0xb0: {  	[dreg:$0x4] =	wrdreg $0x9  }
0xb1: {  	_ =	task.clear_ibuf [dreg:s6], $0x5FFFF;
	_ =	strace $0x9000004C  }
0xb2: {  	s29 =	simm.s32 $0x9;
	_ =	strace $0x8000004E  }
0xb3: {  	_ =	swait.ge [sflag:s29], $0x1  }
0xb4: {  	[sflag:s29] =	ssyncadd.s32 $0xFFFFFFFF  }
0xb5: {  	_ =	strace $0x9000004E  }
0xb6: {  	_ =	sfence  }
0xb7: {  	s30 =	sld [smem:$0x0];
	_ =	sdelay $0x2  }
0xb8: {  	s31 =	sshll.u32 s1, $0xD;
	s1 =	sshrl.u32 s1, $0x2  }
0xb9: {  	s3 =	sand.u32 $0x4000, s31;
	s1 =	sadd.s32 s1, s30  }
0xba: {  	s0 =	sor.u32 s3, s0;
	s1 =	sshll.u32 s1, $0x11  }
0xbb: {  	s0 =	sor.u32 s1, s0  }
0xbc: {  	s0 =	sadd.s32 $0x8F2B, s0  }
0xbd: {  	[sflag:s0] =	ssyncadd.remote.s32 $0x1  }
0xbe: {  	_ =	sfence.sel $0xFFFF  }
0xbf: {  	[dreg:$0x0] =	wrdreg $0xFFFFFFFF;
	(pc) =	sbr.abs _section_cstart, $3  }
0xc0: {  	[dreg:$0x1] =	wrdreg $0xFFFFFFFF  }
0xc1: {  	_ =	task.clear_ibuf [dreg:s6], $0x2FFFF;
	_ =	strace $0x9FFFFFFF  }
0xc2: {  	(tm) =	ssettm $0x7FFFFFFF  }
0xc3: {  	_ =	shalt  }
tec
execute0_lowered:
.L_overlay_start_1:
0x0: {  	(tag) =	ssettag $0x1  }
0x1: {  	s6 =	rddreg [dreg:$0x0]  }
0x2: {  	s2 =	rddreg [dreg:$0x1]  }
0x3: {  	s0 =	rddreg [dreg:$0x2];
	s4 =	srdreg.scid  }
0x4: {  	s1 =	stileid.u32;
	s3 =	simm.s32 $0x0;
	s13 =	simm.s32 $0x1  }
0x5: {  	s14 =	simm.s32 $0x2C00;
	s15 =	simm.s32 $0x8400;
	s16 =	simm.s32 $0xAB80  }
0x6: {  	s17 =	simm.s32 $0xFA80;
	s18 =	simm.s32 $0xFB00;
	s19 =	simm.s32 $0xFB80  }
0x7: {  	s20 =	simm.s32 $0xD300;
	s21 =	simm.s32 $0x5800;
	s22 =	simm.s32 $0x0  }
0x8: {  	s7 =	sand.u32 $0x1, s4;
	s29 =	sshll.u32 s1, $0x1;
	[smem:$0x7FF] =	sst s3  }
0x9: {  	s4 =	sadd.s32 $0x3FC00, s6;
	s5 =	sadd.s32 $0x3F600, s6;
	s8 =	sor.u32 s7, s29  }
0xa: {  	s31 =	sshll.u32 s1, $0x7;
	s7 =	ssub.s32 $0x2, s7;
	s9 =	smul.u32 $0x580, s8  }
0xb: {  	s10 =	smul.u32 $0x4E2, s8;
	s8 =	sshll.u32 s8, $0x1;
	s30 =	sshrl.u32 s7, $0x1  }
0xc: {  	_ =	strace $0x8000004D;
	s8 =	sadd.s32 s8, s6;
	s12 =	ssub.s32 s7, s30  }
0xd: {  	s11 =	sadd.s32 s9, s6;
	s10 =	sadd.s32 s10, s6;
	s8 =	sadd.s32 $0x4B200, s8  }
0xe: {  	s9 =	sadd.s32 s31, s2;
	s12 =	smax.u32 s12, $0x1;
	s6 =	sadd.s32 $0x2400, s11  }
0xf: {  	v0 =	vimm.f32 $0.0e+00;
	s7 =	sadd.s32 $0xD400, s11;
	s10 =	sadd.s32 $0x4B400, s10;
	s11 =	sadd.s32 $0x40200, s11  }
.LBB2_1:
0x10: {  	s23 =	simm.s32 $0x40;
	s24 =	simm.s32 $0x0  }
.LBB2_2:
0x11: {  	p0 =	sne.s32 s23, $0x9C00;
	[tilespmem:s24+$0xD300] =	vst v0;
	s24 =	smov.u32 s23;
	s23 =	sadd.s32 $0x40, s23  }
.Ltmp0:
0x12: {  	(pc) =	sbr.rel @p0 .LBB2_2-.Ltmp0, $2  }
0x13: {  	_ =	sdelay $0x2  }
0x14: {  	s24 =	sshra.s32 s24, $0x2  }
0x15: {  	[tilespmem:s24+$0xD300] =	vst v0;
	s23 =	simm.s32 $0x0  }
0x16: {  	[tilespmem:s23], [sflag:$0x1] =	stream.linear.gather [hbm4b:s6+s23], $0x2880, $0x38;
	[tilespmem:$0x10390] =	vst v63  }
0x17: {  	_ =	swait.ge [sflag:s13], $0x2880  }
0x18: {  	[sflag:s13] =	ssyncset.done $0x0  }
0x19: {  	[sflag:s13] =	ssyncadd.s32 $0xFFFFD780  }
0x1a: {  	[tilespmem:s14], [sflag:$0x1] =	stream.linear.gather [hbm4b:s7+s23], $0x2880, $0x38;
	[tilespmem:$0x10390] =	vst v63  }
0x1b: {  	_ =	swait.ge [sflag:s13], $0x2880  }
0x1c: {  	[sflag:s13] =	ssyncset.done $0x0  }
0x1d: {  	[sflag:s13] =	ssyncadd.s32 $0xFFFFD780  }
0x1e: {  	[tilespmem:s15], [sflag:$0x1] =	stream.linear.gather [hbm4b:s4+s23], $0x2780, $0x38;
	[tilespmem:$0x10390] =	vst v63  }
0x1f: {  	_ =	swait.ge [sflag:s13], $0x2780  }
0x20: {  	[sflag:s13] =	ssyncset.done $0x0  }
0x21: {  	[sflag:s13] =	ssyncadd.s32 $0xFFFFD880  }
0x22: {  	[tilespmem:s16], [sflag:$0x1] =	stream.linear.gather [hbm4b:s5+s23], $0x2780, $0x38;
	[tilespmem:$0x10390] =	vst v63  }
0x23: {  	_ =	swait.ge [sflag:s13], $0x2780  }
0x24: {  	[sflag:s13] =	ssyncset.done $0x0  }
0x25: {  	s23 =	simm.s32 $0x0;
	[sflag:s13] =	ssyncadd.s32 $0xFFFFD880  }
0x26: {  	v1 =	vld [tilespmem:s23+$0x0]  }
0x27: {  	v2 =	vld [tilespmem:s23+$0x2C00];
	_ =	sdelay $0x6  }
0x28: {  	v1 =	vld.idx.msk [tilespmem:v1+s15+$0x0], $0xffff  }
0x29: {  	v2 =	vld.idx.msk [tilespmem:v2+s16+$0x0], $0xffff;
	_ =	sdelay $0x2  }
0x2a: {  	v3 =	vld [tilespmem:s23+$0x10]  }
0x2b: {  	v4 =	vld [tilespmem:s23+$0x2C10]  }
0x2c: {  	v1 =	vadd.f32 v2, v1;
	_ =	sdelay $0x1  }
0x2d: {  	v2 =	vmul.f32 $2.000000030e-01, v1  }
0x2e: {  	vm0 =	vge.f32 v1, $0.0e+00  }
0x2f: {  	v1 =	vsel vm0, v1, v2  }
0x30: {  	[tilespmem:s23+$0x5800] =	vst v1  }
0x31: {  	v2 =	vld.idx.msk [tilespmem:v3+s15+$0x0], $0xffff  }
0x32: {  	v3 =	vld.idx.msk [tilespmem:v4+s16+$0x0], $0xffff;
	_ =	sdelay $0x2  }
0x33: {  	v4 =	vld [tilespmem:s23+$0x20]  }
0x34: {  	v5 =	vld [tilespmem:s23+$0x2C20]  }
0x35: {  	v2 =	vadd.f32 v3, v2;
	_ =	sdelay $0x1  }
0x36: {  	v3 =	vmul.f32 $2.000000030e-01, v2  }
0x37: {  	vm10 =	vge.f32 v2, $0.0e+00  }
0x38: {  	v2 =	vsel vm10, v2, v3  }
0x39: {  	[tilespmem:s23+$0x5810] =	vst v2  }
0x3a: {  	v3 =	vld.idx.msk [tilespmem:v4+s15+$0x0], $0xffff  }
0x3b: {  	v4 =	vld.idx.msk [tilespmem:v5+s16+$0x0], $0xffff;
	_ =	sdelay $0x2  }
0x3c: {  	v5 =	vld [tilespmem:s23+$0x30]  }
0x3d: {  	v6 =	vld [tilespmem:s23+$0x2C30]  }
0x3e: {  	v3 =	vadd.f32 v4, v3;
	_ =	sdelay $0x1  }
0x3f: {  	v4 =	vmul.f32 $2.000000030e-01, v3  }
0x40: {  	vm11 =	vge.f32 v3, $0.0e+00  }
0x41: {  	v3 =	vsel vm11, v3, v4  }
0x42: {  	[tilespmem:s23+$0x5820] =	vst v3  }
0x43: {  	v4 =	vld.idx.msk [tilespmem:v5+s15+$0x0], $0xffff  }
0x44: {  	v5 =	vld.idx.msk [tilespmem:v6+s16+$0x0], $0xffff;
	_ =	sdelay $0x2  }
0x45: {  	v55 =	vld [tilespmem:s23+$0x40]  }
0x46: {  	v7 =	vld [tilespmem:s23+$0x2C40]  }
0x47: {  	v4 =	vadd.f32 v5, v4;
	_ =	sdelay $0x1  }
0x48: {  	v5 =	vmul.f32 $2.000000030e-01, v4  }
0x49: {  	vm12 =	vge.f32 v4, $0.0e+00  }
0x4a: {  	v4 =	vsel vm12, v4, v5  }
0x4b: {  	[tilespmem:s23+$0x5830] =	vst v4  }
0x4c: {  	v5 =	vld.idx.msk [tilespmem:v55+s15+$0x0], $0xffff  }
0x4d: {  	v56 =	vld.idx.msk [tilespmem:v7+s16+$0x0], $0xffff;
	_ =	sdelay $0x2  }
0x4e: {  	v57 =	vld [tilespmem:s23+$0x50]  }
0x4f: {  	v8 =	vld [tilespmem:s23+$0x2C50]  }
0x50: {  	v5 =	vadd.f32 v56, v5;
	_ =	sdelay $0x1  }
0x51: {  	v6 =	vmul.f32 $2.000000030e-01, v5  }
0x52: {  	vm13 =	vge.f32 v5, $0.0e+00  }
0x53: {  	v5 =	vsel vm13, v5, v6  }
0x54: {  	[tilespmem:s23+$0x5840] =	vst v5  }
0x55: {  	v58 =	vld.idx.msk [tilespmem:v57+s15+$0x0], $0xffff  }
0x56: {  	v59 =	vld.idx.msk [tilespmem:v8+s16+$0x0], $0xffff;
	_ =	sdelay $0x2  }
0x57: {  	v60 =	vld [tilespmem:s23+$0x60]  }
0x58: {  	v9 =	vld [tilespmem:s23+$0x2C60]  }
0x59: {  	v6 =	vadd.f32 v59, v58;
	_ =	sdelay $0x1  }
0x5a: {  	v7 =	vmul.f32 $2.000000030e-01, v6  }
0x5b: {  	vm14 =	vge.f32 v6, $0.0e+00  }
0x5c: {  	v6 =	vsel vm14, v6, v7  }
0x5d: {  	[tilespmem:s23+$0x5850] =	vst v6  }
0x5e: {  	v61 =	vld.idx.msk [tilespmem:v60+s15+$0x0], $0xffff  }
0x5f: {  	v62 =	vld.idx.msk [tilespmem:v9+s16+$0x0], $0xffff;
	_ =	sdelay $0x2  }
0x60: {  	v63 =	vld [tilespmem:s23+$0x70]  }
0x61: {  	v10 =	vld [tilespmem:s23+$0x2C70]  }
0x62: {  	v11 =	vimm.f32 $-3.000000010e+38;
	v7 =	vadd.f32 v62, v61  }
0x63: {  	v1 =	vmax.f32 v11, v1  }
0x64: {  	v1 =	vmax.f32 v1, v2;
	v8 =	vmul.f32 $2.000000030e-01, v7  }
0x65: {  	v1 =	vmax.f32 v1, v3;
	vm15 =	vge.f32 v7, $0.0e+00  }
0x66: {  	v1 =	vmax.f32 v1, v4;
	v7 =	vsel vm15, v7, v8  }
0x67: {  	v1 =	vmax.f32 v1, v5;
	[tilespmem:s23+$0x5860] =	vst v7  }
0x68: {  	v1 =	vmax.f32 v1, v6;
	v2 =	vld.idx.msk [tilespmem:v63+s15+$0x0], $0xffff  }
0x69: {  	s24 =	simm.s32 $0x200;
	s25 =	simm.s32 $0x400;
	v1 =	vmax.f32 v1, v7;
	v3 =	vld.idx.msk [tilespmem:v10+s16+$0x0], $0xffff  }
.LBB2_4:
0x6a: {  	p0 =	sne.s32 s25, $0xA000  }
0x6b: {  	s26 =	sshra.s32 s24, $0x2;
	s24 =	smov.u32 s25;
	s25 =	sadd.s32 $0x200, s25  }
0x6c: {  	v4 =	vld [tilespmem:s26+$0x0]  }
0x6d: {  	v5 =	vld [tilespmem:s26+$0x2C00]  }
0x6e: {  	v2 =	vadd.f32 v3, v2;
	_ =	sdelay $0x1  }
0x6f: {  	vm0 =	vge.f32 v2, $0.0e+00;
	v3 =	vmul.f32 $2.000000030e-01, v2;
	_ =	sdelay $0x1  }
0x70: {  	v2 =	vsel vm0, v2, v3  }
0x71: {  	v1 =	vmax.f32 v1, v2;
	[tilespmem:s23+$0x5870] =	vst v2;
	s23 =	smov.u32 s26  }
0x72: {  	v2 =	vld.idx.msk [tilespmem:v4+s15+$0x0], $0xffff  }
0x73: {  	v3 =	vld.idx.msk [tilespmem:v5+s16+$0x0], $0xffff;
	_ =	sdelay $0x2  }
0x74: {  	v4 =	vld [tilespmem:s23+$0x2C10]  }
0x75: {  	v5 =	vld [tilespmem:s23+$0x10];
	_ =	sdelay $0x1  }
0x76: {  	v2 =	vadd.f32 v3, v2;
	_ =	sdelay $0x1  }
0x77: {  	vm0 =	vge.f32 v2, $0.0e+00;
	v3 =	vmul.f32 $2.000000030e-01, v2;
	_ =	sdelay $0x1  }
0x78: {  	v2 =	vsel vm0, v2, v3  }
0x79: {  	[tilespmem:s23+$0x5800] =	vst v2  }
0x7a: {  	v3 =	vld.idx.msk [tilespmem:v5+s15+$0x0], $0xffff  }
0x7b: {  	v4 =	vld.idx.msk [tilespmem:v4+s16+$0x0], $0xffff;
	_ =	sdelay $0x2  }
0x7c: {  	v5 =	vld [tilespmem:s23+$0x2C20]  }
0x7d: {  	v6 =	vld [tilespmem:s23+$0x20];
	_ =	sdelay $0x1  }
0x7e: {  	v3 =	vadd.f32 v4, v3;
	_ =	sdelay $0x1  }
0x7f: {  	vm0 =	vge.f32 v3, $0.0e+00;
	v4 =	vmul.f32 $2.000000030e-01, v3;
	_ =	sdelay $0x1  }
0x80: {  	v3 =	vsel vm0, v3, v4  }
0x81: {  	[tilespmem:s23+$0x5810] =	vst v3  }
0x82: {  	v4 =	vld.idx.msk [tilespmem:v6+s15+$0x0], $0xffff  }
0x83: {  	v5 =	vld.idx.msk [tilespmem:v5+s16+$0x0], $0xffff;
	_ =	sdelay $0x2  }
0x84: {  	v6 =	vld [tilespmem:s23+$0x2C30]  }
0x85: {  	v7 =	vld [tilespmem:s23+$0x30];
	_ =	sdelay $0x1  }
0x86: {  	v4 =	vadd.f32 v5, v4;
	_ =	sdelay $0x1  }
0x87: {  	vm0 =	vge.f32 v4, $0.0e+00;
	v5 =	vmul.f32 $2.000000030e-01, v4;
	_ =	sdelay $0x1  }
0x88: {  	v4 =	vsel vm0, v4, v5  }
0x89: {  	[tilespmem:s23+$0x5820] =	vst v4  }
0x8a: {  	v5 =	vld.idx.msk [tilespmem:v7+s15+$0x0], $0xffff  }
0x8b: {  	v6 =	vld.idx.msk [tilespmem:v6+s16+$0x0], $0xffff;
	_ =	sdelay $0x2  }
0x8c: {  	v7 =	vld [tilespmem:s23+$0x2C40]  }
0x8d: {  	v8 =	vld [tilespmem:s23+$0x40];
	_ =	sdelay $0x1  }
0x8e: {  	v5 =	vadd.f32 v6, v5;
	_ =	sdelay $0x1  }
0x8f: {  	vm0 =	vge.f32 v5, $0.0e+00;
	v6 =	vmul.f32 $2.000000030e-01, v5;
	_ =	sdelay $0x1  }
0x90: {  	v5 =	vsel vm0, v5, v6  }
0x91: {  	[tilespmem:s23+$0x5830] =	vst v5  }
0x92: {  	v6 =	vld.idx.msk [tilespmem:v8+s15+$0x0], $0xffff  }
0x93: {  	v7 =	vld.idx.msk [tilespmem:v7+s16+$0x0], $0xffff;
	_ =	sdelay $0x2  }
0x94: {  	v8 =	vld [tilespmem:s23+$0x2C50]  }
0x95: {  	v9 =	vld [tilespmem:s23+$0x50];
	_ =	sdelay $0x1  }
0x96: {  	v6 =	vadd.f32 v7, v6;
	_ =	sdelay $0x1  }
0x97: {  	vm0 =	vge.f32 v6, $0.0e+00;
	v7 =	vmul.f32 $2.000000030e-01, v6;
	_ =	sdelay $0x1  }
0x98: {  	v6 =	vsel vm0, v6, v7  }
0x99: {  	[tilespmem:s23+$0x5840] =	vst v6  }
0x9a: {  	v7 =	vld.idx.msk [tilespmem:v9+s15+$0x0], $0xffff  }
0x9b: {  	v8 =	vld.idx.msk [tilespmem:v8+s16+$0x0], $0xffff;
	_ =	sdelay $0x2  }
0x9c: {  	v9 =	vld [tilespmem:s23+$0x2C60]  }
0x9d: {  	v10 =	vld [tilespmem:s23+$0x60];
	_ =	sdelay $0x1  }
0x9e: {  	v7 =	vadd.f32 v8, v7;
	_ =	sdelay $0x1  }
0x9f: {  	vm0 =	vge.f32 v7, $0.0e+00;
	v8 =	vmul.f32 $2.000000030e-01, v7;
	_ =	sdelay $0x1  }
0xa0: {  	v7 =	vsel vm0, v7, v8  }
0xa1: {  	[tilespmem:s23+$0x5850] =	vst v7  }
0xa2: {  	v8 =	vld.idx.msk [tilespmem:v10+s15+$0x0], $0xffff  }
0xa3: {  	v9 =	vld.idx.msk [tilespmem:v9+s16+$0x0], $0xffff;
	_ =	sdelay $0x2  }
0xa4: {  	v10 =	vld [tilespmem:s23+$0x2C70]  }
0xa5: {  	v11 =	vld [tilespmem:s23+$0x70];
	_ =	sdelay $0x1  }
0xa6: {  	v8 =	vadd.f32 v9, v8;
	_ =	sdelay $0x1  }
0xa7: {  	vm0 =	vge.f32 v8, $0.0e+00;
	v9 =	vmul.f32 $2.000000030e-01, v8  }
0xa8: {  	v1 =	vmax.f32 v1, v2  }
0xa9: {  	v1 =	vmax.f32 v1, v3;
	v8 =	vsel vm0, v8, v9  }
.Ltmp1:
0xaa: {  	v1 =	vmax.f32 v1, v4;
	[tilespmem:s23+$0x5860] =	vst v8;
	(pc) =	sbr.rel @p0 .LBB2_4-.Ltmp1, $4  }
0xab: {  	v1 =	vmax.f32 v1, v5;
	v2 =	vld.idx.msk [tilespmem:v11+s15+$0x0], $0xffff  }
0xac: {  	v1 =	vmax.f32 v1, v6;
	v3 =	vld.idx.msk [tilespmem:v10+s16+$0x0], $0xffff  }
0xad: {  	v1 =	vmax.f32 v1, v7  }
0xae: {  	v1 =	vmax.f32 v1, v8  }
0xaf: {  	s24 =	sshra.s32 s24, $0x2  }
0xb0: {  	v4 =	vld [tilespmem:s24+$0x0]  }
0xb1: {  	v5 =	vld [tilespmem:s24+$0x2C00]  }
0xb2: {  	v2 =	vadd.f32 v3, v2;
	_ =	sdelay $0x1  }
0xb3: {  	v3 =	vmul.f32 $2.000000030e-01, v2  }
0xb4: {  	vm0 =	vge.f32 v2, $0.0e+00  }
0xb5: {  	v2 =	vsel vm0, v2, v3  }
0xb6: {  	[tilespmem:s23+$0x5870] =	vst v2  }
0xb7: {  	v3 =	vld.idx.msk [tilespmem:v4+s15+$0x0], $0xffff  }
0xb8: {  	v33 =	vld.idx.msk [tilespmem:v5+s16+$0x0], $0xffff;
	_ =	sdelay $0x2  }
0xb9: {  	v34 =	vld [tilespmem:s24+$0x10]  }
0xba: {  	v6 =	vld [tilespmem:s24+$0x2C10]  }
0xbb: {  	v3 =	vadd.f32 v33, v3;
	_ =	sdelay $0x1  }
0xbc: {  	v4 =	vmul.f32 $2.000000030e-01, v3  }
0xbd: {  	vm8 =	vge.f32 v3, $0.0e+00  }
0xbe: {  	v3 =	vsel vm8, v3, v4  }
0xbf: {  	[tilespmem:s24+$0x5800] =	vst v3  }
0xc0: {  	v35 =	vld.idx.msk [tilespmem:v34+s15+$0x0], $0xffff  }
0xc1: {  	v36 =	vld.idx.msk [tilespmem:v6+s16+$0x0], $0xffff;
	_ =	sdelay $0x2  }
0xc2: {  	v37 =	vld [tilespmem:s24+$0x20]  }
0xc3: {  	v7 =	vld [tilespmem:s24+$0x2C20]  }
0xc4: {  	v4 =	vadd.f32 v36, v35;
	_ =	sdelay $0x1  }
0xc5: {  	v5 =	vmul.f32 $2.000000030e-01, v4  }
0xc6: {  	vm9 =	vge.f32 v4, $0.0e+00  }
0xc7: {  	v4 =	vsel vm9, v4, v5  }
0xc8: {  	[tilespmem:s24+$0x5810] =	vst v4  }
0xc9: {  	v38 =	vld.idx.msk [tilespmem:v37+s15+$0x0], $0xffff  }
0xca: {  	v39 =	vld.idx.msk [tilespmem:v7+s16+$0x0], $0xffff;
	_ =	sdelay $0x2  }
0xcb: {  	v40 =	vld [tilespmem:s24+$0x30]  }
0xcc: {  	v8 =	vld [tilespmem:s24+$0x2C30]  }
0xcd: {  	v5 =	vadd.f32 v39, v38;
	_ =	sdelay $0x1  }
0xce: {  	v6 =	vmul.f32 $2.000000030e-01, v5  }
0xcf: {  	vm10 =	vge.f32 v5, $0.0e+00  }
0xd0: {  	v5 =	vsel vm10, v5, v6  }
0xd1: {  	[tilespmem:s24+$0x5820] =	vst v5  }
0xd2: {  	v41 =	vld.idx.msk [tilespmem:v40+s15+$0x0], $0xffff  }
0xd3: {  	v42 =	vld.idx.msk [tilespmem:v8+s16+$0x0], $0xffff;
	_ =	sdelay $0x2  }
0xd4: {  	v43 =	vld [tilespmem:s24+$0x40]  }
0xd5: {  	v9 =	vld [tilespmem:s24+$0x2C40]  }
0xd6: {  	v6 =	vadd.f32 v42, v41;
	_ =	sdelay $0x1  }
0xd7: {  	v7 =	vmul.f32 $2.000000030e-01, v6  }
0xd8: {  	vm11 =	vge.f32 v6, $0.0e+00  }
0xd9: {  	v6 =	vsel vm11, v6, v7  }
0xda: {  	[tilespmem:s24+$0x5830] =	vst v6  }
0xdb: {  	v44 =	vld.idx.msk [tilespmem:v43+s15+$0x0], $0xffff  }
0xdc: {  	v45 =	vld.idx.msk [tilespmem:v9+s16+$0x0], $0xffff;
	_ =	sdelay $0x2  }
0xdd: {  	v46 =	vld [tilespmem:s24+$0x50]  }
0xde: {  	v10 =	vld [tilespmem:s24+$0x2C50]  }
0xdf: {  	v7 =	vadd.f32 v45, v44;
	_ =	sdelay $0x1  }
0xe0: {  	v8 =	vmul.f32 $2.000000030e-01, v7  }
0xe1: {  	vm12 =	vge.f32 v7, $0.0e+00  }
0xe2: {  	v7 =	vsel vm12, v7, v8  }
0xe3: {  	[tilespmem:s24+$0x5840] =	vst v7  }
0xe4: {  	v47 =	vld.idx.msk [tilespmem:v46+s15+$0x0], $0xffff  }
0xe5: {  	v48 =	vld.idx.msk [tilespmem:v10+s16+$0x0], $0xffff;
	_ =	sdelay $0x2  }
0xe6: {  	v49 =	vld [tilespmem:s24+$0x60]  }
0xe7: {  	v11 =	vld [tilespmem:s24+$0x2C60]  }
0xe8: {  	v8 =	vadd.f32 v48, v47;
	_ =	sdelay $0x1  }
0xe9: {  	v9 =	vmul.f32 $2.000000030e-01, v8  }
0xea: {  	vm13 =	vge.f32 v8, $0.0e+00  }
0xeb: {  	v8 =	vsel vm13, v8, v9  }
0xec: {  	[tilespmem:s24+$0x5850] =	vst v8  }
0xed: {  	v50 =	vld.idx.msk [tilespmem:v49+s15+$0x0], $0xffff  }
0xee: {  	v51 =	vld.idx.msk [tilespmem:v11+s16+$0x0], $0xffff;
	_ =	sdelay $0x2  }
0xef: {  	v52 =	vld [tilespmem:s24+$0x70]  }
0xf0: {  	v12 =	vld [tilespmem:s24+$0x2C70]  }
0xf1: {  	v9 =	vadd.f32 v51, v50;
	_ =	sdelay $0x1  }
0xf2: {  	v10 =	vmul.f32 $2.000000030e-01, v9  }
0xf3: {  	vm14 =	vge.f32 v9, $0.0e+00  }
0xf4: {  	v9 =	vsel vm14, v9, v10  }
0xf5: {  	[tilespmem:s24+$0x5860] =	vst v9  }
0xf6: {  	v53 =	vld.idx.msk [tilespmem:v52+s15+$0x0], $0xffff  }
0xf7: {  	v54 =	vld.idx.msk [tilespmem:v12+s16+$0x0], $0xffff;
	_ =	sdelay $0x1  }
0xf8: {  	v1 =	vmax.f32 v1, v2  }
0xf9: {  	v1 =	vmax.f32 v1, v3  }
0xfa: {  	v1 =	vmax.f32 v1, v4  }
0xfb: {  	v1 =	vmax.f32 v1, v5;
	v2 =	vadd.f32 v54, v53  }
0xfc: {  	v1 =	vmax.f32 v1, v6  }
0xfd: {  	v1 =	vmax.f32 v1, v7;
	v3 =	vmul.f32 $2.000000030e-01, v2  }
0xfe: {  	v1 =	vmax.f32 v1, v8;
	vm15 =	vge.f32 v2, $0.0e+00  }
0xff: {  	v1 =	vmax.f32 v1, v9;
	v2 =	vsel vm15, v2, v3  }
0x100: {  	[tilespmem:s24+$0x5870] =	vst v2;
	v1 =	vmax.f32 v1, v2  }
0x101: {  	[tilespmem:$0xFA80] =	vst v1  }
0x102: {  	[tilespmem:$0xFB00] =	vst v1  }
0x103: {  	[hbm4b:s8+s3] =	stream.linear.scatter [tilespmem:s17], [sflag:$0x1], $0x10, $0x38;
	[tilespmem:$0x10390] =	vst v63  }
0x104: {  	_ =	swait.ge [sflag:s13], $0x10  }
0x105: {  	[sflag:s13] =	ssyncset.done $0x0  }
0x106: {  	[sflag:s13] =	ssyncadd.s32 $0xFFFFFFF0  }
0x107: {  	[spmem:s9] =	stream.linear.scatter [tilespmem:s18], [sflag:$0x1], $0x80, $0x38;
	[tilespmem:$0x10390] =	vst v63  }
0x108: {  	_ =	swait.ge [sflag:s13], $0x80  }
0x109: {  	[sflag:s13] =	ssyncset.done $0x0  }
0x10a: {  	[sflag:s13] =	ssyncadd.s32 $0xFFFFFF80  }
0x10b: {  	[bflag:$0x0] =	sbarrier.arrive $0xFFFF  }
0x10c: {  	[tilespmem:s19], [sflag:$0x1] =	stream.linear.gather [spmem:s2], $0x800, $0x38;
	[tilespmem:$0x10390] =	vst v63  }
0x10d: {  	_ =	swait.ge [sflag:s13], $0x800  }
0x10e: {  	[sflag:s13] =	ssyncset.done $0x0  }
0x10f: {  	[sflag:s13] =	ssyncadd.s32 $0xFFFFF800  }
0x110: {  	v1 =	vld [tilespmem:$0xFB80]  }
0x111: {  	v2 =	vld [tilespmem:$0xFC00]  }
0x112: {  	v3 =	vld [tilespmem:$0xFC80]  }
0x113: {  	v55 =	vld [tilespmem:$0xFD00]  }
0x114: {  	v56 =	vld [tilespmem:$0xFD80]  }
0x115: {  	v57 =	vld [tilespmem:$0xFE00]  }
0x116: {  	v1 =	vmax.f32 v1, v2;
	v2 =	vld [tilespmem:$0xFE80]  }
0x117: {  	v1 =	vmax.f32 v1, v3;
	v3 =	vld [tilespmem:$0xFF00]  }
0x118: {  	v58 =	vld [tilespmem:$0xFF80];
	v1 =	vmax.f32 v1, v55  }
0x119: {  	v59 =	vld [tilespmem:$0x10000];
	v1 =	vmax.f32 v1, v56  }
0x11a: {  	v60 =	vld [tilespmem:$0x10080];
	v1 =	vmax.f32 v1, v57  }
0x11b: {  	v1 =	vmax.f32 v1, v2;
	v2 =	vld [tilespmem:$0x10100]  }
0x11c: {  	v1 =	vmax.f32 v1, v3;
	v3 =	vld [tilespmem:$0x10180]  }
0x11d: {  	v61 =	vld [tilespmem:$0x10200];
	v1 =	vmax.f32 v1, v58  }
0x11e: {  	v62 =	vld [tilespmem:$0x10280];
	v1 =	vmax.f32 v1, v59  }
0x11f: {  	v63 =	vld [tilespmem:$0x10300];
	v1 =	vmax.f32 v1, v60  }
0x120: {  	v1 =	vmax.f32 v1, v2  }
0x121: {  	v1 =	vmax.f32 v1, v3  }
0x122: {  	v1 =	vmax.f32 v1, v61  }
0x123: {  	v1 =	vmax.f32 v1, v62  }
0x124: {  	v1 =	vmax.f32 v1, v63  }
0x125: {  	(xrf0) =	vmax.scan.msk.f32 $0xffff, v1;
	_ =	sdelay $0x5  }
0x126: {  	v1, _, _ =	vpop (xrf0)  }
0x127: {  	s25 =	simm.s32 $0x5840;
	s23 =	simm.s32 $0x70;
	s24 =	simm.s32 $0x2C40;
	v1 =	vbroadcast v1, $0xF  }
.LBB2_6:
0x128: {  	v2 =	vld [tilespmem:s25+$0xFFFFFFC0];
	_ =	sdelay $0x4  }
0x129: {  	v2 =	vsub.f32 v2, v1;
	_ =	sdelay $0x1  }
0x12a: {  	v2 =	vmul.f32 $1.442695020e+00, v2;
	_ =	sdelay $0x1  }
0x12b: {  	(erf) = vpow2.f32 v2;
	_ =	sdelay $0x7  }
0x12c: {  	s26 =	sadd.s32 $0xFFFFFF90, s23  }
0x12d: {  	p0 =	slt.s32 s26, $0x2710;
	v2 =	vpop (erf)  }
0x12e: {  	v2 =	vpsel !p0, $0x0, v2  }
0x12f: {  	[tilespmem:s25+$0xFFFFFFC0] =	vst v2  }
0x130: {  	v3 =	vld [tilespmem:s24+$0xFFFFFFC0];
	_ =	sdelay $0x7  }
0x131: {  	[tilespmem:v3+s20+$0x0] =	vst.idx.add.f32.msk $0xffff, v2  }
0x132: {  	v2 =	vld [tilespmem:s25+$0xFFFFFFD0];
	_ =	sdelay $0x4  }
0x133: {  	v2 =	vsub.f32 v2, v1;
	_ =	sdelay $0x1  }
0x134: {  	v2 =	vmul.f32 $1.442695020e+00, v2;
	_ =	sdelay $0x1  }
0x135: {  	(erf) = vpow2.f32 v2;
	_ =	sdelay $0x7  }
0x136: {  	s30 =	sadd.s32 $0xFFFFFFA0, s23  }
0x137: {  	p6 =	slt.s32 s30, $0x2710;
	v2 =	vpop (erf)  }
0x138: {  	v2 =	vpsel !p6, $0x0, v2  }
0x139: {  	[tilespmem:s25+$0xFFFFFFD0] =	vst v2  }
0x13a: {  	v3 =	vld [tilespmem:s24+$0xFFFFFFD0];
	_ =	sdelay $0x7  }
0x13b: {  	[tilespmem:v3+s20+$0x0] =	vst.idx.add.f32.msk $0xffff, v2  }
0x13c: {  	v2 =	vld [tilespmem:s25+$0xFFFFFFE0];
	_ =	sdelay $0x4  }
0x13d: {  	v2 =	vsub.f32 v2, v1;
	_ =	sdelay $0x1  }
0x13e: {  	v2 =	vmul.f32 $1.442695020e+00, v2;
	_ =	sdelay $0x1  }
0x13f: {  	(erf) = vpow2.f32 v2;
	_ =	sdelay $0x7  }
0x140: {  	s31 =	sadd.s32 $0xFFFFFFB0, s23  }
0x141: {  	p1 =	slt.s32 s31, $0x2710;
	v2 =	vpop (erf)  }
0x142: {  	v2 =	vpsel !p1, $0x0, v2  }
0x143: {  	[tilespmem:s25+$0xFFFFFFE0] =	vst v2  }
0x144: {  	v3 =	vld [tilespmem:s24+$0xFFFFFFE0];
	_ =	sdelay $0x7  }
0x145: {  	[tilespmem:v3+s20+$0x0] =	vst.idx.add.f32.msk $0xffff, v2  }
0x146: {  	v2 =	vld [tilespmem:s25+$0xFFFFFFF0];
	_ =	sdelay $0x4  }
0x147: {  	v2 =	vsub.f32 v2, v1;
	_ =	sdelay $0x1  }
0x148: {  	v2 =	vmul.f32 $1.442695020e+00, v2;
	_ =	sdelay $0x1  }
0x149: {  	(erf) = vpow2.f32 v2;
	_ =	sdelay $0x7  }
0x14a: {  	s28 =	sadd.s32 $0xFFFFFFC0, s23  }
0x14b: {  	p2 =	slt.s32 s28, $0x2710;
	v2 =	vpop (erf)  }
0x14c: {  	v2 =	vpsel !p2, $0x0, v2  }
0x14d: {  	[tilespmem:s25+$0xFFFFFFF0] =	vst v2  }
0x14e: {  	v3 =	vld [tilespmem:s24+$0xFFFFFFF0];
	_ =	sdelay $0x7  }
0x14f: {  	[tilespmem:v3+s20+$0x0] =	vst.idx.add.f32.msk $0xffff, v2  }
0x150: {  	v2 =	vld [tilespmem:s25+$0x0];
	_ =	sdelay $0x4  }
0x151: {  	v2 =	vsub.f32 v2, v1;
	_ =	sdelay $0x1  }
0x152: {  	v2 =	vmul.f32 $1.442695020e+00, v2;
	_ =	sdelay $0x1  }
0x153: {  	(erf) = vpow2.f32 v2;
	_ =	sdelay $0x7  }
0x154: {  	s29 =	sadd.s32 $0xFFFFFFD0, s23  }
0x155: {  	p3 =	slt.s32 s29, $0x2710;
	v2 =	vpop (erf)  }
0x156: {  	v2 =	vpsel !p3, $0x0, v2  }
0x157: {  	[tilespmem:s25+$0x0] =	vst v2  }
0x158: {  	v3 =	vld [tilespmem:s24+$0x0];
	_ =	sdelay $0x7  }
0x159: {  	[tilespmem:v3+s20+$0x0] =	vst.idx.add.f32.msk $0xffff, v2  }
0x15a: {  	v2 =	vld [tilespmem:s25+$0x10];
	_ =	sdelay $0x4  }
0x15b: {  	v2 =	vsub.f32 v2, v1;
	_ =	sdelay $0x1  }
0x15c: {  	v2 =	vmul.f32 $1.442695020e+00, v2;
	_ =	sdelay $0x1  }
0x15d: {  	(erf) = vpow2.f32 v2;
	_ =	sdelay $0x7  }
0x15e: {  	s30 =	sadd.s32 $0xFFFFFFE0, s23  }
0x15f: {  	p4 =	slt.s32 s30, $0x2710;
	v2 =	vpop (erf)  }
0x160: {  	v2 =	vpsel !p4, $0x0, v2  }
0x161: {  	[tilespmem:s25+$0x10] =	vst v2  }
0x162: {  	v3 =	vld [tilespmem:s24+$0x10];
	_ =	sdelay $0x7  }
0x163: {  	[tilespmem:v3+s20+$0x0] =	vst.idx.add.f32.msk $0xffff, v2  }
0x164: {  	v2 =	vld [tilespmem:s25+$0x20];
	_ =	sdelay $0x4  }
0x165: {  	v2 =	vsub.f32 v2, v1;
	_ =	sdelay $0x1  }
0x166: {  	v2 =	vmul.f32 $1.442695020e+00, v2;
	_ =	sdelay $0x1  }
0x167: {  	(erf) = vpow2.f32 v2;
	_ =	sdelay $0x7  }
0x168: {  	s31 =	sadd.s32 $0xFFFFFFF0, s23  }
0x169: {  	p5 =	slt.s32 s31, $0x2710;
	v2 =	vpop (erf)  }
0x16a: {  	v2 =	vpsel !p5, $0x0, v2  }
0x16b: {  	[tilespmem:s25+$0x20] =	vst v2  }
0x16c: {  	v3 =	vld [tilespmem:s24+$0x20];
	_ =	sdelay $0x7  }
0x16d: {  	[tilespmem:v3+s20+$0x0] =	vst.idx.add.f32.msk $0xffff, v2  }
0x16e: {  	v2 =	vld [tilespmem:s25+$0x30];
	_ =	sdelay $0x4  }
0x16f: {  	v2 =	vsub.f32 v2, v1;
	_ =	sdelay $0x1  }
0x170: {  	v2 =	vmul.f32 $1.442695020e+00, v2;
	_ =	sdelay $0x1  }
0x171: {  	(erf) = vpow2.f32 v2;
	_ =	sdelay $0x8  }
0x172: {  	p6 =	slt.s32 s23, $0x2710;
	v2 =	vpop (erf)  }
0x173: {  	v2 =	vpsel !p6, $0x0, v2  }
0x174: {  	[tilespmem:s25+$0x30] =	vst v2  }
0x175: {  	v3 =	vld [tilespmem:s24+$0x30];
	_ =	sdelay $0x2  }
0x176: {  	p0 =	sne.s32 s23, $0x2870  }
.Ltmp2:
0x177: {  	_ = 	snop;
	(pc) =	sbr.rel @p0 .LBB2_6-.Ltmp2, $2  }
0x178: {  	_ =	sdelay $0x2  }
0x179: {  	s23 =	sadd.s32 $0x80, s23;
	s25 =	sadd.s32 $0x80, s25;
	s24 =	sadd.s32 $0x80, s24;
	[tilespmem:v3+s20+$0x0] =	vst.idx.add.f32.msk $0xffff, v2  }
0x17a: {  	[hbm4b:s10+s3] =	stream.linear.scatter [tilespmem:s20], [sflag:$0x1], $0x2710, $0x38;
	[tilespmem:$0x10390] =	vst v63  }
0x17b: {  	s22 =	sadd.s32 $0x1, s22;
	_ =	swait.ge [sflag:s13], $0x2710  }
0x17c: {  	p0 =	sne.s32 s22, s12;
	[sflag:s13] =	ssyncset.done $0x0  }
.Ltmp3:
0x17d: {  	[sflag:s13] =	ssyncadd.s32 $0xFFFFD8F0;
	(pc) =	sbr.rel @p0 .LBB2_1-.Ltmp3, $4  }
0x17e: {  	[hbm4b:s11+s3] =	stream.linear.scatter [tilespmem:s21], [sflag:$0x1], $0x2880, $0x38;
	[tilespmem:$0x10390] =	vst v63  }
0x17f: {  	_ =	swait.ge [sflag:s13], $0x2880  }
0x180: {  	[sflag:s13] =	ssyncset.done $0x0  }
0x181: {  	[sflag:s13] =	ssyncadd.s32 $0xFFFFD780  }
0x182: {  	_ =	sfence.sel $0x180000  }
0x183: {  	[bflag:$0x0] =	sbarrier.arrive $0xFFFF  }
0x184: {  	p0 =	sne.s32 s1, $0x0;
	_ =	strace $0x9000004D  }
0x185: {  	s0 =	sadd.s32 @!p0 $0x100000, s0;
	[bflag:$0x2] =	sbarrier.arrive $0xFFFF  }
0x186: {  	[sflag:s0] =	ssyncadd.tile.s32 @!p0 $0x1;
	_ =	shalt  }
.Lfunc_end2:
_tile_overlayer_lowered:
.L_overlay_start_2:
0x187: {  	(tag) =	ssettag $0x2  }
0x188: {  	s0 =	rddreg [dreg:$0x0];
	s2 =	stileid.u32  }
0x189: {  	s1 =	rddreg [dreg:$0x1];
	p0 =	sne.s32 s2, $0x0  }
0x18a: {  	s3 =	rddreg [dreg:$0x2];
	[bflag:$0x3] =	sbarrier.arrive $0xFFFF;
	s2 =	simm.s32 @!p0 $0x1C01  }
0x18b: {  	[timem:s3], [sflag:s2] =	dma.local @!p0 [hbm:s0], s1  }
0x18c: {  	s0 =	simm.s32 @!p0 $0x1  }
0x18d: {  	_ =	swait.ge @!p0 [sflag:s0], s1  }
0x18e: {  	s1 =	ssub.s32 @!p0 $0x0, s1;
	[sflag:s0] =	ssyncset.done @!p0 $0x0  }
0x18f: {  	[sflag:s0] =	ssyncadd.s32 @!p0 s1  }
0x190: {  	[bflag:$0x3] =	sbarrier.arrive $0xFFFF  }
0x191: {  	_ =	shalt  }

// kernel: kernel.18.cloned.1.call-start
scs
__scs_entry_jumppad:
0x0: {  	(pc) =	sbr.rel $0x88, $3  }
0x1: {  	(tag) =	ssettag $0x0;
	lr =	simm.s32 $0x1  }
0x2: {  	[smem:$0x3F97] =	sst lr;
	_ =	strace $0xD0000000  }
0x3: {  	_ = 	snop  }
0x4: {  	_ = 	snop  }
0x5: {  	_ = 	snop  }
0x6: {  	_ = 	snop  }
0x7: {  	_ = 	snop  }
__scs_overlays_trampoline_lowered:
0x8: {  	[smem:$0x3FA6] =	sst s0  }
0x9: {  	[smem:$0x3FA7] =	sst s1  }
0xa: {  	[smem:$0x3FA8] =	sst s2  }
0xb: {  	[smem:$0x3FA9] =	sst s3  }
0xc: {  	[smem:$0x3FAA] =	sst s4  }
0xd: {  	[smem:$0x3FAB] =	sst s5  }
0xe: {  	[smem:$0x3FAC] =	sst s6  }
0xf: {  	[smem:$0x3FAD] =	sst s7  }
0x10: {  	[smem:$0x3FAE] =	sst s8  }
0x11: {  	[smem:$0x3FAF] =	sst s9;
	s0 =	simm.s32 @!p0 $0x0  }
0x12: {  	s1 =	sld [smem:$0x3F95];
	s0 =	simm.s32 @p0 $0x1  }
0x13: {  	[smem:$0x3FB0] =	sst s0;
	s0 =	simm.s32 @!p1 $0x0  }
0x14: {  	s2 =	sld [smem:$0x3F94];
	s0 =	simm.s32 @p1 $0x1  }
0x15: {  	[smem:$0x3FB1] =	sst s0;
	s0 =	simm.s32 @!p2 $0x0  }
0x16: {  	s3 =	sld [smem:$0x3FDB];
	s0 =	simm.s32 @p2 $0x1  }
0x17: {  	s4 =	simm.s32 $0x1BF5;
	[smem:$0x3FB3] =	sst s0  }
0x18: {  	s0 =	sld [smem:$0x3F96];
	_ =	swait.ge [sflag:s4], $0x0  }
0x19: {  	s7 =	sld [smem:$0x3F97]  }
0x1a: {  	s8 =	sadd.s32 $0xFFFFE003, lr  }
0x1b: {  	s9 =	sadd.s32 $0xFFFFFEF7, lr;
	s5 =	simm.s32 $0xFFFFFFFF;
	p2 =	slt.u32 s8, $0xFFFFF086  }
0x1c: {  	p1 =	slt.u32 s9, $0xF7A;
	s5 =	simm.s32 @!p2 $0x0  }
0x1d: {  	s5 =	simm.s32 @p1 $0x1;
	p0 =	seq.s32 s7, s2  }
0x1e: {  	s7 =	smul.u32 @!p0 $0xF7A, s2;
	p2 =	seq.s32 @!p0 s5, $0x0  }
0x1f: {  	s9 =	smul.u32 $0xF7A, s1;
	s8 =	simm.s32 @!p0 $0x1BF5;
	p2 =	por !p2, p0  }
0x20: {  	[sflag:s8] =	ssyncset.s32 @!p0 $0xFFFFF086;
	s6 =	sadd.s32 @!p0 s3, s7;
	s7 =	simm.s32 @!p0 $0x108  }
0x21: {  	s3 =	sadd.s32 s3, s9;
	s6 =	sadd.s32 @!p0 $0x88, s6;
	s7 =	simm.s32 @p2 $0x1082  }
0x22: {  	[simem:s7], [sflag:s8] =	dma.local @!p0 [hbm:s6], $0xF7A  }
0x23: {  	s9 =	sor.u32 $0xD0000000, s2;
	s6 =	simm.s32 $0x108;
	_ =	swait.ge @!p0 [sflag:s8], $0x0  }
0x24: {  	s3 =	sadd.s32 $0x88, s3;
	s6 =	simm.s32 @!p1 $0x1082;
	[sflag:s4] =	ssyncset.s32 $0xFFFFF086  }
0x25: {  	[simem:s6], [sflag:s4] =	dma.local [hbm:s3], $0xF7A  }
0x26: {  	[smem:$0x3F97] =	sst s1;
	(tag) =	ssettag s2;
	_ =	strace s9  }
0x27: {  	s1 =	sld [smem:$0x3FA7]  }
0x28: {  	s2 =	sld [smem:$0x3FA8]  }
0x29: {  	s4 =	sld [smem:$0x3FAA]  }
0x2a: {  	p0 =	seq.s32 s5, $0x0;
	s5 =	sld [smem:$0x3FAB]  }
0x2b: {  	s6 =	sld [smem:$0x3FAC]  }
0x2c: {  	s7 =	sld [smem:$0x3FAD]  }
0x2d: {  	s3 =	simm.s32 $0x108;
	s8 =	sld [smem:$0x3FAE]  }
0x2e: {  	s3 =	simm.s32 @!p0 $0x1082;
	s9 =	sld [smem:$0x3FAF]  }
0x2f: {  	lr =	sadd.s32 s0, s3;
	s0 =	sld [smem:$0x3FA6]  }
0x30: {  	s3 =	sld [smem:$0x3FA9]  }
0x31: {  	[smem:$0x3FB2] =	sst s10  }
0x32: {  	s10 =	sld [smem:$0x3FB0];
	_ =	sdelay $0x3  }
0x33: {  	p0 =	seq.s32 s10, $0x1;
	s10 =	sld [smem:$0x3FB2];
	_ =	sdelay $0x3  }
0x34: {  	[smem:$0x3FB2] =	sst s10  }
0x35: {  	s10 =	sld [smem:$0x3FB1];
	_ =	sdelay $0x3  }
0x36: {  	p1 =	seq.s32 s10, $0x1;
	s10 =	sld [smem:$0x3FB2];
	_ =	sdelay $0x3  }
0x37: {  	[smem:$0x3FB2] =	sst s10  }
0x38: {  	s10 =	sld [smem:$0x3FB3]  }
0x39: {  	_ = 	snop;
	(pc) =	sbr.ind lr, $3  }
0x3a: {  	_ = 	snop  }
0x3b: {  	_ = 	snop  }
0x3c: {  	p2 =	seq.s32 s10, $0x1;
	s10 =	sld [smem:$0x3FB2]  }
0x3d: {  	_ =	shalt  }
0x3e: {  	_ =	shalt  }
0x3f: {  	_ =	shalt  }
0x40: {  	_ =	shalt  }
0x41: {  	_ =	shalt  }
0x42: {  	_ =	shalt  }
0x43: {  	_ =	shalt  }
0x44: {  	_ =	shalt  }
0x45: {  	_ =	shalt  }
0x46: {  	_ =	shalt  }
0x47: {  	_ =	shalt  }
0x48: {  	_ =	shalt  }
0x49: {  	_ =	shalt  }
0x4a: {  	_ =	shalt  }
0x4b: {  	_ =	shalt  }
0x4c: {  	_ =	shalt  }
0x4d: {  	_ =	shalt  }
0x4e: {  	_ =	shalt  }
0x4f: {  	_ =	shalt  }
0x50: {  	_ =	shalt  }
0x51: {  	_ =	shalt  }
0x52: {  	_ =	shalt  }
0x53: {  	_ =	shalt  }
0x54: {  	_ =	shalt  }
0x55: {  	_ =	shalt  }
0x56: {  	_ =	shalt  }
0x57: {  	_ =	shalt  }
0x58: {  	_ =	shalt  }
0x59: {  	_ =	shalt  }
0x5a: {  	_ =	shalt  }
0x5b: {  	_ =	shalt  }
0x5c: {  	_ =	shalt  }
0x5d: {  	_ =	shalt  }
0x5e: {  	_ =	shalt  }
0x5f: {  	_ =	shalt  }
0x60: {  	_ =	shalt  }
0x61: {  	_ =	shalt  }
0x62: {  	_ =	shalt  }
0x63: {  	_ =	shalt  }
0x64: {  	_ =	shalt  }
0x65: {  	_ =	shalt  }
0x66: {  	_ =	shalt  }
0x67: {  	_ =	shalt  }
0x68: {  	_ =	shalt  }
0x69: {  	_ =	shalt  }
0x6a: {  	_ =	shalt  }
0x6b: {  	_ =	shalt  }
0x6c: {  	_ =	shalt  }
0x6d: {  	_ =	shalt  }
0x6e: {  	_ =	shalt  }
0x6f: {  	_ =	shalt  }
0x70: {  	_ =	shalt  }
0x71: {  	_ =	shalt  }
0x72: {  	_ =	shalt  }
0x73: {  	_ =	shalt  }
0x74: {  	_ =	shalt  }
0x75: {  	_ =	shalt  }
0x76: {  	_ =	shalt  }
0x77: {  	_ =	shalt  }
0x78: {  	_ =	shalt  }
0x79: {  	_ =	shalt  }
0x7a: {  	_ =	shalt  }
0x7b: {  	_ =	shalt  }
0x7c: {  	_ =	shalt  }
0x7d: {  	_ =	shalt  }
0x7e: {  	_ =	shalt  }
0x7f: {  	_ =	shalt  }
0x80: {  	_ =	shalt  }
0x81: {  	_ =	shalt  }
0x82: {  	_ =	shalt  }
0x83: {  	_ =	shalt  }
0x84: {  	_ =	shalt  }
0x85: {  	_ =	shalt  }
0x86: {  	_ =	shalt  }
0x87: {  	_ =	shalt  }
.Lfunc_end0:
.L_simem_size_0:
called_computation.3_lowered:
.L_overlay_start_0:
0x88: {  	s2 =	sld [smem:$0x3FD9]  }
0x89: {  	s3 =	sld [smem:$0x3FFE];
	_ =	sdelay $0x1  }
0x8a: {  	s1 =	srdreg.scid  }
0x8b: {  	s0 =	sand.u32 $0x1, s1  }
0x8c: {  	s16 =	sshll.u32 s0, $0xA;
	s2 =	sadd.s32 s3, s2  }
0x8d: {  	s2 =	sadd.s32 s2, s16  }
0x8e: {  	[smem:$0x3FBE] =	sst s2  }
0x8f: {  	_ = 	snop  }
0x90: {  	(tm) =	ssettm $0x1  }
0x91: {  	s17 =	sld [smem:$0x3FFB];
	_ =	sdelay $0x3  }
0x92: {  	_ =	strace s17  }
0x93: {  	s2 =	sld [smem:$0x3FFC];
	_ =	sdelay $0x3  }
0x94: {  	_ =	strace s2  }
0x95: {  	s2 =	sld [smem:$0x3FFD];
	_ =	sdelay $0x3  }
0x96: {  	_ =	strace s2  }
0x97: {  	_ =	strace $0x8FFFFFFF  }
0x98: {  	s18 =	sld [smem:$0x3FDB];
	_ =	sdelay $0x1  }
0x99: {  	s19 =	simm.s32 $_scs_section_size  }
0x9a: {  	s4 =	simm.s32 $_size__tile_overlayer_lowered;
	s5 =	simm.s32 $_tile_overlayer_lowered  }
0x9b: {  	s22 =	simm.s32 $0x1BFF;
	s21 =	sshll.u32 s5, $0x1;
	s2 =	sadd.s32 s19, s18  }
0x9c: {  	s6 =	simm.s32 $0x0;
	s20 =	sshll.u32 s4, $0x1;
	s4 =	sadd.s32 s21, s2  }
0x9d: {  	[timem:s6], [sflag:s22] =	dma.local [hbm:s4], s20  }
0x9e: {  	_ =	swait.ge [sflag:s22], s20  }
0x9f: {  	s3 =	ssub.s32 $0x0, s20;
	[sflag:s22] =	ssyncset.done $0x0  }
0xa0: {  	[sflag:s22] =	ssyncadd.s32 s3;
	_ =	sdelay $0x1  }
0xa1: {  	s23 =	simm.s32 $0x1B8B  }
0xa2: {  	_ =	swait.ge [sflag:s23], $0x1  }
0xa3: {  	[sflag:s23] =	ssyncset.done $0x0  }
0xa4: {  	s25 =	simm.s32 $0x1B8E;
	s24 =	sld [smem:$0x3FFE];
	[sflag:s23] =	ssyncadd.s32 $0xFFFFFFFF  }
0xa5: {  	s26 =	simm.s32 $execute0_lowered;
	[smem:$0x3FD2] =	sst s25  }
0xa6: {  	s4 =	sshll.u32 s26, $0x1;
	_ =	strace $0x8000004F;
	[dreg:$0x1] =	wrdreg $0xFFFFFFFF  }
0xa7: {  	s28 =	simm.s32 $_size_execute0_lowered;
	s2 =	sadd.s32 s2, s4;
	[dreg:$0x0] =	wrdreg $0x0  }
0xa8: {  	s4 =	sshll.u32 s28, $0x1;
	[dreg:$0x2] =	wrdreg s2  }
0xa9: {  	[dreg:$0x3] =	wrdreg s4  }
0xaa: {  	[dreg:$0x4] =	wrdreg $0xC0  }
0xab: {  	_ =	task [dreg:s6], $0x5FFFF  }
0xac: {  	[dreg:$0x1] =	wrdreg $0xFFFFFFFF  }
0xad: {  	[dreg:$0x0] =	wrdreg $0x60  }
0xae: {  	[dreg:$0x2] =	wrdreg s24  }
0xaf: {  	[dreg:$0x3] =	wrdreg $0x41800  }
0xb0: {  	[dreg:$0x4] =	wrdreg $0x9  }
0xb1: {  	_ =	task.clear_ibuf [dreg:s6], $0x5FFFF;
	_ =	strace $0x9000004F  }
0xb2: {  	s29 =	simm.s32 $0x9;
	_ =	strace $0x80000051  }
0xb3: {  	_ =	swait.ge [sflag:s29], $0x1  }
0xb4: {  	[sflag:s29] =	ssyncadd.s32 $0xFFFFFFFF  }
0xb5: {  	_ =	strace $0x90000051  }
0xb6: {  	_ =	sfence  }
0xb7: {  	s30 =	sld [smem:$0x0];
	_ =	sdelay $0x2  }
0xb8: {  	s31 =	sshll.u32 s1, $0xD;
	s1 =	sshrl.u32 s1, $0x2  }
0xb9: {  	s3 =	sand.u32 $0x4000, s31;
	s1 =	sadd.s32 s1, s30  }
0xba: {  	s0 =	sor.u32 s3, s0;
	s1 =	sshll.u32 s1, $0x11  }
0xbb: {  	s0 =	sor.u32 s1, s0  }
0xbc: {  	s0 =	sadd.s32 $0x8F2B, s0  }
0xbd: {  	[sflag:s0] =	ssyncadd.remote.s32 $0x1  }
0xbe: {  	_ =	sfence.sel $0xFFFF  }
0xbf: {  	[dreg:$0x0] =	wrdreg $0xFFFFFFFF;
	(pc) =	sbr.abs _section_cstart, $3  }
0xc0: {  	[dreg:$0x1] =	wrdreg $0xFFFFFFFF  }
0xc1: {  	_ =	task.clear_ibuf [dreg:s6], $0x2FFFF;
	_ =	strace $0x9FFFFFFF  }
0xc2: {  	(tm) =	ssettm $0x7FFFFFFF  }
0xc3: {  	_ =	shalt  }
tec
execute0_lowered:
.L_overlay_start_1:
0x0: {  	(tag) =	ssettag $0x1  }
0x1: {  	s0 =	rddreg [dreg:$0x0]  }
0x2: {  	s1 =	rddreg [dreg:$0x1];
	s2 =	simm.s32 $0x0  }
0x3: {  	s3 =	srdreg.scid;
	s13 =	stileid.u32;
	s28 =	simm.s32 $0x1  }
0x4: {  	s29 =	simm.s32 $0x80;
	s30 =	simm.s32 $0x100;
	s31 =	simm.s32 $0x0  }
0x5: {  	[smem:$0x7FF] =	sst s2;
	s4 =	sadd.s32 $0x55200, s0;
	s5 =	sadd.s32 $0x5F400, s0  }
0x6: {  	s6 =	sadd.s32 $0x2400, s0;
	s7 =	sadd.s32 $0x18400, s0;
	s3 =	sand.u32 $0x1, s3  }
0x7: {  	s8 =	smul.u32 $0x4E000, s13;
	s0 =	sadd.s32 $0x69600, s0;
	s10 =	sshll.u32 s13, $0x1  }
0x8: {  	s26 =	smul.u32 $0x13800, s13;
	p0 =	sne.s32 s13, $0xF;
	_ =	strace $0x80000050  }
0x9: {  	s9 =	ssub.s32 $0x2, s3;
	s10 =	sor.u32 s3, s10;
	s3 =	smul.u32 $0x138800, s3  }
0xa: {  	s11 =	sshrl.u32 s9, $0x1;
	s12 =	sshrl.u32 s8, $0x2;
	s8 =	smul.u32 $0x51, s10  }
0xb: {  	s11 =	ssub.s32 s9, s11;
	s9 =	sadd.s32 s12, s1;
	s10 =	sadd.s32 s26, s3  }
0xc: {  	s3 =	sshrl.u32 s3, $0x3;
	s26 =	simm.s32 $0x180;
	s22 =	sadd.s32 $0x1800, s9  }
0xd: {  	s23 =	sadd.s32 $0x3000, s9;
	s24 =	sadd.s32 $0x4800, s9;
	s25 =	sadd.s32 $0x6000, s9  }
0xe: {  	s14 =	sadd.s32 $0x7800, s9;
	s15 =	sadd.s32 $0x9000, s9;
	s16 =	sadd.s32 $0xA800, s9  }
0xf: {  	s17 =	sadd.s32 $0xC000, s9;
	s18 =	sadd.s32 $0xD800, s9;
	[dreg:$0x3] =	wrdreg s22  }
0x10: {  	s19 =	sadd.s32 $0xF000, s9;
	s20 =	sadd.s32 $0x10800, s9;
	[dreg:$0x4] =	wrdreg s23  }
0x11: {  	s21 =	sadd.s32 $0x12000, s9;
	s10 =	sshrl.u32 s10, $0x3;
	[dreg:$0x5] =	wrdreg s24  }
0x12: {  	s3 =	sadd.s32 s0, s3;
	[dreg:$0x6] =	wrdreg s25;
	s22 =	sadd.s32 s0, s10  }
0x13: {  	v0 =	vimm.f32 $0.0e+00;
	s23 =	sadd.s32 $0x138000, s1;
	s24 =	sadd.s32 $0x27000, s3;
	s25 =	smax.u32 s11, $0x1  }
.LBB2_1:
0x14: {  	s0 =	simm.s32 $0x0;
	s3 =	simm.s32 $0x200  }
.LBB2_2:
0x15: {  	p1 =	sne.s32 s3, $0xFE00;
	[tilespmem:s0+$0x1F0] =	vst v0  }
0x16: {  	[tilespmem:s0+$0x180] =	vst v0  }
0x17: {  	[tilespmem:s0+$0x190] =	vst v0  }
.Ltmp0:
0x18: {  	[tilespmem:s0+$0x1A0] =	vst v0;
	(pc) =	sbr.rel @p1 .LBB2_2-.Ltmp0, $4  }
0x19: {  	[tilespmem:s0+$0x1B0] =	vst v0  }
0x1a: {  	[tilespmem:s0+$0x1C0] =	vst v0  }
0x1b: {  	[tilespmem:s0+$0x1D0] =	vst v0  }
0x1c: {  	[tilespmem:s0+$0x1E0] =	vst v0;
	s0 =	sshra.s32 s3, $0x2;
	s3 =	sadd.s32 $0x200, s3  }
0x1d: {  	[tilespmem:s0+$0x1F0] =	vst v0  }
0x1e: {  	[tilespmem:s0+$0x180] =	vst v0  }
0x1f: {  	[tilespmem:s0+$0x190] =	vst v0  }
0x20: {  	[tilespmem:s0+$0x1A0] =	vst v0  }
0x21: {  	[tilespmem:s0+$0x1B0] =	vst v0  }
0x22: {  	[tilespmem:s0+$0x1C0] =	vst v0  }
0x23: {  	[tilespmem:s0+$0x1D0] =	vst v0  }
0x24: {  	[tilespmem:s0+$0x1E0] =	vst v0  }
0x25: {  	[spmem:s9] =	stream.linear.scatter [tilespmem:s26], [sflag:$0x1], $0x1800, $0x38;
	[tilespmem:$0x17A00] =	vst v63  }
0x26: {  	_ =	swait.ge [sflag:s28], $0x1800  }
0x27: {  	[sflag:s28] =	ssyncset.done $0x0  }
0x28: {  	s10 =	rddreg [dreg:$0x3];
	[sflag:s28] =	ssyncadd.s32 $0xFFFFE800  }
0x29: {  	[spmem:s10] =	stream.linear.scatter [tilespmem:s26], [sflag:$0x1], $0x1800, $0x38;
	[tilespmem:$0x17A00] =	vst v63  }
0x2a: {  	_ =	swait.ge [sflag:s28], $0x1800  }
0x2b: {  	[sflag:s28] =	ssyncset.done $0x0  }
0x2c: {  	s11 =	rddreg [dreg:$0x4];
	[sflag:s28] =	ssyncadd.s32 $0xFFFFE800  }
0x2d: {  	[spmem:s11] =	stream.linear.scatter [tilespmem:s26], [sflag:$0x1], $0x1800, $0x38;
	[tilespmem:$0x17A00] =	vst v63  }
0x2e: {  	_ =	swait.ge [sflag:s28], $0x1800  }
0x2f: {  	[sflag:s28] =	ssyncset.done $0x0  }
0x30: {  	s12 =	rddreg [dreg:$0x5];
	[sflag:s28] =	ssyncadd.s32 $0xFFFFE800  }
0x31: {  	[spmem:s12] =	stream.linear.scatter [tilespmem:s26], [sflag:$0x1], $0x1800, $0x38;
	[tilespmem:$0x17A00] =	vst v63  }
0x32: {  	_ =	swait.ge [sflag:s28], $0x1800  }
0x33: {  	[sflag:s28] =	ssyncset.done $0x0  }
0x34: {  	s13 =	rddreg [dreg:$0x6];
	[sflag:s28] =	ssyncadd.s32 $0xFFFFE800  }
0x35: {  	[spmem:s13] =	stream.linear.scatter [tilespmem:s26], [sflag:$0x1], $0x1800, $0x38;
	[tilespmem:$0x17A00] =	vst v63  }
0x36: {  	_ =	swait.ge [sflag:s28], $0x1800  }
0x37: {  	[sflag:s28] =	ssyncset.done $0x0  }
0x38: {  	[sflag:s28] =	ssyncadd.s32 $0xFFFFE800  }
0x39: {  	[spmem:s14] =	stream.linear.scatter [tilespmem:s26], [sflag:$0x1], $0x1800, $0x38;
	[tilespmem:$0x17A00] =	vst v63  }
0x3a: {  	_ =	swait.ge [sflag:s28], $0x1800  }
0x3b: {  	[sflag:s28] =	ssyncset.done $0x0  }
0x3c: {  	[sflag:s28] =	ssyncadd.s32 $0xFFFFE800  }
0x3d: {  	[spmem:s15] =	stream.linear.scatter [tilespmem:s26], [sflag:$0x1], $0x1800, $0x38;
	[tilespmem:$0x17A00] =	vst v63  }
0x3e: {  	_ =	swait.ge [sflag:s28], $0x1800  }
0x3f: {  	[sflag:s28] =	ssyncset.done $0x0  }
0x40: {  	[sflag:s28] =	ssyncadd.s32 $0xFFFFE800  }
0x41: {  	[spmem:s16] =	stream.linear.scatter [tilespmem:s26], [sflag:$0x1], $0x1800, $0x38;
	[tilespmem:$0x17A00] =	vst v63  }
0x42: {  	_ =	swait.ge [sflag:s28], $0x1800  }
0x43: {  	[sflag:s28] =	ssyncset.done $0x0  }
0x44: {  	[sflag:s28] =	ssyncadd.s32 $0xFFFFE800  }
0x45: {  	[spmem:s17] =	stream.linear.scatter [tilespmem:s26], [sflag:$0x1], $0x1800, $0x38;
	[tilespmem:$0x17A00] =	vst v63  }
0x46: {  	_ =	swait.ge [sflag:s28], $0x1800  }
0x47: {  	[sflag:s28] =	ssyncset.done $0x0  }
0x48: {  	[sflag:s28] =	ssyncadd.s32 $0xFFFFE800  }
0x49: {  	[spmem:s18] =	stream.linear.scatter [tilespmem:s26], [sflag:$0x1], $0x1800, $0x38;
	[tilespmem:$0x17A00] =	vst v63  }
0x4a: {  	_ =	swait.ge [sflag:s28], $0x1800  }
0x4b: {  	[sflag:s28] =	ssyncset.done $0x0  }
0x4c: {  	[sflag:s28] =	ssyncadd.s32 $0xFFFFE800  }
0x4d: {  	[spmem:s19] =	stream.linear.scatter [tilespmem:s26], [sflag:$0x1], $0x1800, $0x38;
	[tilespmem:$0x17A00] =	vst v63  }
0x4e: {  	_ =	swait.ge [sflag:s28], $0x1800  }
0x4f: {  	[sflag:s28] =	ssyncset.done $0x0  }
0x50: {  	[sflag:s28] =	ssyncadd.s32 $0xFFFFE800  }
0x51: {  	[spmem:s20] =	stream.linear.scatter [tilespmem:s26], [sflag:$0x1], $0x1800, $0x38;
	[tilespmem:$0x17A00] =	vst v63  }
0x52: {  	_ =	swait.ge [sflag:s28], $0x1800  }
0x53: {  	[sflag:s28] =	ssyncset.done $0x0  }
0x54: {  	[sflag:s28] =	ssyncadd.s32 $0xFFFFE800  }
0x55: {  	[spmem:s21] =	stream.linear.scatter [tilespmem:s26], [sflag:$0x1], $0x1800, $0x38;
	[tilespmem:$0x17A00] =	vst v63  }
0x56: {  	_ =	swait.ge [sflag:s28], $0x1800  }
0x57: {  	[sflag:s28] =	ssyncset.done $0x0  }
0x58: {  	s0 =	simm.s32 @!p0 $0x180;
	[sflag:s28] =	ssyncadd.s32 $0xFFFFE800  }
0x59: {  	[spmem:s23] =	stream.linear.scatter @!p0 [tilespmem:s0], [sflag:$0x1], $0x800, $0x38;
	[tilespmem:$0x17A00] =	vst v63  }
0x5a: {  	s0 =	simm.s32 @!p0 $0x1  }
0x5b: {  	_ =	swait.ge @!p0 [sflag:s0], $0x800  }
0x5c: {  	[sflag:s0] =	ssyncset.done @!p0 $0x0  }
0x5d: {  	[sflag:s0] =	ssyncadd.s32 @!p0 $0xFFFFF800  }
0x5e: {  	s0 =	simm.s32 $0x0;
	[bflag:$0x0] =	sbarrier.arrive $0xFFFF  }
.LBB2_4:
0x5f: {  	s3 =	sadd.s32 s8, s0  }
0x60: {  	s3 =	sshll.u32 s3, $0x4  }
0x61: {  	s10 =	sadd.s32 s4, s3  }
0x62: {  	[tilespmem:s31], [sflag:$0x1] =	stream.linear.gather [hbm4b:s10+s31], $0x80, $0x38;
	[tilespmem:$0x17A00] =	vst v63  }
0x63: {  	_ =	swait.ge [sflag:s28], $0x80  }
0x64: {  	[sflag:s28] =	ssyncset.done $0x0  }
0x65: {  	s12 =	sadd.s32 s5, s3;
	[sflag:s28] =	ssyncadd.s32 $0xFFFFFF80  }
0x66: {  	[tilespmem:s29], [sflag:$0x1] =	stream.linear.gather [hbm4b:s12+s31], $0x80, $0x38;
	[tilespmem:$0x17A00] =	vst v63  }
0x67: {  	_ =	swait.ge [sflag:s28], $0x80  }
0x68: {  	[sflag:s28] =	ssyncset.done $0x0  }
0x69: {  	s3 =	sadd.s32 s6, s3;
	[sflag:s28] =	ssyncadd.s32 $0xFFFFFF80  }
0x6a: {  	v1 =	vmov s31;
	[tilespmem:s30], [sflag:$0x1] =	stream.linear.gather [hbm4b:s3+s31], $0x80, $0x38;
	[tilespmem:$0x17A00] =	vst v63  }
0x6b: {  	v1 =	vand.u32 $0xFFFFFFFE, v1;
	_ =	swait.ge [sflag:s28], $0x80  }
0x6c: {  	v1 =	vbroadcast v1, $0x0;
	[sflag:s28] =	ssyncset.done $0x0  }
0x6d: {  	[sflag:s28] =	ssyncadd.s32 $0xFFFFFF80  }
0x6e: {  	[tilespmem:s26], [sflag:$0x1] =	stream.indirect.gather [hbm4b:s7+s29], $0x80, s31, s29, $0xb8;
	[tilespmem:$0x17A00] =	vst v63  }
0x6f: {  	_ =	swait.ge [sflag:s28], $0x4000  }
0x70: {  	[sflag:s28] =	ssyncset.done $0x0  }
0x71: {  	[sflag:s28] =	ssyncadd.s32 $0xFFFFC000  }
0x72: {  	s3 =	simm.s32 $0x200;
	v2 =	vld.idx.msk [tilespmem:v1+s30+$0x0], $0xffff  }
0x73: {  	v1 =	vld [tilespmem:s3+$0xFFFFFFF0]  }
0x74: {  	v3 =	vld [tilespmem:s3+$0xFFFFFF80]  }
0x75: {  	s13 =	simm.s32 $0x1;
	v6 =	vld [tilespmem:s3+$0xFFFFFF90]  }
0x76: {  	v7 =	vmov s13;
	v8 =	vld [tilespmem:s3+$0xFFFFFFA0]  }
0x77: {  	v11 =	vld [tilespmem:s3+$0xFFFFFFB0]  }
0x78: {  	v5 =	vld [tilespmem:s3+$0xFFFFFFC0]  }
0x79: {  	v4 =	vld [tilespmem:s3+$0xFFFFFFD0];
	v9 =	vmul.f32 v1, v2  }
0x7a: {  	v10 =	vmul.f32 v3, v2;
	v3 =	vld [tilespmem:s3+$0xFFFFFFE0]  }
0x7b: {  	v1 =	vld.idx.msk [tilespmem:v7+s30+$0x0], $0xffff;
	v6 =	vmul.f32 v6, v2;
	[tilespmem:s3+$0xFFFFFFF0] =	vst v9  }
0x7c: {  	s11 =	simm.s32 $0x2;
	v7 =	vld [tilespmem:s3+$0x0];
	[tilespmem:s3+$0xFFFFFF80] =	vst v10;
	v9 =	vmul.f32 v8, v2  }
0x7d: {  	s10 =	simm.s32 $0x200;
	s12 =	simm.s32 $0x4;
	v10 =	vmov s11;
	[tilespmem:s3+$0xFFFFFF90] =	vst v6;
	v8 =	vmul.f32 v11, v2;
	v6 =	vld [tilespmem:s3+$0x10]  }
.LBB2_5:
0x7e: {  	p1 =	slt.u32 s12, $0x7E;
	v10 =	vand.u32 $0xFFFFFFFE, v10;
	s13 =	sadd.s32 $0x1, s11;
	[tilespmem:s3+$0xFFFFFFA0] =	vst v9;
	v5 =	vmul.f32 v5, v2;
	v9 =	vld [tilespmem:s3+$0x20];
	s11 =	smov.u32 s12  }
0x7f: {  	v10 =	vbroadcast v10, $0x0;
	v11 =	vmov s13;
	[tilespmem:s3+$0xFFFFFFB0] =	vst v8;
	v4 =	vmul.f32 v4, v2;
	v8 =	vld [tilespmem:s3+$0x30]  }
0x80: {  	[tilespmem:s3+$0xFFFFFFC0] =	vst v5;
	v2 =	vmul.f32 v3, v2;
	v3 =	vld [tilespmem:s3+$0x40]  }
0x81: {  	[tilespmem:s3+$0xFFFFFFD0] =	vst v4;
	v4 =	vmul.f32 v7, v1;
	v5 =	vld [tilespmem:s3+$0x50]  }
0x82: {  	[tilespmem:s3+$0xFFFFFFE0] =	vst v2;
	v2 =	vmul.f32 v6, v1;
	v6 =	vld [tilespmem:s3+$0x60]  }
0x83: {  	[tilespmem:s3+$0x0] =	vst v4;
	v4 =	vmul.f32 v9, v1;
	v7 =	vld [tilespmem:s3+$0x70]  }
0x84: {  	v9 =	vld.idx.msk [tilespmem:v11+s30+$0x0], $0xffff;
	[tilespmem:s3+$0x10] =	vst v2;
	v8 =	vmul.f32 v8, v1  }
0x85: {  	s3 =	sadd.s32 $0x100, s3;
	v2 =	vld.idx.msk [tilespmem:v10+s30+$0x0], $0xffff;
	[tilespmem:s10+$0x20] =	vst v4;
	v3 =	vmul.f32 v3, v1  }
0x86: {  	v4 =	vld [tilespmem:s3+$0xFFFFFFF0];
	[tilespmem:s10+$0x30] =	vst v8;
	v5 =	vmul.f32 v5, v1  }
0x87: {  	v8 =	vld [tilespmem:s3+$0xFFFFFF80];
	[tilespmem:s10+$0x40] =	vst v3;
	v3 =	vmul.f32 v6, v1  }
0x88: {  	v6 =	vld [tilespmem:s3+$0xFFFFFF90];
	[tilespmem:s10+$0x50] =	vst v5;
	v5 =	vmul.f32 v7, v1  }
0x89: {  	v7 =	vld [tilespmem:s3+$0xFFFFFFA0];
	[tilespmem:s10+$0x60] =	vst v3  }
0x8a: {  	v1 =	vmov v9;
	v11 =	vld [tilespmem:s3+$0xFFFFFFB0];
	[tilespmem:s10+$0x70] =	vst v5;
	s10 =	smov.u32 s3  }
.Ltmp1:
0x8b: {  	v5 =	vld [tilespmem:s3+$0xFFFFFFC0];
	v9 =	vmul.f32 v4, v2;
	(pc) =	sbr.rel @p1 .LBB2_5-.Ltmp1, $4  }
0x8c: {  	v8 =	vmul.f32 v8, v2;
	v4 =	vld [tilespmem:s3+$0xFFFFFFD0]  }
0x8d: {  	v6 =	vmul.f32 v6, v2;
	v3 =	vld [tilespmem:s3+$0xFFFFFFE0];
	[tilespmem:s3+$0xFFFFFFF0] =	vst v9  }
0x8e: {  	[tilespmem:s3+$0xFFFFFF80] =	vst v8;
	v9 =	vmul.f32 v7, v2;
	v7 =	vld [tilespmem:s3+$0x0]  }
0x8f: {  	s12 =	sadd.s32 $0x2, s12;
	v10 =	vmov s11;
	[tilespmem:s3+$0xFFFFFF90] =	vst v6;
	v8 =	vmul.f32 v11, v2;
	v6 =	vld [tilespmem:s3+$0x10]  }
0x90: {  	v11 =	vld [tilespmem:s3+$0x20]  }
0x91: {  	v10 =	vand.u32 $0xFFFFFFFE, v10;
	v12 =	vld [tilespmem:s3+$0x30]  }
0x92: {  	v14 =	vld [tilespmem:s3+$0x40];
	[tilespmem:s3+$0xFFFFFFA0] =	vst v9;
	v5 =	vmul.f32 v5, v2;
	v10 =	vbroadcast v10, $0x0  }
0x93: {  	v44 =	vld [tilespmem:s3+$0x50];
	[tilespmem:s3+$0xFFFFFFB0] =	vst v8;
	v4 =	vmul.f32 v4, v2  }
0x94: {  	v45 =	vld [tilespmem:s3+$0x60];
	s13 =	sadd.s32 $0x100, s3;
	[tilespmem:s3+$0xFFFFFFC0] =	vst v5;
	v2 =	vmul.f32 v3, v2  }
0x95: {  	v50 =	vld [tilespmem:s13+$0xFFFFFFF0];
	v7 =	vmul.f32 v7, v1;
	[tilespmem:s3+$0xFFFFFFD0] =	vst v4  }
0x96: {  	v51 =	vld [tilespmem:s13+$0xFFFFFF80];
	v46 =	vmul.f32 v6, v1;
	[tilespmem:s3+$0xFFFFFFE0] =	vst v2  }
0x97: {  	v3 =	vld [tilespmem:s3+$0x70];
	[tilespmem:s3+$0x0] =	vst v7;
	v2 =	vmul.f32 v11, v1  }
0x98: {  	v49 =	vmul.f32 v12, v1;
	[tilespmem:s3+$0x10] =	vst v46;
	v48 =	vld.idx.msk [tilespmem:v10+s30+$0x0], $0xffff  }
0x99: {  	v53 =	vld [tilespmem:s13+$0xFFFFFF90];
	[tilespmem:s10+$0x20] =	vst v2;
	v2 =	vmul.f32 v14, v1  }
0x9a: {  	s11 =	sadd.s32 $0x1, s11;
	v54 =	vld [tilespmem:s13+$0xFFFFFFA0];
	v52 =	vmul.f32 v44, v1;
	[tilespmem:s10+$0x30] =	vst v49  }
0x9b: {  	v13 =	vmov s11;
	v56 =	vld [tilespmem:s13+$0xFFFFFFD0];
	[tilespmem:s10+$0x40] =	vst v2;
	v2 =	vmul.f32 v45, v1  }
0x9c: {  	[tilespmem:s10+$0x50] =	vst v52;
	v1 =	vmul.f32 v3, v1;
	v3 =	vld [tilespmem:s13+$0xFFFFFFB0]  }
0x9d: {  	[tilespmem:s10+$0x60] =	vst v2;
	v2 =	vld [tilespmem:s13+$0xFFFFFFC0];
	v55 =	vmul.f32 v50, v48  }
0x9e: {  	v57 =	vld [tilespmem:s13+$0xFFFFFFE0];
	[tilespmem:s10+$0x70] =	vst v1;
	v1 =	vmul.f32 v51, v48  }
0x9f: {  	v58 =	vld [tilespmem:s13+$0x0];
	v9 =	vmul.f32 v53, v48;
	[tilespmem:s13+$0xFFFFFFF0] =	vst v55  }
0xa0: {  	v47 =	vld.idx.msk [tilespmem:v13+s30+$0x0], $0xffff;
	[tilespmem:s13+$0xFFFFFF80] =	vst v1;
	v1 =	vmul.f32 v54, v48  }
0xa1: {  	v59 =	vld [tilespmem:s13+$0x10];
	[tilespmem:s13+$0xFFFFFF90] =	vst v9;
	v3 =	vmul.f32 v3, v48  }
0xa2: {  	[tilespmem:s13+$0xFFFFFFA0] =	vst v1;
	v1 =	vmul.f32 v2, v48;
	v2 =	vld [tilespmem:s13+$0x20]  }
0xa3: {  	v60 =	vld [tilespmem:s13+$0x30];
	[tilespmem:s13+$0xFFFFFFB0] =	vst v3;
	v3 =	vmul.f32 v56, v48  }
0xa4: {  	v61 =	vld [tilespmem:s13+$0x40];
	[tilespmem:s13+$0xFFFFFFC0] =	vst v1;
	v1 =	vmul.f32 v57, v48  }
0xa5: {  	v62 =	vld [tilespmem:s13+$0x50];
	[tilespmem:s13+$0xFFFFFFD0] =	vst v3;
	v3 =	vmul.f32 v58, v47  }
0xa6: {  	v63 =	vld [tilespmem:s13+$0x60];
	[tilespmem:s13+$0xFFFFFFE0] =	vst v1;
	v1 =	vmul.f32 v59, v47  }
0xa7: {  	[tilespmem:s13+$0x0] =	vst v3;
	v3 =	vld [tilespmem:s13+$0x70];
	v2 =	vmul.f32 v2, v47  }
0xa8: {  	[tilespmem:s13+$0x10] =	vst v1;
	v1 =	vmul.f32 v60, v47  }
0xa9: {  	[tilespmem:s13+$0x20] =	vst v2;
	v2 =	vmul.f32 v61, v47  }
0xaa: {  	[tilespmem:s13+$0x30] =	vst v1;
	v1 =	vmul.f32 v62, v47  }
0xab: {  	[tilespmem:s13+$0x40] =	vst v2;
	v2 =	vmul.f32 v63, v47  }
0xac: {  	s0 =	sadd.s32 $0x1, s0;
	[tilespmem:s13+$0x50] =	vst v1;
	v1 =	vmul.f32 v3, v47  }
0xad: {  	p1 =	sne.s32 s0, $0x51;
	[tilespmem:s13+$0x60] =	vst v2  }
.Ltmp2:
0xae: {  	[tilespmem:s13+$0x70] =	vst v1;
	(pc) =	sbr.rel @p1 .LBB2_4-.Ltmp2, $4  }
0xaf: {  	[spmem:s1] =	stream.indirect.scatter.add.f32 [tilespmem:s26], [sflag:$0x1], $0x80, s29, s29, $0xb8;
	[tilespmem:$0x17A00] =	vst v63  }
0xb0: {  	_ =	swait.ge [sflag:s28], $0x4000  }
0xb1: {  	[sflag:s28] =	ssyncset.done $0x0  }
0xb2: {  	[sflag:s28] =	ssyncadd.s32 $0xFFFFC000  }
0xb3: {  	s0 =	stileid.u32  }
0xb4: {  	s0 =	sshll.u32 s0, $0x6  }
0xb5: {  	[bflag:$0x0] =	sbarrier.arrive $0xFFFF;
	s3 =	sshrl.u32 s9, $0x3;
	s0 =	sor.u32 $0x1C01, s0  }
0xb6: {  	[hbm:s22], [sflag:s0] =	dma.local [spmem:s3], $0x2700  }
0xb7: {  	_ =	swait.ge [sflag:s28], $0x2700  }
0xb8: {  	s2 =	sadd.s32 $0x1, s2;
	[sflag:s28] =	ssyncset.done $0x0  }
0xb9: {  	p1 =	sne.s32 s2, s25;
	s3 =	sshrl.u32 @!p0 s23, $0x3;
	[sflag:s28] =	ssyncadd.s32 $0xFFFFD900  }
0xba: {  	[hbm:s24], [sflag:s0] =	dma.local @!p0 [spmem:s3], $0x100  }
.Ltmp3:
0xbb: {  	_ = 	snop;
	(pc) =	sbr.rel @p1 .LBB2_1-.Ltmp3, $4  }
0xbc: {  	s0 =	simm.s32 @!p0 $0x1  }
0xbd: {  	_ =	swait.ge @!p0 [sflag:s0], $0x100  }
0xbe: {  	[sflag:s0] =	ssyncset.done @!p0 $0x0  }
0xbf: {  	[sflag:s0] =	ssyncadd.s32 @!p0 $0xFFFFFF00  }
0xc0: {  	_ =	sfence.sel $0x180000  }
0xc1: {  	[bflag:$0x0] =	sbarrier.arrive $0xFFFF  }
0xc2: {  	_ =	strace $0x90000050  }
0xc3: {  	s0 =	stileid.u32;
	[bflag:$0x2] =	sbarrier.arrive $0xFFFF  }
0xc4: {  	p0 =	sne.s32 s0, $0x0;
	s0 =	rddreg [dreg:$0x2]  }
0xc5: {  	s0 =	sadd.s32 @!p0 $0x100000, s0  }
0xc6: {  	[sflag:s0] =	ssyncadd.tile.s32 @!p0 $0x1;
	_ =	shalt  }
.Lfunc_end2:
_tile_overlayer_lowered:
.L_overlay_start_2:
0xc7: {  	(tag) =	ssettag $0x2  }
0xc8: {  	s0 =	rddreg [dreg:$0x0];
	s2 =	stileid.u32  }
0xc9: {  	s1 =	rddreg [dreg:$0x1];
	p0 =	sne.s32 s2, $0x0  }
0xca: {  	s3 =	rddreg [dreg:$0x2];
	[bflag:$0x3] =	sbarrier.arrive $0xFFFF;
	s2 =	simm.s32 @!p0 $0x1C01  }
0xcb: {  	[timem:s3], [sflag:s2] =	dma.local @!p0 [hbm:s0], s1  }
0xcc: {  	s0 =	simm.s32 @!p0 $0x1  }
0xcd: {  	_ =	swait.ge @!p0 [sflag:s0], s1  }
0xce: {  	s1 =	ssub.s32 @!p0 $0x0, s1;
	[sflag:s0] =	ssyncset.done @!p0 $0x0  }
0xcf: {  	[sflag:s0] =	ssyncadd.s32 @!p0 s1  }
0xd0: {  	[bflag:$0x3] =	sbarrier.arrive $0xFFFF  }
0xd1: {  	_ =	shalt  }

// kernel: kernel.9.cloned.1.call-start
scs
__scs_entry_jumppad:
0x0: {  	(pc) =	sbr.rel $0x88, $3  }
0x1: {  	(tag) =	ssettag $0x0;
	lr =	simm.s32 $0x1  }
0x2: {  	[smem:$0x3F97] =	sst lr;
	_ =	strace $0xD0000000  }
0x3: {  	_ = 	snop  }
0x4: {  	_ = 	snop  }
0x5: {  	_ = 	snop  }
0x6: {  	_ = 	snop  }
0x7: {  	_ = 	snop  }
__scs_overlays_trampoline_lowered:
0x8: {  	[smem:$0x3FA6] =	sst s0  }
0x9: {  	[smem:$0x3FA7] =	sst s1  }
0xa: {  	[smem:$0x3FA8] =	sst s2  }
0xb: {  	[smem:$0x3FA9] =	sst s3  }
0xc: {  	[smem:$0x3FAA] =	sst s4  }
0xd: {  	[smem:$0x3FAB] =	sst s5  }
0xe: {  	[smem:$0x3FAC] =	sst s6  }
0xf: {  	[smem:$0x3FAD] =	sst s7  }
0x10: {  	[smem:$0x3FAE] =	sst s8  }
0x11: {  	[smem:$0x3FAF] =	sst s9;
	s0 =	simm.s32 @!p0 $0x0  }
0x12: {  	s1 =	sld [smem:$0x3F95];
	s0 =	simm.s32 @p0 $0x1  }
0x13: {  	[smem:$0x3FB0] =	sst s0;
	s0 =	simm.s32 @!p1 $0x0  }
0x14: {  	s2 =	sld [smem:$0x3F94];
	s0 =	simm.s32 @p1 $0x1  }
0x15: {  	[smem:$0x3FB1] =	sst s0;
	s0 =	simm.s32 @!p2 $0x0  }
0x16: {  	s3 =	sld [smem:$0x3FDB];
	s0 =	simm.s32 @p2 $0x1  }
0x17: {  	s4 =	simm.s32 $0x1BF5;
	[smem:$0x3FB3] =	sst s0  }
0x18: {  	s0 =	sld [smem:$0x3F96];
	_ =	swait.ge [sflag:s4], $0x0  }
0x19: {  	s7 =	sld [smem:$0x3F97]  }
0x1a: {  	s8 =	sadd.s32 $0xFFFFE003, lr  }
0x1b: {  	s9 =	sadd.s32 $0xFFFFFEF7, lr;
	s5 =	simm.s32 $0xFFFFFFFF;
	p2 =	slt.u32 s8, $0xFFFFF086  }
0x1c: {  	p1 =	slt.u32 s9, $0xF7A;
	s5 =	simm.s32 @!p2 $0x0  }
0x1d: {  	s5 =	simm.s32 @p1 $0x1;
	p0 =	seq.s32 s7, s2  }
0x1e: {  	s7 =	smul.u32 @!p0 $0xF7A, s2;
	p2 =	seq.s32 @!p0 s5, $0x0  }
0x1f: {  	s9 =	smul.u32 $0xF7A, s1;
	s8 =	simm.s32 @!p0 $0x1BF5;
	p2 =	por !p2, p0  }
0x20: {  	[sflag:s8] =	ssyncset.s32 @!p0 $0xFFFFF086;
	s6 =	sadd.s32 @!p0 s3, s7;
	s7 =	simm.s32 @!p0 $0x108  }
0x21: {  	s3 =	sadd.s32 s3, s9;
	s6 =	sadd.s32 @!p0 $0x88, s6;
	s7 =	simm.s32 @p2 $0x1082  }
0x22: {  	[simem:s7], [sflag:s8] =	dma.local @!p0 [hbm:s6], $0xF7A  }
0x23: {  	s9 =	sor.u32 $0xD0000000, s2;
	s6 =	simm.s32 $0x108;
	_ =	swait.ge @!p0 [sflag:s8], $0x0  }
0x24: {  	s3 =	sadd.s32 $0x88, s3;
	s6 =	simm.s32 @!p1 $0x1082;
	[sflag:s4] =	ssyncset.s32 $0xFFFFF086  }
0x25: {  	[simem:s6], [sflag:s4] =	dma.local [hbm:s3], $0xF7A  }
0x26: {  	[smem:$0x3F97] =	sst s1;
	(tag) =	ssettag s2;
	_ =	strace s9  }
0x27: {  	s1 =	sld [smem:$0x3FA7]  }
0x28: {  	s2 =	sld [smem:$0x3FA8]  }
0x29: {  	s4 =	sld [smem:$0x3FAA]  }
0x2a: {  	p0 =	seq.s32 s5, $0x0;
	s5 =	sld [smem:$0x3FAB]  }
0x2b: {  	s6 =	sld [smem:$0x3FAC]  }
0x2c: {  	s7 =	sld [smem:$0x3FAD]  }
0x2d: {  	s3 =	simm.s32 $0x108;
	s8 =	sld [smem:$0x3FAE]  }
0x2e: {  	s3 =	simm.s32 @!p0 $0x1082;
	s9 =	sld [smem:$0x3FAF]  }
0x2f: {  	lr =	sadd.s32 s0, s3;
	s0 =	sld [smem:$0x3FA6]  }
0x30: {  	s3 =	sld [smem:$0x3FA9]  }
0x31: {  	[smem:$0x3FB2] =	sst s10  }
0x32: {  	s10 =	sld [smem:$0x3FB0];
	_ =	sdelay $0x3  }
0x33: {  	p0 =	seq.s32 s10, $0x1;
	s10 =	sld [smem:$0x3FB2];
	_ =	sdelay $0x3  }
0x34: {  	[smem:$0x3FB2] =	sst s10  }
0x35: {  	s10 =	sld [smem:$0x3FB1];
	_ =	sdelay $0x3  }
0x36: {  	p1 =	seq.s32 s10, $0x1;
	s10 =	sld [smem:$0x3FB2];
	_ =	sdelay $0x3  }
0x37: {  	[smem:$0x3FB2] =	sst s10  }
0x38: {  	s10 =	sld [smem:$0x3FB3]  }
0x39: {  	_ = 	snop;
	(pc) =	sbr.ind lr, $3  }
0x3a: {  	_ = 	snop  }
0x3b: {  	_ = 	snop  }
0x3c: {  	p2 =	seq.s32 s10, $0x1;
	s10 =	sld [smem:$0x3FB2]  }
0x3d: {  	_ =	shalt  }
0x3e: {  	_ =	shalt  }
0x3f: {  	_ =	shalt  }
0x40: {  	_ =	shalt  }
0x41: {  	_ =	shalt  }
0x42: {  	_ =	shalt  }
0x43: {  	_ =	shalt  }
0x44: {  	_ =	shalt  }
0x45: {  	_ =	shalt  }
0x46: {  	_ =	shalt  }
0x47: {  	_ =	shalt  }
0x48: {  	_ =	shalt  }
0x49: {  	_ =	shalt  }
0x4a: {  	_ =	shalt  }
0x4b: {  	_ =	shalt  }
0x4c: {  	_ =	shalt  }
0x4d: {  	_ =	shalt  }
0x4e: {  	_ =	shalt  }
0x4f: {  	_ =	shalt  }
0x50: {  	_ =	shalt  }
0x51: {  	_ =	shalt  }
0x52: {  	_ =	shalt  }
0x53: {  	_ =	shalt  }
0x54: {  	_ =	shalt  }
0x55: {  	_ =	shalt  }
0x56: {  	_ =	shalt  }
0x57: {  	_ =	shalt  }
0x58: {  	_ =	shalt  }
0x59: {  	_ =	shalt  }
0x5a: {  	_ =	shalt  }
0x5b: {  	_ =	shalt  }
0x5c: {  	_ =	shalt  }
0x5d: {  	_ =	shalt  }
0x5e: {  	_ =	shalt  }
0x5f: {  	_ =	shalt  }
0x60: {  	_ =	shalt  }
0x61: {  	_ =	shalt  }
0x62: {  	_ =	shalt  }
0x63: {  	_ =	shalt  }
0x64: {  	_ =	shalt  }
0x65: {  	_ =	shalt  }
0x66: {  	_ =	shalt  }
0x67: {  	_ =	shalt  }
0x68: {  	_ =	shalt  }
0x69: {  	_ =	shalt  }
0x6a: {  	_ =	shalt  }
0x6b: {  	_ =	shalt  }
0x6c: {  	_ =	shalt  }
0x6d: {  	_ =	shalt  }
0x6e: {  	_ =	shalt  }
0x6f: {  	_ =	shalt  }
0x70: {  	_ =	shalt  }
0x71: {  	_ =	shalt  }
0x72: {  	_ =	shalt  }
0x73: {  	_ =	shalt  }
0x74: {  	_ =	shalt  }
0x75: {  	_ =	shalt  }
0x76: {  	_ =	shalt  }
0x77: {  	_ =	shalt  }
0x78: {  	_ =	shalt  }
0x79: {  	_ =	shalt  }
0x7a: {  	_ =	shalt  }
0x7b: {  	_ =	shalt  }
0x7c: {  	_ =	shalt  }
0x7d: {  	_ =	shalt  }
0x7e: {  	_ =	shalt  }
0x7f: {  	_ =	shalt  }
0x80: {  	_ =	shalt  }
0x81: {  	_ =	shalt  }
0x82: {  	_ =	shalt  }
0x83: {  	_ =	shalt  }
0x84: {  	_ =	shalt  }
0x85: {  	_ =	shalt  }
0x86: {  	_ =	shalt  }
0x87: {  	_ =	shalt  }
.Lfunc_end0:
.L_simem_size_0:
called_computation_lowered:
.L_overlay_start_0:
0x88: {  	s2 =	sld [smem:$0x3FD9]  }
0x89: {  	s3 =	sld [smem:$0x3FFE];
	_ =	sdelay $0x1  }
0x8a: {  	s1 =	srdreg.scid  }
0x8b: {  	s0 =	sand.u32 $0x1, s1  }
0x8c: {  	s16 =	sshll.u32 s0, $0xA;
	s2 =	sadd.s32 s3, s2  }
0x8d: {  	s2 =	sadd.s32 s2, s16  }
0x8e: {  	[smem:$0x3FBE] =	sst s2  }
0x8f: {  	_ = 	snop  }
0x90: {  	(tm) =	ssettm $0x1  }
0x91: {  	s17 =	sld [smem:$0x3FFB];
	_ =	sdelay $0x3  }
0x92: {  	_ =	strace s17  }
0x93: {  	s2 =	sld [smem:$0x3FFC];
	_ =	sdelay $0x3  }
0x94: {  	_ =	strace s2  }
0x95: {  	s2 =	sld [smem:$0x3FFD];
	_ =	sdelay $0x3  }
0x96: {  	_ =	strace s2  }
0x97: {  	_ =	strace $0x8FFFFFFF  }
0x98: {  	s18 =	sld [smem:$0x3FDB];
	_ =	sdelay $0x1  }
0x99: {  	s19 =	simm.s32 $_scs_section_size  }
0x9a: {  	s4 =	simm.s32 $_size__tile_overlayer_lowered;
	s5 =	simm.s32 $_tile_overlayer_lowered  }
0x9b: {  	s22 =	simm.s32 $0x1BFF;
	s21 =	sshll.u32 s5, $0x1;
	s2 =	sadd.s32 s19, s18  }
0x9c: {  	s6 =	simm.s32 $0x0;
	s20 =	sshll.u32 s4, $0x1;
	s4 =	sadd.s32 s21, s2  }
0x9d: {  	[timem:s6], [sflag:s22] =	dma.local [hbm:s4], s20  }
0x9e: {  	_ =	swait.ge [sflag:s22], s20  }
0x9f: {  	s3 =	ssub.s32 $0x0, s20;
	[sflag:s22] =	ssyncset.done $0x0  }
0xa0: {  	[sflag:s22] =	ssyncadd.s32 s3;
	_ =	sdelay $0x1  }
0xa1: {  	s23 =	simm.s32 $0x1B8B  }
0xa2: {  	_ =	swait.ge [sflag:s23], $0x1  }
0xa3: {  	[sflag:s23] =	ssyncset.done $0x0  }
0xa4: {  	s25 =	simm.s32 $0x1B8E;
	s24 =	sld [smem:$0x3FFE];
	[sflag:s23] =	ssyncadd.s32 $0xFFFFFFFF  }
0xa5: {  	s26 =	simm.s32 $execute0_lowered;
	[smem:$0x3FD2] =	sst s25  }
0xa6: {  	s4 =	sshll.u32 s26, $0x1;
	_ =	strace $0x80000046;
	[dreg:$0x1] =	wrdreg $0xFFFFFFFF  }
0xa7: {  	s28 =	simm.s32 $_size_execute0_lowered;
	s2 =	sadd.s32 s2, s4;
	[dreg:$0x0] =	wrdreg $0x0  }
0xa8: {  	s4 =	sshll.u32 s28, $0x1;
	[dreg:$0x2] =	wrdreg s2  }
0xa9: {  	[dreg:$0x3] =	wrdreg s4  }
0xaa: {  	[dreg:$0x4] =	wrdreg $0xC0  }
0xab: {  	_ =	task [dreg:s6], $0x5FFFF  }
0xac: {  	[dreg:$0x1] =	wrdreg $0xFFFFFFFF  }
0xad: {  	[dreg:$0x0] =	wrdreg $0x60  }
0xae: {  	[dreg:$0x2] =	wrdreg s24  }
0xaf: {  	[dreg:$0x3] =	wrdreg $0x103800  }
0xb0: {  	[dreg:$0x4] =	wrdreg $0x9  }
0xb1: {  	_ =	task.clear_ibuf [dreg:s6], $0x5FFFF;
	_ =	strace $0x90000046  }
0xb2: {  	s29 =	simm.s32 $0x9;
	_ =	strace $0x80000048  }
0xb3: {  	_ =	swait.ge [sflag:s29], $0x1  }
0xb4: {  	[sflag:s29] =	ssyncadd.s32 $0xFFFFFFFF  }
0xb5: {  	_ =	strace $0x90000048  }
0xb6: {  	_ =	sfence  }
0xb7: {  	s30 =	sld [smem:$0x0];
	_ =	sdelay $0x2  }
0xb8: {  	s31 =	sshll.u32 s1, $0xD;
	s1 =	sshrl.u32 s1, $0x2  }
0xb9: {  	s3 =	sand.u32 $0x4000, s31;
	s1 =	sadd.s32 s1, s30  }
0xba: {  	s0 =	sor.u32 s3, s0;
	s1 =	sshll.u32 s1, $0x11  }
0xbb: {  	s0 =	sor.u32 s1, s0  }
0xbc: {  	s0 =	sadd.s32 $0x8F2B, s0  }
0xbd: {  	[sflag:s0] =	ssyncadd.remote.s32 $0x1  }
0xbe: {  	_ =	sfence.sel $0xFFFF  }
0xbf: {  	[dreg:$0x0] =	wrdreg $0xFFFFFFFF;
	(pc) =	sbr.abs _section_cstart, $3  }
0xc0: {  	[dreg:$0x1] =	wrdreg $0xFFFFFFFF  }
0xc1: {  	_ =	task.clear_ibuf [dreg:s6], $0x2FFFF;
	_ =	strace $0x9FFFFFFF  }
0xc2: {  	(tm) =	ssettm $0x7FFFFFFF  }
0xc3: {  	_ =	shalt  }
tec
execute0_lowered:
.L_overlay_start_1:
0x0: {  	(tag) =	ssettag $0x1  }
0x1: {  	s6 =	rddreg [dreg:$0x0]  }
0x2: {  	s2 =	rddreg [dreg:$0x1]  }
0x3: {  	s0 =	rddreg [dreg:$0x2];
	s4 =	srdreg.scid  }
0x4: {  	s1 =	stileid.u32;
	s3 =	simm.s32 $0x0;
	s13 =	simm.s32 $0x1  }
0x5: {  	s14 =	simm.s32 $0x2C00;
	s15 =	simm.s32 $0x8400;
	s16 =	simm.s32 $0xAB80  }
0x6: {  	s17 =	simm.s32 $0xFA80;
	s18 =	simm.s32 $0xFB00;
	s19 =	simm.s32 $0xFB80  }
0x7: {  	s20 =	simm.s32 $0xD300;
	s21 =	simm.s32 $0x5800;
	s22 =	simm.s32 $0x0  }
0x8: {  	s7 =	sand.u32 $0x1, s4;
	s29 =	sshll.u32 s1, $0x1;
	[smem:$0x7FF] =	sst s3  }
0x9: {  	s4 =	sadd.s32 $0x3FC00, s6;
	s5 =	sadd.s32 $0x3F600, s6;
	s8 =	sor.u32 s7, s29  }
0xa: {  	s31 =	sshll.u32 s1, $0x7;
	s7 =	ssub.s32 $0x2, s7;
	s9 =	smul.u32 $0x580, s8  }
0xb: {  	s10 =	smul.u32 $0x4E2, s8;
	s8 =	sshll.u32 s8, $0x1;
	s30 =	sshrl.u32 s7, $0x1  }
0xc: {  	_ =	strace $0x80000047;
	s8 =	sadd.s32 s8, s6;
	s12 =	ssub.s32 s7, s30  }
0xd: {  	s11 =	sadd.s32 s9, s6;
	s10 =	sadd.s32 s10, s6;
	s8 =	sadd.s32 $0x4B200, s8  }
0xe: {  	s9 =	sadd.s32 s31, s2;
	s12 =	smax.u32 s12, $0x1;
	s6 =	sadd.s32 $0x2400, s11  }
0xf: {  	v0 =	vimm.f32 $0.0e+00;
	s7 =	sadd.s32 $0xD400, s11;
	s10 =	sadd.s32 $0x4B400, s10;
	s11 =	sadd.s32 $0x40200, s11  }
.LBB2_1:
0x10: {  	s23 =	simm.s32 $0x40;
	s24 =	simm.s32 $0x0  }
.LBB2_2:
0x11: {  	p0 =	sne.s32 s23, $0x9C00;
	[tilespmem:s24+$0xD300] =	vst v0;
	s24 =	smov.u32 s23;
	s23 =	sadd.s32 $0x40, s23  }
.Ltmp0:
0x12: {  	(pc) =	sbr.rel @p0 .LBB2_2-.Ltmp0, $2  }
0x13: {  	_ =	sdelay $0x2  }
0x14: {  	s24 =	sshra.s32 s24, $0x2  }
0x15: {  	[tilespmem:s24+$0xD300] =	vst v0;
	s23 =	simm.s32 $0x0  }
0x16: {  	[tilespmem:s23], [sflag:$0x1] =	stream.linear.gather [hbm4b:s6+s23], $0x2880, $0x38;
	[tilespmem:$0x10390] =	vst v63  }
0x17: {  	_ =	swait.ge [sflag:s13], $0x2880  }
0x18: {  	[sflag:s13] =	ssyncset.done $0x0  }
0x19: {  	[sflag:s13] =	ssyncadd.s32 $0xFFFFD780  }
0x1a: {  	[tilespmem:s14], [sflag:$0x1] =	stream.linear.gather [hbm4b:s7+s23], $0x2880, $0x38;
	[tilespmem:$0x10390] =	vst v63  }
0x1b: {  	_ =	swait.ge [sflag:s13], $0x2880  }
0x1c: {  	[sflag:s13] =	ssyncset.done $0x0  }
0x1d: {  	[sflag:s13] =	ssyncadd.s32 $0xFFFFD780  }
0x1e: {  	[tilespmem:s15], [sflag:$0x1] =	stream.linear.gather [hbm4b:s4+s23], $0x2780, $0x38;
	[tilespmem:$0x10390] =	vst v63  }
0x1f: {  	_ =	swait.ge [sflag:s13], $0x2780  }
0x20: {  	[sflag:s13] =	ssyncset.done $0x0  }
0x21: {  	[sflag:s13] =	ssyncadd.s32 $0xFFFFD880  }
0x22: {  	[tilespmem:s16], [sflag:$0x1] =	stream.linear.gather [hbm4b:s5+s23], $0x2780, $0x38;
	[tilespmem:$0x10390] =	vst v63  }
0x23: {  	_ =	swait.ge [sflag:s13], $0x2780  }
0x24: {  	[sflag:s13] =	ssyncset.done $0x0  }
0x25: {  	s23 =	simm.s32 $0x0;
	[sflag:s13] =	ssyncadd.s32 $0xFFFFD880  }
0x26: {  	v1 =	vld [tilespmem:s23+$0x0]  }
0x27: {  	v2 =	vld [tilespmem:s23+$0x2C00];
	_ =	sdelay $0x6  }
0x28: {  	v1 =	vld.idx.msk [tilespmem:v1+s15+$0x0], $0xffff  }
0x29: {  	v2 =	vld.idx.msk [tilespmem:v2+s16+$0x0], $0xffff;
	_ =	sdelay $0x2  }
0x2a: {  	v3 =	vld [tilespmem:s23+$0x10]  }
0x2b: {  	v4 =	vld [tilespmem:s23+$0x2C10]  }
0x2c: {  	v1 =	vadd.f32 v2, v1;
	_ =	sdelay $0x1  }
0x2d: {  	v2 =	vmul.f32 $2.000000030e-01, v1  }
0x2e: {  	vm0 =	vge.f32 v1, $0.0e+00  }
0x2f: {  	v1 =	vsel vm0, v1, v2  }
0x30: {  	[tilespmem:s23+$0x5800] =	vst v1  }
0x31: {  	v2 =	vld.idx.msk [tilespmem:v3+s15+$0x0], $0xffff  }
0x32: {  	v3 =	vld.idx.msk [tilespmem:v4+s16+$0x0], $0xffff;
	_ =	sdelay $0x2  }
0x33: {  	v4 =	vld [tilespmem:s23+$0x20]  }
0x34: {  	v5 =	vld [tilespmem:s23+$0x2C20]  }
0x35: {  	v2 =	vadd.f32 v3, v2;
	_ =	sdelay $0x1  }
0x36: {  	v3 =	vmul.f32 $2.000000030e-01, v2  }
0x37: {  	vm10 =	vge.f32 v2, $0.0e+00  }
0x38: {  	v2 =	vsel vm10, v2, v3  }
0x39: {  	[tilespmem:s23+$0x5810] =	vst v2  }
0x3a: {  	v3 =	vld.idx.msk [tilespmem:v4+s15+$0x0], $0xffff  }
0x3b: {  	v4 =	vld.idx.msk [tilespmem:v5+s16+$0x0], $0xffff;
	_ =	sdelay $0x2  }
0x3c: {  	v5 =	vld [tilespmem:s23+$0x30]  }
0x3d: {  	v6 =	vld [tilespmem:s23+$0x2C30]  }
0x3e: {  	v3 =	vadd.f32 v4, v3;
	_ =	sdelay $0x1  }
0x3f: {  	v4 =	vmul.f32 $2.000000030e-01, v3  }
0x40: {  	vm11 =	vge.f32 v3, $0.0e+00  }
0x41: {  	v3 =	vsel vm11, v3, v4  }
0x42: {  	[tilespmem:s23+$0x5820] =	vst v3  }
0x43: {  	v4 =	vld.idx.msk [tilespmem:v5+s15+$0x0], $0xffff  }
0x44: {  	v5 =	vld.idx.msk [tilespmem:v6+s16+$0x0], $0xffff;
	_ =	sdelay $0x2  }
0x45: {  	v55 =	vld [tilespmem:s23+$0x40]  }
0x46: {  	v7 =	vld [tilespmem:s23+$0x2C40]  }
0x47: {  	v4 =	vadd.f32 v5, v4;
	_ =	sdelay $0x1  }
0x48: {  	v5 =	vmul.f32 $2.000000030e-01, v4  }
0x49: {  	vm12 =	vge.f32 v4, $0.0e+00  }
0x4a: {  	v4 =	vsel vm12, v4, v5  }
0x4b: {  	[tilespmem:s23+$0x5830] =	vst v4  }
0x4c: {  	v5 =	vld.idx.msk [tilespmem:v55+s15+$0x0], $0xffff  }
0x4d: {  	v56 =	vld.idx.msk [tilespmem:v7+s16+$0x0], $0xffff;
	_ =	sdelay $0x2  }
0x4e: {  	v57 =	vld [tilespmem:s23+$0x50]  }
0x4f: {  	v8 =	vld [tilespmem:s23+$0x2C50]  }
0x50: {  	v5 =	vadd.f32 v56, v5;
	_ =	sdelay $0x1  }
0x51: {  	v6 =	vmul.f32 $2.000000030e-01, v5  }
0x52: {  	vm13 =	vge.f32 v5, $0.0e+00  }
0x53: {  	v5 =	vsel vm13, v5, v6  }
0x54: {  	[tilespmem:s23+$0x5840] =	vst v5  }
0x55: {  	v58 =	vld.idx.msk [tilespmem:v57+s15+$0x0], $0xffff  }
0x56: {  	v59 =	vld.idx.msk [tilespmem:v8+s16+$0x0], $0xffff;
	_ =	sdelay $0x2  }
0x57: {  	v60 =	vld [tilespmem:s23+$0x60]  }
0x58: {  	v9 =	vld [tilespmem:s23+$0x2C60]  }
0x59: {  	v6 =	vadd.f32 v59, v58;
	_ =	sdelay $0x1  }
0x5a: {  	v7 =	vmul.f32 $2.000000030e-01, v6  }
0x5b: {  	vm14 =	vge.f32 v6, $0.0e+00  }
0x5c: {  	v6 =	vsel vm14, v6, v7  }
0x5d: {  	[tilespmem:s23+$0x5850] =	vst v6  }
0x5e: {  	v61 =	vld.idx.msk [tilespmem:v60+s15+$0x0], $0xffff  }
0x5f: {  	v62 =	vld.idx.msk [tilespmem:v9+s16+$0x0], $0xffff;
	_ =	sdelay $0x2  }
0x60: {  	v63 =	vld [tilespmem:s23+$0x70]  }
0x61: {  	v10 =	vld [tilespmem:s23+$0x2C70]  }
0x62: {  	v11 =	vimm.f32 $-3.000000010e+38;
	v7 =	vadd.f32 v62, v61  }
0x63: {  	v1 =	vmax.f32 v11, v1  }
0x64: {  	v1 =	vmax.f32 v1, v2;
	v8 =	vmul.f32 $2.000000030e-01, v7  }
0x65: {  	v1 =	vmax.f32 v1, v3;
	vm15 =	vge.f32 v7, $0.0e+00  }
0x66: {  	v1 =	vmax.f32 v1, v4;
	v7 =	vsel vm15, v7, v8  }
0x67: {  	v1 =	vmax.f32 v1, v5;
	[tilespmem:s23+$0x5860] =	vst v7  }
0x68: {  	v1 =	vmax.f32 v1, v6;
	v2 =	vld.idx.msk [tilespmem:v63+s15+$0x0], $0xffff  }
0x69: {  	s24 =	simm.s32 $0x200;
	s25 =	simm.s32 $0x400;
	v1 =	vmax.f32 v1, v7;
	v3 =	vld.idx.msk [tilespmem:v10+s16+$0x0], $0xffff  }
.LBB2_4:
0x6a: {  	p0 =	sne.s32 s25, $0xA000  }
0x6b: {  	s26 =	sshra.s32 s24, $0x2;
	s24 =	smov.u32 s25;
	s25 =	sadd.s32 $0x200, s25  }
0x6c: {  	v4 =	vld [tilespmem:s26+$0x0]  }
0x6d: {  	v5 =	vld [tilespmem:s26+$0x2C00]  }
0x6e: {  	v2 =	vadd.f32 v3, v2;
	_ =	sdelay $0x1  }
0x6f: {  	vm0 =	vge.f32 v2, $0.0e+00;
	v3 =	vmul.f32 $2.000000030e-01, v2;
	_ =	sdelay $0x1  }
0x70: {  	v2 =	vsel vm0, v2, v3  }
0x71: {  	v1 =	vmax.f32 v1, v2;
	[tilespmem:s23+$0x5870] =	vst v2;
	s23 =	smov.u32 s26  }
0x72: {  	v2 =	vld.idx.msk [tilespmem:v4+s15+$0x0], $0xffff  }
0x73: {  	v3 =	vld.idx.msk [tilespmem:v5+s16+$0x0], $0xffff;
	_ =	sdelay $0x2  }
0x74: {  	v4 =	vld [tilespmem:s23+$0x2C10]  }
0x75: {  	v5 =	vld [tilespmem:s23+$0x10];
	_ =	sdelay $0x1  }
0x76: {  	v2 =	vadd.f32 v3, v2;
	_ =	sdelay $0x1  }
0x77: {  	vm0 =	vge.f32 v2, $0.0e+00;
	v3 =	vmul.f32 $2.000000030e-01, v2;
	_ =	sdelay $0x1  }
0x78: {  	v2 =	vsel vm0, v2, v3  }
0x79: {  	[tilespmem:s23+$0x5800] =	vst v2  }
0x7a: {  	v3 =	vld.idx.msk [tilespmem:v5+s15+$0x0], $0xffff  }
0x7b: {  	v4 =	vld.idx.msk [tilespmem:v4+s16+$0x0], $0xffff;
	_ =	sdelay $0x2  }
0x7c: {  	v5 =	vld [tilespmem:s23+$0x2C20]  }
0x7d: {  	v6 =	vld [tilespmem:s23+$0x20];
	_ =	sdelay $0x1  }
0x7e: {  	v3 =	vadd.f32 v4, v3;
	_ =	sdelay $0x1  }
0x7f: {  	vm0 =	vge.f32 v3, $0.0e+00;
	v4 =	vmul.f32 $2.000000030e-01, v3;
	_ =	sdelay $0x1  }
0x80: {  	v3 =	vsel vm0, v3, v4  }
0x81: {  	[tilespmem:s23+$0x5810] =	vst v3  }
0x82: {  	v4 =	vld.idx.msk [tilespmem:v6+s15+$0x0], $0xffff  }
0x83: {  	v5 =	vld.idx.msk [tilespmem:v5+s16+$0x0], $0xffff;
	_ =	sdelay $0x2  }
0x84: {  	v6 =	vld [tilespmem:s23+$0x2C30]  }
0x85: {  	v7 =	vld [tilespmem:s23+$0x30];
	_ =	sdelay $0x1  }
0x86: {  	v4 =	vadd.f32 v5, v4;
	_ =	sdelay $0x1  }
0x87: {  	vm0 =	vge.f32 v4, $0.0e+00;
	v5 =	vmul.f32 $2.000000030e-01, v4;
	_ =	sdelay $0x1  }
0x88: {  	v4 =	vsel vm0, v4, v5  }
0x89: {  	[tilespmem:s23+$0x5820] =	vst v4  }
0x8a: {  	v5 =	vld.idx.msk [tilespmem:v7+s15+$0x0], $0xffff  }
0x8b: {  	v6 =	vld.idx.msk [tilespmem:v6+s16+$0x0], $0xffff;
	_ =	sdelay $0x2  }
0x8c: {  	v7 =	vld [tilespmem:s23+$0x2C40]  }
0x8d: {  	v8 =	vld [tilespmem:s23+$0x40];
	_ =	sdelay $0x1  }
0x8e: {  	v5 =	vadd.f32 v6, v5;
	_ =	sdelay $0x1  }
0x8f: {  	vm0 =	vge.f32 v5, $0.0e+00;
	v6 =	vmul.f32 $2.000000030e-01, v5;
	_ =	sdelay $0x1  }
0x90: {  	v5 =	vsel vm0, v5, v6  }
0x91: {  	[tilespmem:s23+$0x5830] =	vst v5  }
0x92: {  	v6 =	vld.idx.msk [tilespmem:v8+s15+$0x0], $0xffff  }
0x93: {  	v7 =	vld.idx.msk [tilespmem:v7+s16+$0x0], $0xffff;
	_ =	sdelay $0x2  }
0x94: {  	v8 =	vld [tilespmem:s23+$0x2C50]  }
0x95: {  	v9 =	vld [tilespmem:s23+$0x50];
	_ =	sdelay $0x1  }
0x96: {  	v6 =	vadd.f32 v7, v6;
	_ =	sdelay $0x1  }
0x97: {  	vm0 =	vge.f32 v6, $0.0e+00;
	v7 =	vmul.f32 $2.000000030e-01, v6;
	_ =	sdelay $0x1  }
0x98: {  	v6 =	vsel vm0, v6, v7  }
0x99: {  	[tilespmem:s23+$0x5840] =	vst v6  }
0x9a: {  	v7 =	vld.idx.msk [tilespmem:v9+s15+$0x0], $0xffff  }
0x9b: {  	v8 =	vld.idx.msk [tilespmem:v8+s16+$0x0], $0xffff;
	_ =	sdelay $0x2  }
0x9c: {  	v9 =	vld [tilespmem:s23+$0x2C60]  }
0x9d: {  	v10 =	vld [tilespmem:s23+$0x60];
	_ =	sdelay $0x1  }
0x9e: {  	v7 =	vadd.f32 v8, v7;
	_ =	sdelay $0x1  }
0x9f: {  	vm0 =	vge.f32 v7, $0.0e+00;
	v8 =	vmul.f32 $2.000000030e-01, v7;
	_ =	sdelay $0x1  }
0xa0: {  	v7 =	vsel vm0, v7, v8  }
0xa1: {  	[tilespmem:s23+$0x5850] =	vst v7  }
0xa2: {  	v8 =	vld.idx.msk [tilespmem:v10+s15+$0x0], $0xffff  }
0xa3: {  	v9 =	vld.idx.msk [tilespmem:v9+s16+$0x0], $0xffff;
	_ =	sdelay $0x2  }
0xa4: {  	v10 =	vld [tilespmem:s23+$0x2C70]  }
0xa5: {  	v11 =	vld [tilespmem:s23+$0x70];
	_ =	sdelay $0x1  }
0xa6: {  	v8 =	vadd.f32 v9, v8;
	_ =	sdelay $0x1  }
0xa7: {  	vm0 =	vge.f32 v8, $0.0e+00;
	v9 =	vmul.f32 $2.000000030e-01, v8  }
0xa8: {  	v1 =	vmax.f32 v1, v2  }
0xa9: {  	v1 =	vmax.f32 v1, v3;
	v8 =	vsel vm0, v8, v9  }
.Ltmp1:
0xaa: {  	v1 =	vmax.f32 v1, v4;
	[tilespmem:s23+$0x5860] =	vst v8;
	(pc) =	sbr.rel @p0 .LBB2_4-.Ltmp1, $4  }
0xab: {  	v1 =	vmax.f32 v1, v5;
	v2 =	vld.idx.msk [tilespmem:v11+s15+$0x0], $0xffff  }
0xac: {  	v1 =	vmax.f32 v1, v6;
	v3 =	vld.idx.msk [tilespmem:v10+s16+$0x0], $0xffff  }
0xad: {  	v1 =	vmax.f32 v1, v7  }
0xae: {  	v1 =	vmax.f32 v1, v8  }
0xaf: {  	s24 =	sshra.s32 s24, $0x2  }
0xb0: {  	v4 =	vld [tilespmem:s24+$0x0]  }
0xb1: {  	v5 =	vld [tilespmem:s24+$0x2C00]  }
0xb2: {  	v2 =	vadd.f32 v3, v2;
	_ =	sdelay $0x1  }
0xb3: {  	v3 =	vmul.f32 $2.000000030e-01, v2  }
0xb4: {  	vm0 =	vge.f32 v2, $0.0e+00  }
0xb5: {  	v2 =	vsel vm0, v2, v3  }
0xb6: {  	[tilespmem:s23+$0x5870] =	vst v2  }
0xb7: {  	v3 =	vld.idx.msk [tilespmem:v4+s15+$0x0], $0xffff  }
0xb8: {  	v33 =	vld.idx.msk [tilespmem:v5+s16+$0x0], $0xffff;
	_ =	sdelay $0x2  }
0xb9: {  	v34 =	vld [tilespmem:s24+$0x10]  }
0xba: {  	v6 =	vld [tilespmem:s24+$0x2C10]  }
0xbb: {  	v3 =	vadd.f32 v33, v3;
	_ =	sdelay $0x1  }
0xbc: {  	v4 =	vmul.f32 $2.000000030e-01, v3  }
0xbd: {  	vm8 =	vge.f32 v3, $0.0e+00  }
0xbe: {  	v3 =	vsel vm8, v3, v4  }
0xbf: {  	[tilespmem:s24+$0x5800] =	vst v3  }
0xc0: {  	v35 =	vld.idx.msk [tilespmem:v34+s15+$0x0], $0xffff  }
0xc1: {  	v36 =	vld.idx.msk [tilespmem:v6+s16+$0x0], $0xffff;
	_ =	sdelay $0x2  }
0xc2: {  	v37 =	vld [tilespmem:s24+$0x20]  }
0xc3: {  	v7 =	vld [tilespmem:s24+$0x2C20]  }
0xc4: {  	v4 =	vadd.f32 v36, v35;
	_ =	sdelay $0x1  }
0xc5: {  	v5 =	vmul.f32 $2.000000030e-01, v4  }
0xc6: {  	vm9 =	vge.f32 v4, $0.0e+00  }
0xc7: {  	v4 =	vsel vm9, v4, v5  }
0xc8: {  	[tilespmem:s24+$0x5810] =	vst v4  }
0xc9: {  	v38 =	vld.idx.msk [tilespmem:v37+s15+$0x0], $0xffff  }
0xca: {  	v39 =	vld.idx.msk [tilespmem:v7+s16+$0x0], $0xffff;
	_ =	sdelay $0x2  }
0xcb: {  	v40 =	vld [tilespmem:s24+$0x30]  }
0xcc: {  	v8 =	vld [tilespmem:s24+$0x2C30]  }
0xcd: {  	v5 =	vadd.f32 v39, v38;
	_ =	sdelay $0x1  }
0xce: {  	v6 =	vmul.f32 $2.000000030e-01, v5  }
0xcf: {  	vm10 =	vge.f32 v5, $0.0e+00  }
0xd0: {  	v5 =	vsel vm10, v5, v6  }
0xd1: {  	[tilespmem:s24+$0x5820] =	vst v5  }
0xd2: {  	v41 =	vld.idx.msk [tilespmem:v40+s15+$0x0], $0xffff  }
0xd3: {  	v42 =	vld.idx.msk [tilespmem:v8+s16+$0x0], $0xffff;
	_ =	sdelay $0x2  }
0xd4: {  	v43 =	vld [tilespmem:s24+$0x40]  }
0xd5: {  	v9 =	vld [tilespmem:s24+$0x2C40]  }
0xd6: {  	v6 =	vadd.f32 v42, v41;
	_ =	sdelay $0x1  }
0xd7: {  	v7 =	vmul.f32 $2.000000030e-01, v6  }
0xd8: {  	vm11 =	vge.f32 v6, $0.0e+00  }
0xd9: {  	v6 =	vsel vm11, v6, v7  }
0xda: {  	[tilespmem:s24+$0x5830] =	vst v6  }
0xdb: {  	v44 =	vld.idx.msk [tilespmem:v43+s15+$0x0], $0xffff  }
0xdc: {  	v45 =	vld.idx.msk [tilespmem:v9+s16+$0x0], $0xffff;
	_ =	sdelay $0x2  }
0xdd: {  	v46 =	vld [tilespmem:s24+$0x50]  }
0xde: {  	v10 =	vld [tilespmem:s24+$0x2C50]  }
0xdf: {  	v7 =	vadd.f32 v45, v44;
	_ =	sdelay $0x1  }
0xe0: {  	v8 =	vmul.f32 $2.000000030e-01, v7  }
0xe1: {  	vm12 =	vge.f32 v7, $0.0e+00  }
0xe2: {  	v7 =	vsel vm12, v7, v8  }
0xe3: {  	[tilespmem:s24+$0x5840] =	vst v7  }
0xe4: {  	v47 =	vld.idx.msk [tilespmem:v46+s15+$0x0], $0xffff  }
0xe5: {  	v48 =	vld.idx.msk [tilespmem:v10+s16+$0x0], $0xffff;
	_ =	sdelay $0x2  }
0xe6: {  	v49 =	vld [tilespmem:s24+$0x60]  }
0xe7: {  	v11 =	vld [tilespmem:s24+$0x2C60]  }
0xe8: {  	v8 =	vadd.f32 v48, v47;
	_ =	sdelay $0x1  }
0xe9: {  	v9 =	vmul.f32 $2.000000030e-01, v8  }
0xea: {  	vm13 =	vge.f32 v8, $0.0e+00  }
0xeb: {  	v8 =	vsel vm13, v8, v9  }
0xec: {  	[tilespmem:s24+$0x5850] =	vst v8  }
0xed: {  	v50 =	vld.idx.msk [tilespmem:v49+s15+$0x0], $0xffff  }
0xee: {  	v51 =	vld.idx.msk [tilespmem:v11+s16+$0x0], $0xffff;
	_ =	sdelay $0x2  }
0xef: {  	v52 =	vld [tilespmem:s24+$0x70]  }
0xf0: {  	v12 =	vld [tilespmem:s24+$0x2C70]  }
0xf1: {  	v9 =	vadd.f32 v51, v50;
	_ =	sdelay $0x1  }
0xf2: {  	v10 =	vmul.f32 $2.000000030e-01, v9  }
0xf3: {  	vm14 =	vge.f32 v9, $0.0e+00  }
0xf4: {  	v9 =	vsel vm14, v9, v10  }
0xf5: {  	[tilespmem:s24+$0x5860] =	vst v9  }
0xf6: {  	v53 =	vld.idx.msk [tilespmem:v52+s15+$0x0], $0xffff  }
0xf7: {  	v54 =	vld.idx.msk [tilespmem:v12+s16+$0x0], $0xffff;
	_ =	sdelay $0x1  }
0xf8: {  	v1 =	vmax.f32 v1, v2  }
0xf9: {  	v1 =	vmax.f32 v1, v3  }
0xfa: {  	v1 =	vmax.f32 v1, v4  }
0xfb: {  	v1 =	vmax.f32 v1, v5;
	v2 =	vadd.f32 v54, v53  }
0xfc: {  	v1 =	vmax.f32 v1, v6  }
0xfd: {  	v1 =	vmax.f32 v1, v7;
	v3 =	vmul.f32 $2.000000030e-01, v2  }
0xfe: {  	v1 =	vmax.f32 v1, v8;
	vm15 =	vge.f32 v2, $0.0e+00  }
0xff: {  	v1 =	vmax.f32 v1, v9;
	v2 =	vsel vm15, v2, v3  }
0x100: {  	[tilespmem:s24+$0x5870] =	vst v2;
	v1 =	vmax.f32 v1, v2  }
0x101: {  	[tilespmem:$0xFA80] =	vst v1  }
0x102: {  	[tilespmem:$0xFB00] =	vst v1  }
0x103: {  	[hbm4b:s8+s3] =	stream.linear.scatter [tilespmem:s17], [sflag:$0x1], $0x10, $0x38;
	[tilespmem:$0x10390] =	vst v63  }
0x104: {  	_ =	swait.ge [sflag:s13], $0x10  }
0x105: {  	[sflag:s13] =	ssyncset.done $0x0  }
0x106: {  	[sflag:s13] =	ssyncadd.s32 $0xFFFFFFF0  }
0x107: {  	[spmem:s9] =	stream.linear.scatter [tilespmem:s18], [sflag:$0x1], $0x80, $0x38;
	[tilespmem:$0x10390] =	vst v63  }
0x108: {  	_ =	swait.ge [sflag:s13], $0x80  }
0x109: {  	[sflag:s13] =	ssyncset.done $0x0  }
0x10a: {  	[sflag:s13] =	ssyncadd.s32 $0xFFFFFF80  }
0x10b: {  	[bflag:$0x0] =	sbarrier.arrive $0xFFFF  }
0x10c: {  	[tilespmem:s19], [sflag:$0x1] =	stream.linear.gather [spmem:s2], $0x800, $0x38;
	[tilespmem:$0x10390] =	vst v63  }
0x10d: {  	_ =	swait.ge [sflag:s13], $0x800  }
0x10e: {  	[sflag:s13] =	ssyncset.done $0x0  }
0x10f: {  	[sflag:s13] =	ssyncadd.s32 $0xFFFFF800  }
0x110: {  	v1 =	vld [tilespmem:$0xFB80]  }
0x111: {  	v2 =	vld [tilespmem:$0xFC00]  }
0x112: {  	v3 =	vld [tilespmem:$0xFC80]  }
0x113: {  	v55 =	vld [tilespmem:$0xFD00]  }
0x114: {  	v56 =	vld [tilespmem:$0xFD80]  }
0x115: {  	v57 =	vld [tilespmem:$0xFE00]  }
0x116: {  	v1 =	vmax.f32 v1, v2;
	v2 =	vld [tilespmem:$0xFE80]  }
0x117: {  	v1 =	vmax.f32 v1, v3;
	v3 =	vld [tilespmem:$0xFF00]  }
0x118: {  	v58 =	vld [tilespmem:$0xFF80];
	v1 =	vmax.f32 v1, v55  }
0x119: {  	v59 =	vld [tilespmem:$0x10000];
	v1 =	vmax.f32 v1, v56  }
0x11a: {  	v60 =	vld [tilespmem:$0x10080];
	v1 =	vmax.f32 v1, v57  }
0x11b: {  	v1 =	vmax.f32 v1, v2;
	v2 =	vld [tilespmem:$0x10100]  }
0x11c: {  	v1 =	vmax.f32 v1, v3;
	v3 =	vld [tilespmem:$0x10180]  }
0x11d: {  	v61 =	vld [tilespmem:$0x10200];
	v1 =	vmax.f32 v1, v58  }
0x11e: {  	v62 =	vld [tilespmem:$0x10280];
	v1 =	vmax.f32 v1, v59  }
0x11f: {  	v63 =	vld [tilespmem:$0x10300];
	v1 =	vmax.f32 v1, v60  }
0x120: {  	v1 =	vmax.f32 v1, v2  }
0x121: {  	v1 =	vmax.f32 v1, v3  }
0x122: {  	v1 =	vmax.f32 v1, v61  }
0x123: {  	v1 =	vmax.f32 v1, v62  }
0x124: {  	v1 =	vmax.f32 v1, v63  }
0x125: {  	(xrf0) =	vmax.scan.msk.f32 $0xffff, v1;
	_ =	sdelay $0x5  }
0x126: {  	v1, _, _ =	vpop (xrf0)  }
0x127: {  	s25 =	simm.s32 $0x5840;
	s23 =	simm.s32 $0x70;
	s24 =	simm.s32 $0x2C40;
	v1 =	vbroadcast v1, $0xF  }
.LBB2_6:
0x128: {  	v2 =	vld [tilespmem:s25+$0xFFFFFFC0];
	_ =	sdelay $0x4  }
0x129: {  	v2 =	vsub.f32 v2, v1;
	_ =	sdelay $0x1  }
0x12a: {  	v2 =	vmul.f32 $1.442695020e+00, v2;
	_ =	sdelay $0x1  }
0x12b: {  	(erf) = vpow2.f32 v2;
	_ =	sdelay $0x7  }
0x12c: {  	s26 =	sadd.s32 $0xFFFFFF90, s23  }
0x12d: {  	p0 =	slt.s32 s26, $0x2710;
	v2 =	vpop (erf)  }
0x12e: {  	v2 =	vpsel !p0, $0x0, v2  }
0x12f: {  	[tilespmem:s25+$0xFFFFFFC0] =	vst v2  }
0x130: {  	v3 =	vld [tilespmem:s24+$0xFFFFFFC0];
	_ =	sdelay $0x7  }
0x131: {  	[tilespmem:v3+s20+$0x0] =	vst.idx.add.f32.msk $0xffff, v2  }
0x132: {  	v2 =	vld [tilespmem:s25+$0xFFFFFFD0];
	_ =	sdelay $0x4  }
0x133: {  	v2 =	vsub.f32 v2, v1;
	_ =	sdelay $0x1  }
0x134: {  	v2 =	vmul.f32 $1.442695020e+00, v2;
	_ =	sdelay $0x1  }
0x135: {  	(erf) = vpow2.f32 v2;
	_ =	sdelay $0x7  }
0x136: {  	s30 =	sadd.s32 $0xFFFFFFA0, s23  }
0x137: {  	p6 =	slt.s32 s30, $0x2710;
	v2 =	vpop (erf)  }
0x138: {  	v2 =	vpsel !p6, $0x0, v2  }
0x139: {  	[tilespmem:s25+$0xFFFFFFD0] =	vst v2  }
0x13a: {  	v3 =	vld [tilespmem:s24+$0xFFFFFFD0];
	_ =	sdelay $0x7  }
0x13b: {  	[tilespmem:v3+s20+$0x0] =	vst.idx.add.f32.msk $0xffff, v2  }
0x13c: {  	v2 =	vld [tilespmem:s25+$0xFFFFFFE0];
	_ =	sdelay $0x4  }
0x13d: {  	v2 =	vsub.f32 v2, v1;
	_ =	sdelay $0x1  }
0x13e: {  	v2 =	vmul.f32 $1.442695020e+00, v2;
	_ =	sdelay $0x1  }
0x13f: {  	(erf) = vpow2.f32 v2;
	_ =	sdelay $0x7  }
0x140: {  	s31 =	sadd.s32 $0xFFFFFFB0, s23  }
0x141: {  	p1 =	slt.s32 s31, $0x2710;
	v2 =	vpop (erf)  }
0x142: {  	v2 =	vpsel !p1, $0x0, v2  }
0x143: {  	[tilespmem:s25+$0xFFFFFFE0] =	vst v2  }
0x144: {  	v3 =	vld [tilespmem:s24+$0xFFFFFFE0];
	_ =	sdelay $0x7  }
0x145: {  	[tilespmem:v3+s20+$0x0] =	vst.idx.add.f32.msk $0xffff, v2  }
0x146: {  	v2 =	vld [tilespmem:s25+$0xFFFFFFF0];
	_ =	sdelay $0x4  }
0x147: {  	v2 =	vsub.f32 v2, v1;
	_ =	sdelay $0x1  }
0x148: {  	v2 =	vmul.f32 $1.442695020e+00, v2;
	_ =	sdelay $0x1  }
0x149: {  	(erf) = vpow2.f32 v2;
	_ =	sdelay $0x7  }
0x14a: {  	s28 =	sadd.s32 $0xFFFFFFC0, s23  }
0x14b: {  	p2 =	slt.s32 s28, $0x2710;
	v2 =	vpop (erf)  }
0x14c: {  	v2 =	vpsel !p2, $0x0, v2  }
0x14d: {  	[tilespmem:s25+$0xFFFFFFF0] =	vst v2  }
0x14e: {  	v3 =	vld [tilespmem:s24+$0xFFFFFFF0];
	_ =	sdelay $0x7  }
0x14f: {  	[tilespmem:v3+s20+$0x0] =	vst.idx.add.f32.msk $0xffff, v2  }
0x150: {  	v2 =	vld [tilespmem:s25+$0x0];
	_ =	sdelay $0x4  }
0x151: {  	v2 =	vsub.f32 v2, v1;
	_ =	sdelay $0x1  }
0x152: {  	v2 =	vmul.f32 $1.442695020e+00, v2;
	_ =	sdelay $0x1  }
0x153: {  	(erf) = vpow2.f32 v2;
	_ =	sdelay $0x7  }
0x154: {  	s29 =	sadd.s32 $0xFFFFFFD0, s23  }
0x155: {  	p3 =	slt.s32 s29, $0x2710;
	v2 =	vpop (erf)  }
0x156: {  	v2 =	vpsel !p3, $0x0, v2  }
0x157: {  	[tilespmem:s25+$0x0] =	vst v2  }
0x158: {  	v3 =	vld [tilespmem:s24+$0x0];
	_ =	sdelay $0x7  }
0x159: {  	[tilespmem:v3+s20+$0x0] =	vst.idx.add.f32.msk $0xffff, v2  }
0x15a: {  	v2 =	vld [tilespmem:s25+$0x10];
	_ =	sdelay $0x4  }
0x15b: {  	v2 =	vsub.f32 v2, v1;
	_ =	sdelay $0x1  }
0x15c: {  	v2 =	vmul.f32 $1.442695020e+00, v2;
	_ =	sdelay $0x1  }
0x15d: {  	(erf) = vpow2.f32 v2;
	_ =	sdelay $0x7  }
0x15e: {  	s30 =	sadd.s32 $0xFFFFFFE0, s23  }
0x15f: {  	p4 =	slt.s32 s30, $0x2710;
	v2 =	vpop (erf)  }
0x160: {  	v2 =	vpsel !p4, $0x0, v2  }
0x161: {  	[tilespmem:s25+$0x10] =	vst v2  }
0x162: {  	v3 =	vld [tilespmem:s24+$0x10];
	_ =	sdelay $0x7  }
0x163: {  	[tilespmem:v3+s20+$0x0] =	vst.idx.add.f32.msk $0xffff, v2  }
0x164: {  	v2 =	vld [tilespmem:s25+$0x20];
	_ =	sdelay $0x4  }
0x165: {  	v2 =	vsub.f32 v2, v1;
	_ =	sdelay $0x1  }
0x166: {  	v2 =	vmul.f32 $1.442695020e+00, v2;
	_ =	sdelay $0x1  }
0x167: {  	(erf) = vpow2.f32 v2;
	_ =	sdelay $0x7  }
0x168: {  	s31 =	sadd.s32 $0xFFFFFFF0, s23  }
0x169: {  	p5 =	slt.s32 s31, $0x2710;
	v2 =	vpop (erf)  }
0x16a: {  	v2 =	vpsel !p5, $0x0, v2  }
0x16b: {  	[tilespmem:s25+$0x20] =	vst v2  }
0x16c: {  	v3 =	vld [tilespmem:s24+$0x20];
	_ =	sdelay $0x7  }
0x16d: {  	[tilespmem:v3+s20+$0x0] =	vst.idx.add.f32.msk $0xffff, v2  }
0x16e: {  	v2 =	vld [tilespmem:s25+$0x30];
	_ =	sdelay $0x4  }
0x16f: {  	v2 =	vsub.f32 v2, v1;
	_ =	sdelay $0x1  }
0x170: {  	v2 =	vmul.f32 $1.442695020e+00, v2;
	_ =	sdelay $0x1  }
0x171: {  	(erf) = vpow2.f32 v2;
	_ =	sdelay $0x8  }
0x172: {  	p6 =	slt.s32 s23, $0x2710;
	v2 =	vpop (erf)  }
0x173: {  	v2 =	vpsel !p6, $0x0, v2  }
0x174: {  	[tilespmem:s25+$0x30] =	vst v2  }
0x175: {  	v3 =	vld [tilespmem:s24+$0x30];
	_ =	sdelay $0x2  }
0x176: {  	p0 =	sne.s32 s23, $0x2870  }
.Ltmp2:
0x177: {  	_ = 	snop;
	(pc) =	sbr.rel @p0 .LBB2_6-.Ltmp2, $2  }
0x178: {  	_ =	sdelay $0x2  }
0x179: {  	s23 =	sadd.s32 $0x80, s23;
	s25 =	sadd.s32 $0x80, s25;
	s24 =	sadd.s32 $0x80, s24;
	[tilespmem:v3+s20+$0x0] =	vst.idx.add.f32.msk $0xffff, v2  }
0x17a: {  	[hbm4b:s10+s3] =	stream.linear.scatter [tilespmem:s20], [sflag:$0x1], $0x2710, $0x38;
	[tilespmem:$0x10390] =	vst v63  }
0x17b: {  	s22 =	sadd.s32 $0x1, s22;
	_ =	swait.ge [sflag:s13], $0x2710  }
0x17c: {  	p0 =	sne.s32 s22, s12;
	[sflag:s13] =	ssyncset.done $0x0  }
.Ltmp3:
0x17d: {  	[sflag:s13] =	ssyncadd.s32 $0xFFFFD8F0;
	(pc) =	sbr.rel @p0 .LBB2_1-.Ltmp3, $4  }
0x17e: {  	[hbm4b:s11+s3] =	stream.linear.scatter [tilespmem:s21], [sflag:$0x1], $0x2880, $0x38;
	[tilespmem:$0x10390] =	vst v63  }
0x17f: {  	_ =	swait.ge [sflag:s13], $0x2880  }
0x180: {  	[sflag:s13] =	ssyncset.done $0x0  }
0x181: {  	[sflag:s13] =	ssyncadd.s32 $0xFFFFD780  }
0x182: {  	_ =	sfence.sel $0x180000  }
0x183: {  	[bflag:$0x0] =	sbarrier.arrive $0xFFFF  }
0x184: {  	p0 =	sne.s32 s1, $0x0;
	_ =	strace $0x90000047  }
0x185: {  	s0 =	sadd.s32 @!p0 $0x100000, s0;
	[bflag:$0x2] =	sbarrier.arrive $0xFFFF  }
0x186: {  	[sflag:s0] =	ssyncadd.tile.s32 @!p0 $0x1;
	_ =	shalt  }
.Lfunc_end2:
_tile_overlayer_lowered:
.L_overlay_start_2:
0x187: {  	(tag) =	ssettag $0x2  }
0x188: {  	s0 =	rddreg [dreg:$0x0];
	s2 =	stileid.u32  }
0x189: {  	s1 =	rddreg [dreg:$0x1];
	p0 =	sne.s32 s2, $0x0  }
0x18a: {  	s3 =	rddreg [dreg:$0x2];
	[bflag:$0x3] =	sbarrier.arrive $0xFFFF;
	s2 =	simm.s32 @!p0 $0x1C01  }
0x18b: {  	[timem:s3], [sflag:s2] =	dma.local @!p0 [hbm:s0], s1  }
0x18c: {  	s0 =	simm.s32 @!p0 $0x1  }
0x18d: {  	_ =	swait.ge @!p0 [sflag:s0], s1  }
0x18e: {  	s1 =	ssub.s32 @!p0 $0x0, s1;
	[sflag:s0] =	ssyncset.done @!p0 $0x0  }
0x18f: {  	[sflag:s0] =	ssyncadd.s32 @!p0 s1  }
0x190: {  	[bflag:$0x3] =	sbarrier.arrive $0xFFFF  }
0x191: {  	_ =	shalt  }

</sc_bundles>
